<compile_context>
chip_gen: v7x
topology: tpu7x:2x2x1
jax: 0.10.2.dev20260603
libtpu: 0.0.44.dev20260713+nightly
codegen_flags: <defaults>
</compile_context>

<pallas_src>
import functools

import jax
import jax.numpy as jnp
from jax import lax
from jax.experimental import pallas as pl
from jax.experimental.pallas import tpu as pltpu
from jax.experimental.pallas import tpu_sc as plsc

NC = 2
NS = 16
NW = NC * NS
K = 128
Z_ROWS = 128


def _fill_f32(ref, rows, cols, value):
    v16 = jnp.full((16,), value, dtype=jnp.float32)

    def body(i, _):
        for j in range(cols // 16):
            ref[i, pl.ds(j * 16, 16)] = v16
        return 0

    lax.fori_loop(0, rows, body, 0)


def _fill_f32_1d(ref, num, value):
    v16 = jnp.full((16,), value, dtype=jnp.float32)

    def body(i, _):
        ref[pl.ds(i * 16, 16)] = v16
        return 0

    lax.fori_loop(0, num // 16, body, 0)


def _make_deg_kernel(n_pad, e_pad):
    ew = e_pad // NW
    n_chunks = ew // K
    stripe = n_pad // NS
    mesh = plsc.VectorSubcoreMesh(core_axis_name="c", subcore_axis_name="s")

    @functools.partial(
        pl.kernel,
        mesh=mesh,
        out_type=jax.ShapeDtypeStruct((NC, n_pad), jnp.float32),
        scratch_types=[
            pltpu.VMEM((ew,), jnp.int32),
            pltpu.VMEM((K,), jnp.float32),
            pltpu.VMEM((stripe,), jnp.float32),
            pltpu.VMEM_SHARED((n_pad,), jnp.float32),
        ],
    )
    def deg_kernel(dst_hbm, out_hbm, didx, ones, zbuf, acc):
        c = lax.axis_index("c")
        s = lax.axis_index("s")
        ebase = pl.multiple_of((c * NS + s) * ew, 8)
        pltpu.sync_copy(dst_hbm.at[pl.ds(ebase, ew)], didx)
        _fill_f32_1d(ones, K, 1.0)
        _fill_f32_1d(zbuf, stripe, 0.0)
        pltpu.sync_copy(zbuf, acc.at[pl.ds(s * stripe, stripe)])
        plsc.subcore_barrier()

        def body(j, _):
            sl = pl.ds(pl.multiple_of(j * K, 8), K)
            pltpu.sync_copy(ones, acc.at[didx.at[sl]], add=True)
            return 0

        lax.fori_loop(0, n_chunks, body, 0)
        plsc.subcore_barrier()
        pltpu.sync_copy(
            acc.at[pl.ds(s * stripe, stripe)],
            out_hbm.at[c, pl.ds(s * stripe, stripe)],
        )

    return deg_kernel


def _make_prop_kernel(n_pad, e_pad, d):
    ew = e_pad // NW
    n_chunks = ew // K
    n4 = n_chunks // 4
    stripe = n_pad // NS
    mesh = plsc.VectorSubcoreMesh(core_axis_name="c", subcore_axis_name="s")

    @functools.partial(
        pl.kernel,
        mesh=mesh,
        out_type=jax.ShapeDtypeStruct((NC, n_pad, d), jnp.float32),
        scratch_types=[
            pltpu.VMEM((2, K), jnp.int32),
            pltpu.VMEM((2, K), jnp.int32),
            pltpu.VMEM((2, K), jnp.int32),
            pltpu.VMEM((2, K), jnp.int32),
            pltpu.VMEM((K, d), jnp.float32),
            pltpu.VMEM((K, d), jnp.float32),
            pltpu.VMEM_SHARED((n_pad, d), jnp.float32),
            pltpu.SemaphoreType.DMA,
            pltpu.SemaphoreType.DMA,
            pltpu.SemaphoreType.DMA,
            pltpu.SemaphoreType.DMA,
            pltpu.SemaphoreType.DMA,
            pltpu.SemaphoreType.DMA,
        ],
    )
    def prop_kernel(table_hbm, sd_hbm, out_hbm,
                    iba0, ibb0, iba1, ibb1, rowsa, rowsb, acc,
                    semia0, semib0, semia1, semib1, semga, semgb):
        c = lax.axis_index("c")
        s = lax.axis_index("s")
        wbase = (c * NS + s) * n_chunks

        @pl.when(c == 0)
        def _():
            pltpu.sync_copy(
                table_hbm.at[pl.ds(s * stripe, stripe)],
                acc.at[pl.ds(s * stripe, stripe)],
            )

        @pl.when(c != 0)
        def _():
            _fill_f32(rowsa, Z_ROWS, d, 0.0)
            for t in range(stripe // Z_ROWS):
                pltpu.sync_copy(
                    rowsa,
                    acc.at[pl.ds(s * stripe + t * Z_ROWS, Z_ROWS)],
                )

        plsc.subcore_barrier()

        def idx_start(ib, semi, j):
            pltpu.async_copy(sd_hbm.at[wbase + j], ib, semi)

        def idx_wait(ib, semi, j):
            pltpu.make_async_copy(sd_hbm.at[wbase + j], ib, semi).wait()

        def gather_start(ib, rows, semg):
            pltpu.async_copy(table_hbm.at[ib.at[0]], rows, semg)

        def gather_wait(ib, rows, semg):
            pltpu.make_async_copy(table_hbm.at[ib.at[0]], rows, semg).wait()

        def scatter(ib, rows):
            pltpu.sync_copy(rows, acc.at[ib.at[1]], add=True)

        idx_start(iba0, semia0, 0)
        idx_start(ibb0, semib0, 1)
        idx_start(iba1, semia1, 2)
        idx_start(ibb1, semib1, 3)

        def quad(j0, prefetch):
            idx_wait(iba0, semia0, j0)
            gather_start(iba0, rowsa, semga)
            idx_wait(ibb0, semib0, j0 + 1)
            gather_start(ibb0, rowsb, semgb)
            gather_wait(iba0, rowsa, semga)
            scatter(iba0, rowsa)
            if prefetch:
                idx_start(iba0, semia0, j0 + 4)
            idx_wait(iba1, semia1, j0 + 2)
            gather_start(iba1, rowsa, semga)
            gather_wait(ibb0, rowsb, semgb)
            scatter(ibb0, rowsb)
            if prefetch:
                idx_start(ibb0, semib0, j0 + 5)
            idx_wait(ibb1, semib1, j0 + 3)
            gather_start(ibb1, rowsb, semgb)
            gather_wait(iba1, rowsa, semga)
            scatter(iba1, rowsa)
            if prefetch:
                idx_start(iba1, semia1, j0 + 6)
            gather_wait(ibb1, rowsb, semgb)
            scatter(ibb1, rowsb)
            if prefetch:
                idx_start(ibb1, semib1, j0 + 7)

        def body(t, _):
            quad(t * 4, True)
            return 0

        lax.fori_loop(0, n4 - 1, body, 0)
        quad(n_chunks - 4, False)

        plsc.subcore_barrier()
        pltpu.sync_copy(
            acc.at[pl.ds(s * stripe, stripe)],
            out_hbm.at[c, pl.ds(s * stripe, stripe)],
        )

    return prop_kernel


def _tc_prep(x_ref, deg0_ref, deg1_ref, xn_ref, dinv_ref):
    d = deg0_ref[...] + deg1_ref[...] + 1.0
    dinv = lax.rsqrt(d)
    xn_ref[...] = x_ref[...] * dinv
    dinv_ref[...] = dinv


def _tc_layer(g0_ref, g1_ref, dinv_ref, w_ref, b_ref, out_ref):
    dinv = dinv_ref[...]
    agg = dinv * (g0_ref[...] + g1_ref[...])
    z = jnp.dot(agg, w_ref[...], preferred_element_type=jnp.float32) + b_ref[...]
    out_ref[...] = jax.nn.relu(z) * dinv


def _tc_final(g0_ref, g1_ref, dinv_ref, w3_ref, b_ref, out_ref, *,
              n_classes):
    agg = dinv_ref[...] * (g0_ref[...] + g1_ref[...])
    z = jnp.dot(agg, w3_ref[...], preferred_element_type=jnp.float32) + b_ref[...]
    cols = lax.broadcasted_iota(jnp.int32, z.shape, 1)
    zm = jnp.where(cols < n_classes, z, -1e30)
    m = jnp.max(zm, axis=1, keepdims=True)
    lse = jnp.log(jnp.sum(jnp.exp(zm - m), axis=1, keepdims=True))
    out_ref[...] = zm - m - lse


def kernel(x, edge_index, W1, b1, W2, b2, W3, b3):
    n, d_in = x.shape
    e = edge_index.shape[1]
    hid = W1.shape[1]
    n_classes = W3.shape[1]
    d3 = ((n_classes + 7) // 8) * 8

    n_pad = ((n + NS * Z_ROWS - 1) // (NS * Z_ROWS)) * (NS * Z_ROWS)
    chunk_e = NW * K * 4
    e_pad = ((e + chunk_e - 1) // chunk_e) * chunk_e
    npad_extra = n_pad - n
    pad_e = e_pad - e

    src = edge_index[0]
    dst = edge_index[1]
    if pad_e:
        spread = max(npad_extra, 1)
        k = jnp.arange(pad_e, dtype=jnp.int32)
        pad_idx = n + (k % spread)
        src = jnp.concatenate([src, pad_idx])
        dst = jnp.concatenate([dst, pad_idx])

    sd = jnp.stack(
        [src.reshape(e_pad // K, K), dst.reshape(e_pad // K, K)], axis=1
    )

    x_pad = jnp.pad(x, ((0, npad_extra), (0, 0)))
    w3p = jnp.pad(W3, ((0, 0), (0, d3 - n_classes)))
    b3p = jnp.pad(b3, (0, d3 - n_classes)).reshape(1, d3)

    deg_k = _make_deg_kernel(n_pad, e_pad)
    prop_h = _make_prop_kernel(n_pad, e_pad, hid)

    degs = deg_k(dst)
    deg2d = degs.reshape(NC, n_pad, 1)

    f32 = jnp.float32
    xn, dinv1 = pl.pallas_call(
        _tc_prep,
        out_shape=(
            jax.ShapeDtypeStruct((n_pad, d_in), f32),
            jax.ShapeDtypeStruct((n_pad, 1), f32),
        ),
    )(x_pad, deg2d[0], deg2d[1])

    layer_call = pl.pallas_call(
        _tc_layer,
        out_shape=jax.ShapeDtypeStruct((n_pad, hid), f32),
    )

    g1 = prop_h(xn, sd)
    y2n = layer_call(g1[0], g1[1], dinv1, W1, b1.reshape(1, hid))

    g2 = prop_h(y2n, sd)
    y3n = layer_call(g2[0], g2[1], dinv1, W2, b2.reshape(1, hid))

    g3 = prop_h(y3n, sd)
    out = pl.pallas_call(
        functools.partial(_tc_final, n_classes=n_classes),
        out_shape=jax.ShapeDtypeStruct((n_pad, d3), f32),
    )(g3[0], g3[1], dinv1, w3p, b3p)

    return out[:n, :n_classes]

# --- scband reference (transcript-rebuilt; emitter-appended) ---
"""Pipeline reference for scband-ggsmodel-88270167867518 (READ-ONLY COPY).

The authoritative reference and input builder live on the scoring server;
editing this copy changes nothing except your own understanding.
"""

import jax, jax.numpy as jnp
import numpy as np

N = 10000
E = 320000
D_IN = 128
HID = 128
N_CLASSES = 40


def setup_inputs(seed: int = 0) -> dict:
    key = jax.random.key(seed)
    ks = jax.random.split(key, 8)
    x = jax.random.normal(ks[0], (N, D_IN), dtype=jnp.float32)
    edge_index = jax.random.randint(ks[1], (2, E), 0, N, dtype=jnp.int32)
    W1 = jax.random.normal(ks[2], (D_IN, HID), dtype=jnp.float32) * (1.0 / np.sqrt(D_IN))
    b1 = jnp.zeros((HID,), dtype=jnp.float32)
    W2 = jax.random.normal(ks[3], (HID, HID), dtype=jnp.float32) * (1.0 / np.sqrt(HID))
    b2 = jnp.zeros((HID,), dtype=jnp.float32)
    W3 = jax.random.normal(ks[4], (HID, N_CLASSES), dtype=jnp.float32) * (1.0 / np.sqrt(HID))
    b3 = jnp.zeros((N_CLASSES,), dtype=jnp.float32)
    return {"x": x, "edge_index": edge_index, "W1": W1, "b1": b1, "W2": W2, "b2": b2, "W3": W3, "b3": b3}


def _gcn_layer(x, src, dst, W, b):
    # GCNConv with added self-loops and symmetric normalization
    n = x.shape[0]
    loop = jnp.arange(n, dtype=src.dtype)
    s = jnp.concatenate([src, loop])
    d = jnp.concatenate([dst, loop])
    deg = jax.ops.segment_sum(jnp.ones(s.shape[0], dtype=x.dtype), d, num_segments=n)
    dinv = jax.lax.rsqrt(jnp.maximum(deg, 1.0))
    norm = dinv[s] * dinv[d]
    msg = x[s] * norm[:, None]
    agg = jax.ops.segment_sum(msg, d, num_segments=n)
    return agg @ W + b


def reference(x, edge_index, W1, b1, W2, b2, W3, b3):
    src = edge_index[0]
    dst = edge_index[1]
    # layer 1 (hidden): conv -> relu -> dropout (identity in eval mode)
    h = jax.nn.relu(_gcn_layer(x, src, dst, W1, b1))
    # layer 2 (hidden): conv -> relu -> dropout (identity in eval mode)
    h = jax.nn.relu(_gcn_layer(h, src, dst, W2, b2))
    # final layer: conv -> log_softmax
    h = _gcn_layer(h, src, dst, W3, b3)
    return jax.nn.log_softmax(h, axis=1)

if __name__ == "__main__":
    import jax
    _d = setup_inputs()
    print(jax.jit(kernel)(*tuple(_d.values())))

</pallas_src>

<mosaic_0001>
#map = affine_map<(d0, d1) -> (0, 0)>
#map1 = affine_map<(d0, d1) -> (0, 0, 0)>
module attributes {stable_mosaic.version = 14 : i64} {
  func.func @prop_kernel(%arg0: i32, %arg1: i32, %arg2: memref<10240x128xf32, #tpu.memory_space<hbm>>, %arg3: memref<2560x2x128xi32, #tpu.memory_space<hbm>>, %arg4: memref<2x10240x128xf32, #tpu.memory_space<hbm>>, %arg5: memref<2x128xi32, #tpu.memory_space<vmem>>, %arg6: memref<2x128xi32, #tpu.memory_space<vmem>>, %arg7: memref<2x128xi32, #tpu.memory_space<vmem>>, %arg8: memref<2x128xi32, #tpu.memory_space<vmem>>, %arg9: memref<128x128xf32, #tpu.memory_space<vmem>>, %arg10: memref<128x128xf32, #tpu.memory_space<vmem>>, %arg11: memref<10240x128xf32, #tpu.memory_space<vmem_shared>>, %arg12: memref<!tpu.dma_semaphore, #tpu.memory_space<semaphore_mem>>, %arg13: memref<!tpu.dma_semaphore, #tpu.memory_space<semaphore_mem>>, %arg14: memref<!tpu.dma_semaphore, #tpu.memory_space<semaphore_mem>>, %arg15: memref<!tpu.dma_semaphore, #tpu.memory_space<semaphore_mem>>, %arg16: memref<!tpu.dma_semaphore, #tpu.memory_space<semaphore_mem>>, %arg17: memref<!tpu.dma_semaphore, #tpu.memory_space<semaphore_mem>>) attributes {dimension_semantics = [#tpu.dimension_semantics<core_parallel>, #tpu.dimension_semantics<subcore_parallel>], iteration_bounds = array<i64: 2, 16>, scalar_prefetch = 0 : i64, scratch_operands = 13 : i64, tpu.core_type = #tpu.core_type<sc_vector_subcore>, window_params = [{transform_indices = #map}, {transform_indices = #map1}, {transform_indices = #map1}]} {
    %mul3A = arith.constant 16 : i32
    %mul3A_0 = arith.muli %arg0, %mul3A : i32
    %add3A = arith.addi %mul3A_0, %arg1 : i32
    %mul3A_1 = arith.constant 80 : i32
    %mul3A_2 = arith.muli %add3A, %mul3A_1 : i32
    %eq3A = arith.constant 0 : i32
    %eq3A_3 = arith.cmpi eq, %arg0, %eq3A : i32
    %convert_element_type3A = arith.extui %eq3A_3 : i1 to i32
    %cond3A = arith.constant 0 : i32
    %cond3A_4 = arith.cmpi ne, %convert_element_type3A, %cond3A : i32
    scf.if %cond3A_4 {
      %mul3A_157 = arith.constant 640 : i32
      %mul3A_158 = arith.muli %arg1, %mul3A_157 : i32
      %mul3A_159 = arith.constant 640 : i32
      %mul3A_160 = arith.muli %arg1, %mul3A_159 : i32
      "tpu.region"() ({
        %run_scoped3A_161 = tpu.sem_alloc : memref<!tpu.dma_semaphore, #tpu.memory_space<semaphore_mem>>
        %dma_start3A_162 = arith.constant 0 : i32
        %dma_start3A_163 = tpu.memref_slice %arg11[%mul3A_160, %dma_start3A_162] : memref<10240x128xf32, #tpu.memory_space<vmem_shared>> -> memref<640x128xf32, #tpu.memory_space<vmem_shared>>
        %dma_start3A_164 = arith.constant 0 : i32
        %dma_start3A_165 = tpu.memref_slice %arg2[%mul3A_158, %dma_start3A_164] : memref<10240x128xf32, #tpu.memory_space<hbm>> -> memref<640x128xf32, #tpu.memory_space<hbm>>
        tpu.enqueue_dma source(%dma_start3A_165 : memref<640x128xf32, #tpu.memory_space<hbm>>) target(%dma_start3A_163 : memref<640x128xf32, #tpu.memory_space<vmem_shared>>) target_semaphore(%run_scoped3A_161 : memref<!tpu.dma_semaphore, #tpu.memory_space<semaphore_mem>>)
        %dma_wait3A_166 = arith.constant 0 : i32
        %dma_wait3A_167 = tpu.memref_slice %arg11[%mul3A_160, %dma_wait3A_166] : memref<10240x128xf32, #tpu.memory_space<vmem_shared>> -> memref<640x128xf32, #tpu.memory_space<vmem_shared>>
        %dma_wait3A_168 = arith.constant 0 : i32
        %dma_wait3A_169 = tpu.memref_slice %arg2[%mul3A_158, %dma_wait3A_168] : memref<10240x128xf32, #tpu.memory_space<hbm>> -> memref<640x128xf32, #tpu.memory_space<hbm>>
        tpu.wait_dma2 semaphore(%run_scoped3A_161 : memref<!tpu.dma_semaphore, #tpu.memory_space<semaphore_mem>>) src(%dma_wait3A_169 : memref<640x128xf32, #tpu.memory_space<hbm>>) dst(%dma_wait3A_167 : memref<640x128xf32, #tpu.memory_space<vmem_shared>>)
        tpu.yield
      }) : () -> ()
    } else {
    }
    %ne3A = arith.constant 0 : i32
    %ne3A_5 = arith.cmpi ne, %arg0, %ne3A : i32
    %convert_element_type3A_6 = arith.extui %ne3A_5 : i1 to i32
    %cond3A_7 = arith.constant 0 : i32
    %cond3A_8 = arith.cmpi ne, %convert_element_type3A_6, %cond3A_7 : i32
    scf.if %cond3A_8 {
      %broadcast_in_dim3A = arith.constant 0.000000e+00 : f32
      %broadcast_in_dim3A_157 = vector.broadcast %broadcast_in_dim3A : f32 to vector<16xf32>
      %scan3A_158 = arith.constant 0 : i32
      %scan3A_159 = arith.constant 0 : i32
      %scan3A_160 = arith.constant 128 : i32
      %scan3A_161 = arith.addi %scan3A_159, %scan3A_160 : i32
      %scan3A_162 = arith.constant 1 : i32
      %scan3A_163 = scf.for %scan3A_185 = %scan3A_159 to %scan3A_161 step %scan3A_162 iter_args(%scan3A_186 = %scan3A_158) -> (i32)  : i32 {
        %swap3A = arith.index_cast %scan3A_185 : i32 to index
        %swap3A_187 = arith.constant 0 : index
        %swap3A_188 = tpu.vector_load %arg9[%swap3A, %swap3A_187] {strides = array<i32>} : memref<128x128xf32, #tpu.memory_space<vmem>>, vector<1x16xf32>,
        %swap3A_189 = vector.shape_cast %swap3A_188 : vector<1x16xf32> to vector<16xf32>
        %swap3A_190 = vector.shape_cast %broadcast_in_dim3A_157 : vector<16xf32> to vector<1x16xf32>
        tpu.vector_store %arg9[%swap3A, %swap3A_187], %swap3A_190 {strides = array<i32>} : memref<128x128xf32, #tpu.memory_space<vmem>>, vector<1x16xf32>,
        %swap3A_191 = arith.index_cast %scan3A_185 : i32 to index
        %swap3A_192 = arith.constant 16 : index
        %swap3A_193 = tpu.vector_load %arg9[%swap3A_191, %swap3A_192] {strides = array<i32>} : memref<128x128xf32, #tpu.memory_space<vmem>>, vector<1x16xf32>,
        %swap3A_194 = vector.shape_cast %swap3A_193 : vector<1x16xf32> to vector<16xf32>
        %swap3A_195 = vector.shape_cast %broadcast_in_dim3A_157 : vector<16xf32> to vector<1x16xf32>
        tpu.vector_store %arg9[%swap3A_191, %swap3A_192], %swap3A_195 {strides = array<i32>} : memref<128x128xf32, #tpu.memory_space<vmem>>, vector<1x16xf32>,
        %swap3A_196 = arith.index_cast %scan3A_185 : i32 to index
        %swap3A_197 = arith.constant 32 : index
        %swap3A_198 = tpu.vector_load %arg9[%swap3A_196, %swap3A_197] {strides = array<i32>} : memref<128x128xf32, #tpu.memory_space<vmem>>, vector<1x16xf32>,
        %swap3A_199 = vector.shape_cast %swap3A_198 : vector<1x16xf32> to vector<16xf32>
        %swap3A_200 = vector.shape_cast %broadcast_in_dim3A_157 : vector<16xf32> to vector<1x16xf32>
        tpu.vector_store %arg9[%swap3A_196, %swap3A_197], %swap3A_200 {strides = array<i32>} : memref<128x128xf32, #tpu.memory_space<vmem>>, vector<1x16xf32>,
        %swap3A_201 = arith.index_cast %scan3A_185 : i32 to index
        %swap3A_202 = arith.constant 48 : index
        %swap3A_203 = tpu.vector_load %arg9[%swap3A_201, %swap3A_202] {strides = array<i32>} : memref<128x128xf32, #tpu.memory_space<vmem>>, vector<1x16xf32>,
        %swap3A_204 = vector.shape_cast %swap3A_203 : vector<1x16xf32> to vector<16xf32>
        %swap3A_205 = vector.shape_cast %broadcast_in_dim3A_157 : vector<16xf32> to vector<1x16xf32>
        tpu.vector_store %arg9[%swap3A_201, %swap3A_202], %swap3A_205 {strides = array<i32>} : memref<128x128xf32, #tpu.memory_space<vmem>>, vector<1x16xf32>,
        %swap3A_206 = arith.index_cast %scan3A_185 : i32 to index
        %swap3A_207 = arith.constant 64 : index
        %swap3A_208 = tpu.vector_load %arg9[%swap3A_206, %swap3A_207] {strides = array<i32>} : memref<128x128xf32, #tpu.memory_space<vmem>>, vector<1x16xf32>,
        %swap3A_209 = vector.shape_cast %swap3A_208 : vector<1x16xf32> to vector<16xf32>
        %swap3A_210 = vector.shape_cast %broadcast_in_dim3A_157 : vector<16xf32> to vector<1x16xf32>
        tpu.vector_store %arg9[%swap3A_206, %swap3A_207], %swap3A_210 {strides = array<i32>} : memref<128x128xf32, #tpu.memory_space<vmem>>, vector<1x16xf32>,
        %swap3A_211 = arith.index_cast %scan3A_185 : i32 to index
        %swap3A_212 = arith.constant 80 : index
        %swap3A_213 = tpu.vector_load %arg9[%swap3A_211, %swap3A_212] {strides = array<i32>} : memref<128x128xf32, #tpu.memory_space<vmem>>, vector<1x16xf32>,
        %swap3A_214 = vector.shape_cast %swap3A_213 : vector<1x16xf32> to vector<16xf32>
        %swap3A_215 = vector.shape_cast %broadcast_in_dim3A_157 : vector<16xf32> to vector<1x16xf32>
        tpu.vector_store %arg9[%swap3A_211, %swap3A_212], %swap3A_215 {strides = array<i32>} : memref<128x128xf32, #tpu.memory_space<vmem>>, vector<1x16xf32>,
        %swap3A_216 = arith.index_cast %scan3A_185 : i32 to index
        %swap3A_217 = arith.constant 96 : index
        %swap3A_218 = tpu.vector_load %arg9[%swap3A_216, %swap3A_217] {strides = array<i32>} : memref<128x128xf32, #tpu.memory_space<vmem>>, vector<1x16xf32>,
        %swap3A_219 = vector.shape_cast %swap3A_218 : vector<1x16xf32> to vector<16xf32>
        %swap3A_220 = vector.shape_cast %broadcast_in_dim3A_157 : vector<16xf32> to vector<1x16xf32>
        tpu.vector_store %arg9[%swap3A_216, %swap3A_217], %swap3A_220 {strides = array<i32>} : memref<128x128xf32, #tpu.memory_space<vmem>>, vector<1x16xf32>,
        %swap3A_221 = arith.index_cast %scan3A_185 : i32 to index
        %swap3A_222 = arith.constant 112 : index
        %swap3A_223 = tpu.vector_load %arg9[%swap3A_221, %swap3A_222] {strides = array<i32>} : memref<128x128xf32, #tpu.memory_space<vmem>>, vector<1x16xf32>,
        %swap3A_224 = vector.shape_cast %swap3A_223 : vector<1x16xf32> to vector<16xf32>
        %swap3A_225 = vector.shape_cast %broadcast_in_dim3A_157 : vector<16xf32> to vector<1x16xf32>
        tpu.vector_store %arg9[%swap3A_221, %swap3A_222], %swap3A_225 {strides = array<i32>} : memref<128x128xf32, #tpu.memory_space<vmem>>, vector<1x16xf32>,
        %scan3A_226 = arith.constant 0 : i32
        scf.yield %scan3A_226 : i32
      }
      %scan3A_164 = arith.constant 128 : i32
      %mul3A_165 = arith.constant 640 : i32
      %mul3A_166 = arith.muli %arg1, %mul3A_165 : i32
      %add3A_167 = arith.constant 0 : i32
      %add3A_168 = arith.addi %mul3A_166, %add3A_167 : i32
      "tpu.region"() ({
        %run_scoped3A_185 = tpu.sem_alloc : memref<!tpu.dma_semaphore, #tpu.memory_space<semaphore_mem>>
        %dma_start3A_186 = arith.constant 0 : i32
        %dma_start3A_187 = tpu.memref_slice %arg11[%add3A_168, %dma_start3A_186] : memref<10240x128xf32, #tpu.memory_space<vmem_shared>> -> memref<128x128xf32, #tpu.memory_space<vmem_shared>>
        %dma_start3A_188 = arith.constant 0 : i32
        %dma_start3A_189 = tpu.memref_slice %arg11[%add3A_168, %dma_start3A_188] : memref<10240x128xf32, #tpu.memory_space<vmem_shared>> -> memref<128x128xf32, #tpu.memory_space<vmem_shared>>
        tpu.enqueue_dma source(%arg9 : memref<128x128xf32, #tpu.memory_space<vmem>>) target(%dma_start3A_189 : memref<128x128xf32, #tpu.memory_space<vmem_shared>>) target_semaphore(%run_scoped3A_185 : memref<!tpu.dma_semaphore, #tpu.memory_space<semaphore_mem>>)
        %dma_wait3A_190 = arith.constant 0 : i32
        %dma_wait3A_191 = tpu.memref_slice %arg11[%add3A_168, %dma_wait3A_190] : memref<10240x128xf32, #tpu.memory_space<vmem_shared>> -> memref<128x128xf32, #tpu.memory_space<vmem_shared>>
        %dma_wait3A_192 = arith.constant 0 : i32
        %dma_wait3A_193 = tpu.memref_slice %arg11[%add3A_168, %dma_wait3A_192] : memref<10240x128xf32, #tpu.memory_space<vmem_shared>> -> memref<128x128xf32, #tpu.memory_space<vmem_shared>>
        tpu.wait_dma2 semaphore(%run_scoped3A_185 : memref<!tpu.dma_semaphore, #tpu.memory_space<semaphore_mem>>) src(%arg9 : memref<128x128xf32, #tpu.memory_space<vmem>>) dst(%dma_wait3A_193 : memref<128x128xf32, #tpu.memory_space<vmem_shared>>)
        tpu.yield
      }) : () -> ()
      %mul3A_169 = arith.constant 640 : i32
      %mul3A_170 = arith.muli %arg1, %mul3A_169 : i32
      %add3A_171 = arith.constant 128 : i32
      %add3A_172 = arith.addi %mul3A_170, %add3A_171 : i32
      "tpu.region"() ({
        %run_scoped3A_185 = tpu.sem_alloc : memref<!tpu.dma_semaphore, #tpu.memory_space<semaphore_mem>>
        %dma_start3A_186 = arith.constant 0 : i32
        %dma_start3A_187 = tpu.memref_slice %arg11[%add3A_172, %dma_start3A_186] : memref<10240x128xf32, #tpu.memory_space<vmem_shared>> -> memref<128x128xf32, #tpu.memory_space<vmem_shared>>
        %dma_start3A_188 = arith.constant 0 : i32
        %dma_start3A_189 = tpu.memref_slice %arg11[%add3A_172, %dma_start3A_188] : memref<10240x128xf32, #tpu.memory_space<vmem_shared>> -> memref<128x128xf32, #tpu.memory_space<vmem_shared>>
        tpu.enqueue_dma source(%arg9 : memref<128x128xf32, #tpu.memory_space<vmem>>) target(%dma_start3A_189 : memref<128x128xf32, #tpu.memory_space<vmem_shared>>) target_semaphore(%run_scoped3A_185 : memref<!tpu.dma_semaphore, #tpu.memory_space<semaphore_mem>>)
        %dma_wait3A_190 = arith.constant 0 : i32
        %dma_wait3A_191 = tpu.memref_slice %arg11[%add3A_172, %dma_wait3A_190] : memref<10240x128xf32, #tpu.memory_space<vmem_shared>> -> memref<128x128xf32, #tpu.memory_space<vmem_shared>>
        %dma_wait3A_192 = arith.constant 0 : i32
        %dma_wait3A_193 = tpu.memref_slice %arg11[%add3A_172, %dma_wait3A_192] : memref<10240x128xf32, #tpu.memory_space<vmem_shared>> -> memref<128x128xf32, #tpu.memory_space<vmem_shared>>
        tpu.wait_dma2 semaphore(%run_scoped3A_185 : memref<!tpu.dma_semaphore, #tpu.memory_space<semaphore_mem>>) src(%arg9 : memref<128x128xf32, #tpu.memory_space<vmem>>) dst(%dma_wait3A_193 : memref<128x128xf32, #tpu.memory_space<vmem_shared>>)
        tpu.yield
      }) : () -> ()
      %mul3A_173 = arith.constant 640 : i32
      %mul3A_174 = arith.muli %arg1, %mul3A_173 : i32
      %add3A_175 = arith.constant 256 : i32
      %add3A_176 = arith.addi %mul3A_174, %add3A_175 : i32
      "tpu.region"() ({
        %run_scoped3A_185 = tpu.sem_alloc : memref<!tpu.dma_semaphore, #tpu.memory_space<semaphore_mem>>
        %dma_start3A_186 = arith.constant 0 : i32
        %dma_start3A_187 = tpu.memref_slice %arg11[%add3A_176, %dma_start3A_186] : memref<10240x128xf32, #tpu.memory_space<vmem_shared>> -> memref<128x128xf32, #tpu.memory_space<vmem_shared>>
        %dma_start3A_188 = arith.constant 0 : i32
        %dma_start3A_189 = tpu.memref_slice %arg11[%add3A_176, %dma_start3A_188] : memref<10240x128xf32, #tpu.memory_space<vmem_shared>> -> memref<128x128xf32, #tpu.memory_space<vmem_shared>>
        tpu.enqueue_dma source(%arg9 : memref<128x128xf32, #tpu.memory_space<vmem>>) target(%dma_start3A_189 : memref<128x128xf32, #tpu.memory_space<vmem_shared>>) target_semaphore(%run_scoped3A_185 : memref<!tpu.dma_semaphore, #tpu.memory_space<semaphore_mem>>)
        %dma_wait3A_190 = arith.constant 0 : i32
        %dma_wait3A_191 = tpu.memref_slice %arg11[%add3A_176, %dma_wait3A_190] : memref<10240x128xf32, #tpu.memory_space<vmem_shared>> -> memref<128x128xf32, #tpu.memory_space<vmem_shared>>
        %dma_wait3A_192 = arith.constant 0 : i32
        %dma_wait3A_193 = tpu.memref_slice %arg11[%add3A_176, %dma_wait3A_192] : memref<10240x128xf32, #tpu.memory_space<vmem_shared>> -> memref<128x128xf32, #tpu.memory_space<vmem_shared>>
        tpu.wait_dma2 semaphore(%run_scoped3A_185 : memref<!tpu.dma_semaphore, #tpu.memory_space<semaphore_mem>>) src(%arg9 : memref<128x128xf32, #tpu.memory_space<vmem>>) dst(%dma_wait3A_193 : memref<128x128xf32, #tpu.memory_space<vmem_shared>>)
        tpu.yield
      }) : () -> ()
      %mul3A_177 = arith.constant 640 : i32
      %mul3A_178 = arith.muli %arg1, %mul3A_177 : i32
      %add3A_179 = arith.constant 384 : i32
      %add3A_180 = arith.addi %mul3A_178, %add3A_179 : i32
      "tpu.region"() ({
        %run_scoped3A_185 = tpu.sem_alloc : memref<!tpu.dma_semaphore, #tpu.memory_space<semaphore_mem>>
        %dma_start3A_186 = arith.constant 0 : i32
        %dma_start3A_187 = tpu.memref_slice %arg11[%add3A_180, %dma_start3A_186] : memref<10240x128xf32, #tpu.memory_space<vmem_shared>> -> memref<128x128xf32, #tpu.memory_space<vmem_shared>>
        %dma_start3A_188 = arith.constant 0 : i32
        %dma_start3A_189 = tpu.memref_slice %arg11[%add3A_180, %dma_start3A_188] : memref<10240x128xf32, #tpu.memory_space<vmem_shared>> -> memref<128x128xf32, #tpu.memory_space<vmem_shared>>
        tpu.enqueue_dma source(%arg9 : memref<128x128xf32, #tpu.memory_space<vmem>>) target(%dma_start3A_189 : memref<128x128xf32, #tpu.memory_space<vmem_shared>>) target_semaphore(%run_scoped3A_185 : memref<!tpu.dma_semaphore, #tpu.memory_space<semaphore_mem>>)
        %dma_wait3A_190 = arith.constant 0 : i32
        %dma_wait3A_191 = tpu.memref_slice %arg11[%add3A_180, %dma_wait3A_190] : memref<10240x128xf32, #tpu.memory_space<vmem_shared>> -> memref<128x128xf32, #tpu.memory_space<vmem_shared>>
        %dma_wait3A_192 = arith.constant 0 : i32
        %dma_wait3A_193 = tpu.memref_slice %arg11[%add3A_180, %dma_wait3A_192] : memref<10240x128xf32, #tpu.memory_space<vmem_shared>> -> memref<128x128xf32, #tpu.memory_space<vmem_shared>>
        tpu.wait_dma2 semaphore(%run_scoped3A_185 : memref<!tpu.dma_semaphore, #tpu.memory_space<semaphore_mem>>) src(%arg9 : memref<128x128xf32, #tpu.memory_space<vmem>>) dst(%dma_wait3A_193 : memref<128x128xf32, #tpu.memory_space<vmem_shared>>)
        tpu.yield
      }) : () -> ()
      %mul3A_181 = arith.constant 640 : i32
      %mul3A_182 = arith.muli %arg1, %mul3A_181 : i32
      %add3A_183 = arith.constant 512 : i32
      %add3A_184 = arith.addi %mul3A_182, %add3A_183 : i32
      "tpu.region"() ({
        %run_scoped3A_185 = tpu.sem_alloc : memref<!tpu.dma_semaphore, #tpu.memory_space<semaphore_mem>>
        %dma_start3A_186 = arith.constant 0 : i32
        %dma_start3A_187 = tpu.memref_slice %arg11[%add3A_184, %dma_start3A_186] : memref<10240x128xf32, #tpu.memory_space<vmem_shared>> -> memref<128x128xf32, #tpu.memory_space<vmem_shared>>
        %dma_start3A_188 = arith.constant 0 : i32
        %dma_start3A_189 = tpu.memref_slice %arg11[%add3A_184, %dma_start3A_188] : memref<10240x128xf32, #tpu.memory_space<vmem_shared>> -> memref<128x128xf32, #tpu.memory_space<vmem_shared>>
        tpu.enqueue_dma source(%arg9 : memref<128x128xf32, #tpu.memory_space<vmem>>) target(%dma_start3A_189 : memref<128x128xf32, #tpu.memory_space<vmem_shared>>) target_semaphore(%run_scoped3A_185 : memref<!tpu.dma_semaphore, #tpu.memory_space<semaphore_mem>>)
        %dma_wait3A_190 = arith.constant 0 : i32
        %dma_wait3A_191 = tpu.memref_slice %arg11[%add3A_184, %dma_wait3A_190] : memref<10240x128xf32, #tpu.memory_space<vmem_shared>> -> memref<128x128xf32, #tpu.memory_space<vmem_shared>>
        %dma_wait3A_192 = arith.constant 0 : i32
        %dma_wait3A_193 = tpu.memref_slice %arg11[%add3A_184, %dma_wait3A_192] : memref<10240x128xf32, #tpu.memory_space<vmem_shared>> -> memref<128x128xf32, #tpu.memory_space<vmem_shared>>
        tpu.wait_dma2 semaphore(%run_scoped3A_185 : memref<!tpu.dma_semaphore, #tpu.memory_space<semaphore_mem>>) src(%arg9 : memref<128x128xf32, #tpu.memory_space<vmem>>) dst(%dma_wait3A_193 : memref<128x128xf32, #tpu.memory_space<vmem_shared>>)
        tpu.yield
      }) : () -> ()
    } else {
    }
    %barrier3A = arith.constant 0 : index
    tpu.barrier barrier_id(%barrier3A)
    %add3A_9 = arith.constant 0 : i32
    %add3A_10 = arith.addi %mul3A_2, %add3A_9 : i32
    %dma_start3A = arith.constant 0 : i32
    %dma_start3A_11 = arith.constant 0 : i32
    %dma_start3A_12 = tpu.memref_slice %arg3[%add3A_10, %dma_start3A, %dma_start3A_11] : memref<2560x2x128xi32, #tpu.memory_space<hbm>> -> memref<1x2x128xi32, #tpu.memory_space<hbm>>
    %dma_start3A_13 = tpu.memref_squeeze %dma_start3A_12 : memref<1x2x128xi32, #tpu.memory_space<hbm>> -> memref<2x128xi32, #tpu.memory_space<hbm>>
    %dma_start3A_14 = arith.constant 0 : i32
    %dma_start3A_15 = arith.constant 0 : i32
    %dma_start3A_16 = tpu.memref_slice %arg3[%add3A_10, %dma_start3A_14, %dma_start3A_15] : memref<2560x2x128xi32, #tpu.memory_space<hbm>> -> memref<1x2x128xi32, #tpu.memory_space<hbm>>
    %dma_start3A_17 = tpu.memref_squeeze %dma_start3A_16 : memref<1x2x128xi32, #tpu.memory_space<hbm>> -> memref<2x128xi32, #tpu.memory_space<hbm>>
    tpu.enqueue_dma source(%dma_start3A_17 : memref<2x128xi32, #tpu.memory_space<hbm>>) target(%arg5 : memref<2x128xi32, #tpu.memory_space<vmem>>) target_semaphore(%arg12 : memref<!tpu.dma_semaphore, #tpu.memory_space<semaphore_mem>>)
    %add3A_18 = arith.constant 1 : i32
    %add3A_19 = arith.addi %mul3A_2, %add3A_18 : i32
    %dma_start3A_20 = arith.constant 0 : i32
    %dma_start3A_21 = arith.constant 0 : i32
    %dma_start3A_22 = tpu.memref_slice %arg3[%add3A_19, %dma_start3A_20, %dma_start3A_21] : memref<2560x2x128xi32, #tpu.memory_space<hbm>> -> memref<1x2x128xi32, #tpu.memory_space<hbm>>
    %dma_start3A_23 = tpu.memref_squeeze %dma_start3A_22 : memref<1x2x128xi32, #tpu.memory_space<hbm>> -> memref<2x128xi32, #tpu.memory_space<hbm>>
    %dma_start3A_24 = arith.constant 0 : i32
    %dma_start3A_25 = arith.constant 0 : i32
    %dma_start3A_26 = tpu.memref_slice %arg3[%add3A_19, %dma_start3A_24, %dma_start3A_25] : memref<2560x2x128xi32, #tpu.memory_space<hbm>> -> memref<1x2x128xi32, #tpu.memory_space<hbm>>
    %dma_start3A_27 = tpu.memref_squeeze %dma_start3A_26 : memref<1x2x128xi32, #tpu.memory_space<hbm>> -> memref<2x128xi32, #tpu.memory_space<hbm>>
    tpu.enqueue_dma source(%dma_start3A_27 : memref<2x128xi32, #tpu.memory_space<hbm>>) target(%arg6 : memref<2x128xi32, #tpu.memory_space<vmem>>) target_semaphore(%arg13 : memref<!tpu.dma_semaphore, #tpu.memory_space<semaphore_mem>>)
    %add3A_28 = arith.constant 2 : i32
    %add3A_29 = arith.addi %mul3A_2, %add3A_28 : i32
    %dma_start3A_30 = arith.constant 0 : i32
    %dma_start3A_31 = arith.constant 0 : i32
    %dma_start3A_32 = tpu.memref_slice %arg3[%add3A_29, %dma_start3A_30, %dma_start3A_31] : memref<2560x2x128xi32, #tpu.memory_space<hbm>> -> memref<1x2x128xi32, #tpu.memory_space<hbm>>
    %dma_start3A_33 = tpu.memref_squeeze %dma_start3A_32 : memref<1x2x128xi32, #tpu.memory_space<hbm>> -> memref<2x128xi32, #tpu.memory_space<hbm>>
    %dma_start3A_34 = arith.constant 0 : i32
    %dma_start3A_35 = arith.constant 0 : i32
    %dma_start3A_36 = tpu.memref_slice %arg3[%add3A_29, %dma_start3A_34, %dma_start3A_35] : memref<2560x2x128xi32, #tpu.memory_space<hbm>> -> memref<1x2x128xi32, #tpu.memory_space<hbm>>
    %dma_start3A_37 = tpu.memref_squeeze %dma_start3A_36 : memref<1x2x128xi32, #tpu.memory_space<hbm>> -> memref<2x128xi32, #tpu.memory_space<hbm>>
    tpu.enqueue_dma source(%dma_start3A_37 : memref<2x128xi32, #tpu.memory_space<hbm>>) target(%arg7 : memref<2x128xi32, #tpu.memory_space<vmem>>) target_semaphore(%arg14 : memref<!tpu.dma_semaphore, #tpu.memory_space<semaphore_mem>>)
    %add3A_38 = arith.constant 3 : i32
    %add3A_39 = arith.addi %mul3A_2, %add3A_38 : i32
    %dma_start3A_40 = arith.constant 0 : i32
    %dma_start3A_41 = arith.constant 0 : i32
    %dma_start3A_42 = tpu.memref_slice %arg3[%add3A_39, %dma_start3A_40, %dma_start3A_41] : memref<2560x2x128xi32, #tpu.memory_space<hbm>> -> memref<1x2x128xi32, #tpu.memory_space<hbm>>
    %dma_start3A_43 = tpu.memref_squeeze %dma_start3A_42 : memref<1x2x128xi32, #tpu.memory_space<hbm>> -> memref<2x128xi32, #tpu.memory_space<hbm>>
    %dma_start3A_44 = arith.constant 0 : i32
    %dma_start3A_45 = arith.constant 0 : i32
    %dma_start3A_46 = tpu.memref_slice %arg3[%add3A_39, %dma_start3A_44, %dma_start3A_45] : memref<2560x2x128xi32, #tpu.memory_space<hbm>> -> memref<1x2x128xi32, #tpu.memory_space<hbm>>
    %dma_start3A_47 = tpu.memref_squeeze %dma_start3A_46 : memref<1x2x128xi32, #tpu.memory_space<hbm>> -> memref<2x128xi32, #tpu.memory_space<hbm>>
    tpu.enqueue_dma source(%dma_start3A_47 : memref<2x128xi32, #tpu.memory_space<hbm>>) target(%arg8 : memref<2x128xi32, #tpu.memory_space<vmem>>) target_semaphore(%arg15 : memref<!tpu.dma_semaphore, #tpu.memory_space<semaphore_mem>>)
    %scan3A = arith.constant 0 : i32
    %scan3A_48 = arith.constant 0 : i32
    %scan3A_49 = arith.constant 19 : i32
    %scan3A_50 = arith.addi %scan3A_48, %scan3A_49 : i32
    %scan3A_51 = arith.constant 1 : i32
    %scan3A_52 = scf.for %scan3A_157 = %scan3A_48 to %scan3A_50 step %scan3A_51 iter_args(%scan3A_158 = %scan3A) -> (i32)  : i32 {
      %mul3A_159 = arith.constant 4 : i32
      %mul3A_160 = arith.muli %scan3A_157, %mul3A_159 : i32
      %add3A_161 = arith.addi %mul3A_2, %mul3A_160 : i32
      %dma_wait3A_162 = arith.constant 0 : i32
      %dma_wait3A_163 = arith.constant 0 : i32
      %dma_wait3A_164 = tpu.memref_slice %arg3[%add3A_161, %dma_wait3A_162, %dma_wait3A_163] : memref<2560x2x128xi32, #tpu.memory_space<hbm>> -> memref<1x2x128xi32, #tpu.memory_space<hbm>>
      %dma_wait3A_165 = tpu.memref_squeeze %dma_wait3A_164 : memref<1x2x128xi32, #tpu.memory_space<hbm>> -> memref<2x128xi32, #tpu.memory_space<hbm>>
      %dma_wait3A_166 = arith.constant 0 : i32
      %dma_wait3A_167 = arith.constant 0 : i32
      %dma_wait3A_168 = tpu.memref_slice %arg3[%add3A_161, %dma_wait3A_166, %dma_wait3A_167] : memref<2560x2x128xi32, #tpu.memory_space<hbm>> -> memref<1x2x128xi32, #tpu.memory_space<hbm>>
      %dma_wait3A_169 = tpu.memref_squeeze %dma_wait3A_168 : memref<1x2x128xi32, #tpu.memory_space<hbm>> -> memref<2x128xi32, #tpu.memory_space<hbm>>
      tpu.wait_dma2 semaphore(%arg12 : memref<!tpu.dma_semaphore, #tpu.memory_space<semaphore_mem>>) src(%dma_wait3A_169 : memref<2x128xi32, #tpu.memory_space<hbm>>) dst(%arg5 : memref<2x128xi32, #tpu.memory_space<vmem>>)
      %dma_start3A_170 = arith.constant 0 : i32
      %dma_start3A_171 = arith.constant 0 : i32
      %dma_start3A_172 = tpu.memref_slice %arg5[%dma_start3A_170, %dma_start3A_171] : memref<2x128xi32, #tpu.memory_space<vmem>> -> memref<1x128xi32, #tpu.memory_space<vmem>>
      %dma_start3A_173 = tpu.memref_squeeze %dma_start3A_172 : memref<1x128xi32, #tpu.memory_space<vmem>> -> memref<128xi32, #tpu.memory_space<vmem>>
      %dma_start3A_174 = arith.constant 0 : i32
      %dma_start3A_175 = arith.constant 0 : i32
      %dma_start3A_176 = tpu.memref_slice %arg2[%dma_start3A_174, %dma_start3A_175] : memref<10240x128xf32, #tpu.memory_space<hbm>> -> memref<10240x128xf32, #tpu.memory_space<hbm>>
      tpu.enqueue_indirect_dma source(%dma_start3A_176 : memref<10240x128xf32, #tpu.memory_space<hbm>>) target(%arg9 : memref<128x128xf32, #tpu.memory_space<vmem>>) offsets(%dma_start3A_173 : memref<128xi32, #tpu.memory_space<vmem>>) semaphore(%arg16 : memref<!tpu.dma_semaphore, #tpu.memory_space<semaphore_mem>>)
      %add3A_177 = arith.constant 1 : i32
      %add3A_178 = arith.addi %mul3A_160, %add3A_177 : i32
      %add3A_179 = arith.addi %mul3A_2, %add3A_178 : i32
      %dma_wait3A_180 = arith.constant 0 : i32
      %dma_wait3A_181 = arith.constant 0 : i32
      %dma_wait3A_182 = tpu.memref_slice %arg3[%add3A_179, %dma_wait3A_180, %dma_wait3A_181] : memref<2560x2x128xi32, #tpu.memory_space<hbm>> -> memref<1x2x128xi32, #tpu.memory_space<hbm>>
      %dma_wait3A_183 = tpu.memref_squeeze %dma_wait3A_182 : memref<1x2x128xi32, #tpu.memory_space<hbm>> -> memref<2x128xi32, #tpu.memory_space<hbm>>
      %dma_wait3A_184 = arith.constant 0 : i32
      %dma_wait3A_185 = arith.constant 0 : i32
      %dma_wait3A_186 = tpu.memref_slice %arg3[%add3A_179, %dma_wait3A_184, %dma_wait3A_185] : memref<2560x2x128xi32, #tpu.memory_space<hbm>> -> memref<1x2x128xi32, #tpu.memory_space<hbm>>
      %dma_wait3A_187 = tpu.memref_squeeze %dma_wait3A_186 : memref<1x2x128xi32, #tpu.memory_space<hbm>> -> memref<2x128xi32, #tpu.memory_space<hbm>>
      tpu.wait_dma2 semaphore(%arg13 : memref<!tpu.dma_semaphore, #tpu.memory_space<semaphore_mem>>) src(%dma_wait3A_187 : memref<2x128xi32, #tpu.memory_space<hbm>>) dst(%arg6 : memref<2x128xi32, #tpu.memory_space<vmem>>)
      %dma_start3A_188 = arith.constant 0 : i32
      %dma_start3A_189 = arith.constant 0 : i32
      %dma_start3A_190 = tpu.memref_slice %arg6[%dma_start3A_188, %dma_start3A_189] : memref<2x128xi32, #tpu.memory_space<vmem>> -> memref<1x128xi32, #tpu.memory_space<vmem>>
      %dma_start3A_191 = tpu.memref_squeeze %dma_start3A_190 : memref<1x128xi32, #tpu.memory_space<vmem>> -> memref<128xi32, #tpu.memory_space<vmem>>
      %dma_start3A_192 = arith.constant 0 : i32
      %dma_start3A_193 = arith.constant 0 : i32
      %dma_start3A_194 = tpu.memref_slice %arg2[%dma_start3A_192, %dma_start3A_193] : memref<10240x128xf32, #tpu.memory_space<hbm>> -> memref<10240x128xf32, #tpu.memory_space<hbm>>
      tpu.enqueue_indirect_dma source(%dma_start3A_194 : memref<10240x128xf32, #tpu.memory_space<hbm>>) target(%arg10 : memref<128x128xf32, #tpu.memory_space<vmem>>) offsets(%dma_start3A_191 : memref<128xi32, #tpu.memory_space<vmem>>) semaphore(%arg17 : memref<!tpu.dma_semaphore, #tpu.memory_space<semaphore_mem>>)
      %dma_wait3A_195 = arith.constant 0 : i32
      %dma_wait3A_196 = arith.constant 0 : i32
      %dma_wait3A_197 = tpu.memref_slice %arg5[%dma_wait3A_195, %dma_wait3A_196] : memref<2x128xi32, #tpu.memory_space<vmem>> -> memref<1x128xi32, #tpu.memory_space<vmem>>
      %dma_wait3A_198 = tpu.memref_squeeze %dma_wait3A_197 : memref<1x128xi32, #tpu.memory_space<vmem>> -> memref<128xi32, #tpu.memory_space<vmem>>
      %dma_wait3A_199 = arith.constant 0 : i32
      %dma_wait3A_200 = arith.constant 0 : i32
      %dma_wait3A_201 = tpu.memref_slice %arg2[%dma_wait3A_199, %dma_wait3A_200] : memref<10240x128xf32, #tpu.memory_space<hbm>> -> memref<10240x128xf32, #tpu.memory_space<hbm>>
      tpu.wait_indirect_dma semaphore(%arg16 : memref<!tpu.dma_semaphore, #tpu.memory_space<semaphore_mem>>) src(%dma_wait3A_201 : memref<10240x128xf32, #tpu.memory_space<hbm>>) dst(%arg9 : memref<128x128xf32, #tpu.memory_space<vmem>>)
      %run_scoped3A_202 = arith.constant 1 : i32
      "tpu.region"() ({
        %run_scoped3A_308 = tpu.sem_alloc : memref<!tpu.dma_semaphore, #tpu.memory_space<semaphore_mem>>
        %dma_start3A_309 = arith.constant 0 : i32
        %dma_start3A_310 = tpu.memref_slice %arg5[%run_scoped3A_202, %dma_start3A_309] : memref<2x128xi32, #tpu.memory_space<vmem>> -> memref<1x128xi32, #tpu.memory_space<vmem>>
        %dma_start3A_311 = tpu.memref_squeeze %dma_start3A_310 : memref<1x128xi32, #tpu.memory_space<vmem>> -> memref<128xi32, #tpu.memory_space<vmem>>
        %dma_start3A_312 = arith.constant 0 : i32
        %dma_start3A_313 = arith.constant 0 : i32
        %dma_start3A_314 = tpu.memref_slice %arg11[%dma_start3A_312, %dma_start3A_313] : memref<10240x128xf32, #tpu.memory_space<vmem_shared>> -> memref<10240x128xf32, #tpu.memory_space<vmem_shared>>
        tpu.enqueue_indirect_dma source(%arg9 : memref<128x128xf32, #tpu.memory_space<vmem>>) target(%dma_start3A_314 : memref<10240x128xf32, #tpu.memory_space<vmem_shared>>) offsets(%dma_start3A_311 : memref<128xi32, #tpu.memory_space<vmem>>) semaphore(%run_scoped3A_308 : memref<!tpu.dma_semaphore, #tpu.memory_space<semaphore_mem>>) {add = true}
        %dma_wait3A_315 = arith.constant 0 : i32
        %dma_wait3A_316 = tpu.memref_slice %arg5[%run_scoped3A_202, %dma_wait3A_315] : memref<2x128xi32, #tpu.memory_space<vmem>> -> memref<1x128xi32, #tpu.memory_space<vmem>>
        %dma_wait3A_317 = tpu.memref_squeeze %dma_wait3A_316 : memref<1x128xi32, #tpu.memory_space<vmem>> -> memref<128xi32, #tpu.memory_space<vmem>>
        %dma_wait3A_318 = arith.constant 0 : i32
        %dma_wait3A_319 = arith.constant 0 : i32
        %dma_wait3A_320 = tpu.memref_slice %arg11[%dma_wait3A_318, %dma_wait3A_319] : memref<10240x128xf32, #tpu.memory_space<vmem_shared>> -> memref<10240x128xf32, #tpu.memory_space<vmem_shared>>
        tpu.wait_indirect_dma semaphore(%run_scoped3A_308 : memref<!tpu.dma_semaphore, #tpu.memory_space<semaphore_mem>>) src(%arg9 : memref<128x128xf32, #tpu.memory_space<vmem>>) dst(%dma_wait3A_320 : memref<10240x128xf32, #tpu.memory_space<vmem_shared>>)
        tpu.yield
      }) : () -> ()
      %add3A_203 = arith.constant 4 : i32
      %add3A_204 = arith.addi %mul3A_160, %add3A_203 : i32
      %add3A_205 = arith.addi %mul3A_2, %add3A_204 : i32
      %dma_start3A_206 = arith.constant 0 : i32
      %dma_start3A_207 = arith.constant 0 : i32
      %dma_start3A_208 = tpu.memref_slice %arg3[%add3A_205, %dma_start3A_206, %dma_start3A_207] : memref<2560x2x128xi32, #tpu.memory_space<hbm>> -> memref<1x2x128xi32, #tpu.memory_space<hbm>>
      %dma_start3A_209 = tpu.memref_squeeze %dma_start3A_208 : memref<1x2x128xi32, #tpu.memory_space<hbm>> -> memref<2x128xi32, #tpu.memory_space<hbm>>
      %dma_start3A_210 = arith.constant 0 : i32
      %dma_start3A_211 = arith.constant 0 : i32
      %dma_start3A_212 = tpu.memref_slice %arg3[%add3A_205, %dma_start3A_210, %dma_start3A_211] : memref<2560x2x128xi32, #tpu.memory_space<hbm>> -> memref<1x2x128xi32, #tpu.memory_space<hbm>>
      %dma_start3A_213 = tpu.memref_squeeze %dma_start3A_212 : memref<1x2x128xi32, #tpu.memory_space<hbm>> -> memref<2x128xi32, #tpu.memory_space<hbm>>
      tpu.enqueue_dma source(%dma_start3A_213 : memref<2x128xi32, #tpu.memory_space<hbm>>) target(%arg5 : memref<2x128xi32, #tpu.memory_space<vmem>>) target_semaphore(%arg12 : memref<!tpu.dma_semaphore, #tpu.memory_space<semaphore_mem>>)
      %add3A_214 = arith.constant 2 : i32
      %add3A_215 = arith.addi %mul3A_160, %add3A_214 : i32
      %add3A_216 = arith.addi %mul3A_2, %add3A_215 : i32
      %dma_wait3A_217 = arith.constant 0 : i32
      %dma_wait3A_218 = arith.constant 0 : i32
      %dma_wait3A_219 = tpu.memref_slice %arg3[%add3A_216, %dma_wait3A_217, %dma_wait3A_218] : memref<2560x2x128xi32, #tpu.memory_space<hbm>> -> memref<1x2x128xi32, #tpu.memory_space<hbm>>
      %dma_wait3A_220 = tpu.memref_squeeze %dma_wait3A_219 : memref<1x2x128xi32, #tpu.memory_space<hbm>> -> memref<2x128xi32, #tpu.memory_space<hbm>>
      %dma_wait3A_221 = arith.constant 0 : i32
      %dma_wait3A_222 = arith.constant 0 : i32
      %dma_wait3A_223 = tpu.memref_slice %arg3[%add3A_216, %dma_wait3A_221, %dma_wait3A_222] : memref<2560x2x128xi32, #tpu.memory_space<hbm>> -> memref<1x2x128xi32, #tpu.memory_space<hbm>>
      %dma_wait3A_224 = tpu.memref_squeeze %dma_wait3A_223 : memref<1x2x128xi32, #tpu.memory_space<hbm>> -> memref<2x128xi32, #tpu.memory_space<hbm>>
      tpu.wait_dma2 semaphore(%arg14 : memref<!tpu.dma_semaphore, #tpu.memory_space<semaphore_mem>>) src(%dma_wait3A_224 : memref<2x128xi32, #tpu.memory_space<hbm>>) dst(%arg7 : memref<2x128xi32, #tpu.memory_space<vmem>>)
      %dma_start3A_225 = arith.constant 0 : i32
      %dma_start3A_226 = arith.constant 0 : i32
      %dma_start3A_227 = tpu.memref_slice %arg7[%dma_start3A_225, %dma_start3A_226] : memref<2x128xi32, #tpu.memory_space<vmem>> -> memref<1x128xi32, #tpu.memory_space<vmem>>
      %dma_start3A_228 = tpu.memref_squeeze %dma_start3A_227 : memref<1x128xi32, #tpu.memory_space<vmem>> -> memref<128xi32, #tpu.memory_space<vmem>>
      %dma_start3A_229 = arith.constant 0 : i32
      %dma_start3A_230 = arith.constant 0 : i32
      %dma_start3A_231 = tpu.memref_slice %arg2[%dma_start3A_229, %dma_start3A_230] : memref<10240x128xf32, #tpu.memory_space<hbm>> -> memref<10240x128xf32, #tpu.memory_space<hbm>>
      tpu.enqueue_indirect_dma source(%dma_start3A_231 : memref<10240x128xf32, #tpu.memory_space<hbm>>) target(%arg9 : memref<128x128xf32, #tpu.memory_space<vmem>>) offsets(%dma_start3A_228 : memref<128xi32, #tpu.memory_space<vmem>>) semaphore(%arg16 : memref<!tpu.dma_semaphore, #tpu.memory_space<semaphore_mem>>)
      %dma_wait3A_232 = arith.constant 0 : i32
      %dma_wait3A_233 = arith.constant 0 : i32
      %dma_wait3A_234 = tpu.memref_slice %arg6[%dma_wait3A_232, %dma_wait3A_233] : memref<2x128xi32, #tpu.memory_space<vmem>> -> memref<1x128xi32, #tpu.memory_space<vmem>>
      %dma_wait3A_235 = tpu.memref_squeeze %dma_wait3A_234 : memref<1x128xi32, #tpu.memory_space<vmem>> -> memref<128xi32, #tpu.memory_space<vmem>>
      %dma_wait3A_236 = arith.constant 0 : i32
      %dma_wait3A_237 = arith.constant 0 : i32
      %dma_wait3A_238 = tpu.memref_slice %arg2[%dma_wait3A_236, %dma_wait3A_237] : memref<10240x128xf32, #tpu.memory_space<hbm>> -> memref<10240x128xf32, #tpu.memory_space<hbm>>
      tpu.wait_indirect_dma semaphore(%arg17 : memref<!tpu.dma_semaphore, #tpu.memory_space<semaphore_mem>>) src(%dma_wait3A_238 : memref<10240x128xf32, #tpu.memory_space<hbm>>) dst(%arg10 : memref<128x128xf32, #tpu.memory_space<vmem>>)
      %run_scoped3A_239 = arith.constant 1 : i32
      "tpu.region"() ({
        %run_scoped3A_308 = tpu.sem_alloc : memref<!tpu.dma_semaphore, #tpu.memory_space<semaphore_mem>>
        %dma_start3A_309 = arith.constant 0 : i32
        %dma_start3A_310 = tpu.memref_slice %arg6[%run_scoped3A_239, %dma_start3A_309] : memref<2x128xi32, #tpu.memory_space<vmem>> -> memref<1x128xi32, #tpu.memory_space<vmem>>
        %dma_start3A_311 = tpu.memref_squeeze %dma_start3A_310 : memref<1x128xi32, #tpu.memory_space<vmem>> -> memref<128xi32, #tpu.memory_space<vmem>>
        %dma_start3A_312 = arith.constant 0 : i32
        %dma_start3A_313 = arith.constant 0 : i32
        %dma_start3A_314 = tpu.memref_slice %arg11[%dma_start3A_312, %dma_start3A_313] : memref<10240x128xf32, #tpu.memory_space<vmem_shared>> -> memref<10240x128xf32, #tpu.memory_space<vmem_shared>>
        tpu.enqueue_indirect_dma source(%arg10 : memref<128x128xf32, #tpu.memory_space<vmem>>) target(%dma_start3A_314 : memref<10240x128xf32, #tpu.memory_space<vmem_shared>>) offsets(%dma_start3A_311 : memref<128xi32, #tpu.memory_space<vmem>>) semaphore(%run_scoped3A_308 : memref<!tpu.dma_semaphore, #tpu.memory_space<semaphore_mem>>) {add = true}
        %dma_wait3A_315 = arith.constant 0 : i32
        %dma_wait3A_316 = tpu.memref_slice %arg6[%run_scoped3A_239, %dma_wait3A_315] : memref<2x128xi32, #tpu.memory_space<vmem>> -> memref<1x128xi32, #tpu.memory_space<vmem>>
        %dma_wait3A_317 = tpu.memref_squeeze %dma_wait3A_316 : memref<1x128xi32, #tpu.memory_space<vmem>> -> memref<128xi32, #tpu.memory_space<vmem>>
        %dma_wait3A_318 = arith.constant 0 : i32
        %dma_wait3A_319 = arith.constant 0 : i32
        %dma_wait3A_320 = tpu.memref_slice %arg11[%dma_wait3A_318, %dma_wait3A_319] : memref<10240x128xf32, #tpu.memory_space<vmem_shared>> -> memref<10240x128xf32, #tpu.memory_space<vmem_shared>>
        tpu.wait_indirect_dma semaphore(%run_scoped3A_308 : memref<!tpu.dma_semaphore, #tpu.memory_space<semaphore_mem>>) src(%arg10 : memref<128x128xf32, #tpu.memory_space<vmem>>) dst(%dma_wait3A_320 : memref<10240x128xf32, #tpu.memory_space<vmem_shared>>)
        tpu.yield
      }) : () -> ()
      %add3A_240 = arith.constant 5 : i32
      %add3A_241 = arith.addi %mul3A_160, %add3A_240 : i32
      %add3A_242 = arith.addi %mul3A_2, %add3A_241 : i32
      %dma_start3A_243 = arith.constant 0 : i32
      %dma_start3A_244 = arith.constant 0 : i32
      %dma_start3A_245 = tpu.memref_slice %arg3[%add3A_242, %dma_start3A_243, %dma_start3A_244] : memref<2560x2x128xi32, #tpu.memory_space<hbm>> -> memref<1x2x128xi32, #tpu.memory_space<hbm>>
      %dma_start3A_246 = tpu.memref_squeeze %dma_start3A_245 : memref<1x2x128xi32, #tpu.memory_space<hbm>> -> memref<2x128xi32, #tpu.memory_space<hbm>>
      %dma_start3A_247 = arith.constant 0 : i32
      %dma_start3A_248 = arith.constant 0 : i32
      %dma_start3A_249 = tpu.memref_slice %arg3[%add3A_242, %dma_start3A_247, %dma_start3A_248] : memref<2560x2x128xi32, #tpu.memory_space<hbm>> -> memref<1x2x128xi32, #tpu.memory_space<hbm>>
      %dma_start3A_250 = tpu.memref_squeeze %dma_start3A_249 : memref<1x2x128xi32, #tpu.memory_space<hbm>> -> memref<2x128xi32, #tpu.memory_space<hbm>>
      tpu.enqueue_dma source(%dma_start3A_250 : memref<2x128xi32, #tpu.memory_space<hbm>>) target(%arg6 : memref<2x128xi32, #tpu.memory_space<vmem>>) target_semaphore(%arg13 : memref<!tpu.dma_semaphore, #tpu.memory_space<semaphore_mem>>)
      %add3A_251 = arith.constant 3 : i32
      %add3A_252 = arith.addi %mul3A_160, %add3A_251 : i32
      %add3A_253 = arith.addi %mul3A_2, %add3A_252 : i32
      %dma_wait3A_254 = arith.constant 0 : i32
      %dma_wait3A_255 = arith.constant 0 : i32
      %dma_wait3A_256 = tpu.memref_slice %arg3[%add3A_253, %dma_wait3A_254, %dma_wait3A_255] : memref<2560x2x128xi32, #tpu.memory_space<hbm>> -> memref<1x2x128xi32, #tpu.memory_space<hbm>>
      %dma_wait3A_257 = tpu.memref_squeeze %dma_wait3A_256 : memref<1x2x128xi32, #tpu.memory_space<hbm>> -> memref<2x128xi32, #tpu.memory_space<hbm>>
      %dma_wait3A_258 = arith.constant 0 : i32
      %dma_wait3A_259 = arith.constant 0 : i32
      %dma_wait3A_260 = tpu.memref_slice %arg3[%add3A_253, %dma_wait3A_258, %dma_wait3A_259] : memref<2560x2x128xi32, #tpu.memory_space<hbm>> -> memref<1x2x128xi32, #tpu.memory_space<hbm>>
      %dma_wait3A_261 = tpu.memref_squeeze %dma_wait3A_260 : memref<1x2x128xi32, #tpu.memory_space<hbm>> -> memref<2x128xi32, #tpu.memory_space<hbm>>
      tpu.wait_dma2 semaphore(%arg15 : memref<!tpu.dma_semaphore, #tpu.memory_space<semaphore_mem>>) src(%dma_wait3A_261 : memref<2x128xi32, #tpu.memory_space<hbm>>) dst(%arg8 : memref<2x128xi32, #tpu.memory_space<vmem>>)
      %dma_start3A_262 = arith.constant 0 : i32
      %dma_start3A_263 = arith.constant 0 : i32
      %dma_start3A_264 = tpu.memref_slice %arg8[%dma_start3A_262, %dma_start3A_263] : memref<2x128xi32, #tpu.memory_space<vmem>> -> memref<1x128xi32, #tpu.memory_space<vmem>>
      %dma_start3A_265 = tpu.memref_squeeze %dma_start3A_264 : memref<1x128xi32, #tpu.memory_space<vmem>> -> memref<128xi32, #tpu.memory_space<vmem>>
      %dma_start3A_266 = arith.constant 0 : i32
      %dma_start3A_267 = arith.constant 0 : i32
      %dma_start3A_268 = tpu.memref_slice %arg2[%dma_start3A_266, %dma_start3A_267] : memref<10240x128xf32, #tpu.memory_space<hbm>> -> memref<10240x128xf32, #tpu.memory_space<hbm>>
      tpu.enqueue_indirect_dma source(%dma_start3A_268 : memref<10240x128xf32, #tpu.memory_space<hbm>>) target(%arg10 : memref<128x128xf32, #tpu.memory_space<vmem>>) offsets(%dma_start3A_265 : memref<128xi32, #tpu.memory_space<vmem>>) semaphore(%arg17 : memref<!tpu.dma_semaphore, #tpu.memory_space<semaphore_mem>>)
      %dma_wait3A_269 = arith.constant 0 : i32
      %dma_wait3A_270 = arith.constant 0 : i32
      %dma_wait3A_271 = tpu.memref_slice %arg7[%dma_wait3A_269, %dma_wait3A_270] : memref<2x128xi32, #tpu.memory_space<vmem>> -> memref<1x128xi32, #tpu.memory_space<vmem>>
      %dma_wait3A_272 = tpu.memref_squeeze %dma_wait3A_271 : memref<1x128xi32, #tpu.memory_space<vmem>> -> memref<128xi32, #tpu.memory_space<vmem>>
      %dma_wait3A_273 = arith.constant 0 : i32
      %dma_wait3A_274 = arith.constant 0 : i32
      %dma_wait3A_275 = tpu.memref_slice %arg2[%dma_wait3A_273, %dma_wait3A_274] : memref<10240x128xf32, #tpu.memory_space<hbm>> -> memref<10240x128xf32, #tpu.memory_space<hbm>>
      tpu.wait_indirect_dma semaphore(%arg16 : memref<!tpu.dma_semaphore, #tpu.memory_space<semaphore_mem>>) src(%dma_wait3A_275 : memref<10240x128xf32, #tpu.memory_space<hbm>>) dst(%arg9 : memref<128x128xf32, #tpu.memory_space<vmem>>)
      %run_scoped3A_276 = arith.constant 1 : i32
      "tpu.region"() ({
        %run_scoped3A_308 = tpu.sem_alloc : memref<!tpu.dma_semaphore, #tpu.memory_space<semaphore_mem>>
        %dma_start3A_309 = arith.constant 0 : i32
        %dma_start3A_310 = tpu.memref_slice %arg7[%run_scoped3A_276, %dma_start3A_309] : memref<2x128xi32, #tpu.memory_space<vmem>> -> memref<1x128xi32, #tpu.memory_space<vmem>>
        %dma_start3A_311 = tpu.memref_squeeze %dma_start3A_310 : memref<1x128xi32, #tpu.memory_space<vmem>> -> memref<128xi32, #tpu.memory_space<vmem>>
        %dma_start3A_312 = arith.constant 0 : i32
        %dma_start3A_313 = arith.constant 0 : i32
        %dma_start3A_314 = tpu.memref_slice %arg11[%dma_start3A_312, %dma_start3A_313] : memref<10240x128xf32, #tpu.memory_space<vmem_shared>> -> memref<10240x128xf32, #tpu.memory_space<vmem_shared>>
        tpu.enqueue_indirect_dma source(%arg9 : memref<128x128xf32, #tpu.memory_space<vmem>>) target(%dma_start3A_314 : memref<10240x128xf32, #tpu.memory_space<vmem_shared>>) offsets(%dma_start3A_311 : memref<128xi32, #tpu.memory_space<vmem>>) semaphore(%run_scoped3A_308 : memref<!tpu.dma_semaphore, #tpu.memory_space<semaphore_mem>>) {add = true}
        %dma_wait3A_315 = arith.constant 0 : i32
        %dma_wait3A_316 = tpu.memref_slice %arg7[%run_scoped3A_276, %dma_wait3A_315] : memref<2x128xi32, #tpu.memory_space<vmem>> -> memref<1x128xi32, #tpu.memory_space<vmem>>
        %dma_wait3A_317 = tpu.memref_squeeze %dma_wait3A_316 : memref<1x128xi32, #tpu.memory_space<vmem>> -> memref<128xi32, #tpu.memory_space<vmem>>
        %dma_wait3A_318 = arith.constant 0 : i32
        %dma_wait3A_319 = arith.constant 0 : i32
        %dma_wait3A_320 = tpu.memref_slice %arg11[%dma_wait3A_318, %dma_wait3A_319] : memref<10240x128xf32, #tpu.memory_space<vmem_shared>> -> memref<10240x128xf32, #tpu.memory_space<vmem_shared>>
        tpu.wait_indirect_dma semaphore(%run_scoped3A_308 : memref<!tpu.dma_semaphore, #tpu.memory_space<semaphore_mem>>) src(%arg9 : memref<128x128xf32, #tpu.memory_space<vmem>>) dst(%dma_wait3A_320 : memref<10240x128xf32, #tpu.memory_space<vmem_shared>>)
        tpu.yield
      }) : () -> ()
      %add3A_277 = arith.constant 6 : i32
      %add3A_278 = arith.addi %mul3A_160, %add3A_277 : i32
      %add3A_279 = arith.addi %mul3A_2, %add3A_278 : i32
      %dma_start3A_280 = arith.constant 0 : i32
      %dma_start3A_281 = arith.constant 0 : i32
      %dma_start3A_282 = tpu.memref_slice %arg3[%add3A_279, %dma_start3A_280, %dma_start3A_281] : memref<2560x2x128xi32, #tpu.memory_space<hbm>> -> memref<1x2x128xi32, #tpu.memory_space<hbm>>
      %dma_start3A_283 = tpu.memref_squeeze %dma_start3A_282 : memref<1x2x128xi32, #tpu.memory_space<hbm>> -> memref<2x128xi32, #tpu.memory_space<hbm>>
      %dma_start3A_284 = arith.constant 0 : i32
      %dma_start3A_285 = arith.constant 0 : i32
      %dma_start3A_286 = tpu.memref_slice %arg3[%add3A_279, %dma_start3A_284, %dma_start3A_285] : memref<2560x2x128xi32, #tpu.memory_space<hbm>> -> memref<1x2x128xi32, #tpu.memory_space<hbm>>
      %dma_start3A_287 = tpu.memref_squeeze %dma_start3A_286 : memref<1x2x128xi32, #tpu.memory_space<hbm>> -> memref<2x128xi32, #tpu.memory_space<hbm>>
      tpu.enqueue_dma source(%dma_start3A_287 : memref<2x128xi32, #tpu.memory_space<hbm>>) target(%arg7 : memref<2x128xi32, #tpu.memory_space<vmem>>) target_semaphore(%arg14 : memref<!tpu.dma_semaphore, #tpu.memory_space<semaphore_mem>>)
      %dma_wait3A_288 = arith.constant 0 : i32
      %dma_wait3A_289 = arith.constant 0 : i32
      %dma_wait3A_290 = tpu.memref_slice %arg8[%dma_wait3A_288, %dma_wait3A_289] : memref<2x128xi32, #tpu.memory_space<vmem>> -> memref<1x128xi32, #tpu.memory_space<vmem>>
      %dma_wait3A_291 = tpu.memref_squeeze %dma_wait3A_290 : memref<1x128xi32, #tpu.memory_space<vmem>> -> memref<128xi32, #tpu.memory_space<vmem>>
      %dma_wait3A_292 = arith.constant 0 : i32
      %dma_wait3A_293 = arith.constant 0 : i32
      %dma_wait3A_294 = tpu.memref_slice %arg2[%dma_wait3A_292, %dma_wait3A_293] : memref<10240x128xf32, #tpu.memory_space<hbm>> -> memref<10240x128xf32, #tpu.memory_space<hbm>>
      tpu.wait_indirect_dma semaphore(%arg17 : memref<!tpu.dma_semaphore, #tpu.memory_space<semaphore_mem>>) src(%dma_wait3A_294 : memref<10240x128xf32, #tpu.memory_space<hbm>>) dst(%arg10 : memref<128x128xf32, #tpu.memory_space<vmem>>)
      %run_scoped3A_295 = arith.constant 1 : i32
      "tpu.region"() ({
        %run_scoped3A_308 = tpu.sem_alloc : memref<!tpu.dma_semaphore, #tpu.memory_space<semaphore_mem>>
        %dma_start3A_309 = arith.constant 0 : i32
        %dma_start3A_310 = tpu.memref_slice %arg8[%run_scoped3A_295, %dma_start3A_309] : memref<2x128xi32, #tpu.memory_space<vmem>> -> memref<1x128xi32, #tpu.memory_space<vmem>>
        %dma_start3A_311 = tpu.memref_squeeze %dma_start3A_310 : memref<1x128xi32, #tpu.memory_space<vmem>> -> memref<128xi32, #tpu.memory_space<vmem>>
        %dma_start3A_312 = arith.constant 0 : i32
        %dma_start3A_313 = arith.constant 0 : i32
        %dma_start3A_314 = tpu.memref_slice %arg11[%dma_start3A_312, %dma_start3A_313] : memref<10240x128xf32, #tpu.memory_space<vmem_shared>> -> memref<10240x128xf32, #tpu.memory_space<vmem_shared>>
        tpu.enqueue_indirect_dma source(%arg10 : memref<128x128xf32, #tpu.memory_space<vmem>>) target(%dma_start3A_314 : memref<10240x128xf32, #tpu.memory_space<vmem_shared>>) offsets(%dma_start3A_311 : memref<128xi32, #tpu.memory_space<vmem>>) semaphore(%run_scoped3A_308 : memref<!tpu.dma_semaphore, #tpu.memory_space<semaphore_mem>>) {add = true}
        %dma_wait3A_315 = arith.constant 0 : i32
        %dma_wait3A_316 = tpu.memref_slice %arg8[%run_scoped3A_295, %dma_wait3A_315] : memref<2x128xi32, #tpu.memory_space<vmem>> -> memref<1x128xi32, #tpu.memory_space<vmem>>
        %dma_wait3A_317 = tpu.memref_squeeze %dma_wait3A_316 : memref<1x128xi32, #tpu.memory_space<vmem>> -> memref<128xi32, #tpu.memory_space<vmem>>
        %dma_wait3A_318 = arith.constant 0 : i32
        %dma_wait3A_319 = arith.constant 0 : i32
        %dma_wait3A_320 = tpu.memref_slice %arg11[%dma_wait3A_318, %dma_wait3A_319] : memref<10240x128xf32, #tpu.memory_space<vmem_shared>> -> memref<10240x128xf32, #tpu.memory_space<vmem_shared>>
        tpu.wait_indirect_dma semaphore(%run_scoped3A_308 : memref<!tpu.dma_semaphore, #tpu.memory_space<semaphore_mem>>) src(%arg10 : memref<128x128xf32, #tpu.memory_space<vmem>>) dst(%dma_wait3A_320 : memref<10240x128xf32, #tpu.memory_space<vmem_shared>>)
        tpu.yield
      }) : () -> ()
      %add3A_296 = arith.constant 7 : i32
      %add3A_297 = arith.addi %mul3A_160, %add3A_296 : i32
      %add3A_298 = arith.addi %mul3A_2, %add3A_297 : i32
      %dma_start3A_299 = arith.constant 0 : i32
      %dma_start3A_300 = arith.constant 0 : i32
      %dma_start3A_301 = tpu.memref_slice %arg3[%add3A_298, %dma_start3A_299, %dma_start3A_300] : memref<2560x2x128xi32, #tpu.memory_space<hbm>> -> memref<1x2x128xi32, #tpu.memory_space<hbm>>
      %dma_start3A_302 = tpu.memref_squeeze %dma_start3A_301 : memref<1x2x128xi32, #tpu.memory_space<hbm>> -> memref<2x128xi32, #tpu.memory_space<hbm>>
      %dma_start3A_303 = arith.constant 0 : i32
      %dma_start3A_304 = arith.constant 0 : i32
      %dma_start3A_305 = tpu.memref_slice %arg3[%add3A_298, %dma_start3A_303, %dma_start3A_304] : memref<2560x2x128xi32, #tpu.memory_space<hbm>> -> memref<1x2x128xi32, #tpu.memory_space<hbm>>
      %dma_start3A_306 = tpu.memref_squeeze %dma_start3A_305 : memref<1x2x128xi32, #tpu.memory_space<hbm>> -> memref<2x128xi32, #tpu.memory_space<hbm>>
      tpu.enqueue_dma source(%dma_start3A_306 : memref<2x128xi32, #tpu.memory_space<hbm>>) target(%arg8 : memref<2x128xi32, #tpu.memory_space<vmem>>) target_semaphore(%arg15 : memref<!tpu.dma_semaphore, #tpu.memory_space<semaphore_mem>>)
      %scan3A_307 = arith.constant 0 : i32
      scf.yield %scan3A_307 : i32
    }
    %scan3A_53 = arith.constant 19 : i32
    %add3A_54 = arith.constant 76 : i32
    %add3A_55 = arith.addi %mul3A_2, %add3A_54 : i32
    %dma_wait3A = arith.constant 0 : i32
    %dma_wait3A_56 = arith.constant 0 : i32
    %dma_wait3A_57 = tpu.memref_slice %arg3[%add3A_55, %dma_wait3A, %dma_wait3A_56] : memref<2560x2x128xi32, #tpu.memory_space<hbm>> -> memref<1x2x128xi32, #tpu.memory_space<hbm>>
    %dma_wait3A_58 = tpu.memref_squeeze %dma_wait3A_57 : memref<1x2x128xi32, #tpu.memory_space<hbm>> -> memref<2x128xi32, #tpu.memory_space<hbm>>
    %dma_wait3A_59 = arith.constant 0 : i32
    %dma_wait3A_60 = arith.constant 0 : i32
    %dma_wait3A_61 = tpu.memref_slice %arg3[%add3A_55, %dma_wait3A_59, %dma_wait3A_60] : memref<2560x2x128xi32, #tpu.memory_space<hbm>> -> memref<1x2x128xi32, #tpu.memory_space<hbm>>
    %dma_wait3A_62 = tpu.memref_squeeze %dma_wait3A_61 : memref<1x2x128xi32, #tpu.memory_space<hbm>> -> memref<2x128xi32, #tpu.memory_space<hbm>>
    tpu.wait_dma2 semaphore(%arg12 : memref<!tpu.dma_semaphore, #tpu.memory_space<semaphore_mem>>) src(%dma_wait3A_62 : memref<2x128xi32, #tpu.memory_space<hbm>>) dst(%arg5 : memref<2x128xi32, #tpu.memory_space<vmem>>)
    %dma_start3A_63 = arith.constant 0 : i32
    %dma_start3A_64 = arith.constant 0 : i32
    %dma_start3A_65 = tpu.memref_slice %arg5[%dma_start3A_63, %dma_start3A_64] : memref<2x128xi32, #tpu.memory_space<vmem>> -> memref<1x128xi32, #tpu.memory_space<vmem>>
    %dma_start3A_66 = tpu.memref_squeeze %dma_start3A_65 : memref<1x128xi32, #tpu.memory_space<vmem>> -> memref<128xi32, #tpu.memory_space<vmem>>
    %dma_start3A_67 = arith.constant 0 : i32
    %dma_start3A_68 = arith.constant 0 : i32
    %dma_start3A_69 = tpu.memref_slice %arg2[%dma_start3A_67, %dma_start3A_68] : memref<10240x128xf32, #tpu.memory_space<hbm>> -> memref<10240x128xf32, #tpu.memory_space<hbm>>
    tpu.enqueue_indirect_dma source(%dma_start3A_69 : memref<10240x128xf32, #tpu.memory_space<hbm>>) target(%arg9 : memref<128x128xf32, #tpu.memory_space<vmem>>) offsets(%dma_start3A_66 : memref<128xi32, #tpu.memory_space<vmem>>) semaphore(%arg16 : memref<!tpu.dma_semaphore, #tpu.memory_space<semaphore_mem>>)
    %add3A_70 = arith.constant 77 : i32
    %add3A_71 = arith.addi %mul3A_2, %add3A_70 : i32
    %dma_wait3A_72 = arith.constant 0 : i32
    %dma_wait3A_73 = arith.constant 0 : i32
    %dma_wait3A_74 = tpu.memref_slice %arg3[%add3A_71, %dma_wait3A_72, %dma_wait3A_73] : memref<2560x2x128xi32, #tpu.memory_space<hbm>> -> memref<1x2x128xi32, #tpu.memory_space<hbm>>
    %dma_wait3A_75 = tpu.memref_squeeze %dma_wait3A_74 : memref<1x2x128xi32, #tpu.memory_space<hbm>> -> memref<2x128xi32, #tpu.memory_space<hbm>>
    %dma_wait3A_76 = arith.constant 0 : i32
    %dma_wait3A_77 = arith.constant 0 : i32
    %dma_wait3A_78 = tpu.memref_slice %arg3[%add3A_71, %dma_wait3A_76, %dma_wait3A_77] : memref<2560x2x128xi32, #tpu.memory_space<hbm>> -> memref<1x2x128xi32, #tpu.memory_space<hbm>>
    %dma_wait3A_79 = tpu.memref_squeeze %dma_wait3A_78 : memref<1x2x128xi32, #tpu.memory_space<hbm>> -> memref<2x128xi32, #tpu.memory_space<hbm>>
    tpu.wait_dma2 semaphore(%arg13 : memref<!tpu.dma_semaphore, #tpu.memory_space<semaphore_mem>>) src(%dma_wait3A_79 : memref<2x128xi32, #tpu.memory_space<hbm>>) dst(%arg6 : memref<2x128xi32, #tpu.memory_space<vmem>>)
    %dma_start3A_80 = arith.constant 0 : i32
    %dma_start3A_81 = arith.constant 0 : i32
    %dma_start3A_82 = tpu.memref_slice %arg6[%dma_start3A_80, %dma_start3A_81] : memref<2x128xi32, #tpu.memory_space<vmem>> -> memref<1x128xi32, #tpu.memory_space<vmem>>
    %dma_start3A_83 = tpu.memref_squeeze %dma_start3A_82 : memref<1x128xi32, #tpu.memory_space<vmem>> -> memref<128xi32, #tpu.memory_space<vmem>>
    %dma_start3A_84 = arith.constant 0 : i32
    %dma_start3A_85 = arith.constant 0 : i32
    %dma_start3A_86 = tpu.memref_slice %arg2[%dma_start3A_84, %dma_start3A_85] : memref<10240x128xf32, #tpu.memory_space<hbm>> -> memref<10240x128xf32, #tpu.memory_space<hbm>>
    tpu.enqueue_indirect_dma source(%dma_start3A_86 : memref<10240x128xf32, #tpu.memory_space<hbm>>) target(%arg10 : memref<128x128xf32, #tpu.memory_space<vmem>>) offsets(%dma_start3A_83 : memref<128xi32, #tpu.memory_space<vmem>>) semaphore(%arg17 : memref<!tpu.dma_semaphore, #tpu.memory_space<semaphore_mem>>)
    %dma_wait3A_87 = arith.constant 0 : i32
    %dma_wait3A_88 = arith.constant 0 : i32
    %dma_wait3A_89 = tpu.memref_slice %arg5[%dma_wait3A_87, %dma_wait3A_88] : memref<2x128xi32, #tpu.memory_space<vmem>> -> memref<1x128xi32, #tpu.memory_space<vmem>>
    %dma_wait3A_90 = tpu.memref_squeeze %dma_wait3A_89 : memref<1x128xi32, #tpu.memory_space<vmem>> -> memref<128xi32, #tpu.memory_space<vmem>>
    %dma_wait3A_91 = arith.constant 0 : i32
    %dma_wait3A_92 = arith.constant 0 : i32
    %dma_wait3A_93 = tpu.memref_slice %arg2[%dma_wait3A_91, %dma_wait3A_92] : memref<10240x128xf32, #tpu.memory_space<hbm>> -> memref<10240x128xf32, #tpu.memory_space<hbm>>
    tpu.wait_indirect_dma semaphore(%arg16 : memref<!tpu.dma_semaphore, #tpu.memory_space<semaphore_mem>>) src(%dma_wait3A_93 : memref<10240x128xf32, #tpu.memory_space<hbm>>) dst(%arg9 : memref<128x128xf32, #tpu.memory_space<vmem>>)
    %run_scoped3A = arith.constant 1 : i32
    "tpu.region"() ({
      %run_scoped3A_157 = tpu.sem_alloc : memref<!tpu.dma_semaphore, #tpu.memory_space<semaphore_mem>>
      %dma_start3A_158 = arith.constant 0 : i32
      %dma_start3A_159 = tpu.memref_slice %arg5[%run_scoped3A, %dma_start3A_158] : memref<2x128xi32, #tpu.memory_space<vmem>> -> memref<1x128xi32, #tpu.memory_space<vmem>>
      %dma_start3A_160 = tpu.memref_squeeze %dma_start3A_159 : memref<1x128xi32, #tpu.memory_space<vmem>> -> memref<128xi32, #tpu.memory_space<vmem>>
      %dma_start3A_161 = arith.constant 0 : i32
      %dma_start3A_162 = arith.constant 0 : i32
      %dma_start3A_163 = tpu.memref_slice %arg11[%dma_start3A_161, %dma_start3A_162] : memref<10240x128xf32, #tpu.memory_space<vmem_shared>> -> memref<10240x128xf32, #tpu.memory_space<vmem_shared>>
      tpu.enqueue_indirect_dma source(%arg9 : memref<128x128xf32, #tpu.memory_space<vmem>>) target(%dma_start3A_163 : memref<10240x128xf32, #tpu.memory_space<vmem_shared>>) offsets(%dma_start3A_160 : memref<128xi32, #tpu.memory_space<vmem>>) semaphore(%run_scoped3A_157 : memref<!tpu.dma_semaphore, #tpu.memory_space<semaphore_mem>>) {add = true}
      %dma_wait3A_164 = arith.constant 0 : i32
      %dma_wait3A_165 = tpu.memref_slice %arg5[%run_scoped3A, %dma_wait3A_164] : memref<2x128xi32, #tpu.memory_space<vmem>> -> memref<1x128xi32, #tpu.memory_space<vmem>>
      %dma_wait3A_166 = tpu.memref_squeeze %dma_wait3A_165 : memref<1x128xi32, #tpu.memory_space<vmem>> -> memref<128xi32, #tpu.memory_space<vmem>>
      %dma_wait3A_167 = arith.constant 0 : i32
      %dma_wait3A_168 = arith.constant 0 : i32
      %dma_wait3A_169 = tpu.memref_slice %arg11[%dma_wait3A_167, %dma_wait3A_168] : memref<10240x128xf32, #tpu.memory_space<vmem_shared>> -> memref<10240x128xf32, #tpu.memory_space<vmem_shared>>
      tpu.wait_indirect_dma semaphore(%run_scoped3A_157 : memref<!tpu.dma_semaphore, #tpu.memory_space<semaphore_mem>>) src(%arg9 : memref<128x128xf32, #tpu.memory_space<vmem>>) dst(%dma_wait3A_169 : memref<10240x128xf32, #tpu.memory_space<vmem_shared>>)
      tpu.yield
    }) : () -> ()
    %add3A_94 = arith.constant 78 : i32
    %add3A_95 = arith.addi %mul3A_2, %add3A_94 : i32
    %dma_wait3A_96 = arith.constant 0 : i32
    %dma_wait3A_97 = arith.constant 0 : i32
    %dma_wait3A_98 = tpu.memref_slice %arg3[%add3A_95, %dma_wait3A_96, %dma_wait3A_97] : memref<2560x2x128xi32, #tpu.memory_space<hbm>> -> memref<1x2x128xi32, #tpu.memory_space<hbm>>
    %dma_wait3A_99 = tpu.memref_squeeze %dma_wait3A_98 : memref<1x2x128xi32, #tpu.memory_space<hbm>> -> memref<2x128xi32, #tpu.memory_space<hbm>>
    %dma_wait3A_100 = arith.constant 0 : i32
    %dma_wait3A_101 = arith.constant 0 : i32
    %dma_wait3A_102 = tpu.memref_slice %arg3[%add3A_95, %dma_wait3A_100, %dma_wait3A_101] : memref<2560x2x128xi32, #tpu.memory_space<hbm>> -> memref<1x2x128xi32, #tpu.memory_space<hbm>>
    %dma_wait3A_103 = tpu.memref_squeeze %dma_wait3A_102 : memref<1x2x128xi32, #tpu.memory_space<hbm>> -> memref<2x128xi32, #tpu.memory_space<hbm>>
    tpu.wait_dma2 semaphore(%arg14 : memref<!tpu.dma_semaphore, #tpu.memory_space<semaphore_mem>>) src(%dma_wait3A_103 : memref<2x128xi32, #tpu.memory_space<hbm>>) dst(%arg7 : memref<2x128xi32, #tpu.memory_space<vmem>>)
    %dma_start3A_104 = arith.constant 0 : i32
    %dma_start3A_105 = arith.constant 0 : i32
    %dma_start3A_106 = tpu.memref_slice %arg7[%dma_start3A_104, %dma_start3A_105] : memref<2x128xi32, #tpu.memory_space<vmem>> -> memref<1x128xi32, #tpu.memory_space<vmem>>
    %dma_start3A_107 = tpu.memref_squeeze %dma_start3A_106 : memref<1x128xi32, #tpu.memory_space<vmem>> -> memref<128xi32, #tpu.memory_space<vmem>>
    %dma_start3A_108 = arith.constant 0 : i32
    %dma_start3A_109 = arith.constant 0 : i32
    %dma_start3A_110 = tpu.memref_slice %arg2[%dma_start3A_108, %dma_start3A_109] : memref<10240x128xf32, #tpu.memory_space<hbm>> -> memref<10240x128xf32, #tpu.memory_space<hbm>>
    tpu.enqueue_indirect_dma source(%dma_start3A_110 : memref<10240x128xf32, #tpu.memory_space<hbm>>) target(%arg9 : memref<128x128xf32, #tpu.memory_space<vmem>>) offsets(%dma_start3A_107 : memref<128xi32, #tpu.memory_space<vmem>>) semaphore(%arg16 : memref<!tpu.dma_semaphore, #tpu.memory_space<semaphore_mem>>)
    %dma_wait3A_111 = arith.constant 0 : i32
    %dma_wait3A_112 = arith.constant 0 : i32
    %dma_wait3A_113 = tpu.memref_slice %arg6[%dma_wait3A_111, %dma_wait3A_112] : memref<2x128xi32, #tpu.memory_space<vmem>> -> memref<1x128xi32, #tpu.memory_space<vmem>>
    %dma_wait3A_114 = tpu.memref_squeeze %dma_wait3A_113 : memref<1x128xi32, #tpu.memory_space<vmem>> -> memref<128xi32, #tpu.memory_space<vmem>>
    %dma_wait3A_115 = arith.constant 0 : i32
    %dma_wait3A_116 = arith.constant 0 : i32
    %dma_wait3A_117 = tpu.memref_slice %arg2[%dma_wait3A_115, %dma_wait3A_116] : memref<10240x128xf32, #tpu.memory_space<hbm>> -> memref<10240x128xf32, #tpu.memory_space<hbm>>
    tpu.wait_indirect_dma semaphore(%arg17 : memref<!tpu.dma_semaphore, #tpu.memory_space<semaphore_mem>>) src(%dma_wait3A_117 : memref<10240x128xf32, #tpu.memory_space<hbm>>) dst(%arg10 : memref<128x128xf32, #tpu.memory_space<vmem>>)
    %run_scoped3A_118 = arith.constant 1 : i32
    "tpu.region"() ({
      %run_scoped3A_157 = tpu.sem_alloc : memref<!tpu.dma_semaphore, #tpu.memory_space<semaphore_mem>>
      %dma_start3A_158 = arith.constant 0 : i32
      %dma_start3A_159 = tpu.memref_slice %arg6[%run_scoped3A_118, %dma_start3A_158] : memref<2x128xi32, #tpu.memory_space<vmem>> -> memref<1x128xi32, #tpu.memory_space<vmem>>
      %dma_start3A_160 = tpu.memref_squeeze %dma_start3A_159 : memref<1x128xi32, #tpu.memory_space<vmem>> -> memref<128xi32, #tpu.memory_space<vmem>>
      %dma_start3A_161 = arith.constant 0 : i32
      %dma_start3A_162 = arith.constant 0 : i32
      %dma_start3A_163 = tpu.memref_slice %arg11[%dma_start3A_161, %dma_start3A_162] : memref<10240x128xf32, #tpu.memory_space<vmem_shared>> -> memref<10240x128xf32, #tpu.memory_space<vmem_shared>>
      tpu.enqueue_indirect_dma source(%arg10 : memref<128x128xf32, #tpu.memory_space<vmem>>) target(%dma_start3A_163 : memref<10240x128xf32, #tpu.memory_space<vmem_shared>>) offsets(%dma_start3A_160 : memref<128xi32, #tpu.memory_space<vmem>>) semaphore(%run_scoped3A_157 : memref<!tpu.dma_semaphore, #tpu.memory_space<semaphore_mem>>) {add = true}
      %dma_wait3A_164 = arith.constant 0 : i32
      %dma_wait3A_165 = tpu.memref_slice %arg6[%run_scoped3A_118, %dma_wait3A_164] : memref<2x128xi32, #tpu.memory_space<vmem>> -> memref<1x128xi32, #tpu.memory_space<vmem>>
      %dma_wait3A_166 = tpu.memref_squeeze %dma_wait3A_165 : memref<1x128xi32, #tpu.memory_space<vmem>> -> memref<128xi32, #tpu.memory_space<vmem>>
      %dma_wait3A_167 = arith.constant 0 : i32
      %dma_wait3A_168 = arith.constant 0 : i32
      %dma_wait3A_169 = tpu.memref_slice %arg11[%dma_wait3A_167, %dma_wait3A_168] : memref<10240x128xf32, #tpu.memory_space<vmem_shared>> -> memref<10240x128xf32, #tpu.memory_space<vmem_shared>>
      tpu.wait_indirect_dma semaphore(%run_scoped3A_157 : memref<!tpu.dma_semaphore, #tpu.memory_space<semaphore_mem>>) src(%arg10 : memref<128x128xf32, #tpu.memory_space<vmem>>) dst(%dma_wait3A_169 : memref<10240x128xf32, #tpu.memory_space<vmem_shared>>)
      tpu.yield
    }) : () -> ()
    %add3A_119 = arith.constant 79 : i32
    %add3A_120 = arith.addi %mul3A_2, %add3A_119 : i32
    %dma_wait3A_121 = arith.constant 0 : i32
    %dma_wait3A_122 = arith.constant 0 : i32
    %dma_wait3A_123 = tpu.memref_slice %arg3[%add3A_120, %dma_wait3A_121, %dma_wait3A_122] : memref<2560x2x128xi32, #tpu.memory_space<hbm>> -> memref<1x2x128xi32, #tpu.memory_space<hbm>>
    %dma_wait3A_124 = tpu.memref_squeeze %dma_wait3A_123 : memref<1x2x128xi32, #tpu.memory_space<hbm>> -> memref<2x128xi32, #tpu.memory_space<hbm>>
    %dma_wait3A_125 = arith.constant 0 : i32
    %dma_wait3A_126 = arith.constant 0 : i32
    %dma_wait3A_127 = tpu.memref_slice %arg3[%add3A_120, %dma_wait3A_125, %dma_wait3A_126] : memref<2560x2x128xi32, #tpu.memory_space<hbm>> -> memref<1x2x128xi32, #tpu.memory_space<hbm>>
    %dma_wait3A_128 = tpu.memref_squeeze %dma_wait3A_127 : memref<1x2x128xi32, #tpu.memory_space<hbm>> -> memref<2x128xi32, #tpu.memory_space<hbm>>
    tpu.wait_dma2 semaphore(%arg15 : memref<!tpu.dma_semaphore, #tpu.memory_space<semaphore_mem>>) src(%dma_wait3A_128 : memref<2x128xi32, #tpu.memory_space<hbm>>) dst(%arg8 : memref<2x128xi32, #tpu.memory_space<vmem>>)
    %dma_start3A_129 = arith.constant 0 : i32
    %dma_start3A_130 = arith.constant 0 : i32
    %dma_start3A_131 = tpu.memref_slice %arg8[%dma_start3A_129, %dma_start3A_130] : memref<2x128xi32, #tpu.memory_space<vmem>> -> memref<1x128xi32, #tpu.memory_space<vmem>>
    %dma_start3A_132 = tpu.memref_squeeze %dma_start3A_131 : memref<1x128xi32, #tpu.memory_space<vmem>> -> memref<128xi32, #tpu.memory_space<vmem>>
    %dma_start3A_133 = arith.constant 0 : i32
    %dma_start3A_134 = arith.constant 0 : i32
    %dma_start3A_135 = tpu.memref_slice %arg2[%dma_start3A_133, %dma_start3A_134] : memref<10240x128xf32, #tpu.memory_space<hbm>> -> memref<10240x128xf32, #tpu.memory_space<hbm>>
    tpu.enqueue_indirect_dma source(%dma_start3A_135 : memref<10240x128xf32, #tpu.memory_space<hbm>>) target(%arg10 : memref<128x128xf32, #tpu.memory_space<vmem>>) offsets(%dma_start3A_132 : memref<128xi32, #tpu.memory_space<vmem>>) semaphore(%arg17 : memref<!tpu.dma_semaphore, #tpu.memory_space<semaphore_mem>>)
    %dma_wait3A_136 = arith.constant 0 : i32
    %dma_wait3A_137 = arith.constant 0 : i32
    %dma_wait3A_138 = tpu.memref_slice %arg7[%dma_wait3A_136, %dma_wait3A_137] : memref<2x128xi32, #tpu.memory_space<vmem>> -> memref<1x128xi32, #tpu.memory_space<vmem>>
    %dma_wait3A_139 = tpu.memref_squeeze %dma_wait3A_138 : memref<1x128xi32, #tpu.memory_space<vmem>> -> memref<128xi32, #tpu.memory_space<vmem>>
    %dma_wait3A_140 = arith.constant 0 : i32
    %dma_wait3A_141 = arith.constant 0 : i32
    %dma_wait3A_142 = tpu.memref_slice %arg2[%dma_wait3A_140, %dma_wait3A_141] : memref<10240x128xf32, #tpu.memory_space<hbm>> -> memref<10240x128xf32, #tpu.memory_space<hbm>>
    tpu.wait_indirect_dma semaphore(%arg16 : memref<!tpu.dma_semaphore, #tpu.memory_space<semaphore_mem>>) src(%dma_wait3A_142 : memref<10240x128xf32, #tpu.memory_space<hbm>>) dst(%arg9 : memref<128x128xf32, #tpu.memory_space<vmem>>)
    %run_scoped3A_143 = arith.constant 1 : i32
    "tpu.region"() ({
      %run_scoped3A_157 = tpu.sem_alloc : memref<!tpu.dma_semaphore, #tpu.memory_space<semaphore_mem>>
      %dma_start3A_158 = arith.constant 0 : i32
      %dma_start3A_159 = tpu.memref_slice %arg7[%run_scoped3A_143, %dma_start3A_158] : memref<2x128xi32, #tpu.memory_space<vmem>> -> memref<1x128xi32, #tpu.memory_space<vmem>>
      %dma_start3A_160 = tpu.memref_squeeze %dma_start3A_159 : memref<1x128xi32, #tpu.memory_space<vmem>> -> memref<128xi32, #tpu.memory_space<vmem>>
      %dma_start3A_161 = arith.constant 0 : i32
      %dma_start3A_162 = arith.constant 0 : i32
      %dma_start3A_163 = tpu.memref_slice %arg11[%dma_start3A_161, %dma_start3A_162] : memref<10240x128xf32, #tpu.memory_space<vmem_shared>> -> memref<10240x128xf32, #tpu.memory_space<vmem_shared>>
      tpu.enqueue_indirect_dma source(%arg9 : memref<128x128xf32, #tpu.memory_space<vmem>>) target(%dma_start3A_163 : memref<10240x128xf32, #tpu.memory_space<vmem_shared>>) offsets(%dma_start3A_160 : memref<128xi32, #tpu.memory_space<vmem>>) semaphore(%run_scoped3A_157 : memref<!tpu.dma_semaphore, #tpu.memory_space<semaphore_mem>>) {add = true}
      %dma_wait3A_164 = arith.constant 0 : i32
      %dma_wait3A_165 = tpu.memref_slice %arg7[%run_scoped3A_143, %dma_wait3A_164] : memref<2x128xi32, #tpu.memory_space<vmem>> -> memref<1x128xi32, #tpu.memory_space<vmem>>
      %dma_wait3A_166 = tpu.memref_squeeze %dma_wait3A_165 : memref<1x128xi32, #tpu.memory_space<vmem>> -> memref<128xi32, #tpu.memory_space<vmem>>
      %dma_wait3A_167 = arith.constant 0 : i32
      %dma_wait3A_168 = arith.constant 0 : i32
      %dma_wait3A_169 = tpu.memref_slice %arg11[%dma_wait3A_167, %dma_wait3A_168] : memref<10240x128xf32, #tpu.memory_space<vmem_shared>> -> memref<10240x128xf32, #tpu.memory_space<vmem_shared>>
      tpu.wait_indirect_dma semaphore(%run_scoped3A_157 : memref<!tpu.dma_semaphore, #tpu.memory_space<semaphore_mem>>) src(%arg9 : memref<128x128xf32, #tpu.memory_space<vmem>>) dst(%dma_wait3A_169 : memref<10240x128xf32, #tpu.memory_space<vmem_shared>>)
      tpu.yield
    }) : () -> ()
    %dma_wait3A_144 = arith.constant 0 : i32
    %dma_wait3A_145 = arith.constant 0 : i32
    %dma_wait3A_146 = tpu.memref_slice %arg8[%dma_wait3A_144, %dma_wait3A_145] : memref<2x128xi32, #tpu.memory_space<vmem>> -> memref<1x128xi32, #tpu.memory_space<vmem>>
    %dma_wait3A_147 = tpu.memref_squeeze %dma_wait3A_146 : memref<1x128xi32, #tpu.memory_space<vmem>> -> memref<128xi32, #tpu.memory_space<vmem>>
    %dma_wait3A_148 = arith.constant 0 : i32
    %dma_wait3A_149 = arith.constant 0 : i32
    %dma_wait3A_150 = tpu.memref_slice %arg2[%dma_wait3A_148, %dma_wait3A_149] : memref<10240x128xf32, #tpu.memory_space<hbm>> -> memref<10240x128xf32, #tpu.memory_space<hbm>>
    tpu.wait_indirect_dma semaphore(%arg17 : memref<!tpu.dma_semaphore, #tpu.memory_space<semaphore_mem>>) src(%dma_wait3A_150 : memref<10240x128xf32, #tpu.memory_space<hbm>>) dst(%arg10 : memref<128x128xf32, #tpu.memory_space<vmem>>)
    %run_scoped3A_151 = arith.constant 1 : i32
    "tpu.region"() ({
      %run_scoped3A_157 = tpu.sem_alloc : memref<!tpu.dma_semaphore, #tpu.memory_space<semaphore_mem>>
      %dma_start3A_158 = arith.constant 0 : i32
      %dma_start3A_159 = tpu.memref_slice %arg8[%run_scoped3A_151, %dma_start3A_158] : memref<2x128xi32, #tpu.memory_space<vmem>> -> memref<1x128xi32, #tpu.memory_space<vmem>>
      %dma_start3A_160 = tpu.memref_squeeze %dma_start3A_159 : memref<1x128xi32, #tpu.memory_space<vmem>> -> memref<128xi32, #tpu.memory_space<vmem>>
      %dma_start3A_161 = arith.constant 0 : i32
      %dma_start3A_162 = arith.constant 0 : i32
      %dma_start3A_163 = tpu.memref_slice %arg11[%dma_start3A_161, %dma_start3A_162] : memref<10240x128xf32, #tpu.memory_space<vmem_shared>> -> memref<10240x128xf32, #tpu.memory_space<vmem_shared>>
      tpu.enqueue_indirect_dma source(%arg10 : memref<128x128xf32, #tpu.memory_space<vmem>>) target(%dma_start3A_163 : memref<10240x128xf32, #tpu.memory_space<vmem_shared>>) offsets(%dma_start3A_160 : memref<128xi32, #tpu.memory_space<vmem>>) semaphore(%run_scoped3A_157 : memref<!tpu.dma_semaphore, #tpu.memory_space<semaphore_mem>>) {add = true}
      %dma_wait3A_164 = arith.constant 0 : i32
      %dma_wait3A_165 = tpu.memref_slice %arg8[%run_scoped3A_151, %dma_wait3A_164] : memref<2x128xi32, #tpu.memory_space<vmem>> -> memref<1x128xi32, #tpu.memory_space<vmem>>
      %dma_wait3A_166 = tpu.memref_squeeze %dma_wait3A_165 : memref<1x128xi32, #tpu.memory_space<vmem>> -> memref<128xi32, #tpu.memory_space<vmem>>
      %dma_wait3A_167 = arith.constant 0 : i32
      %dma_wait3A_168 = arith.constant 0 : i32
      %dma_wait3A_169 = tpu.memref_slice %arg11[%dma_wait3A_167, %dma_wait3A_168] : memref<10240x128xf32, #tpu.memory_space<vmem_shared>> -> memref<10240x128xf32, #tpu.memory_space<vmem_shared>>
      tpu.wait_indirect_dma semaphore(%run_scoped3A_157 : memref<!tpu.dma_semaphore, #tpu.memory_space<semaphore_mem>>) src(%arg10 : memref<128x128xf32, #tpu.memory_space<vmem>>) dst(%dma_wait3A_169 : memref<10240x128xf32, #tpu.memory_space<vmem_shared>>)
      tpu.yield
    }) : () -> ()
    %barrier3A_152 = arith.constant 0 : index
    tpu.barrier barrier_id(%barrier3A_152)
    %mul3A_153 = arith.constant 640 : i32
    %mul3A_154 = arith.muli %arg1, %mul3A_153 : i32
    %mul3A_155 = arith.constant 640 : i32
    %mul3A_156 = arith.muli %arg1, %mul3A_155 : i32
    "tpu.region"() ({
      %run_scoped3A_157 = tpu.sem_alloc : memref<!tpu.dma_semaphore, #tpu.memory_space<semaphore_mem>>
      %dma_start3A_158 = arith.constant 0 : i32
      %dma_start3A_159 = tpu.memref_slice %arg4[%arg0, %mul3A_156, %dma_start3A_158] : memref<2x10240x128xf32, #tpu.memory_space<hbm>> -> memref<1x640x128xf32, #tpu.memory_space<hbm>>
      %dma_start3A_160 = tpu.memref_squeeze %dma_start3A_159 : memref<1x640x128xf32, #tpu.memory_space<hbm>> -> memref<640x128xf32, #tpu.memory_space<hbm>>
      %dma_start3A_161 = arith.constant 0 : i32
      %dma_start3A_162 = tpu.memref_slice %arg11[%mul3A_154, %dma_start3A_161] : memref<10240x128xf32, #tpu.memory_space<vmem_shared>> -> memref<640x128xf32, #tpu.memory_space<vmem_shared>>
      tpu.enqueue_dma source(%dma_start3A_162 : memref<640x128xf32, #tpu.memory_space<vmem_shared>>) target(%dma_start3A_160 : memref<640x128xf32, #tpu.memory_space<hbm>>) target_semaphore(%run_scoped3A_157 : memref<!tpu.dma_semaphore, #tpu.memory_space<semaphore_mem>>)
      %dma_wait3A_163 = arith.constant 0 : i32
      %dma_wait3A_164 = tpu.memref_slice %arg4[%arg0, %mul3A_156, %dma_wait3A_163] : memref<2x10240x128xf32, #tpu.memory_space<hbm>> -> memref<1x640x128xf32, #tpu.memory_space<hbm>>
      %dma_wait3A_165 = tpu.memref_squeeze %dma_wait3A_164 : memref<1x640x128xf32, #tpu.memory_space<hbm>> -> memref<640x128xf32, #tpu.memory_space<hbm>>
      %dma_wait3A_166 = arith.constant 0 : i32
      %dma_wait3A_167 = tpu.memref_slice %arg11[%mul3A_154, %dma_wait3A_166] : memref<10240x128xf32, #tpu.memory_space<vmem_shared>> -> memref<640x128xf32, #tpu.memory_space<vmem_shared>>
      tpu.wait_dma2 semaphore(%run_scoped3A_157 : memref<!tpu.dma_semaphore, #tpu.memory_space<semaphore_mem>>) src(%dma_wait3A_167 : memref<640x128xf32, #tpu.memory_space<vmem_shared>>) dst(%dma_wait3A_165 : memref<640x128xf32, #tpu.memory_space<hbm>>)
      tpu.yield
    }) : () -> ()
    return
  }
}

#map = affine_map<(d0, d1) -> (0)>
#map1 = affine_map<(d0, d1) -> (0, 0)>
module attributes {stable_mosaic.version = 14 : i64} {
  func.func @deg_kernel(%arg0: i32, %arg1: i32, %arg2: memref<327680xi32, #tpu.memory_space<hbm>>, %arg3: memref<2x10240xf32, #tpu.memory_space<hbm>>, %arg4: memref<10240xi32, #tpu.memory_space<vmem>>, %arg5: memref<128xf32, #tpu.memory_space<vmem>>, %arg6: memref<640xf32, #tpu.memory_space<vmem>>, %arg7: memref<10240xf32, #tpu.memory_space<vmem_shared>>) attributes {dimension_semantics = [#tpu.dimension_semantics<core_parallel>, #tpu.dimension_semantics<subcore_parallel>], iteration_bounds = array<i64: 2, 16>, scalar_prefetch = 0 : i64, scratch_operands = 4 : i64, tpu.core_type = #tpu.core_type<sc_vector_subcore>, window_params = [{transform_indices = #map}, {transform_indices = #map1}]} {
    %mul3A = arith.constant 16 : i32
    %mul3A_0 = arith.muli %arg0, %mul3A : i32
    %add3A = arith.addi %mul3A_0, %arg1 : i32
    %mul3A_1 = arith.constant 10240 : i32
    %mul3A_2 = arith.muli %add3A, %mul3A_1 : i32
    %multiple_of3A = tpu.assume_multiple %mul3A_2, 8 : i32
    "tpu.region"() ({
      %run_scoped3A = tpu.sem_alloc : memref<!tpu.dma_semaphore, #tpu.memory_space<semaphore_mem>>
      %dma_start3A = tpu.memref_slice %arg2[%multiple_of3A] : memref<327680xi32, #tpu.memory_space<hbm>> -> memref<10240xi32, #tpu.memory_space<hbm>>
      %dma_start3A_33 = tpu.memref_slice %arg2[%multiple_of3A] : memref<327680xi32, #tpu.memory_space<hbm>> -> memref<10240xi32, #tpu.memory_space<hbm>>
      tpu.enqueue_dma source(%dma_start3A_33 : memref<10240xi32, #tpu.memory_space<hbm>>) target(%arg4 : memref<10240xi32, #tpu.memory_space<vmem>>) target_semaphore(%run_scoped3A : memref<!tpu.dma_semaphore, #tpu.memory_space<semaphore_mem>>)
      %dma_wait3A = tpu.memref_slice %arg2[%multiple_of3A] : memref<327680xi32, #tpu.memory_space<hbm>> -> memref<10240xi32, #tpu.memory_space<hbm>>
      %dma_wait3A_34 = tpu.memref_slice %arg2[%multiple_of3A] : memref<327680xi32, #tpu.memory_space<hbm>> -> memref<10240xi32, #tpu.memory_space<hbm>>
      tpu.wait_dma2 semaphore(%run_scoped3A : memref<!tpu.dma_semaphore, #tpu.memory_space<semaphore_mem>>) src(%dma_wait3A_34 : memref<10240xi32, #tpu.memory_space<hbm>>) dst(%arg4 : memref<10240xi32, #tpu.memory_space<vmem>>)
      tpu.yield
    }) : () -> ()
    %broadcast_in_dim3A = arith.constant 1.000000e+00 : f32
    %broadcast_in_dim3A_3 = vector.broadcast %broadcast_in_dim3A : f32 to vector<16xf32>
    %scan3A = arith.constant 0 : i32
    %scan3A_4 = arith.constant 0 : i32
    %scan3A_5 = arith.constant 8 : i32
    %scan3A_6 = arith.addi %scan3A_4, %scan3A_5 : i32
    %scan3A_7 = arith.constant 1 : i32
    %scan3A_8 = scf.for %scan3A_33 = %scan3A_4 to %scan3A_6 step %scan3A_7 iter_args(%scan3A_34 = %scan3A) -> (i32)  : i32 {
      %mul3A_35 = arith.constant 16 : i32
      %mul3A_36 = arith.muli %scan3A_33, %mul3A_35 : i32
      %swap3A = arith.index_cast %mul3A_36 : i32 to index
      %swap3A_37 = tpu.vector_load %arg5[%swap3A] {strides = array<i32>} : memref<128xf32, #tpu.memory_space<vmem>>, vector<16xf32>,
      %swap3A_38 = vector.shape_cast %swap3A_37 : vector<16xf32> to vector<16xf32>
      %swap3A_39 = vector.shape_cast %broadcast_in_dim3A_3 : vector<16xf32> to vector<16xf32>
      tpu.vector_store %arg5[%swap3A], %swap3A_39 {strides = array<i32>} : memref<128xf32, #tpu.memory_space<vmem>>, vector<16xf32>,
      %scan3A_40 = arith.constant 0 : i32
      scf.yield %scan3A_40 : i32
    }
    %scan3A_9 = arith.constant 8 : i32
    %broadcast_in_dim3A_10 = arith.constant 0.000000e+00 : f32
    %broadcast_in_dim3A_11 = vector.broadcast %broadcast_in_dim3A_10 : f32 to vector<16xf32>
    %scan3A_12 = arith.constant 0 : i32
    %scan3A_13 = arith.constant 0 : i32
    %scan3A_14 = arith.constant 40 : i32
    %scan3A_15 = arith.addi %scan3A_13, %scan3A_14 : i32
    %scan3A_16 = arith.constant 1 : i32
    %scan3A_17 = scf.for %scan3A_33 = %scan3A_13 to %scan3A_15 step %scan3A_16 iter_args(%scan3A_34 = %scan3A_12) -> (i32)  : i32 {
      %mul3A_35 = arith.constant 16 : i32
      %mul3A_36 = arith.muli %scan3A_33, %mul3A_35 : i32
      %swap3A = arith.index_cast %mul3A_36 : i32 to index
      %swap3A_37 = tpu.vector_load %arg6[%swap3A] {strides = array<i32>} : memref<640xf32, #tpu.memory_space<vmem>>, vector<16xf32>,
      %swap3A_38 = vector.shape_cast %swap3A_37 : vector<16xf32> to vector<16xf32>
      %swap3A_39 = vector.shape_cast %broadcast_in_dim3A_11 : vector<16xf32> to vector<16xf32>
      tpu.vector_store %arg6[%swap3A], %swap3A_39 {strides = array<i32>} : memref<640xf32, #tpu.memory_space<vmem>>, vector<16xf32>,
      %scan3A_40 = arith.constant 0 : i32
      scf.yield %scan3A_40 : i32
    }
    %scan3A_18 = arith.constant 40 : i32
    %mul3A_19 = arith.constant 640 : i32
    %mul3A_20 = arith.muli %arg1, %mul3A_19 : i32
    "tpu.region"() ({
      %run_scoped3A = tpu.sem_alloc : memref<!tpu.dma_semaphore, #tpu.memory_space<semaphore_mem>>
      %dma_start3A = tpu.memref_slice %arg7[%mul3A_20] : memref<10240xf32, #tpu.memory_space<vmem_shared>> -> memref<640xf32, #tpu.memory_space<vmem_shared>>
      %dma_start3A_33 = tpu.memref_slice %arg7[%mul3A_20] : memref<10240xf32, #tpu.memory_space<vmem_shared>> -> memref<640xf32, #tpu.memory_space<vmem_shared>>
      tpu.enqueue_dma source(%arg6 : memref<640xf32, #tpu.memory_space<vmem>>) target(%dma_start3A_33 : memref<640xf32, #tpu.memory_space<vmem_shared>>) target_semaphore(%run_scoped3A : memref<!tpu.dma_semaphore, #tpu.memory_space<semaphore_mem>>)
      %dma_wait3A = tpu.memref_slice %arg7[%mul3A_20] : memref<10240xf32, #tpu.memory_space<vmem_shared>> -> memref<640xf32, #tpu.memory_space<vmem_shared>>
      %dma_wait3A_34 = tpu.memref_slice %arg7[%mul3A_20] : memref<10240xf32, #tpu.memory_space<vmem_shared>> -> memref<640xf32, #tpu.memory_space<vmem_shared>>
      tpu.wait_dma2 semaphore(%run_scoped3A : memref<!tpu.dma_semaphore, #tpu.memory_space<semaphore_mem>>) src(%arg6 : memref<640xf32, #tpu.memory_space<vmem>>) dst(%dma_wait3A_34 : memref<640xf32, #tpu.memory_space<vmem_shared>>)
      tpu.yield
    }) : () -> ()
    %barrier3A = arith.constant 0 : index
    tpu.barrier barrier_id(%barrier3A)
    %scan3A_21 = arith.constant 0 : i32
    %scan3A_22 = arith.constant 0 : i32
    %scan3A_23 = arith.constant 80 : i32
    %scan3A_24 = arith.addi %scan3A_22, %scan3A_23 : i32
    %scan3A_25 = arith.constant 1 : i32
    %scan3A_26 = scf.for %scan3A_33 = %scan3A_22 to %scan3A_24 step %scan3A_25 iter_args(%scan3A_34 = %scan3A_21) -> (i32)  : i32 {
      %mul3A_35 = arith.constant 128 : i32
      %mul3A_36 = arith.muli %scan3A_33, %mul3A_35 : i32
      %multiple_of3A_37 = tpu.assume_multiple %mul3A_36, 8 : i32
      "tpu.region"() ({
        %run_scoped3A = tpu.sem_alloc : memref<!tpu.dma_semaphore, #tpu.memory_space<semaphore_mem>>
        %dma_start3A = tpu.memref_slice %arg4[%multiple_of3A_37] : memref<10240xi32, #tpu.memory_space<vmem>> -> memref<128xi32, #tpu.memory_space<vmem>>
        %dma_start3A_39 = arith.constant 0 : i32
        %dma_start3A_40 = tpu.memref_slice %arg7[%dma_start3A_39] : memref<10240xf32, #tpu.memory_space<vmem_shared>> -> memref<10240xf32, #tpu.memory_space<vmem_shared>>
        tpu.enqueue_indirect_dma source(%arg5 : memref<128xf32, #tpu.memory_space<vmem>>) target(%dma_start3A_40 : memref<10240xf32, #tpu.memory_space<vmem_shared>>) offsets(%dma_start3A : memref<128xi32, #tpu.memory_space<vmem>>) semaphore(%run_scoped3A : memref<!tpu.dma_semaphore, #tpu.memory_space<semaphore_mem>>) {add = true}
        %dma_wait3A = tpu.memref_slice %arg4[%multiple_of3A_37] : memref<10240xi32, #tpu.memory_space<vmem>> -> memref<128xi32, #tpu.memory_space<vmem>>
        %dma_wait3A_41 = arith.constant 0 : i32
        %dma_wait3A_42 = tpu.memref_slice %arg7[%dma_wait3A_41] : memref<10240xf32, #tpu.memory_space<vmem_shared>> -> memref<10240xf32, #tpu.memory_space<vmem_shared>>
        tpu.wait_indirect_dma semaphore(%run_scoped3A : memref<!tpu.dma_semaphore, #tpu.memory_space<semaphore_mem>>) src(%arg5 : memref<128xf32, #tpu.memory_space<vmem>>) dst(%dma_wait3A_42 : memref<10240xf32, #tpu.memory_space<vmem_shared>>)
        tpu.yield
      }) : () -> ()
      %scan3A_38 = arith.constant 0 : i32
      scf.yield %scan3A_38 : i32
    }
    %scan3A_27 = arith.constant 80 : i32
    %barrier3A_28 = arith.constant 0 : index
    tpu.barrier barrier_id(%barrier3A_28)
    %mul3A_29 = arith.constant 640 : i32
    %mul3A_30 = arith.muli %arg1, %mul3A_29 : i32
    %mul3A_31 = arith.constant 640 : i32
    %mul3A_32 = arith.muli %arg1, %mul3A_31 : i32
    "tpu.region"() ({
      %run_scoped3A = tpu.sem_alloc : memref<!tpu.dma_semaphore, #tpu.memory_space<semaphore_mem>>
      %dma_start3A = tpu.memref_slice %arg3[%arg0, %mul3A_32] : memref<2x10240xf32, #tpu.memory_space<hbm>> -> memref<1x640xf32, #tpu.memory_space<hbm>>
      %dma_start3A_33 = tpu.memref_squeeze %dma_start3A : memref<1x640xf32, #tpu.memory_space<hbm>> -> memref<640xf32, #tpu.memory_space<hbm>>
      %dma_start3A_34 = tpu.memref_slice %arg7[%mul3A_30] : memref<10240xf32, #tpu.memory_space<vmem_shared>> -> memref<640xf32, #tpu.memory_space<vmem_shared>>
      tpu.enqueue_dma source(%dma_start3A_34 : memref<640xf32, #tpu.memory_space<vmem_shared>>) target(%dma_start3A_33 : memref<640xf32, #tpu.memory_space<hbm>>) target_semaphore(%run_scoped3A : memref<!tpu.dma_semaphore, #tpu.memory_space<semaphore_mem>>)
      %dma_wait3A = tpu.memref_slice %arg3[%arg0, %mul3A_32] : memref<2x10240xf32, #tpu.memory_space<hbm>> -> memref<1x640xf32, #tpu.memory_space<hbm>>
      %dma_wait3A_35 = tpu.memref_squeeze %dma_wait3A : memref<1x640xf32, #tpu.memory_space<hbm>> -> memref<640xf32, #tpu.memory_space<hbm>>
      %dma_wait3A_36 = tpu.memref_slice %arg7[%mul3A_30] : memref<10240xf32, #tpu.memory_space<vmem_shared>> -> memref<640xf32, #tpu.memory_space<vmem_shared>>
      tpu.wait_dma2 semaphore(%run_scoped3A : memref<!tpu.dma_semaphore, #tpu.memory_space<semaphore_mem>>) src(%dma_wait3A_36 : memref<640xf32, #tpu.memory_space<vmem_shared>>) dst(%dma_wait3A_35 : memref<640xf32, #tpu.memory_space<hbm>>)
      tpu.yield
    }) : () -> ()
    return
  }
}

#map = affine_map<(d0, d1) -> (0, 0)>
#map1 = affine_map<(d0, d1) -> (0, 0, 0)>
module attributes {stable_mosaic.version = 14 : i64} {
  func.func @prop_kernel(%arg0: i32, %arg1: i32, %arg2: memref<10240x128xf32, #tpu.memory_space<hbm>>, %arg3: memref<2560x2x128xi32, #tpu.memory_space<hbm>>, %arg4: memref<2x10240x128xf32, #tpu.memory_space<hbm>>, %arg5: memref<2x128xi32, #tpu.memory_space<vmem>>, %arg6: memref<2x128xi32, #tpu.memory_space<vmem>>, %arg7: memref<2x128xi32, #tpu.memory_space<vmem>>, %arg8: memref<2x128xi32, #tpu.memory_space<vmem>>, %arg9: memref<128x128xf32, #tpu.memory_space<vmem>>, %arg10: memref<128x128xf32, #tpu.memory_space<vmem>>, %arg11: memref<10240x128xf32, #tpu.memory_space<vmem_shared>>, %arg12: memref<!tpu.dma_semaphore, #tpu.memory_space<semaphore_mem>>, %arg13: memref<!tpu.dma_semaphore, #tpu.memory_space<semaphore_mem>>, %arg14: memref<!tpu.dma_semaphore, #tpu.memory_space<semaphore_mem>>, %arg15: memref<!tpu.dma_semaphore, #tpu.memory_space<semaphore_mem>>, %arg16: memref<!tpu.dma_semaphore, #tpu.memory_space<semaphore_mem>>, %arg17: memref<!tpu.dma_semaphore, #tpu.memory_space<semaphore_mem>>) attributes {dimension_semantics = [#tpu.dimension_semantics<core_parallel>, #tpu.dimension_semantics<subcore_parallel>], iteration_bounds = array<i64: 2, 16>, scalar_prefetch = 0 : i64, scratch_operands = 13 : i64, tpu.core_type = #tpu.core_type<sc_vector_subcore>, window_params = [{transform_indices = #map}, {transform_indices = #map1}, {transform_indices = #map1}]} {
    %mul3A = arith.constant 16 : i32
    %mul3A_0 = arith.muli %arg0, %mul3A : i32
    %add3A = arith.addi %mul3A_0, %arg1 : i32
    %mul3A_1 = arith.constant 80 : i32
    %mul3A_2 = arith.muli %add3A, %mul3A_1 : i32
    %eq3A = arith.constant 0 : i32
    %eq3A_3 = arith.cmpi eq, %arg0, %eq3A : i32
    %convert_element_type3A = arith.extui %eq3A_3 : i1 to i32
    %cond3A = arith.constant 0 : i32
    %cond3A_4 = arith.cmpi ne, %convert_element_type3A, %cond3A : i32
    scf.if %cond3A_4 {
      %mul3A_157 = arith.constant 640 : i32
      %mul3A_158 = arith.muli %arg1, %mul3A_157 : i32
      %mul3A_159 = arith.constant 640 : i32
      %mul3A_160 = arith.muli %arg1, %mul3A_159 : i32
      "tpu.region"() ({
        %run_scoped3A_161 = tpu.sem_alloc : memref<!tpu.dma_semaphore, #tpu.memory_space<semaphore_mem>>
        %dma_start3A_162 = arith.constant 0 : i32
        %dma_start3A_163 = tpu.memref_slice %arg11[%mul3A_160, %dma_start3A_162] : memref<10240x128xf32, #tpu.memory_space<vmem_shared>> -> memref<640x128xf32, #tpu.memory_space<vmem_shared>>
        %dma_start3A_164 = arith.constant 0 : i32
        %dma_start3A_165 = tpu.memref_slice %arg2[%mul3A_158, %dma_start3A_164] : memref<10240x128xf32, #tpu.memory_space<hbm>> -> memref<640x128xf32, #tpu.memory_space<hbm>>
        tpu.enqueue_dma source(%dma_start3A_165 : memref<640x128xf32, #tpu.memory_space<hbm>>) target(%dma_start3A_163 : memref<640x128xf32, #tpu.memory_space<vmem_shared>>) target_semaphore(%run_scoped3A_161 : memref<!tpu.dma_semaphore, #tpu.memory_space<semaphore_mem>>)
        %dma_wait3A_166 = arith.constant 0 : i32
        %dma_wait3A_167 = tpu.memref_slice %arg11[%mul3A_160, %dma_wait3A_166] : memref<10240x128xf32, #tpu.memory_space<vmem_shared>> -> memref<640x128xf32, #tpu.memory_space<vmem_shared>>
        %dma_wait3A_168 = arith.constant 0 : i32
        %dma_wait3A_169 = tpu.memref_slice %arg2[%mul3A_158, %dma_wait3A_168] : memref<10240x128xf32, #tpu.memory_space<hbm>> -> memref<640x128xf32, #tpu.memory_space<hbm>>
        tpu.wait_dma2 semaphore(%run_scoped3A_161 : memref<!tpu.dma_semaphore, #tpu.memory_space<semaphore_mem>>) src(%dma_wait3A_169 : memref<640x128xf32, #tpu.memory_space<hbm>>) dst(%dma_wait3A_167 : memref<640x128xf32, #tpu.memory_space<vmem_shared>>)
        tpu.yield
      }) : () -> ()
    } else {
    }
    %ne3A = arith.constant 0 : i32
    %ne3A_5 = arith.cmpi ne, %arg0, %ne3A : i32
    %convert_element_type3A_6 = arith.extui %ne3A_5 : i1 to i32
    %cond3A_7 = arith.constant 0 : i32
    %cond3A_8 = arith.cmpi ne, %convert_element_type3A_6, %cond3A_7 : i32
    scf.if %cond3A_8 {
      %broadcast_in_dim3A = arith.constant 0.000000e+00 : f32
      %broadcast_in_dim3A_157 = vector.broadcast %broadcast_in_dim3A : f32 to vector<16xf32>
      %scan3A_158 = arith.constant 0 : i32
      %scan3A_159 = arith.constant 0 : i32
      %scan3A_160 = arith.constant 128 : i32
      %scan3A_161 = arith.addi %scan3A_159, %scan3A_160 : i32
      %scan3A_162 = arith.constant 1 : i32
      %scan3A_163 = scf.for %scan3A_185 = %scan3A_159 to %scan3A_161 step %scan3A_162 iter_args(%scan3A_186 = %scan3A_158) -> (i32)  : i32 {
        %swap3A = arith.index_cast %scan3A_185 : i32 to index
        %swap3A_187 = arith.constant 0 : index
        %swap3A_188 = tpu.vector_load %arg9[%swap3A, %swap3A_187] {strides = array<i32>} : memref<128x128xf32, #tpu.memory_space<vmem>>, vector<1x16xf32>,
        %swap3A_189 = vector.shape_cast %swap3A_188 : vector<1x16xf32> to vector<16xf32>
        %swap3A_190 = vector.shape_cast %broadcast_in_dim3A_157 : vector<16xf32> to vector<1x16xf32>
        tpu.vector_store %arg9[%swap3A, %swap3A_187], %swap3A_190 {strides = array<i32>} : memref<128x128xf32, #tpu.memory_space<vmem>>, vector<1x16xf32>,
        %swap3A_191 = arith.index_cast %scan3A_185 : i32 to index
        %swap3A_192 = arith.constant 16 : index
        %swap3A_193 = tpu.vector_load %arg9[%swap3A_191, %swap3A_192] {strides = array<i32>} : memref<128x128xf32, #tpu.memory_space<vmem>>, vector<1x16xf32>,
        %swap3A_194 = vector.shape_cast %swap3A_193 : vector<1x16xf32> to vector<16xf32>
        %swap3A_195 = vector.shape_cast %broadcast_in_dim3A_157 : vector<16xf32> to vector<1x16xf32>
        tpu.vector_store %arg9[%swap3A_191, %swap3A_192], %swap3A_195 {strides = array<i32>} : memref<128x128xf32, #tpu.memory_space<vmem>>, vector<1x16xf32>,
        %swap3A_196 = arith.index_cast %scan3A_185 : i32 to index
        %swap3A_197 = arith.constant 32 : index
        %swap3A_198 = tpu.vector_load %arg9[%swap3A_196, %swap3A_197] {strides = array<i32>} : memref<128x128xf32, #tpu.memory_space<vmem>>, vector<1x16xf32>,
        %swap3A_199 = vector.shape_cast %swap3A_198 : vector<1x16xf32> to vector<16xf32>
        %swap3A_200 = vector.shape_cast %broadcast_in_dim3A_157 : vector<16xf32> to vector<1x16xf32>
        tpu.vector_store %arg9[%swap3A_196, %swap3A_197], %swap3A_200 {strides = array<i32>} : memref<128x128xf32, #tpu.memory_space<vmem>>, vector<1x16xf32>,
        %swap3A_201 = arith.index_cast %scan3A_185 : i32 to index
        %swap3A_202 = arith.constant 48 : index
        %swap3A_203 = tpu.vector_load %arg9[%swap3A_201, %swap3A_202] {strides = array<i32>} : memref<128x128xf32, #tpu.memory_space<vmem>>, vector<1x16xf32>,
        %swap3A_204 = vector.shape_cast %swap3A_203 : vector<1x16xf32> to vector<16xf32>
        %swap3A_205 = vector.shape_cast %broadcast_in_dim3A_157 : vector<16xf32> to vector<1x16xf32>
        tpu.vector_store %arg9[%swap3A_201, %swap3A_202], %swap3A_205 {strides = array<i32>} : memref<128x128xf32, #tpu.memory_space<vmem>>, vector<1x16xf32>,
        %swap3A_206 = arith.index_cast %scan3A_185 : i32 to index
        %swap3A_207 = arith.constant 64 : index
        %swap3A_208 = tpu.vector_load %arg9[%swap3A_206, %swap3A_207] {strides = array<i32>} : memref<128x128xf32, #tpu.memory_space<vmem>>, vector<1x16xf32>,
        %swap3A_209 = vector.shape_cast %swap3A_208 : vector<1x16xf32> to vector<16xf32>
        %swap3A_210 = vector.shape_cast %broadcast_in_dim3A_157 : vector<16xf32> to vector<1x16xf32>
        tpu.vector_store %arg9[%swap3A_206, %swap3A_207], %swap3A_210 {strides = array<i32>} : memref<128x128xf32, #tpu.memory_space<vmem>>, vector<1x16xf32>,
        %swap3A_211 = arith.index_cast %scan3A_185 : i32 to index
        %swap3A_212 = arith.constant 80 : index
        %swap3A_213 = tpu.vector_load %arg9[%swap3A_211, %swap3A_212] {strides = array<i32>} : memref<128x128xf32, #tpu.memory_space<vmem>>, vector<1x16xf32>,
        %swap3A_214 = vector.shape_cast %swap3A_213 : vector<1x16xf32> to vector<16xf32>
        %swap3A_215 = vector.shape_cast %broadcast_in_dim3A_157 : vector<16xf32> to vector<1x16xf32>
        tpu.vector_store %arg9[%swap3A_211, %swap3A_212], %swap3A_215 {strides = array<i32>} : memref<128x128xf32, #tpu.memory_space<vmem>>, vector<1x16xf32>,
        %swap3A_216 = arith.index_cast %scan3A_185 : i32 to index
        %swap3A_217 = arith.constant 96 : index
        %swap3A_218 = tpu.vector_load %arg9[%swap3A_216, %swap3A_217] {strides = array<i32>} : memref<128x128xf32, #tpu.memory_space<vmem>>, vector<1x16xf32>,
        %swap3A_219 = vector.shape_cast %swap3A_218 : vector<1x16xf32> to vector<16xf32>
        %swap3A_220 = vector.shape_cast %broadcast_in_dim3A_157 : vector<16xf32> to vector<1x16xf32>
        tpu.vector_store %arg9[%swap3A_216, %swap3A_217], %swap3A_220 {strides = array<i32>} : memref<128x128xf32, #tpu.memory_space<vmem>>, vector<1x16xf32>,
        %swap3A_221 = arith.index_cast %scan3A_185 : i32 to index
        %swap3A_222 = arith.constant 112 : index
        %swap3A_223 = tpu.vector_load %arg9[%swap3A_221, %swap3A_222] {strides = array<i32>} : memref<128x128xf32, #tpu.memory_space<vmem>>, vector<1x16xf32>,
        %swap3A_224 = vector.shape_cast %swap3A_223 : vector<1x16xf32> to vector<16xf32>
        %swap3A_225 = vector.shape_cast %broadcast_in_dim3A_157 : vector<16xf32> to vector<1x16xf32>
        tpu.vector_store %arg9[%swap3A_221, %swap3A_222], %swap3A_225 {strides = array<i32>} : memref<128x128xf32, #tpu.memory_space<vmem>>, vector<1x16xf32>,
        %scan3A_226 = arith.constant 0 : i32
        scf.yield %scan3A_226 : i32
      }
      %scan3A_164 = arith.constant 128 : i32
      %mul3A_165 = arith.constant 640 : i32
      %mul3A_166 = arith.muli %arg1, %mul3A_165 : i32
      %add3A_167 = arith.constant 0 : i32
      %add3A_168 = arith.addi %mul3A_166, %add3A_167 : i32
      "tpu.region"() ({
        %run_scoped3A_185 = tpu.sem_alloc : memref<!tpu.dma_semaphore, #tpu.memory_space<semaphore_mem>>
        %dma_start3A_186 = arith.constant 0 : i32
        %dma_start3A_187 = tpu.memref_slice %arg11[%add3A_168, %dma_start3A_186] : memref<10240x128xf32, #tpu.memory_space<vmem_shared>> -> memref<128x128xf32, #tpu.memory_space<vmem_shared>>
        %dma_start3A_188 = arith.constant 0 : i32
        %dma_start3A_189 = tpu.memref_slice %arg11[%add3A_168, %dma_start3A_188] : memref<10240x128xf32, #tpu.memory_space<vmem_shared>> -> memref<128x128xf32, #tpu.memory_space<vmem_shared>>
        tpu.enqueue_dma source(%arg9 : memref<128x128xf32, #tpu.memory_space<vmem>>) target(%dma_start3A_189 : memref<128x128xf32, #tpu.memory_space<vmem_shared>>) target_semaphore(%run_scoped3A_185 : memref<!tpu.dma_semaphore, #tpu.memory_space<semaphore_mem>>)
        %dma_wait3A_190 = arith.constant 0 : i32
        %dma_wait3A_191 = tpu.memref_slice %arg11[%add3A_168, %dma_wait3A_190] : memref<10240x128xf32, #tpu.memory_space<vmem_shared>> -> memref<128x128xf32, #tpu.memory_space<vmem_shared>>
        %dma_wait3A_192 = arith.constant 0 : i32
        %dma_wait3A_193 = tpu.memref_slice %arg11[%add3A_168, %dma_wait3A_192] : memref<10240x128xf32, #tpu.memory_space<vmem_shared>> -> memref<128x128xf32, #tpu.memory_space<vmem_shared>>
        tpu.wait_dma2 semaphore(%run_scoped3A_185 : memref<!tpu.dma_semaphore, #tpu.memory_space<semaphore_mem>>) src(%arg9 : memref<128x128xf32, #tpu.memory_space<vmem>>) dst(%dma_wait3A_193 : memref<128x128xf32, #tpu.memory_space<vmem_shared>>)
        tpu.yield
      }) : () -> ()
      %mul3A_169 = arith.constant 640 : i32
      %mul3A_170 = arith.muli %arg1, %mul3A_169 : i32
      %add3A_171 = arith.constant 128 : i32
      %add3A_172 = arith.addi %mul3A_170, %add3A_171 : i32
      "tpu.region"() ({
        %run_scoped3A_185 = tpu.sem_alloc : memref<!tpu.dma_semaphore, #tpu.memory_space<semaphore_mem>>
        %dma_start3A_186 = arith.constant 0 : i32
        %dma_start3A_187 = tpu.memref_slice %arg11[%add3A_172, %dma_start3A_186] : memref<10240x128xf32, #tpu.memory_space<vmem_shared>> -> memref<128x128xf32, #tpu.memory_space<vmem_shared>>
        %dma_start3A_188 = arith.constant 0 : i32
        %dma_start3A_189 = tpu.memref_slice %arg11[%add3A_172, %dma_start3A_188] : memref<10240x128xf32, #tpu.memory_space<vmem_shared>> -> memref<128x128xf32, #tpu.memory_space<vmem_shared>>
        tpu.enqueue_dma source(%arg9 : memref<128x128xf32, #tpu.memory_space<vmem>>) target(%dma_start3A_189 : memref<128x128xf32, #tpu.memory_space<vmem_shared>>) target_semaphore(%run_scoped3A_185 : memref<!tpu.dma_semaphore, #tpu.memory_space<semaphore_mem>>)
        %dma_wait3A_190 = arith.constant 0 : i32
        %dma_wait3A_191 = tpu.memref_slice %arg11[%add3A_172, %dma_wait3A_190] : memref<10240x128xf32, #tpu.memory_space<vmem_shared>> -> memref<128x128xf32, #tpu.memory_space<vmem_shared>>
        %dma_wait3A_192 = arith.constant 0 : i32
        %dma_wait3A_193 = tpu.memref_slice %arg11[%add3A_172, %dma_wait3A_192] : memref<10240x128xf32, #tpu.memory_space<vmem_shared>> -> memref<128x128xf32, #tpu.memory_space<vmem_shared>>
        tpu.wait_dma2 semaphore(%run_scoped3A_185 : memref<!tpu.dma_semaphore, #tpu.memory_space<semaphore_mem>>) src(%arg9 : memref<128x128xf32, #tpu.memory_space<vmem>>) dst(%dma_wait3A_193 : memref<128x128xf32, #tpu.memory_space<vmem_shared>>)
        tpu.yield
      }) : () -> ()
      %mul3A_173 = arith.constant 640 : i32
      %mul3A_174 = arith.muli %arg1, %mul3A_173 : i32
      %add3A_175 = arith.constant 256 : i32
      %add3A_176 = arith.addi %mul3A_174, %add3A_175 : i32
      "tpu.region"() ({
        %run_scoped3A_185 = tpu.sem_alloc : memref<!tpu.dma_semaphore, #tpu.memory_space<semaphore_mem>>
        %dma_start3A_186 = arith.constant 0 : i32
        %dma_start3A_187 = tpu.memref_slice %arg11[%add3A_176, %dma_start3A_186] : memref<10240x128xf32, #tpu.memory_space<vmem_shared>> -> memref<128x128xf32, #tpu.memory_space<vmem_shared>>
        %dma_start3A_188 = arith.constant 0 : i32
        %dma_start3A_189 = tpu.memref_slice %arg11[%add3A_176, %dma_start3A_188] : memref<10240x128xf32, #tpu.memory_space<vmem_shared>> -> memref<128x128xf32, #tpu.memory_space<vmem_shared>>
        tpu.enqueue_dma source(%arg9 : memref<128x128xf32, #tpu.memory_space<vmem>>) target(%dma_start3A_189 : memref<128x128xf32, #tpu.memory_space<vmem_shared>>) target_semaphore(%run_scoped3A_185 : memref<!tpu.dma_semaphore, #tpu.memory_space<semaphore_mem>>)
        %dma_wait3A_190 = arith.constant 0 : i32
        %dma_wait3A_191 = tpu.memref_slice %arg11[%add3A_176, %dma_wait3A_190] : memref<10240x128xf32, #tpu.memory_space<vmem_shared>> -> memref<128x128xf32, #tpu.memory_space<vmem_shared>>
        %dma_wait3A_192 = arith.constant 0 : i32
        %dma_wait3A_193 = tpu.memref_slice %arg11[%add3A_176, %dma_wait3A_192] : memref<10240x128xf32, #tpu.memory_space<vmem_shared>> -> memref<128x128xf32, #tpu.memory_space<vmem_shared>>
        tpu.wait_dma2 semaphore(%run_scoped3A_185 : memref<!tpu.dma_semaphore, #tpu.memory_space<semaphore_mem>>) src(%arg9 : memref<128x128xf32, #tpu.memory_space<vmem>>) dst(%dma_wait3A_193 : memref<128x128xf32, #tpu.memory_space<vmem_shared>>)
        tpu.yield
      }) : () -> ()
      %mul3A_177 = arith.constant 640 : i32
      %mul3A_178 = arith.muli %arg1, %mul3A_177 : i32
      %add3A_179 = arith.constant 384 : i32
      %add3A_180 = arith.addi %mul3A_178, %add3A_179 : i32
      "tpu.region"() ({
        %run_scoped3A_185 = tpu.sem_alloc : memref<!tpu.dma_semaphore, #tpu.memory_space<semaphore_mem>>
        %dma_start3A_186 = arith.constant 0 : i32
        %dma_start3A_187 = tpu.memref_slice %arg11[%add3A_180, %dma_start3A_186] : memref<10240x128xf32, #tpu.memory_space<vmem_shared>> -> memref<128x128xf32, #tpu.memory_space<vmem_shared>>
        %dma_start3A_188 = arith.constant 0 : i32
        %dma_start3A_189 = tpu.memref_slice %arg11[%add3A_180, %dma_start3A_188] : memref<10240x128xf32, #tpu.memory_space<vmem_shared>> -> memref<128x128xf32, #tpu.memory_space<vmem_shared>>
        tpu.enqueue_dma source(%arg9 : memref<128x128xf32, #tpu.memory_space<vmem>>) target(%dma_start3A_189 : memref<128x128xf32, #tpu.memory_space<vmem_shared>>) target_semaphore(%run_scoped3A_185 : memref<!tpu.dma_semaphore, #tpu.memory_space<semaphore_mem>>)
        %dma_wait3A_190 = arith.constant 0 : i32
        %dma_wait3A_191 = tpu.memref_slice %arg11[%add3A_180, %dma_wait3A_190] : memref<10240x128xf32, #tpu.memory_space<vmem_shared>> -> memref<128x128xf32, #tpu.memory_space<vmem_shared>>
        %dma_wait3A_192 = arith.constant 0 : i32
        %dma_wait3A_193 = tpu.memref_slice %arg11[%add3A_180, %dma_wait3A_192] : memref<10240x128xf32, #tpu.memory_space<vmem_shared>> -> memref<128x128xf32, #tpu.memory_space<vmem_shared>>
        tpu.wait_dma2 semaphore(%run_scoped3A_185 : memref<!tpu.dma_semaphore, #tpu.memory_space<semaphore_mem>>) src(%arg9 : memref<128x128xf32, #tpu.memory_space<vmem>>) dst(%dma_wait3A_193 : memref<128x128xf32, #tpu.memory_space<vmem_shared>>)
        tpu.yield
      }) : () -> ()
      %mul3A_181 = arith.constant 640 : i32
      %mul3A_182 = arith.muli %arg1, %mul3A_181 : i32
      %add3A_183 = arith.constant 512 : i32
      %add3A_184 = arith.addi %mul3A_182, %add3A_183 : i32
      "tpu.region"() ({
        %run_scoped3A_185 = tpu.sem_alloc : memref<!tpu.dma_semaphore, #tpu.memory_space<semaphore_mem>>
        %dma_start3A_186 = arith.constant 0 : i32
        %dma_start3A_187 = tpu.memref_slice %arg11[%add3A_184, %dma_start3A_186] : memref<10240x128xf32, #tpu.memory_space<vmem_shared>> -> memref<128x128xf32, #tpu.memory_space<vmem_shared>>
        %dma_start3A_188 = arith.constant 0 : i32
        %dma_start3A_189 = tpu.memref_slice %arg11[%add3A_184, %dma_start3A_188] : memref<10240x128xf32, #tpu.memory_space<vmem_shared>> -> memref<128x128xf32, #tpu.memory_space<vmem_shared>>
        tpu.enqueue_dma source(%arg9 : memref<128x128xf32, #tpu.memory_space<vmem>>) target(%dma_start3A_189 : memref<128x128xf32, #tpu.memory_space<vmem_shared>>) target_semaphore(%run_scoped3A_185 : memref<!tpu.dma_semaphore, #tpu.memory_space<semaphore_mem>>)
        %dma_wait3A_190 = arith.constant 0 : i32
        %dma_wait3A_191 = tpu.memref_slice %arg11[%add3A_184, %dma_wait3A_190] : memref<10240x128xf32, #tpu.memory_space<vmem_shared>> -> memref<128x128xf32, #tpu.memory_space<vmem_shared>>
        %dma_wait3A_192 = arith.constant 0 : i32
        %dma_wait3A_193 = tpu.memref_slice %arg11[%add3A_184, %dma_wait3A_192] : memref<10240x128xf32, #tpu.memory_space<vmem_shared>> -> memref<128x128xf32, #tpu.memory_space<vmem_shared>>
        tpu.wait_dma2 semaphore(%run_scoped3A_185 : memref<!tpu.dma_semaphore, #tpu.memory_space<semaphore_mem>>) src(%arg9 : memref<128x128xf32, #tpu.memory_space<vmem>>) dst(%dma_wait3A_193 : memref<128x128xf32, #tpu.memory_space<vmem_shared>>)
        tpu.yield
      }) : () -> ()
    } else {
    }
    %barrier3A = arith.constant 0 : index
    tpu.barrier barrier_id(%barrier3A)
    %add3A_9 = arith.constant 0 : i32
    %add3A_10 = arith.addi %mul3A_2, %add3A_9 : i32
    %dma_start3A = arith.constant 0 : i32
    %dma_start3A_11 = arith.constant 0 : i32
    %dma_start3A_12 = tpu.memref_slice %arg3[%add3A_10, %dma_start3A, %dma_start3A_11] : memref<2560x2x128xi32, #tpu.memory_space<hbm>> -> memref<1x2x128xi32, #tpu.memory_space<hbm>>
    %dma_start3A_13 = tpu.memref_squeeze %dma_start3A_12 : memref<1x2x128xi32, #tpu.memory_space<hbm>> -> memref<2x128xi32, #tpu.memory_space<hbm>>
    %dma_start3A_14 = arith.constant 0 : i32
    %dma_start3A_15 = arith.constant 0 : i32
    %dma_start3A_16 = tpu.memref_slice %arg3[%add3A_10, %dma_start3A_14, %dma_start3A_15] : memref<2560x2x128xi32, #tpu.memory_space<hbm>> -> memref<1x2x128xi32, #tpu.memory_space<hbm>>
    %dma_start3A_17 = tpu.memref_squeeze %dma_start3A_16 : memref<1x2x128xi32, #tpu.memory_space<hbm>> -> memref<2x128xi32, #tpu.memory_space<hbm>>
    tpu.enqueue_dma source(%dma_start3A_17 : memref<2x128xi32, #tpu.memory_space<hbm>>) target(%arg5 : memref<2x128xi32, #tpu.memory_space<vmem>>) target_semaphore(%arg12 : memref<!tpu.dma_semaphore, #tpu.memory_space<semaphore_mem>>)
    %add3A_18 = arith.constant 1 : i32
    %add3A_19 = arith.addi %mul3A_2, %add3A_18 : i32
    %dma_start3A_20 = arith.constant 0 : i32
    %dma_start3A_21 = arith.constant 0 : i32
    %dma_start3A_22 = tpu.memref_slice %arg3[%add3A_19, %dma_start3A_20, %dma_start3A_21] : memref<2560x2x128xi32, #tpu.memory_space<hbm>> -> memref<1x2x128xi32, #tpu.memory_space<hbm>>
    %dma_start3A_23 = tpu.memref_squeeze %dma_start3A_22 : memref<1x2x128xi32, #tpu.memory_space<hbm>> -> memref<2x128xi32, #tpu.memory_space<hbm>>
    %dma_start3A_24 = arith.constant 0 : i32
    %dma_start3A_25 = arith.constant 0 : i32
    %dma_start3A_26 = tpu.memref_slice %arg3[%add3A_19, %dma_start3A_24, %dma_start3A_25] : memref<2560x2x128xi32, #tpu.memory_space<hbm>> -> memref<1x2x128xi32, #tpu.memory_space<hbm>>
    %dma_start3A_27 = tpu.memref_squeeze %dma_start3A_26 : memref<1x2x128xi32, #tpu.memory_space<hbm>> -> memref<2x128xi32, #tpu.memory_space<hbm>>
    tpu.enqueue_dma source(%dma_start3A_27 : memref<2x128xi32, #tpu.memory_space<hbm>>) target(%arg6 : memref<2x128xi32, #tpu.memory_space<vmem>>) target_semaphore(%arg13 : memref<!tpu.dma_semaphore, #tpu.memory_space<semaphore_mem>>)
    %add3A_28 = arith.constant 2 : i32
    %add3A_29 = arith.addi %mul3A_2, %add3A_28 : i32
    %dma_start3A_30 = arith.constant 0 : i32
    %dma_start3A_31 = arith.constant 0 : i32
    %dma_start3A_32 = tpu.memref_slice %arg3[%add3A_29, %dma_start3A_30, %dma_start3A_31] : memref<2560x2x128xi32, #tpu.memory_space<hbm>> -> memref<1x2x128xi32, #tpu.memory_space<hbm>>
    %dma_start3A_33 = tpu.memref_squeeze %dma_start3A_32 : memref<1x2x128xi32, #tpu.memory_space<hbm>> -> memref<2x128xi32, #tpu.memory_space<hbm>>
    %dma_start3A_34 = arith.constant 0 : i32
    %dma_start3A_35 = arith.constant 0 : i32
    %dma_start3A_36 = tpu.memref_slice %arg3[%add3A_29, %dma_start3A_34, %dma_start3A_35] : memref<2560x2x128xi32, #tpu.memory_space<hbm>> -> memref<1x2x128xi32, #tpu.memory_space<hbm>>
    %dma_start3A_37 = tpu.memref_squeeze %dma_start3A_36 : memref<1x2x128xi32, #tpu.memory_space<hbm>> -> memref<2x128xi32, #tpu.memory_space<hbm>>
    tpu.enqueue_dma source(%dma_start3A_37 : memref<2x128xi32, #tpu.memory_space<hbm>>) target(%arg7 : memref<2x128xi32, #tpu.memory_space<vmem>>) target_semaphore(%arg14 : memref<!tpu.dma_semaphore, #tpu.memory_space<semaphore_mem>>)
    %add3A_38 = arith.constant 3 : i32
    %add3A_39 = arith.addi %mul3A_2, %add3A_38 : i32
    %dma_start3A_40 = arith.constant 0 : i32
    %dma_start3A_41 = arith.constant 0 : i32
    %dma_start3A_42 = tpu.memref_slice %arg3[%add3A_39, %dma_start3A_40, %dma_start3A_41] : memref<2560x2x128xi32, #tpu.memory_space<hbm>> -> memref<1x2x128xi32, #tpu.memory_space<hbm>>
    %dma_start3A_43 = tpu.memref_squeeze %dma_start3A_42 : memref<1x2x128xi32, #tpu.memory_space<hbm>> -> memref<2x128xi32, #tpu.memory_space<hbm>>
    %dma_start3A_44 = arith.constant 0 : i32
    %dma_start3A_45 = arith.constant 0 : i32
    %dma_start3A_46 = tpu.memref_slice %arg3[%add3A_39, %dma_start3A_44, %dma_start3A_45] : memref<2560x2x128xi32, #tpu.memory_space<hbm>> -> memref<1x2x128xi32, #tpu.memory_space<hbm>>
    %dma_start3A_47 = tpu.memref_squeeze %dma_start3A_46 : memref<1x2x128xi32, #tpu.memory_space<hbm>> -> memref<2x128xi32, #tpu.memory_space<hbm>>
    tpu.enqueue_dma source(%dma_start3A_47 : memref<2x128xi32, #tpu.memory_space<hbm>>) target(%arg8 : memref<2x128xi32, #tpu.memory_space<vmem>>) target_semaphore(%arg15 : memref<!tpu.dma_semaphore, #tpu.memory_space<semaphore_mem>>)
    %scan3A = arith.constant 0 : i32
    %scan3A_48 = arith.constant 0 : i32
    %scan3A_49 = arith.constant 19 : i32
    %scan3A_50 = arith.addi %scan3A_48, %scan3A_49 : i32
    %scan3A_51 = arith.constant 1 : i32
    %scan3A_52 = scf.for %scan3A_157 = %scan3A_48 to %scan3A_50 step %scan3A_51 iter_args(%scan3A_158 = %scan3A) -> (i32)  : i32 {
      %mul3A_159 = arith.constant 4 : i32
      %mul3A_160 = arith.muli %scan3A_157, %mul3A_159 : i32
      %add3A_161 = arith.addi %mul3A_2, %mul3A_160 : i32
      %dma_wait3A_162 = arith.constant 0 : i32
      %dma_wait3A_163 = arith.constant 0 : i32
      %dma_wait3A_164 = tpu.memref_slice %arg3[%add3A_161, %dma_wait3A_162, %dma_wait3A_163] : memref<2560x2x128xi32, #tpu.memory_space<hbm>> -> memref<1x2x128xi32, #tpu.memory_space<hbm>>
      %dma_wait3A_165 = tpu.memref_squeeze %dma_wait3A_164 : memref<1x2x128xi32, #tpu.memory_space<hbm>> -> memref<2x128xi32, #tpu.memory_space<hbm>>
      %dma_wait3A_166 = arith.constant 0 : i32
      %dma_wait3A_167 = arith.constant 0 : i32
      %dma_wait3A_168 = tpu.memref_slice %arg3[%add3A_161, %dma_wait3A_166, %dma_wait3A_167] : memref<2560x2x128xi32, #tpu.memory_space<hbm>> -> memref<1x2x128xi32, #tpu.memory_space<hbm>>
      %dma_wait3A_169 = tpu.memref_squeeze %dma_wait3A_168 : memref<1x2x128xi32, #tpu.memory_space<hbm>> -> memref<2x128xi32, #tpu.memory_space<hbm>>
      tpu.wait_dma2 semaphore(%arg12 : memref<!tpu.dma_semaphore, #tpu.memory_space<semaphore_mem>>) src(%dma_wait3A_169 : memref<2x128xi32, #tpu.memory_space<hbm>>) dst(%arg5 : memref<2x128xi32, #tpu.memory_space<vmem>>)
      %dma_start3A_170 = arith.constant 0 : i32
      %dma_start3A_171 = arith.constant 0 : i32
      %dma_start3A_172 = tpu.memref_slice %arg5[%dma_start3A_170, %dma_start3A_171] : memref<2x128xi32, #tpu.memory_space<vmem>> -> memref<1x128xi32, #tpu.memory_space<vmem>>
      %dma_start3A_173 = tpu.memref_squeeze %dma_start3A_172 : memref<1x128xi32, #tpu.memory_space<vmem>> -> memref<128xi32, #tpu.memory_space<vmem>>
      %dma_start3A_174 = arith.constant 0 : i32
      %dma_start3A_175 = arith.constant 0 : i32
      %dma_start3A_176 = tpu.memref_slice %arg2[%dma_start3A_174, %dma_start3A_175] : memref<10240x128xf32, #tpu.memory_space<hbm>> -> memref<10240x128xf32, #tpu.memory_space<hbm>>
      tpu.enqueue_indirect_dma source(%dma_start3A_176 : memref<10240x128xf32, #tpu.memory_space<hbm>>) target(%arg9 : memref<128x128xf32, #tpu.memory_space<vmem>>) offsets(%dma_start3A_173 : memref<128xi32, #tpu.memory_space<vmem>>) semaphore(%arg16 : memref<!tpu.dma_semaphore, #tpu.memory_space<semaphore_mem>>)
      %add3A_177 = arith.constant 1 : i32
      %add3A_178 = arith.addi %mul3A_160, %add3A_177 : i32
      %add3A_179 = arith.addi %mul3A_2, %add3A_178 : i32
      %dma_wait3A_180 = arith.constant 0 : i32
      %dma_wait3A_181 = arith.constant 0 : i32
      %dma_wait3A_182 = tpu.memref_slice %arg3[%add3A_179, %dma_wait3A_180, %dma_wait3A_181] : memref<2560x2x128xi32, #tpu.memory_space<hbm>> -> memref<1x2x128xi32, #tpu.memory_space<hbm>>
      %dma_wait3A_183 = tpu.memref_squeeze %dma_wait3A_182 : memref<1x2x128xi32, #tpu.memory_space<hbm>> -> memref<2x128xi32, #tpu.memory_space<hbm>>
      %dma_wait3A_184 = arith.constant 0 : i32
      %dma_wait3A_185 = arith.constant 0 : i32
      %dma_wait3A_186 = tpu.memref_slice %arg3[%add3A_179, %dma_wait3A_184, %dma_wait3A_185] : memref<2560x2x128xi32, #tpu.memory_space<hbm>> -> memref<1x2x128xi32, #tpu.memory_space<hbm>>
      %dma_wait3A_187 = tpu.memref_squeeze %dma_wait3A_186 : memref<1x2x128xi32, #tpu.memory_space<hbm>> -> memref<2x128xi32, #tpu.memory_space<hbm>>
      tpu.wait_dma2 semaphore(%arg13 : memref<!tpu.dma_semaphore, #tpu.memory_space<semaphore_mem>>) src(%dma_wait3A_187 : memref<2x128xi32, #tpu.memory_space<hbm>>) dst(%arg6 : memref<2x128xi32, #tpu.memory_space<vmem>>)
      %dma_start3A_188 = arith.constant 0 : i32
      %dma_start3A_189 = arith.constant 0 : i32
      %dma_start3A_190 = tpu.memref_slice %arg6[%dma_start3A_188, %dma_start3A_189] : memref<2x128xi32, #tpu.memory_space<vmem>> -> memref<1x128xi32, #tpu.memory_space<vmem>>
      %dma_start3A_191 = tpu.memref_squeeze %dma_start3A_190 : memref<1x128xi32, #tpu.memory_space<vmem>> -> memref<128xi32, #tpu.memory_space<vmem>>
      %dma_start3A_192 = arith.constant 0 : i32
      %dma_start3A_193 = arith.constant 0 : i32
      %dma_start3A_194 = tpu.memref_slice %arg2[%dma_start3A_192, %dma_start3A_193] : memref<10240x128xf32, #tpu.memory_space<hbm>> -> memref<10240x128xf32, #tpu.memory_space<hbm>>
      tpu.enqueue_indirect_dma source(%dma_start3A_194 : memref<10240x128xf32, #tpu.memory_space<hbm>>) target(%arg10 : memref<128x128xf32, #tpu.memory_space<vmem>>) offsets(%dma_start3A_191 : memref<128xi32, #tpu.memory_space<vmem>>) semaphore(%arg17 : memref<!tpu.dma_semaphore, #tpu.memory_space<semaphore_mem>>)
      %dma_wait3A_195 = arith.constant 0 : i32
      %dma_wait3A_196 = arith.constant 0 : i32
      %dma_wait3A_197 = tpu.memref_slice %arg5[%dma_wait3A_195, %dma_wait3A_196] : memref<2x128xi32, #tpu.memory_space<vmem>> -> memref<1x128xi32, #tpu.memory_space<vmem>>
      %dma_wait3A_198 = tpu.memref_squeeze %dma_wait3A_197 : memref<1x128xi32, #tpu.memory_space<vmem>> -> memref<128xi32, #tpu.memory_space<vmem>>
      %dma_wait3A_199 = arith.constant 0 : i32
      %dma_wait3A_200 = arith.constant 0 : i32
      %dma_wait3A_201 = tpu.memref_slice %arg2[%dma_wait3A_199, %dma_wait3A_200] : memref<10240x128xf32, #tpu.memory_space<hbm>> -> memref<10240x128xf32, #tpu.memory_space<hbm>>
      tpu.wait_indirect_dma semaphore(%arg16 : memref<!tpu.dma_semaphore, #tpu.memory_space<semaphore_mem>>) src(%dma_wait3A_201 : memref<10240x128xf32, #tpu.memory_space<hbm>>) dst(%arg9 : memref<128x128xf32, #tpu.memory_space<vmem>>)
      %run_scoped3A_202 = arith.constant 1 : i32
      "tpu.region"() ({
        %run_scoped3A_308 = tpu.sem_alloc : memref<!tpu.dma_semaphore, #tpu.memory_space<semaphore_mem>>
        %dma_start3A_309 = arith.constant 0 : i32
        %dma_start3A_310 = tpu.memref_slice %arg5[%run_scoped3A_202, %dma_start3A_309] : memref<2x128xi32, #tpu.memory_space<vmem>> -> memref<1x128xi32, #tpu.memory_space<vmem>>
        %dma_start3A_311 = tpu.memref_squeeze %dma_start3A_310 : memref<1x128xi32, #tpu.memory_space<vmem>> -> memref<128xi32, #tpu.memory_space<vmem>>
        %dma_start3A_312 = arith.constant 0 : i32
        %dma_start3A_313 = arith.constant 0 : i32
        %dma_start3A_314 = tpu.memref_slice %arg11[%dma_start3A_312, %dma_start3A_313] : memref<10240x128xf32, #tpu.memory_space<vmem_shared>> -> memref<10240x128xf32, #tpu.memory_space<vmem_shared>>
        tpu.enqueue_indirect_dma source(%arg9 : memref<128x128xf32, #tpu.memory_space<vmem>>) target(%dma_start3A_314 : memref<10240x128xf32, #tpu.memory_space<vmem_shared>>) offsets(%dma_start3A_311 : memref<128xi32, #tpu.memory_space<vmem>>) semaphore(%run_scoped3A_308 : memref<!tpu.dma_semaphore, #tpu.memory_space<semaphore_mem>>) {add = true}
        %dma_wait3A_315 = arith.constant 0 : i32
        %dma_wait3A_316 = tpu.memref_slice %arg5[%run_scoped3A_202, %dma_wait3A_315] : memref<2x128xi32, #tpu.memory_space<vmem>> -> memref<1x128xi32, #tpu.memory_space<vmem>>
        %dma_wait3A_317 = tpu.memref_squeeze %dma_wait3A_316 : memref<1x128xi32, #tpu.memory_space<vmem>> -> memref<128xi32, #tpu.memory_space<vmem>>
        %dma_wait3A_318 = arith.constant 0 : i32
        %dma_wait3A_319 = arith.constant 0 : i32
        %dma_wait3A_320 = tpu.memref_slice %arg11[%dma_wait3A_318, %dma_wait3A_319] : memref<10240x128xf32, #tpu.memory_space<vmem_shared>> -> memref<10240x128xf32, #tpu.memory_space<vmem_shared>>
        tpu.wait_indirect_dma semaphore(%run_scoped3A_308 : memref<!tpu.dma_semaphore, #tpu.memory_space<semaphore_mem>>) src(%arg9 : memref<128x128xf32, #tpu.memory_space<vmem>>) dst(%dma_wait3A_320 : memref<10240x128xf32, #tpu.memory_space<vmem_shared>>)
        tpu.yield
      }) : () -> ()
      %add3A_203 = arith.constant 4 : i32
      %add3A_204 = arith.addi %mul3A_160, %add3A_203 : i32
      %add3A_205 = arith.addi %mul3A_2, %add3A_204 : i32
      %dma_start3A_206 = arith.constant 0 : i32
      %dma_start3A_207 = arith.constant 0 : i32
      %dma_start3A_208 = tpu.memref_slice %arg3[%add3A_205, %dma_start3A_206, %dma_start3A_207] : memref<2560x2x128xi32, #tpu.memory_space<hbm>> -> memref<1x2x128xi32, #tpu.memory_space<hbm>>
      %dma_start3A_209 = tpu.memref_squeeze %dma_start3A_208 : memref<1x2x128xi32, #tpu.memory_space<hbm>> -> memref<2x128xi32, #tpu.memory_space<hbm>>
      %dma_start3A_210 = arith.constant 0 : i32
      %dma_start3A_211 = arith.constant 0 : i32
      %dma_start3A_212 = tpu.memref_slice %arg3[%add3A_205, %dma_start3A_210, %dma_start3A_211] : memref<2560x2x128xi32, #tpu.memory_space<hbm>> -> memref<1x2x128xi32, #tpu.memory_space<hbm>>
      %dma_start3A_213 = tpu.memref_squeeze %dma_start3A_212 : memref<1x2x128xi32, #tpu.memory_space<hbm>> -> memref<2x128xi32, #tpu.memory_space<hbm>>
      tpu.enqueue_dma source(%dma_start3A_213 : memref<2x128xi32, #tpu.memory_space<hbm>>) target(%arg5 : memref<2x128xi32, #tpu.memory_space<vmem>>) target_semaphore(%arg12 : memref<!tpu.dma_semaphore, #tpu.memory_space<semaphore_mem>>)
      %add3A_214 = arith.constant 2 : i32
      %add3A_215 = arith.addi %mul3A_160, %add3A_214 : i32
      %add3A_216 = arith.addi %mul3A_2, %add3A_215 : i32
      %dma_wait3A_217 = arith.constant 0 : i32
      %dma_wait3A_218 = arith.constant 0 : i32
      %dma_wait3A_219 = tpu.memref_slice %arg3[%add3A_216, %dma_wait3A_217, %dma_wait3A_218] : memref<2560x2x128xi32, #tpu.memory_space<hbm>> -> memref<1x2x128xi32, #tpu.memory_space<hbm>>
      %dma_wait3A_220 = tpu.memref_squeeze %dma_wait3A_219 : memref<1x2x128xi32, #tpu.memory_space<hbm>> -> memref<2x128xi32, #tpu.memory_space<hbm>>
      %dma_wait3A_221 = arith.constant 0 : i32
      %dma_wait3A_222 = arith.constant 0 : i32
      %dma_wait3A_223 = tpu.memref_slice %arg3[%add3A_216, %dma_wait3A_221, %dma_wait3A_222] : memref<2560x2x128xi32, #tpu.memory_space<hbm>> -> memref<1x2x128xi32, #tpu.memory_space<hbm>>
      %dma_wait3A_224 = tpu.memref_squeeze %dma_wait3A_223 : memref<1x2x128xi32, #tpu.memory_space<hbm>> -> memref<2x128xi32, #tpu.memory_space<hbm>>
      tpu.wait_dma2 semaphore(%arg14 : memref<!tpu.dma_semaphore, #tpu.memory_space<semaphore_mem>>) src(%dma_wait3A_224 : memref<2x128xi32, #tpu.memory_space<hbm>>) dst(%arg7 : memref<2x128xi32, #tpu.memory_space<vmem>>)
      %dma_start3A_225 = arith.constant 0 : i32
      %dma_start3A_226 = arith.constant 0 : i32
      %dma_start3A_227 = tpu.memref_slice %arg7[%dma_start3A_225, %dma_start3A_226] : memref<2x128xi32, #tpu.memory_space<vmem>> -> memref<1x128xi32, #tpu.memory_space<vmem>>
      %dma_start3A_228 = tpu.memref_squeeze %dma_start3A_227 : memref<1x128xi32, #tpu.memory_space<vmem>> -> memref<128xi32, #tpu.memory_space<vmem>>
      %dma_start3A_229 = arith.constant 0 : i32
      %dma_start3A_230 = arith.constant 0 : i32
      %dma_start3A_231 = tpu.memref_slice %arg2[%dma_start3A_229, %dma_start3A_230] : memref<10240x128xf32, #tpu.memory_space<hbm>> -> memref<10240x128xf32, #tpu.memory_space<hbm>>
      tpu.enqueue_indirect_dma source(%dma_start3A_231 : memref<10240x128xf32, #tpu.memory_space<hbm>>) target(%arg9 : memref<128x128xf32, #tpu.memory_space<vmem>>) offsets(%dma_start3A_228 : memref<128xi32, #tpu.memory_space<vmem>>) semaphore(%arg16 : memref<!tpu.dma_semaphore, #tpu.memory_space<semaphore_mem>>)
      %dma_wait3A_232 = arith.constant 0 : i32
      %dma_wait3A_233 = arith.constant 0 : i32
      %dma_wait3A_234 = tpu.memref_slice %arg6[%dma_wait3A_232, %dma_wait3A_233] : memref<2x128xi32, #tpu.memory_space<vmem>> -> memref<1x128xi32, #tpu.memory_space<vmem>>
      %dma_wait3A_235 = tpu.memref_squeeze %dma_wait3A_234 : memref<1x128xi32, #tpu.memory_space<vmem>> -> memref<128xi32, #tpu.memory_space<vmem>>
      %dma_wait3A_236 = arith.constant 0 : i32
      %dma_wait3A_237 = arith.constant 0 : i32
      %dma_wait3A_238 = tpu.memref_slice %arg2[%dma_wait3A_236, %dma_wait3A_237] : memref<10240x128xf32, #tpu.memory_space<hbm>> -> memref<10240x128xf32, #tpu.memory_space<hbm>>
      tpu.wait_indirect_dma semaphore(%arg17 : memref<!tpu.dma_semaphore, #tpu.memory_space<semaphore_mem>>) src(%dma_wait3A_238 : memref<10240x128xf32, #tpu.memory_space<hbm>>) dst(%arg10 : memref<128x128xf32, #tpu.memory_space<vmem>>)
      %run_scoped3A_239 = arith.constant 1 : i32
      "tpu.region"() ({
        %run_scoped3A_308 = tpu.sem_alloc : memref<!tpu.dma_semaphore, #tpu.memory_space<semaphore_mem>>
        %dma_start3A_309 = arith.constant 0 : i32
        %dma_start3A_310 = tpu.memref_slice %arg6[%run_scoped3A_239, %dma_start3A_309] : memref<2x128xi32, #tpu.memory_space<vmem>> -> memref<1x128xi32, #tpu.memory_space<vmem>>
        %dma_start3A_311 = tpu.memref_squeeze %dma_start3A_310 : memref<1x128xi32, #tpu.memory_space<vmem>> -> memref<128xi32, #tpu.memory_space<vmem>>
        %dma_start3A_312 = arith.constant 0 : i32
        %dma_start3A_313 = arith.constant 0 : i32
        %dma_start3A_314 = tpu.memref_slice %arg11[%dma_start3A_312, %dma_start3A_313] : memref<10240x128xf32, #tpu.memory_space<vmem_shared>> -> memref<10240x128xf32, #tpu.memory_space<vmem_shared>>
        tpu.enqueue_indirect_dma source(%arg10 : memref<128x128xf32, #tpu.memory_space<vmem>>) target(%dma_start3A_314 : memref<10240x128xf32, #tpu.memory_space<vmem_shared>>) offsets(%dma_start3A_311 : memref<128xi32, #tpu.memory_space<vmem>>) semaphore(%run_scoped3A_308 : memref<!tpu.dma_semaphore, #tpu.memory_space<semaphore_mem>>) {add = true}
        %dma_wait3A_315 = arith.constant 0 : i32
        %dma_wait3A_316 = tpu.memref_slice %arg6[%run_scoped3A_239, %dma_wait3A_315] : memref<2x128xi32, #tpu.memory_space<vmem>> -> memref<1x128xi32, #tpu.memory_space<vmem>>
        %dma_wait3A_317 = tpu.memref_squeeze %dma_wait3A_316 : memref<1x128xi32, #tpu.memory_space<vmem>> -> memref<128xi32, #tpu.memory_space<vmem>>
        %dma_wait3A_318 = arith.constant 0 : i32
        %dma_wait3A_319 = arith.constant 0 : i32
        %dma_wait3A_320 = tpu.memref_slice %arg11[%dma_wait3A_318, %dma_wait3A_319] : memref<10240x128xf32, #tpu.memory_space<vmem_shared>> -> memref<10240x128xf32, #tpu.memory_space<vmem_shared>>
        tpu.wait_indirect_dma semaphore(%run_scoped3A_308 : memref<!tpu.dma_semaphore, #tpu.memory_space<semaphore_mem>>) src(%arg10 : memref<128x128xf32, #tpu.memory_space<vmem>>) dst(%dma_wait3A_320 : memref<10240x128xf32, #tpu.memory_space<vmem_shared>>)
        tpu.yield
      }) : () -> ()
      %add3A_240 = arith.constant 5 : i32
      %add3A_241 = arith.addi %mul3A_160, %add3A_240 : i32
      %add3A_242 = arith.addi %mul3A_2, %add3A_241 : i32
      %dma_start3A_243 = arith.constant 0 : i32
      %dma_start3A_244 = arith.constant 0 : i32
      %dma_start3A_245 = tpu.memref_slice %arg3[%add3A_242, %dma_start3A_243, %dma_start3A_244] : memref<2560x2x128xi32, #tpu.memory_space<hbm>> -> memref<1x2x128xi32, #tpu.memory_space<hbm>>
      %dma_start3A_246 = tpu.memref_squeeze %dma_start3A_245 : memref<1x2x128xi32, #tpu.memory_space<hbm>> -> memref<2x128xi32, #tpu.memory_space<hbm>>
      %dma_start3A_247 = arith.constant 0 : i32
      %dma_start3A_248 = arith.constant 0 : i32
      %dma_start3A_249 = tpu.memref_slice %arg3[%add3A_242, %dma_start3A_247, %dma_start3A_248] : memref<2560x2x128xi32, #tpu.memory_space<hbm>> -> memref<1x2x128xi32, #tpu.memory_space<hbm>>
      %dma_start3A_250 = tpu.memref_squeeze %dma_start3A_249 : memref<1x2x128xi32, #tpu.memory_space<hbm>> -> memref<2x128xi32, #tpu.memory_space<hbm>>
      tpu.enqueue_dma source(%dma_start3A_250 : memref<2x128xi32, #tpu.memory_space<hbm>>) target(%arg6 : memref<2x128xi32, #tpu.memory_space<vmem>>) target_semaphore(%arg13 : memref<!tpu.dma_semaphore, #tpu.memory_space<semaphore_mem>>)
      %add3A_251 = arith.constant 3 : i32
      %add3A_252 = arith.addi %mul3A_160, %add3A_251 : i32
      %add3A_253 = arith.addi %mul3A_2, %add3A_252 : i32
      %dma_wait3A_254 = arith.constant 0 : i32
      %dma_wait3A_255 = arith.constant 0 : i32
      %dma_wait3A_256 = tpu.memref_slice %arg3[%add3A_253, %dma_wait3A_254, %dma_wait3A_255] : memref<2560x2x128xi32, #tpu.memory_space<hbm>> -> memref<1x2x128xi32, #tpu.memory_space<hbm>>
      %dma_wait3A_257 = tpu.memref_squeeze %dma_wait3A_256 : memref<1x2x128xi32, #tpu.memory_space<hbm>> -> memref<2x128xi32, #tpu.memory_space<hbm>>
      %dma_wait3A_258 = arith.constant 0 : i32
      %dma_wait3A_259 = arith.constant 0 : i32
      %dma_wait3A_260 = tpu.memref_slice %arg3[%add3A_253, %dma_wait3A_258, %dma_wait3A_259] : memref<2560x2x128xi32, #tpu.memory_space<hbm>> -> memref<1x2x128xi32, #tpu.memory_space<hbm>>
      %dma_wait3A_261 = tpu.memref_squeeze %dma_wait3A_260 : memref<1x2x128xi32, #tpu.memory_space<hbm>> -> memref<2x128xi32, #tpu.memory_space<hbm>>
      tpu.wait_dma2 semaphore(%arg15 : memref<!tpu.dma_semaphore, #tpu.memory_space<semaphore_mem>>) src(%dma_wait3A_261 : memref<2x128xi32, #tpu.memory_space<hbm>>) dst(%arg8 : memref<2x128xi32, #tpu.memory_space<vmem>>)
      %dma_start3A_262 = arith.constant 0 : i32
      %dma_start3A_263 = arith.constant 0 : i32
      %dma_start3A_264 = tpu.memref_slice %arg8[%dma_start3A_262, %dma_start3A_263] : memref<2x128xi32, #tpu.memory_space<vmem>> -> memref<1x128xi32, #tpu.memory_space<vmem>>
      %dma_start3A_265 = tpu.memref_squeeze %dma_start3A_264 : memref<1x128xi32, #tpu.memory_space<vmem>> -> memref<128xi32, #tpu.memory_space<vmem>>
      %dma_start3A_266 = arith.constant 0 : i32
      %dma_start3A_267 = arith.constant 0 : i32
      %dma_start3A_268 = tpu.memref_slice %arg2[%dma_start3A_266, %dma_start3A_267] : memref<10240x128xf32, #tpu.memory_space<hbm>> -> memref<10240x128xf32, #tpu.memory_space<hbm>>
      tpu.enqueue_indirect_dma source(%dma_start3A_268 : memref<10240x128xf32, #tpu.memory_space<hbm>>) target(%arg10 : memref<128x128xf32, #tpu.memory_space<vmem>>) offsets(%dma_start3A_265 : memref<128xi32, #tpu.memory_space<vmem>>) semaphore(%arg17 : memref<!tpu.dma_semaphore, #tpu.memory_space<semaphore_mem>>)
      %dma_wait3A_269 = arith.constant 0 : i32
      %dma_wait3A_270 = arith.constant 0 : i32
      %dma_wait3A_271 = tpu.memref_slice %arg7[%dma_wait3A_269, %dma_wait3A_270] : memref<2x128xi32, #tpu.memory_space<vmem>> -> memref<1x128xi32, #tpu.memory_space<vmem>>
      %dma_wait3A_272 = tpu.memref_squeeze %dma_wait3A_271 : memref<1x128xi32, #tpu.memory_space<vmem>> -> memref<128xi32, #tpu.memory_space<vmem>>
      %dma_wait3A_273 = arith.constant 0 : i32
      %dma_wait3A_274 = arith.constant 0 : i32
      %dma_wait3A_275 = tpu.memref_slice %arg2[%dma_wait3A_273, %dma_wait3A_274] : memref<10240x128xf32, #tpu.memory_space<hbm>> -> memref<10240x128xf32, #tpu.memory_space<hbm>>
      tpu.wait_indirect_dma semaphore(%arg16 : memref<!tpu.dma_semaphore, #tpu.memory_space<semaphore_mem>>) src(%dma_wait3A_275 : memref<10240x128xf32, #tpu.memory_space<hbm>>) dst(%arg9 : memref<128x128xf32, #tpu.memory_space<vmem>>)
      %run_scoped3A_276 = arith.constant 1 : i32
      "tpu.region"() ({
        %run_scoped3A_308 = tpu.sem_alloc : memref<!tpu.dma_semaphore, #tpu.memory_space<semaphore_mem>>
        %dma_start3A_309 = arith.constant 0 : i32
        %dma_start3A_310 = tpu.memref_slice %arg7[%run_scoped3A_276, %dma_start3A_309] : memref<2x128xi32, #tpu.memory_space<vmem>> -> memref<1x128xi32, #tpu.memory_space<vmem>>
        %dma_start3A_311 = tpu.memref_squeeze %dma_start3A_310 : memref<1x128xi32, #tpu.memory_space<vmem>> -> memref<128xi32, #tpu.memory_space<vmem>>
        %dma_start3A_312 = arith.constant 0 : i32
        %dma_start3A_313 = arith.constant 0 : i32
        %dma_start3A_314 = tpu.memref_slice %arg11[%dma_start3A_312, %dma_start3A_313] : memref<10240x128xf32, #tpu.memory_space<vmem_shared>> -> memref<10240x128xf32, #tpu.memory_space<vmem_shared>>
        tpu.enqueue_indirect_dma source(%arg9 : memref<128x128xf32, #tpu.memory_space<vmem>>) target(%dma_start3A_314 : memref<10240x128xf32, #tpu.memory_space<vmem_shared>>) offsets(%dma_start3A_311 : memref<128xi32, #tpu.memory_space<vmem>>) semaphore(%run_scoped3A_308 : memref<!tpu.dma_semaphore, #tpu.memory_space<semaphore_mem>>) {add = true}
        %dma_wait3A_315 = arith.constant 0 : i32
        %dma_wait3A_316 = tpu.memref_slice %arg7[%run_scoped3A_276, %dma_wait3A_315] : memref<2x128xi32, #tpu.memory_space<vmem>> -> memref<1x128xi32, #tpu.memory_space<vmem>>
        %dma_wait3A_317 = tpu.memref_squeeze %dma_wait3A_316 : memref<1x128xi32, #tpu.memory_space<vmem>> -> memref<128xi32, #tpu.memory_space<vmem>>
        %dma_wait3A_318 = arith.constant 0 : i32
        %dma_wait3A_319 = arith.constant 0 : i32
        %dma_wait3A_320 = tpu.memref_slice %arg11[%dma_wait3A_318, %dma_wait3A_319] : memref<10240x128xf32, #tpu.memory_space<vmem_shared>> -> memref<10240x128xf32, #tpu.memory_space<vmem_shared>>
        tpu.wait_indirect_dma semaphore(%run_scoped3A_308 : memref<!tpu.dma_semaphore, #tpu.memory_space<semaphore_mem>>) src(%arg9 : memref<128x128xf32, #tpu.memory_space<vmem>>) dst(%dma_wait3A_320 : memref<10240x128xf32, #tpu.memory_space<vmem_shared>>)
        tpu.yield
      }) : () -> ()
      %add3A_277 = arith.constant 6 : i32
      %add3A_278 = arith.addi %mul3A_160, %add3A_277 : i32
      %add3A_279 = arith.addi %mul3A_2, %add3A_278 : i32
      %dma_start3A_280 = arith.constant 0 : i32
      %dma_start3A_281 = arith.constant 0 : i32
      %dma_start3A_282 = tpu.memref_slice %arg3[%add3A_279, %dma_start3A_280, %dma_start3A_281] : memref<2560x2x128xi32, #tpu.memory_space<hbm>> -> memref<1x2x128xi32, #tpu.memory_space<hbm>>
      %dma_start3A_283 = tpu.memref_squeeze %dma_start3A_282 : memref<1x2x128xi32, #tpu.memory_space<hbm>> -> memref<2x128xi32, #tpu.memory_space<hbm>>
      %dma_start3A_284 = arith.constant 0 : i32
      %dma_start3A_285 = arith.constant 0 : i32
      %dma_start3A_286 = tpu.memref_slice %arg3[%add3A_279, %dma_start3A_284, %dma_start3A_285] : memref<2560x2x128xi32, #tpu.memory_space<hbm>> -> memref<1x2x128xi32, #tpu.memory_space<hbm>>
      %dma_start3A_287 = tpu.memref_squeeze %dma_start3A_286 : memref<1x2x128xi32, #tpu.memory_space<hbm>> -> memref<2x128xi32, #tpu.memory_space<hbm>>
      tpu.enqueue_dma source(%dma_start3A_287 : memref<2x128xi32, #tpu.memory_space<hbm>>) target(%arg7 : memref<2x128xi32, #tpu.memory_space<vmem>>) target_semaphore(%arg14 : memref<!tpu.dma_semaphore, #tpu.memory_space<semaphore_mem>>)
      %dma_wait3A_288 = arith.constant 0 : i32
      %dma_wait3A_289 = arith.constant 0 : i32
      %dma_wait3A_290 = tpu.memref_slice %arg8[%dma_wait3A_288, %dma_wait3A_289] : memref<2x128xi32, #tpu.memory_space<vmem>> -> memref<1x128xi32, #tpu.memory_space<vmem>>
      %dma_wait3A_291 = tpu.memref_squeeze %dma_wait3A_290 : memref<1x128xi32, #tpu.memory_space<vmem>> -> memref<128xi32, #tpu.memory_space<vmem>>
      %dma_wait3A_292 = arith.constant 0 : i32
      %dma_wait3A_293 = arith.constant 0 : i32
      %dma_wait3A_294 = tpu.memref_slice %arg2[%dma_wait3A_292, %dma_wait3A_293] : memref<10240x128xf32, #tpu.memory_space<hbm>> -> memref<10240x128xf32, #tpu.memory_space<hbm>>
      tpu.wait_indirect_dma semaphore(%arg17 : memref<!tpu.dma_semaphore, #tpu.memory_space<semaphore_mem>>) src(%dma_wait3A_294 : memref<10240x128xf32, #tpu.memory_space<hbm>>) dst(%arg10 : memref<128x128xf32, #tpu.memory_space<vmem>>)
      %run_scoped3A_295 = arith.constant 1 : i32
      "tpu.region"() ({
        %run_scoped3A_308 = tpu.sem_alloc : memref<!tpu.dma_semaphore, #tpu.memory_space<semaphore_mem>>
        %dma_start3A_309 = arith.constant 0 : i32
        %dma_start3A_310 = tpu.memref_slice %arg8[%run_scoped3A_295, %dma_start3A_309] : memref<2x128xi32, #tpu.memory_space<vmem>> -> memref<1x128xi32, #tpu.memory_space<vmem>>
        %dma_start3A_311 = tpu.memref_squeeze %dma_start3A_310 : memref<1x128xi32, #tpu.memory_space<vmem>> -> memref<128xi32, #tpu.memory_space<vmem>>
        %dma_start3A_312 = arith.constant 0 : i32
        %dma_start3A_313 = arith.constant 0 : i32
        %dma_start3A_314 = tpu.memref_slice %arg11[%dma_start3A_312, %dma_start3A_313] : memref<10240x128xf32, #tpu.memory_space<vmem_shared>> -> memref<10240x128xf32, #tpu.memory_space<vmem_shared>>
        tpu.enqueue_indirect_dma source(%arg10 : memref<128x128xf32, #tpu.memory_space<vmem>>) target(%dma_start3A_314 : memref<10240x128xf32, #tpu.memory_space<vmem_shared>>) offsets(%dma_start3A_311 : memref<128xi32, #tpu.memory_space<vmem>>) semaphore(%run_scoped3A_308 : memref<!tpu.dma_semaphore, #tpu.memory_space<semaphore_mem>>) {add = true}
        %dma_wait3A_315 = arith.constant 0 : i32
        %dma_wait3A_316 = tpu.memref_slice %arg8[%run_scoped3A_295, %dma_wait3A_315] : memref<2x128xi32, #tpu.memory_space<vmem>> -> memref<1x128xi32, #tpu.memory_space<vmem>>
        %dma_wait3A_317 = tpu.memref_squeeze %dma_wait3A_316 : memref<1x128xi32, #tpu.memory_space<vmem>> -> memref<128xi32, #tpu.memory_space<vmem>>
        %dma_wait3A_318 = arith.constant 0 : i32
        %dma_wait3A_319 = arith.constant 0 : i32
        %dma_wait3A_320 = tpu.memref_slice %arg11[%dma_wait3A_318, %dma_wait3A_319] : memref<10240x128xf32, #tpu.memory_space<vmem_shared>> -> memref<10240x128xf32, #tpu.memory_space<vmem_shared>>
        tpu.wait_indirect_dma semaphore(%run_scoped3A_308 : memref<!tpu.dma_semaphore, #tpu.memory_space<semaphore_mem>>) src(%arg10 : memref<128x128xf32, #tpu.memory_space<vmem>>) dst(%dma_wait3A_320 : memref<10240x128xf32, #tpu.memory_space<vmem_shared>>)
        tpu.yield
      }) : () -> ()
      %add3A_296 = arith.constant 7 : i32
      %add3A_297 = arith.addi %mul3A_160, %add3A_296 : i32
      %add3A_298 = arith.addi %mul3A_2, %add3A_297 : i32
      %dma_start3A_299 = arith.constant 0 : i32
      %dma_start3A_300 = arith.constant 0 : i32
      %dma_start3A_301 = tpu.memref_slice %arg3[%add3A_298, %dma_start3A_299, %dma_start3A_300] : memref<2560x2x128xi32, #tpu.memory_space<hbm>> -> memref<1x2x128xi32, #tpu.memory_space<hbm>>
      %dma_start3A_302 = tpu.memref_squeeze %dma_start3A_301 : memref<1x2x128xi32, #tpu.memory_space<hbm>> -> memref<2x128xi32, #tpu.memory_space<hbm>>
      %dma_start3A_303 = arith.constant 0 : i32
      %dma_start3A_304 = arith.constant 0 : i32
      %dma_start3A_305 = tpu.memref_slice %arg3[%add3A_298, %dma_start3A_303, %dma_start3A_304] : memref<2560x2x128xi32, #tpu.memory_space<hbm>> -> memref<1x2x128xi32, #tpu.memory_space<hbm>>
      %dma_start3A_306 = tpu.memref_squeeze %dma_start3A_305 : memref<1x2x128xi32, #tpu.memory_space<hbm>> -> memref<2x128xi32, #tpu.memory_space<hbm>>
      tpu.enqueue_dma source(%dma_start3A_306 : memref<2x128xi32, #tpu.memory_space<hbm>>) target(%arg8 : memref<2x128xi32, #tpu.memory_space<vmem>>) target_semaphore(%arg15 : memref<!tpu.dma_semaphore, #tpu.memory_space<semaphore_mem>>)
      %scan3A_307 = arith.constant 0 : i32
      scf.yield %scan3A_307 : i32
    }
    %scan3A_53 = arith.constant 19 : i32
    %add3A_54 = arith.constant 76 : i32
    %add3A_55 = arith.addi %mul3A_2, %add3A_54 : i32
    %dma_wait3A = arith.constant 0 : i32
    %dma_wait3A_56 = arith.constant 0 : i32
    %dma_wait3A_57 = tpu.memref_slice %arg3[%add3A_55, %dma_wait3A, %dma_wait3A_56] : memref<2560x2x128xi32, #tpu.memory_space<hbm>> -> memref<1x2x128xi32, #tpu.memory_space<hbm>>
    %dma_wait3A_58 = tpu.memref_squeeze %dma_wait3A_57 : memref<1x2x128xi32, #tpu.memory_space<hbm>> -> memref<2x128xi32, #tpu.memory_space<hbm>>
    %dma_wait3A_59 = arith.constant 0 : i32
    %dma_wait3A_60 = arith.constant 0 : i32
    %dma_wait3A_61 = tpu.memref_slice %arg3[%add3A_55, %dma_wait3A_59, %dma_wait3A_60] : memref<2560x2x128xi32, #tpu.memory_space<hbm>> -> memref<1x2x128xi32, #tpu.memory_space<hbm>>
    %dma_wait3A_62 = tpu.memref_squeeze %dma_wait3A_61 : memref<1x2x128xi32, #tpu.memory_space<hbm>> -> memref<2x128xi32, #tpu.memory_space<hbm>>
    tpu.wait_dma2 semaphore(%arg12 : memref<!tpu.dma_semaphore, #tpu.memory_space<semaphore_mem>>) src(%dma_wait3A_62 : memref<2x128xi32, #tpu.memory_space<hbm>>) dst(%arg5 : memref<2x128xi32, #tpu.memory_space<vmem>>)
    %dma_start3A_63 = arith.constant 0 : i32
    %dma_start3A_64 = arith.constant 0 : i32
    %dma_start3A_65 = tpu.memref_slice %arg5[%dma_start3A_63, %dma_start3A_64] : memref<2x128xi32, #tpu.memory_space<vmem>> -> memref<1x128xi32, #tpu.memory_space<vmem>>
    %dma_start3A_66 = tpu.memref_squeeze %dma_start3A_65 : memref<1x128xi32, #tpu.memory_space<vmem>> -> memref<128xi32, #tpu.memory_space<vmem>>
    %dma_start3A_67 = arith.constant 0 : i32
    %dma_start3A_68 = arith.constant 0 : i32
    %dma_start3A_69 = tpu.memref_slice %arg2[%dma_start3A_67, %dma_start3A_68] : memref<10240x128xf32, #tpu.memory_space<hbm>> -> memref<10240x128xf32, #tpu.memory_space<hbm>>
    tpu.enqueue_indirect_dma source(%dma_start3A_69 : memref<10240x128xf32, #tpu.memory_space<hbm>>) target(%arg9 : memref<128x128xf32, #tpu.memory_space<vmem>>) offsets(%dma_start3A_66 : memref<128xi32, #tpu.memory_space<vmem>>) semaphore(%arg16 : memref<!tpu.dma_semaphore, #tpu.memory_space<semaphore_mem>>)
    %add3A_70 = arith.constant 77 : i32
    %add3A_71 = arith.addi %mul3A_2, %add3A_70 : i32
    %dma_wait3A_72 = arith.constant 0 : i32
    %dma_wait3A_73 = arith.constant 0 : i32
    %dma_wait3A_74 = tpu.memref_slice %arg3[%add3A_71, %dma_wait3A_72, %dma_wait3A_73] : memref<2560x2x128xi32, #tpu.memory_space<hbm>> -> memref<1x2x128xi32, #tpu.memory_space<hbm>>
    %dma_wait3A_75 = tpu.memref_squeeze %dma_wait3A_74 : memref<1x2x128xi32, #tpu.memory_space<hbm>> -> memref<2x128xi32, #tpu.memory_space<hbm>>
    %dma_wait3A_76 = arith.constant 0 : i32
    %dma_wait3A_77 = arith.constant 0 : i32
    %dma_wait3A_78 = tpu.memref_slice %arg3[%add3A_71, %dma_wait3A_76, %dma_wait3A_77] : memref<2560x2x128xi32, #tpu.memory_space<hbm>> -> memref<1x2x128xi32, #tpu.memory_space<hbm>>
    %dma_wait3A_79 = tpu.memref_squeeze %dma_wait3A_78 : memref<1x2x128xi32, #tpu.memory_space<hbm>> -> memref<2x128xi32, #tpu.memory_space<hbm>>
    tpu.wait_dma2 semaphore(%arg13 : memref<!tpu.dma_semaphore, #tpu.memory_space<semaphore_mem>>) src(%dma_wait3A_79 : memref<2x128xi32, #tpu.memory_space<hbm>>) dst(%arg6 : memref<2x128xi32, #tpu.memory_space<vmem>>)
    %dma_start3A_80 = arith.constant 0 : i32
    %dma_start3A_81 = arith.constant 0 : i32
    %dma_start3A_82 = tpu.memref_slice %arg6[%dma_start3A_80, %dma_start3A_81] : memref<2x128xi32, #tpu.memory_space<vmem>> -> memref<1x128xi32, #tpu.memory_space<vmem>>
    %dma_start3A_83 = tpu.memref_squeeze %dma_start3A_82 : memref<1x128xi32, #tpu.memory_space<vmem>> -> memref<128xi32, #tpu.memory_space<vmem>>
    %dma_start3A_84 = arith.constant 0 : i32
    %dma_start3A_85 = arith.constant 0 : i32
    %dma_start3A_86 = tpu.memref_slice %arg2[%dma_start3A_84, %dma_start3A_85] : memref<10240x128xf32, #tpu.memory_space<hbm>> -> memref<10240x128xf32, #tpu.memory_space<hbm>>
    tpu.enqueue_indirect_dma source(%dma_start3A_86 : memref<10240x128xf32, #tpu.memory_space<hbm>>) target(%arg10 : memref<128x128xf32, #tpu.memory_space<vmem>>) offsets(%dma_start3A_83 : memref<128xi32, #tpu.memory_space<vmem>>) semaphore(%arg17 : memref<!tpu.dma_semaphore, #tpu.memory_space<semaphore_mem>>)
    %dma_wait3A_87 = arith.constant 0 : i32
    %dma_wait3A_88 = arith.constant 0 : i32
    %dma_wait3A_89 = tpu.memref_slice %arg5[%dma_wait3A_87, %dma_wait3A_88] : memref<2x128xi32, #tpu.memory_space<vmem>> -> memref<1x128xi32, #tpu.memory_space<vmem>>
    %dma_wait3A_90 = tpu.memref_squeeze %dma_wait3A_89 : memref<1x128xi32, #tpu.memory_space<vmem>> -> memref<128xi32, #tpu.memory_space<vmem>>
    %dma_wait3A_91 = arith.constant 0 : i32
    %dma_wait3A_92 = arith.constant 0 : i32
    %dma_wait3A_93 = tpu.memref_slice %arg2[%dma_wait3A_91, %dma_wait3A_92] : memref<10240x128xf32, #tpu.memory_space<hbm>> -> memref<10240x128xf32, #tpu.memory_space<hbm>>
    tpu.wait_indirect_dma semaphore(%arg16 : memref<!tpu.dma_semaphore, #tpu.memory_space<semaphore_mem>>) src(%dma_wait3A_93 : memref<10240x128xf32, #tpu.memory_space<hbm>>) dst(%arg9 : memref<128x128xf32, #tpu.memory_space<vmem>>)
    %run_scoped3A = arith.constant 1 : i32
    "tpu.region"() ({
      %run_scoped3A_157 = tpu.sem_alloc : memref<!tpu.dma_semaphore, #tpu.memory_space<semaphore_mem>>
      %dma_start3A_158 = arith.constant 0 : i32
      %dma_start3A_159 = tpu.memref_slice %arg5[%run_scoped3A, %dma_start3A_158] : memref<2x128xi32, #tpu.memory_space<vmem>> -> memref<1x128xi32, #tpu.memory_space<vmem>>
      %dma_start3A_160 = tpu.memref_squeeze %dma_start3A_159 : memref<1x128xi32, #tpu.memory_space<vmem>> -> memref<128xi32, #tpu.memory_space<vmem>>
      %dma_start3A_161 = arith.constant 0 : i32
      %dma_start3A_162 = arith.constant 0 : i32
      %dma_start3A_163 = tpu.memref_slice %arg11[%dma_start3A_161, %dma_start3A_162] : memref<10240x128xf32, #tpu.memory_space<vmem_shared>> -> memref<10240x128xf32, #tpu.memory_space<vmem_shared>>
      tpu.enqueue_indirect_dma source(%arg9 : memref<128x128xf32, #tpu.memory_space<vmem>>) target(%dma_start3A_163 : memref<10240x128xf32, #tpu.memory_space<vmem_shared>>) offsets(%dma_start3A_160 : memref<128xi32, #tpu.memory_space<vmem>>) semaphore(%run_scoped3A_157 : memref<!tpu.dma_semaphore, #tpu.memory_space<semaphore_mem>>) {add = true}
      %dma_wait3A_164 = arith.constant 0 : i32
      %dma_wait3A_165 = tpu.memref_slice %arg5[%run_scoped3A, %dma_wait3A_164] : memref<2x128xi32, #tpu.memory_space<vmem>> -> memref<1x128xi32, #tpu.memory_space<vmem>>
      %dma_wait3A_166 = tpu.memref_squeeze %dma_wait3A_165 : memref<1x128xi32, #tpu.memory_space<vmem>> -> memref<128xi32, #tpu.memory_space<vmem>>
      %dma_wait3A_167 = arith.constant 0 : i32
      %dma_wait3A_168 = arith.constant 0 : i32
      %dma_wait3A_169 = tpu.memref_slice %arg11[%dma_wait3A_167, %dma_wait3A_168] : memref<10240x128xf32, #tpu.memory_space<vmem_shared>> -> memref<10240x128xf32, #tpu.memory_space<vmem_shared>>
      tpu.wait_indirect_dma semaphore(%run_scoped3A_157 : memref<!tpu.dma_semaphore, #tpu.memory_space<semaphore_mem>>) src(%arg9 : memref<128x128xf32, #tpu.memory_space<vmem>>) dst(%dma_wait3A_169 : memref<10240x128xf32, #tpu.memory_space<vmem_shared>>)
      tpu.yield
    }) : () -> ()
    %add3A_94 = arith.constant 78 : i32
    %add3A_95 = arith.addi %mul3A_2, %add3A_94 : i32
    %dma_wait3A_96 = arith.constant 0 : i32
    %dma_wait3A_97 = arith.constant 0 : i32
    %dma_wait3A_98 = tpu.memref_slice %arg3[%add3A_95, %dma_wait3A_96, %dma_wait3A_97] : memref<2560x2x128xi32, #tpu.memory_space<hbm>> -> memref<1x2x128xi32, #tpu.memory_space<hbm>>
    %dma_wait3A_99 = tpu.memref_squeeze %dma_wait3A_98 : memref<1x2x128xi32, #tpu.memory_space<hbm>> -> memref<2x128xi32, #tpu.memory_space<hbm>>
    %dma_wait3A_100 = arith.constant 0 : i32
    %dma_wait3A_101 = arith.constant 0 : i32
    %dma_wait3A_102 = tpu.memref_slice %arg3[%add3A_95, %dma_wait3A_100, %dma_wait3A_101] : memref<2560x2x128xi32, #tpu.memory_space<hbm>> -> memref<1x2x128xi32, #tpu.memory_space<hbm>>
    %dma_wait3A_103 = tpu.memref_squeeze %dma_wait3A_102 : memref<1x2x128xi32, #tpu.memory_space<hbm>> -> memref<2x128xi32, #tpu.memory_space<hbm>>
    tpu.wait_dma2 semaphore(%arg14 : memref<!tpu.dma_semaphore, #tpu.memory_space<semaphore_mem>>) src(%dma_wait3A_103 : memref<2x128xi32, #tpu.memory_space<hbm>>) dst(%arg7 : memref<2x128xi32, #tpu.memory_space<vmem>>)
    %dma_start3A_104 = arith.constant 0 : i32
    %dma_start3A_105 = arith.constant 0 : i32
    %dma_start3A_106 = tpu.memref_slice %arg7[%dma_start3A_104, %dma_start3A_105] : memref<2x128xi32, #tpu.memory_space<vmem>> -> memref<1x128xi32, #tpu.memory_space<vmem>>
    %dma_start3A_107 = tpu.memref_squeeze %dma_start3A_106 : memref<1x128xi32, #tpu.memory_space<vmem>> -> memref<128xi32, #tpu.memory_space<vmem>>
    %dma_start3A_108 = arith.constant 0 : i32
    %dma_start3A_109 = arith.constant 0 : i32
    %dma_start3A_110 = tpu.memref_slice %arg2[%dma_start3A_108, %dma_start3A_109] : memref<10240x128xf32, #tpu.memory_space<hbm>> -> memref<10240x128xf32, #tpu.memory_space<hbm>>
    tpu.enqueue_indirect_dma source(%dma_start3A_110 : memref<10240x128xf32, #tpu.memory_space<hbm>>) target(%arg9 : memref<128x128xf32, #tpu.memory_space<vmem>>) offsets(%dma_start3A_107 : memref<128xi32, #tpu.memory_space<vmem>>) semaphore(%arg16 : memref<!tpu.dma_semaphore, #tpu.memory_space<semaphore_mem>>)
    %dma_wait3A_111 = arith.constant 0 : i32
    %dma_wait3A_112 = arith.constant 0 : i32
    %dma_wait3A_113 = tpu.memref_slice %arg6[%dma_wait3A_111, %dma_wait3A_112] : memref<2x128xi32, #tpu.memory_space<vmem>> -> memref<1x128xi32, #tpu.memory_space<vmem>>
    %dma_wait3A_114 = tpu.memref_squeeze %dma_wait3A_113 : memref<1x128xi32, #tpu.memory_space<vmem>> -> memref<128xi32, #tpu.memory_space<vmem>>
    %dma_wait3A_115 = arith.constant 0 : i32
    %dma_wait3A_116 = arith.constant 0 : i32
    %dma_wait3A_117 = tpu.memref_slice %arg2[%dma_wait3A_115, %dma_wait3A_116] : memref<10240x128xf32, #tpu.memory_space<hbm>> -> memref<10240x128xf32, #tpu.memory_space<hbm>>
    tpu.wait_indirect_dma semaphore(%arg17 : memref<!tpu.dma_semaphore, #tpu.memory_space<semaphore_mem>>) src(%dma_wait3A_117 : memref<10240x128xf32, #tpu.memory_space<hbm>>) dst(%arg10 : memref<128x128xf32, #tpu.memory_space<vmem>>)
    %run_scoped3A_118 = arith.constant 1 : i32
    "tpu.region"() ({
      %run_scoped3A_157 = tpu.sem_alloc : memref<!tpu.dma_semaphore, #tpu.memory_space<semaphore_mem>>
      %dma_start3A_158 = arith.constant 0 : i32
      %dma_start3A_159 = tpu.memref_slice %arg6[%run_scoped3A_118, %dma_start3A_158] : memref<2x128xi32, #tpu.memory_space<vmem>> -> memref<1x128xi32, #tpu.memory_space<vmem>>
      %dma_start3A_160 = tpu.memref_squeeze %dma_start3A_159 : memref<1x128xi32, #tpu.memory_space<vmem>> -> memref<128xi32, #tpu.memory_space<vmem>>
      %dma_start3A_161 = arith.constant 0 : i32
      %dma_start3A_162 = arith.constant 0 : i32
      %dma_start3A_163 = tpu.memref_slice %arg11[%dma_start3A_161, %dma_start3A_162] : memref<10240x128xf32, #tpu.memory_space<vmem_shared>> -> memref<10240x128xf32, #tpu.memory_space<vmem_shared>>
      tpu.enqueue_indirect_dma source(%arg10 : memref<128x128xf32, #tpu.memory_space<vmem>>) target(%dma_start3A_163 : memref<10240x128xf32, #tpu.memory_space<vmem_shared>>) offsets(%dma_start3A_160 : memref<128xi32, #tpu.memory_space<vmem>>) semaphore(%run_scoped3A_157 : memref<!tpu.dma_semaphore, #tpu.memory_space<semaphore_mem>>) {add = true}
      %dma_wait3A_164 = arith.constant 0 : i32
      %dma_wait3A_165 = tpu.memref_slice %arg6[%run_scoped3A_118, %dma_wait3A_164] : memref<2x128xi32, #tpu.memory_space<vmem>> -> memref<1x128xi32, #tpu.memory_space<vmem>>
      %dma_wait3A_166 = tpu.memref_squeeze %dma_wait3A_165 : memref<1x128xi32, #tpu.memory_space<vmem>> -> memref<128xi32, #tpu.memory_space<vmem>>
      %dma_wait3A_167 = arith.constant 0 : i32
      %dma_wait3A_168 = arith.constant 0 : i32
      %dma_wait3A_169 = tpu.memref_slice %arg11[%dma_wait3A_167, %dma_wait3A_168] : memref<10240x128xf32, #tpu.memory_space<vmem_shared>> -> memref<10240x128xf32, #tpu.memory_space<vmem_shared>>
      tpu.wait_indirect_dma semaphore(%run_scoped3A_157 : memref<!tpu.dma_semaphore, #tpu.memory_space<semaphore_mem>>) src(%arg10 : memref<128x128xf32, #tpu.memory_space<vmem>>) dst(%dma_wait3A_169 : memref<10240x128xf32, #tpu.memory_space<vmem_shared>>)
      tpu.yield
    }) : () -> ()
    %add3A_119 = arith.constant 79 : i32
    %add3A_120 = arith.addi %mul3A_2, %add3A_119 : i32
    %dma_wait3A_121 = arith.constant 0 : i32
    %dma_wait3A_122 = arith.constant 0 : i32
    %dma_wait3A_123 = tpu.memref_slice %arg3[%add3A_120, %dma_wait3A_121, %dma_wait3A_122] : memref<2560x2x128xi32, #tpu.memory_space<hbm>> -> memref<1x2x128xi32, #tpu.memory_space<hbm>>
    %dma_wait3A_124 = tpu.memref_squeeze %dma_wait3A_123 : memref<1x2x128xi32, #tpu.memory_space<hbm>> -> memref<2x128xi32, #tpu.memory_space<hbm>>
    %dma_wait3A_125 = arith.constant 0 : i32
    %dma_wait3A_126 = arith.constant 0 : i32
    %dma_wait3A_127 = tpu.memref_slice %arg3[%add3A_120, %dma_wait3A_125, %dma_wait3A_126] : memref<2560x2x128xi32, #tpu.memory_space<hbm>> -> memref<1x2x128xi32, #tpu.memory_space<hbm>>
    %dma_wait3A_128 = tpu.memref_squeeze %dma_wait3A_127 : memref<1x2x128xi32, #tpu.memory_space<hbm>> -> memref<2x128xi32, #tpu.memory_space<hbm>>
    tpu.wait_dma2 semaphore(%arg15 : memref<!tpu.dma_semaphore, #tpu.memory_space<semaphore_mem>>) src(%dma_wait3A_128 : memref<2x128xi32, #tpu.memory_space<hbm>>) dst(%arg8 : memref<2x128xi32, #tpu.memory_space<vmem>>)
    %dma_start3A_129 = arith.constant 0 : i32
    %dma_start3A_130 = arith.constant 0 : i32
    %dma_start3A_131 = tpu.memref_slice %arg8[%dma_start3A_129, %dma_start3A_130] : memref<2x128xi32, #tpu.memory_space<vmem>> -> memref<1x128xi32, #tpu.memory_space<vmem>>
    %dma_start3A_132 = tpu.memref_squeeze %dma_start3A_131 : memref<1x128xi32, #tpu.memory_space<vmem>> -> memref<128xi32, #tpu.memory_space<vmem>>
    %dma_start3A_133 = arith.constant 0 : i32
    %dma_start3A_134 = arith.constant 0 : i32
    %dma_start3A_135 = tpu.memref_slice %arg2[%dma_start3A_133, %dma_start3A_134] : memref<10240x128xf32, #tpu.memory_space<hbm>> -> memref<10240x128xf32, #tpu.memory_space<hbm>>
    tpu.enqueue_indirect_dma source(%dma_start3A_135 : memref<10240x128xf32, #tpu.memory_space<hbm>>) target(%arg10 : memref<128x128xf32, #tpu.memory_space<vmem>>) offsets(%dma_start3A_132 : memref<128xi32, #tpu.memory_space<vmem>>) semaphore(%arg17 : memref<!tpu.dma_semaphore, #tpu.memory_space<semaphore_mem>>)
    %dma_wait3A_136 = arith.constant 0 : i32
    %dma_wait3A_137 = arith.constant 0 : i32
    %dma_wait3A_138 = tpu.memref_slice %arg7[%dma_wait3A_136, %dma_wait3A_137] : memref<2x128xi32, #tpu.memory_space<vmem>> -> memref<1x128xi32, #tpu.memory_space<vmem>>
    %dma_wait3A_139 = tpu.memref_squeeze %dma_wait3A_138 : memref<1x128xi32, #tpu.memory_space<vmem>> -> memref<128xi32, #tpu.memory_space<vmem>>
    %dma_wait3A_140 = arith.constant 0 : i32
    %dma_wait3A_141 = arith.constant 0 : i32
    %dma_wait3A_142 = tpu.memref_slice %arg2[%dma_wait3A_140, %dma_wait3A_141] : memref<10240x128xf32, #tpu.memory_space<hbm>> -> memref<10240x128xf32, #tpu.memory_space<hbm>>
    tpu.wait_indirect_dma semaphore(%arg16 : memref<!tpu.dma_semaphore, #tpu.memory_space<semaphore_mem>>) src(%dma_wait3A_142 : memref<10240x128xf32, #tpu.memory_space<hbm>>) dst(%arg9 : memref<128x128xf32, #tpu.memory_space<vmem>>)
    %run_scoped3A_143 = arith.constant 1 : i32
    "tpu.region"() ({
      %run_scoped3A_157 = tpu.sem_alloc : memref<!tpu.dma_semaphore, #tpu.memory_space<semaphore_mem>>
      %dma_start3A_158 = arith.constant 0 : i32
      %dma_start3A_159 = tpu.memref_slice %arg7[%run_scoped3A_143, %dma_start3A_158] : memref<2x128xi32, #tpu.memory_space<vmem>> -> memref<1x128xi32, #tpu.memory_space<vmem>>
      %dma_start3A_160 = tpu.memref_squeeze %dma_start3A_159 : memref<1x128xi32, #tpu.memory_space<vmem>> -> memref<128xi32, #tpu.memory_space<vmem>>
      %dma_start3A_161 = arith.constant 0 : i32
      %dma_start3A_162 = arith.constant 0 : i32
      %dma_start3A_163 = tpu.memref_slice %arg11[%dma_start3A_161, %dma_start3A_162] : memref<10240x128xf32, #tpu.memory_space<vmem_shared>> -> memref<10240x128xf32, #tpu.memory_space<vmem_shared>>
      tpu.enqueue_indirect_dma source(%arg9 : memref<128x128xf32, #tpu.memory_space<vmem>>) target(%dma_start3A_163 : memref<10240x128xf32, #tpu.memory_space<vmem_shared>>) offsets(%dma_start3A_160 : memref<128xi32, #tpu.memory_space<vmem>>) semaphore(%run_scoped3A_157 : memref<!tpu.dma_semaphore, #tpu.memory_space<semaphore_mem>>) {add = true}
      %dma_wait3A_164 = arith.constant 0 : i32
      %dma_wait3A_165 = tpu.memref_slice %arg7[%run_scoped3A_143, %dma_wait3A_164] : memref<2x128xi32, #tpu.memory_space<vmem>> -> memref<1x128xi32, #tpu.memory_space<vmem>>
      %dma_wait3A_166 = tpu.memref_squeeze %dma_wait3A_165 : memref<1x128xi32, #tpu.memory_space<vmem>> -> memref<128xi32, #tpu.memory_space<vmem>>
      %dma_wait3A_167 = arith.constant 0 : i32
      %dma_wait3A_168 = arith.constant 0 : i32
      %dma_wait3A_169 = tpu.memref_slice %arg11[%dma_wait3A_167, %dma_wait3A_168] : memref<10240x128xf32, #tpu.memory_space<vmem_shared>> -> memref<10240x128xf32, #tpu.memory_space<vmem_shared>>
      tpu.wait_indirect_dma semaphore(%run_scoped3A_157 : memref<!tpu.dma_semaphore, #tpu.memory_space<semaphore_mem>>) src(%arg9 : memref<128x128xf32, #tpu.memory_space<vmem>>) dst(%dma_wait3A_169 : memref<10240x128xf32, #tpu.memory_space<vmem_shared>>)
      tpu.yield
    }) : () -> ()
    %dma_wait3A_144 = arith.constant 0 : i32
    %dma_wait3A_145 = arith.constant 0 : i32
    %dma_wait3A_146 = tpu.memref_slice %arg8[%dma_wait3A_144, %dma_wait3A_145] : memref<2x128xi32, #tpu.memory_space<vmem>> -> memref<1x128xi32, #tpu.memory_space<vmem>>
    %dma_wait3A_147 = tpu.memref_squeeze %dma_wait3A_146 : memref<1x128xi32, #tpu.memory_space<vmem>> -> memref<128xi32, #tpu.memory_space<vmem>>
    %dma_wait3A_148 = arith.constant 0 : i32
    %dma_wait3A_149 = arith.constant 0 : i32
    %dma_wait3A_150 = tpu.memref_slice %arg2[%dma_wait3A_148, %dma_wait3A_149] : memref<10240x128xf32, #tpu.memory_space<hbm>> -> memref<10240x128xf32, #tpu.memory_space<hbm>>
    tpu.wait_indirect_dma semaphore(%arg17 : memref<!tpu.dma_semaphore, #tpu.memory_space<semaphore_mem>>) src(%dma_wait3A_150 : memref<10240x128xf32, #tpu.memory_space<hbm>>) dst(%arg10 : memref<128x128xf32, #tpu.memory_space<vmem>>)
    %run_scoped3A_151 = arith.constant 1 : i32
    "tpu.region"() ({
      %run_scoped3A_157 = tpu.sem_alloc : memref<!tpu.dma_semaphore, #tpu.memory_space<semaphore_mem>>
      %dma_start3A_158 = arith.constant 0 : i32
      %dma_start3A_159 = tpu.memref_slice %arg8[%run_scoped3A_151, %dma_start3A_158] : memref<2x128xi32, #tpu.memory_space<vmem>> -> memref<1x128xi32, #tpu.memory_space<vmem>>
      %dma_start3A_160 = tpu.memref_squeeze %dma_start3A_159 : memref<1x128xi32, #tpu.memory_space<vmem>> -> memref<128xi32, #tpu.memory_space<vmem>>
      %dma_start3A_161 = arith.constant 0 : i32
      %dma_start3A_162 = arith.constant 0 : i32
      %dma_start3A_163 = tpu.memref_slice %arg11[%dma_start3A_161, %dma_start3A_162] : memref<10240x128xf32, #tpu.memory_space<vmem_shared>> -> memref<10240x128xf32, #tpu.memory_space<vmem_shared>>
      tpu.enqueue_indirect_dma source(%arg10 : memref<128x128xf32, #tpu.memory_space<vmem>>) target(%dma_start3A_163 : memref<10240x128xf32, #tpu.memory_space<vmem_shared>>) offsets(%dma_start3A_160 : memref<128xi32, #tpu.memory_space<vmem>>) semaphore(%run_scoped3A_157 : memref<!tpu.dma_semaphore, #tpu.memory_space<semaphore_mem>>) {add = true}
      %dma_wait3A_164 = arith.constant 0 : i32
      %dma_wait3A_165 = tpu.memref_slice %arg8[%run_scoped3A_151, %dma_wait3A_164] : memref<2x128xi32, #tpu.memory_space<vmem>> -> memref<1x128xi32, #tpu.memory_space<vmem>>
      %dma_wait3A_166 = tpu.memref_squeeze %dma_wait3A_165 : memref<1x128xi32, #tpu.memory_space<vmem>> -> memref<128xi32, #tpu.memory_space<vmem>>
      %dma_wait3A_167 = arith.constant 0 : i32
      %dma_wait3A_168 = arith.constant 0 : i32
      %dma_wait3A_169 = tpu.memref_slice %arg11[%dma_wait3A_167, %dma_wait3A_168] : memref<10240x128xf32, #tpu.memory_space<vmem_shared>> -> memref<10240x128xf32, #tpu.memory_space<vmem_shared>>
      tpu.wait_indirect_dma semaphore(%run_scoped3A_157 : memref<!tpu.dma_semaphore, #tpu.memory_space<semaphore_mem>>) src(%arg10 : memref<128x128xf32, #tpu.memory_space<vmem>>) dst(%dma_wait3A_169 : memref<10240x128xf32, #tpu.memory_space<vmem_shared>>)
      tpu.yield
    }) : () -> ()
    %barrier3A_152 = arith.constant 0 : index
    tpu.barrier barrier_id(%barrier3A_152)
    %mul3A_153 = arith.constant 640 : i32
    %mul3A_154 = arith.muli %arg1, %mul3A_153 : i32
    %mul3A_155 = arith.constant 640 : i32
    %mul3A_156 = arith.muli %arg1, %mul3A_155 : i32
    "tpu.region"() ({
      %run_scoped3A_157 = tpu.sem_alloc : memref<!tpu.dma_semaphore, #tpu.memory_space<semaphore_mem>>
      %dma_start3A_158 = arith.constant 0 : i32
      %dma_start3A_159 = tpu.memref_slice %arg4[%arg0, %mul3A_156, %dma_start3A_158] : memref<2x10240x128xf32, #tpu.memory_space<hbm>> -> memref<1x640x128xf32, #tpu.memory_space<hbm>>
      %dma_start3A_160 = tpu.memref_squeeze %dma_start3A_159 : memref<1x640x128xf32, #tpu.memory_space<hbm>> -> memref<640x128xf32, #tpu.memory_space<hbm>>
      %dma_start3A_161 = arith.constant 0 : i32
      %dma_start3A_162 = tpu.memref_slice %arg11[%mul3A_154, %dma_start3A_161] : memref<10240x128xf32, #tpu.memory_space<vmem_shared>> -> memref<640x128xf32, #tpu.memory_space<vmem_shared>>
      tpu.enqueue_dma source(%dma_start3A_162 : memref<640x128xf32, #tpu.memory_space<vmem_shared>>) target(%dma_start3A_160 : memref<640x128xf32, #tpu.memory_space<hbm>>) target_semaphore(%run_scoped3A_157 : memref<!tpu.dma_semaphore, #tpu.memory_space<semaphore_mem>>)
      %dma_wait3A_163 = arith.constant 0 : i32
      %dma_wait3A_164 = tpu.memref_slice %arg4[%arg0, %mul3A_156, %dma_wait3A_163] : memref<2x10240x128xf32, #tpu.memory_space<hbm>> -> memref<1x640x128xf32, #tpu.memory_space<hbm>>
      %dma_wait3A_165 = tpu.memref_squeeze %dma_wait3A_164 : memref<1x640x128xf32, #tpu.memory_space<hbm>> -> memref<640x128xf32, #tpu.memory_space<hbm>>
      %dma_wait3A_166 = arith.constant 0 : i32
      %dma_wait3A_167 = tpu.memref_slice %arg11[%mul3A_154, %dma_wait3A_166] : memref<10240x128xf32, #tpu.memory_space<vmem_shared>> -> memref<640x128xf32, #tpu.memory_space<vmem_shared>>
      tpu.wait_dma2 semaphore(%run_scoped3A_157 : memref<!tpu.dma_semaphore, #tpu.memory_space<semaphore_mem>>) src(%dma_wait3A_167 : memref<640x128xf32, #tpu.memory_space<vmem_shared>>) dst(%dma_wait3A_165 : memref<640x128xf32, #tpu.memory_space<hbm>>)
      tpu.yield
    }) : () -> ()
    return
  }
}

#map = affine_map<(d0, d1) -> (0, 0)>
#map1 = affine_map<(d0, d1) -> (0, 0, 0)>
module attributes {stable_mosaic.version = 14 : i64} {
  func.func @prop_kernel(%arg0: i32, %arg1: i32, %arg2: memref<10240x128xf32, #tpu.memory_space<hbm>>, %arg3: memref<2560x2x128xi32, #tpu.memory_space<hbm>>, %arg4: memref<2x10240x128xf32, #tpu.memory_space<hbm>>, %arg5: memref<2x128xi32, #tpu.memory_space<vmem>>, %arg6: memref<2x128xi32, #tpu.memory_space<vmem>>, %arg7: memref<2x128xi32, #tpu.memory_space<vmem>>, %arg8: memref<2x128xi32, #tpu.memory_space<vmem>>, %arg9: memref<128x128xf32, #tpu.memory_space<vmem>>, %arg10: memref<128x128xf32, #tpu.memory_space<vmem>>, %arg11: memref<10240x128xf32, #tpu.memory_space<vmem_shared>>, %arg12: memref<!tpu.dma_semaphore, #tpu.memory_space<semaphore_mem>>, %arg13: memref<!tpu.dma_semaphore, #tpu.memory_space<semaphore_mem>>, %arg14: memref<!tpu.dma_semaphore, #tpu.memory_space<semaphore_mem>>, %arg15: memref<!tpu.dma_semaphore, #tpu.memory_space<semaphore_mem>>, %arg16: memref<!tpu.dma_semaphore, #tpu.memory_space<semaphore_mem>>, %arg17: memref<!tpu.dma_semaphore, #tpu.memory_space<semaphore_mem>>) attributes {dimension_semantics = [#tpu.dimension_semantics<core_parallel>, #tpu.dimension_semantics<subcore_parallel>], iteration_bounds = array<i64: 2, 16>, scalar_prefetch = 0 : i64, scratch_operands = 13 : i64, tpu.core_type = #tpu.core_type<sc_vector_subcore>, window_params = [{transform_indices = #map}, {transform_indices = #map1}, {transform_indices = #map1}]} {
    %mul3A = arith.constant 16 : i32
    %mul3A_0 = arith.muli %arg0, %mul3A : i32
    %add3A = arith.addi %mul3A_0, %arg1 : i32
    %mul3A_1 = arith.constant 80 : i32
    %mul3A_2 = arith.muli %add3A, %mul3A_1 : i32
    %eq3A = arith.constant 0 : i32
    %eq3A_3 = arith.cmpi eq, %arg0, %eq3A : i32
    %convert_element_type3A = arith.extui %eq3A_3 : i1 to i32
    %cond3A = arith.constant 0 : i32
    %cond3A_4 = arith.cmpi ne, %convert_element_type3A, %cond3A : i32
    scf.if %cond3A_4 {
      %mul3A_157 = arith.constant 640 : i32
      %mul3A_158 = arith.muli %arg1, %mul3A_157 : i32
      %mul3A_159 = arith.constant 640 : i32
      %mul3A_160 = arith.muli %arg1, %mul3A_159 : i32
      "tpu.region"() ({
        %run_scoped3A_161 = tpu.sem_alloc : memref<!tpu.dma_semaphore, #tpu.memory_space<semaphore_mem>>
        %dma_start3A_162 = arith.constant 0 : i32
        %dma_start3A_163 = tpu.memref_slice %arg11[%mul3A_160, %dma_start3A_162] : memref<10240x128xf32, #tpu.memory_space<vmem_shared>> -> memref<640x128xf32, #tpu.memory_space<vmem_shared>>
        %dma_start3A_164 = arith.constant 0 : i32
        %dma_start3A_165 = tpu.memref_slice %arg2[%mul3A_158, %dma_start3A_164] : memref<10240x128xf32, #tpu.memory_space<hbm>> -> memref<640x128xf32, #tpu.memory_space<hbm>>
        tpu.enqueue_dma source(%dma_start3A_165 : memref<640x128xf32, #tpu.memory_space<hbm>>) target(%dma_start3A_163 : memref<640x128xf32, #tpu.memory_space<vmem_shared>>) target_semaphore(%run_scoped3A_161 : memref<!tpu.dma_semaphore, #tpu.memory_space<semaphore_mem>>)
        %dma_wait3A_166 = arith.constant 0 : i32
        %dma_wait3A_167 = tpu.memref_slice %arg11[%mul3A_160, %dma_wait3A_166] : memref<10240x128xf32, #tpu.memory_space<vmem_shared>> -> memref<640x128xf32, #tpu.memory_space<vmem_shared>>
        %dma_wait3A_168 = arith.constant 0 : i32
        %dma_wait3A_169 = tpu.memref_slice %arg2[%mul3A_158, %dma_wait3A_168] : memref<10240x128xf32, #tpu.memory_space<hbm>> -> memref<640x128xf32, #tpu.memory_space<hbm>>
        tpu.wait_dma2 semaphore(%run_scoped3A_161 : memref<!tpu.dma_semaphore, #tpu.memory_space<semaphore_mem>>) src(%dma_wait3A_169 : memref<640x128xf32, #tpu.memory_space<hbm>>) dst(%dma_wait3A_167 : memref<640x128xf32, #tpu.memory_space<vmem_shared>>)
        tpu.yield
      }) : () -> ()
    } else {
    }
    %ne3A = arith.constant 0 : i32
    %ne3A_5 = arith.cmpi ne, %arg0, %ne3A : i32
    %convert_element_type3A_6 = arith.extui %ne3A_5 : i1 to i32
    %cond3A_7 = arith.constant 0 : i32
    %cond3A_8 = arith.cmpi ne, %convert_element_type3A_6, %cond3A_7 : i32
    scf.if %cond3A_8 {
      %broadcast_in_dim3A = arith.constant 0.000000e+00 : f32
      %broadcast_in_dim3A_157 = vector.broadcast %broadcast_in_dim3A : f32 to vector<16xf32>
      %scan3A_158 = arith.constant 0 : i32
      %scan3A_159 = arith.constant 0 : i32
      %scan3A_160 = arith.constant 128 : i32
      %scan3A_161 = arith.addi %scan3A_159, %scan3A_160 : i32
      %scan3A_162 = arith.constant 1 : i32
      %scan3A_163 = scf.for %scan3A_185 = %scan3A_159 to %scan3A_161 step %scan3A_162 iter_args(%scan3A_186 = %scan3A_158) -> (i32)  : i32 {
        %swap3A = arith.index_cast %scan3A_185 : i32 to index
        %swap3A_187 = arith.constant 0 : index
        %swap3A_188 = tpu.vector_load %arg9[%swap3A, %swap3A_187] {strides = array<i32>} : memref<128x128xf32, #tpu.memory_space<vmem>>, vector<1x16xf32>,
        %swap3A_189 = vector.shape_cast %swap3A_188 : vector<1x16xf32> to vector<16xf32>
        %swap3A_190 = vector.shape_cast %broadcast_in_dim3A_157 : vector<16xf32> to vector<1x16xf32>
        tpu.vector_store %arg9[%swap3A, %swap3A_187], %swap3A_190 {strides = array<i32>} : memref<128x128xf32, #tpu.memory_space<vmem>>, vector<1x16xf32>,
        %swap3A_191 = arith.index_cast %scan3A_185 : i32 to index
        %swap3A_192 = arith.constant 16 : index
        %swap3A_193 = tpu.vector_load %arg9[%swap3A_191, %swap3A_192] {strides = array<i32>} : memref<128x128xf32, #tpu.memory_space<vmem>>, vector<1x16xf32>,
        %swap3A_194 = vector.shape_cast %swap3A_193 : vector<1x16xf32> to vector<16xf32>
        %swap3A_195 = vector.shape_cast %broadcast_in_dim3A_157 : vector<16xf32> to vector<1x16xf32>
        tpu.vector_store %arg9[%swap3A_191, %swap3A_192], %swap3A_195 {strides = array<i32>} : memref<128x128xf32, #tpu.memory_space<vmem>>, vector<1x16xf32>,
        %swap3A_196 = arith.index_cast %scan3A_185 : i32 to index
        %swap3A_197 = arith.constant 32 : index
        %swap3A_198 = tpu.vector_load %arg9[%swap3A_196, %swap3A_197] {strides = array<i32>} : memref<128x128xf32, #tpu.memory_space<vmem>>, vector<1x16xf32>,
        %swap3A_199 = vector.shape_cast %swap3A_198 : vector<1x16xf32> to vector<16xf32>
        %swap3A_200 = vector.shape_cast %broadcast_in_dim3A_157 : vector<16xf32> to vector<1x16xf32>
        tpu.vector_store %arg9[%swap3A_196, %swap3A_197], %swap3A_200 {strides = array<i32>} : memref<128x128xf32, #tpu.memory_space<vmem>>, vector<1x16xf32>,
        %swap3A_201 = arith.index_cast %scan3A_185 : i32 to index
        %swap3A_202 = arith.constant 48 : index
        %swap3A_203 = tpu.vector_load %arg9[%swap3A_201, %swap3A_202] {strides = array<i32>} : memref<128x128xf32, #tpu.memory_space<vmem>>, vector<1x16xf32>,
        %swap3A_204 = vector.shape_cast %swap3A_203 : vector<1x16xf32> to vector<16xf32>
        %swap3A_205 = vector.shape_cast %broadcast_in_dim3A_157 : vector<16xf32> to vector<1x16xf32>
        tpu.vector_store %arg9[%swap3A_201, %swap3A_202], %swap3A_205 {strides = array<i32>} : memref<128x128xf32, #tpu.memory_space<vmem>>, vector<1x16xf32>,
        %swap3A_206 = arith.index_cast %scan3A_185 : i32 to index
        %swap3A_207 = arith.constant 64 : index
        %swap3A_208 = tpu.vector_load %arg9[%swap3A_206, %swap3A_207] {strides = array<i32>} : memref<128x128xf32, #tpu.memory_space<vmem>>, vector<1x16xf32>,
        %swap3A_209 = vector.shape_cast %swap3A_208 : vector<1x16xf32> to vector<16xf32>
        %swap3A_210 = vector.shape_cast %broadcast_in_dim3A_157 : vector<16xf32> to vector<1x16xf32>
        tpu.vector_store %arg9[%swap3A_206, %swap3A_207], %swap3A_210 {strides = array<i32>} : memref<128x128xf32, #tpu.memory_space<vmem>>, vector<1x16xf32>,
        %swap3A_211 = arith.index_cast %scan3A_185 : i32 to index
        %swap3A_212 = arith.constant 80 : index
        %swap3A_213 = tpu.vector_load %arg9[%swap3A_211, %swap3A_212] {strides = array<i32>} : memref<128x128xf32, #tpu.memory_space<vmem>>, vector<1x16xf32>,
        %swap3A_214 = vector.shape_cast %swap3A_213 : vector<1x16xf32> to vector<16xf32>
        %swap3A_215 = vector.shape_cast %broadcast_in_dim3A_157 : vector<16xf32> to vector<1x16xf32>
        tpu.vector_store %arg9[%swap3A_211, %swap3A_212], %swap3A_215 {strides = array<i32>} : memref<128x128xf32, #tpu.memory_space<vmem>>, vector<1x16xf32>,
        %swap3A_216 = arith.index_cast %scan3A_185 : i32 to index
        %swap3A_217 = arith.constant 96 : index
        %swap3A_218 = tpu.vector_load %arg9[%swap3A_216, %swap3A_217] {strides = array<i32>} : memref<128x128xf32, #tpu.memory_space<vmem>>, vector<1x16xf32>,
        %swap3A_219 = vector.shape_cast %swap3A_218 : vector<1x16xf32> to vector<16xf32>
        %swap3A_220 = vector.shape_cast %broadcast_in_dim3A_157 : vector<16xf32> to vector<1x16xf32>
        tpu.vector_store %arg9[%swap3A_216, %swap3A_217], %swap3A_220 {strides = array<i32>} : memref<128x128xf32, #tpu.memory_space<vmem>>, vector<1x16xf32>,
        %swap3A_221 = arith.index_cast %scan3A_185 : i32 to index
        %swap3A_222 = arith.constant 112 : index
        %swap3A_223 = tpu.vector_load %arg9[%swap3A_221, %swap3A_222] {strides = array<i32>} : memref<128x128xf32, #tpu.memory_space<vmem>>, vector<1x16xf32>,
        %swap3A_224 = vector.shape_cast %swap3A_223 : vector<1x16xf32> to vector<16xf32>
        %swap3A_225 = vector.shape_cast %broadcast_in_dim3A_157 : vector<16xf32> to vector<1x16xf32>
        tpu.vector_store %arg9[%swap3A_221, %swap3A_222], %swap3A_225 {strides = array<i32>} : memref<128x128xf32, #tpu.memory_space<vmem>>, vector<1x16xf32>,
        %scan3A_226 = arith.constant 0 : i32
        scf.yield %scan3A_226 : i32
      }
      %scan3A_164 = arith.constant 128 : i32
      %mul3A_165 = arith.constant 640 : i32
      %mul3A_166 = arith.muli %arg1, %mul3A_165 : i32
      %add3A_167 = arith.constant 0 : i32
      %add3A_168 = arith.addi %mul3A_166, %add3A_167 : i32
      "tpu.region"() ({
        %run_scoped3A_185 = tpu.sem_alloc : memref<!tpu.dma_semaphore, #tpu.memory_space<semaphore_mem>>
        %dma_start3A_186 = arith.constant 0 : i32
        %dma_start3A_187 = tpu.memref_slice %arg11[%add3A_168, %dma_start3A_186] : memref<10240x128xf32, #tpu.memory_space<vmem_shared>> -> memref<128x128xf32, #tpu.memory_space<vmem_shared>>
        %dma_start3A_188 = arith.constant 0 : i32
        %dma_start3A_189 = tpu.memref_slice %arg11[%add3A_168, %dma_start3A_188] : memref<10240x128xf32, #tpu.memory_space<vmem_shared>> -> memref<128x128xf32, #tpu.memory_space<vmem_shared>>
        tpu.enqueue_dma source(%arg9 : memref<128x128xf32, #tpu.memory_space<vmem>>) target(%dma_start3A_189 : memref<128x128xf32, #tpu.memory_space<vmem_shared>>) target_semaphore(%run_scoped3A_185 : memref<!tpu.dma_semaphore, #tpu.memory_space<semaphore_mem>>)
        %dma_wait3A_190 = arith.constant 0 : i32
        %dma_wait3A_191 = tpu.memref_slice %arg11[%add3A_168, %dma_wait3A_190] : memref<10240x128xf32, #tpu.memory_space<vmem_shared>> -> memref<128x128xf32, #tpu.memory_space<vmem_shared>>
        %dma_wait3A_192 = arith.constant 0 : i32
        %dma_wait3A_193 = tpu.memref_slice %arg11[%add3A_168, %dma_wait3A_192] : memref<10240x128xf32, #tpu.memory_space<vmem_shared>> -> memref<128x128xf32, #tpu.memory_space<vmem_shared>>
        tpu.wait_dma2 semaphore(%run_scoped3A_185 : memref<!tpu.dma_semaphore, #tpu.memory_space<semaphore_mem>>) src(%arg9 : memref<128x128xf32, #tpu.memory_space<vmem>>) dst(%dma_wait3A_193 : memref<128x128xf32, #tpu.memory_space<vmem_shared>>)
        tpu.yield
      }) : () -> ()
      %mul3A_169 = arith.constant 640 : i32
      %mul3A_170 = arith.muli %arg1, %mul3A_169 : i32
      %add3A_171 = arith.constant 128 : i32
      %add3A_172 = arith.addi %mul3A_170, %add3A_171 : i32
      "tpu.region"() ({
        %run_scoped3A_185 = tpu.sem_alloc : memref<!tpu.dma_semaphore, #tpu.memory_space<semaphore_mem>>
        %dma_start3A_186 = arith.constant 0 : i32
        %dma_start3A_187 = tpu.memref_slice %arg11[%add3A_172, %dma_start3A_186] : memref<10240x128xf32, #tpu.memory_space<vmem_shared>> -> memref<128x128xf32, #tpu.memory_space<vmem_shared>>
        %dma_start3A_188 = arith.constant 0 : i32
        %dma_start3A_189 = tpu.memref_slice %arg11[%add3A_172, %dma_start3A_188] : memref<10240x128xf32, #tpu.memory_space<vmem_shared>> -> memref<128x128xf32, #tpu.memory_space<vmem_shared>>
        tpu.enqueue_dma source(%arg9 : memref<128x128xf32, #tpu.memory_space<vmem>>) target(%dma_start3A_189 : memref<128x128xf32, #tpu.memory_space<vmem_shared>>) target_semaphore(%run_scoped3A_185 : memref<!tpu.dma_semaphore, #tpu.memory_space<semaphore_mem>>)
        %dma_wait3A_190 = arith.constant 0 : i32
        %dma_wait3A_191 = tpu.memref_slice %arg11[%add3A_172, %dma_wait3A_190] : memref<10240x128xf32, #tpu.memory_space<vmem_shared>> -> memref<128x128xf32, #tpu.memory_space<vmem_shared>>
        %dma_wait3A_192 = arith.constant 0 : i32
        %dma_wait3A_193 = tpu.memref_slice %arg11[%add3A_172, %dma_wait3A_192] : memref<10240x128xf32, #tpu.memory_space<vmem_shared>> -> memref<128x128xf32, #tpu.memory_space<vmem_shared>>
        tpu.wait_dma2 semaphore(%run_scoped3A_185 : memref<!tpu.dma_semaphore, #tpu.memory_space<semaphore_mem>>) src(%arg9 : memref<128x128xf32, #tpu.memory_space<vmem>>) dst(%dma_wait3A_193 : memref<128x128xf32, #tpu.memory_space<vmem_shared>>)
        tpu.yield
      }) : () -> ()
      %mul3A_173 = arith.constant 640 : i32
      %mul3A_174 = arith.muli %arg1, %mul3A_173 : i32
      %add3A_175 = arith.constant 256 : i32
      %add3A_176 = arith.addi %mul3A_174, %add3A_175 : i32
      "tpu.region"() ({
        %run_scoped3A_185 = tpu.sem_alloc : memref<!tpu.dma_semaphore, #tpu.memory_space<semaphore_mem>>
        %dma_start3A_186 = arith.constant 0 : i32
        %dma_start3A_187 = tpu.memref_slice %arg11[%add3A_176, %dma_start3A_186] : memref<10240x128xf32, #tpu.memory_space<vmem_shared>> -> memref<128x128xf32, #tpu.memory_space<vmem_shared>>
        %dma_start3A_188 = arith.constant 0 : i32
        %dma_start3A_189 = tpu.memref_slice %arg11[%add3A_176, %dma_start3A_188] : memref<10240x128xf32, #tpu.memory_space<vmem_shared>> -> memref<128x128xf32, #tpu.memory_space<vmem_shared>>
        tpu.enqueue_dma source(%arg9 : memref<128x128xf32, #tpu.memory_space<vmem>>) target(%dma_start3A_189 : memref<128x128xf32, #tpu.memory_space<vmem_shared>>) target_semaphore(%run_scoped3A_185 : memref<!tpu.dma_semaphore, #tpu.memory_space<semaphore_mem>>)
        %dma_wait3A_190 = arith.constant 0 : i32
        %dma_wait3A_191 = tpu.memref_slice %arg11[%add3A_176, %dma_wait3A_190] : memref<10240x128xf32, #tpu.memory_space<vmem_shared>> -> memref<128x128xf32, #tpu.memory_space<vmem_shared>>
        %dma_wait3A_192 = arith.constant 0 : i32
        %dma_wait3A_193 = tpu.memref_slice %arg11[%add3A_176, %dma_wait3A_192] : memref<10240x128xf32, #tpu.memory_space<vmem_shared>> -> memref<128x128xf32, #tpu.memory_space<vmem_shared>>
        tpu.wait_dma2 semaphore(%run_scoped3A_185 : memref<!tpu.dma_semaphore, #tpu.memory_space<semaphore_mem>>) src(%arg9 : memref<128x128xf32, #tpu.memory_space<vmem>>) dst(%dma_wait3A_193 : memref<128x128xf32, #tpu.memory_space<vmem_shared>>)
        tpu.yield
      }) : () -> ()
      %mul3A_177 = arith.constant 640 : i32
      %mul3A_178 = arith.muli %arg1, %mul3A_177 : i32
      %add3A_179 = arith.constant 384 : i32
      %add3A_180 = arith.addi %mul3A_178, %add3A_179 : i32
      "tpu.region"() ({
        %run_scoped3A_185 = tpu.sem_alloc : memref<!tpu.dma_semaphore, #tpu.memory_space<semaphore_mem>>
        %dma_start3A_186 = arith.constant 0 : i32
        %dma_start3A_187 = tpu.memref_slice %arg11[%add3A_180, %dma_start3A_186] : memref<10240x128xf32, #tpu.memory_space<vmem_shared>> -> memref<128x128xf32, #tpu.memory_space<vmem_shared>>
        %dma_start3A_188 = arith.constant 0 : i32
        %dma_start3A_189 = tpu.memref_slice %arg11[%add3A_180, %dma_start3A_188] : memref<10240x128xf32, #tpu.memory_space<vmem_shared>> -> memref<128x128xf32, #tpu.memory_space<vmem_shared>>
        tpu.enqueue_dma source(%arg9 : memref<128x128xf32, #tpu.memory_space<vmem>>) target(%dma_start3A_189 : memref<128x128xf32, #tpu.memory_space<vmem_shared>>) target_semaphore(%run_scoped3A_185 : memref<!tpu.dma_semaphore, #tpu.memory_space<semaphore_mem>>)
        %dma_wait3A_190 = arith.constant 0 : i32
        %dma_wait3A_191 = tpu.memref_slice %arg11[%add3A_180, %dma_wait3A_190] : memref<10240x128xf32, #tpu.memory_space<vmem_shared>> -> memref<128x128xf32, #tpu.memory_space<vmem_shared>>
        %dma_wait3A_192 = arith.constant 0 : i32
        %dma_wait3A_193 = tpu.memref_slice %arg11[%add3A_180, %dma_wait3A_192] : memref<10240x128xf32, #tpu.memory_space<vmem_shared>> -> memref<128x128xf32, #tpu.memory_space<vmem_shared>>
        tpu.wait_dma2 semaphore(%run_scoped3A_185 : memref<!tpu.dma_semaphore, #tpu.memory_space<semaphore_mem>>) src(%arg9 : memref<128x128xf32, #tpu.memory_space<vmem>>) dst(%dma_wait3A_193 : memref<128x128xf32, #tpu.memory_space<vmem_shared>>)
        tpu.yield
      }) : () -> ()
      %mul3A_181 = arith.constant 640 : i32
      %mul3A_182 = arith.muli %arg1, %mul3A_181 : i32
      %add3A_183 = arith.constant 512 : i32
      %add3A_184 = arith.addi %mul3A_182, %add3A_183 : i32
      "tpu.region"() ({
        %run_scoped3A_185 = tpu.sem_alloc : memref<!tpu.dma_semaphore, #tpu.memory_space<semaphore_mem>>
        %dma_start3A_186 = arith.constant 0 : i32
        %dma_start3A_187 = tpu.memref_slice %arg11[%add3A_184, %dma_start3A_186] : memref<10240x128xf32, #tpu.memory_space<vmem_shared>> -> memref<128x128xf32, #tpu.memory_space<vmem_shared>>
        %dma_start3A_188 = arith.constant 0 : i32
        %dma_start3A_189 = tpu.memref_slice %arg11[%add3A_184, %dma_start3A_188] : memref<10240x128xf32, #tpu.memory_space<vmem_shared>> -> memref<128x128xf32, #tpu.memory_space<vmem_shared>>
        tpu.enqueue_dma source(%arg9 : memref<128x128xf32, #tpu.memory_space<vmem>>) target(%dma_start3A_189 : memref<128x128xf32, #tpu.memory_space<vmem_shared>>) target_semaphore(%run_scoped3A_185 : memref<!tpu.dma_semaphore, #tpu.memory_space<semaphore_mem>>)
        %dma_wait3A_190 = arith.constant 0 : i32
        %dma_wait3A_191 = tpu.memref_slice %arg11[%add3A_184, %dma_wait3A_190] : memref<10240x128xf32, #tpu.memory_space<vmem_shared>> -> memref<128x128xf32, #tpu.memory_space<vmem_shared>>
        %dma_wait3A_192 = arith.constant 0 : i32
        %dma_wait3A_193 = tpu.memref_slice %arg11[%add3A_184, %dma_wait3A_192] : memref<10240x128xf32, #tpu.memory_space<vmem_shared>> -> memref<128x128xf32, #tpu.memory_space<vmem_shared>>
        tpu.wait_dma2 semaphore(%run_scoped3A_185 : memref<!tpu.dma_semaphore, #tpu.memory_space<semaphore_mem>>) src(%arg9 : memref<128x128xf32, #tpu.memory_space<vmem>>) dst(%dma_wait3A_193 : memref<128x128xf32, #tpu.memory_space<vmem_shared>>)
        tpu.yield
      }) : () -> ()
    } else {
    }
    %barrier3A = arith.constant 0 : index
    tpu.barrier barrier_id(%barrier3A)
    %add3A_9 = arith.constant 0 : i32
    %add3A_10 = arith.addi %mul3A_2, %add3A_9 : i32
    %dma_start3A = arith.constant 0 : i32
    %dma_start3A_11 = arith.constant 0 : i32
    %dma_start3A_12 = tpu.memref_slice %arg3[%add3A_10, %dma_start3A, %dma_start3A_11] : memref<2560x2x128xi32, #tpu.memory_space<hbm>> -> memref<1x2x128xi32, #tpu.memory_space<hbm>>
    %dma_start3A_13 = tpu.memref_squeeze %dma_start3A_12 : memref<1x2x128xi32, #tpu.memory_space<hbm>> -> memref<2x128xi32, #tpu.memory_space<hbm>>
    %dma_start3A_14 = arith.constant 0 : i32
    %dma_start3A_15 = arith.constant 0 : i32
    %dma_start3A_16 = tpu.memref_slice %arg3[%add3A_10, %dma_start3A_14, %dma_start3A_15] : memref<2560x2x128xi32, #tpu.memory_space<hbm>> -> memref<1x2x128xi32, #tpu.memory_space<hbm>>
    %dma_start3A_17 = tpu.memref_squeeze %dma_start3A_16 : memref<1x2x128xi32, #tpu.memory_space<hbm>> -> memref<2x128xi32, #tpu.memory_space<hbm>>
    tpu.enqueue_dma source(%dma_start3A_17 : memref<2x128xi32, #tpu.memory_space<hbm>>) target(%arg5 : memref<2x128xi32, #tpu.memory_space<vmem>>) target_semaphore(%arg12 : memref<!tpu.dma_semaphore, #tpu.memory_space<semaphore_mem>>)
    %add3A_18 = arith.constant 1 : i32
    %add3A_19 = arith.addi %mul3A_2, %add3A_18 : i32
    %dma_start3A_20 = arith.constant 0 : i32
    %dma_start3A_21 = arith.constant 0 : i32
    %dma_start3A_22 = tpu.memref_slice %arg3[%add3A_19, %dma_start3A_20, %dma_start3A_21] : memref<2560x2x128xi32, #tpu.memory_space<hbm>> -> memref<1x2x128xi32, #tpu.memory_space<hbm>>
    %dma_start3A_23 = tpu.memref_squeeze %dma_start3A_22 : memref<1x2x128xi32, #tpu.memory_space<hbm>> -> memref<2x128xi32, #tpu.memory_space<hbm>>
    %dma_start3A_24 = arith.constant 0 : i32
    %dma_start3A_25 = arith.constant 0 : i32
    %dma_start3A_26 = tpu.memref_slice %arg3[%add3A_19, %dma_start3A_24, %dma_start3A_25] : memref<2560x2x128xi32, #tpu.memory_space<hbm>> -> memref<1x2x128xi32, #tpu.memory_space<hbm>>
    %dma_start3A_27 = tpu.memref_squeeze %dma_start3A_26 : memref<1x2x128xi32, #tpu.memory_space<hbm>> -> memref<2x128xi32, #tpu.memory_space<hbm>>
    tpu.enqueue_dma source(%dma_start3A_27 : memref<2x128xi32, #tpu.memory_space<hbm>>) target(%arg6 : memref<2x128xi32, #tpu.memory_space<vmem>>) target_semaphore(%arg13 : memref<!tpu.dma_semaphore, #tpu.memory_space<semaphore_mem>>)
    %add3A_28 = arith.constant 2 : i32
    %add3A_29 = arith.addi %mul3A_2, %add3A_28 : i32
    %dma_start3A_30 = arith.constant 0 : i32
    %dma_start3A_31 = arith.constant 0 : i32
    %dma_start3A_32 = tpu.memref_slice %arg3[%add3A_29, %dma_start3A_30, %dma_start3A_31] : memref<2560x2x128xi32, #tpu.memory_space<hbm>> -> memref<1x2x128xi32, #tpu.memory_space<hbm>>
    %dma_start3A_33 = tpu.memref_squeeze %dma_start3A_32 : memref<1x2x128xi32, #tpu.memory_space<hbm>> -> memref<2x128xi32, #tpu.memory_space<hbm>>
    %dma_start3A_34 = arith.constant 0 : i32
    %dma_start3A_35 = arith.constant 0 : i32
    %dma_start3A_36 = tpu.memref_slice %arg3[%add3A_29, %dma_start3A_34, %dma_start3A_35] : memref<2560x2x128xi32, #tpu.memory_space<hbm>> -> memref<1x2x128xi32, #tpu.memory_space<hbm>>
    %dma_start3A_37 = tpu.memref_squeeze %dma_start3A_36 : memref<1x2x128xi32, #tpu.memory_space<hbm>> -> memref<2x128xi32, #tpu.memory_space<hbm>>
    tpu.enqueue_dma source(%dma_start3A_37 : memref<2x128xi32, #tpu.memory_space<hbm>>) target(%arg7 : memref<2x128xi32, #tpu.memory_space<vmem>>) target_semaphore(%arg14 : memref<!tpu.dma_semaphore, #tpu.memory_space<semaphore_mem>>)
    %add3A_38 = arith.constant 3 : i32
    %add3A_39 = arith.addi %mul3A_2, %add3A_38 : i32
    %dma_start3A_40 = arith.constant 0 : i32
    %dma_start3A_41 = arith.constant 0 : i32
    %dma_start3A_42 = tpu.memref_slice %arg3[%add3A_39, %dma_start3A_40, %dma_start3A_41] : memref<2560x2x128xi32, #tpu.memory_space<hbm>> -> memref<1x2x128xi32, #tpu.memory_space<hbm>>
    %dma_start3A_43 = tpu.memref_squeeze %dma_start3A_42 : memref<1x2x128xi32, #tpu.memory_space<hbm>> -> memref<2x128xi32, #tpu.memory_space<hbm>>
    %dma_start3A_44 = arith.constant 0 : i32
    %dma_start3A_45 = arith.constant 0 : i32
    %dma_start3A_46 = tpu.memref_slice %arg3[%add3A_39, %dma_start3A_44, %dma_start3A_45] : memref<2560x2x128xi32, #tpu.memory_space<hbm>> -> memref<1x2x128xi32, #tpu.memory_space<hbm>>
    %dma_start3A_47 = tpu.memref_squeeze %dma_start3A_46 : memref<1x2x128xi32, #tpu.memory_space<hbm>> -> memref<2x128xi32, #tpu.memory_space<hbm>>
    tpu.enqueue_dma source(%dma_start3A_47 : memref<2x128xi32, #tpu.memory_space<hbm>>) target(%arg8 : memref<2x128xi32, #tpu.memory_space<vmem>>) target_semaphore(%arg15 : memref<!tpu.dma_semaphore, #tpu.memory_space<semaphore_mem>>)
    %scan3A = arith.constant 0 : i32
    %scan3A_48 = arith.constant 0 : i32
    %scan3A_49 = arith.constant 19 : i32
    %scan3A_50 = arith.addi %scan3A_48, %scan3A_49 : i32
    %scan3A_51 = arith.constant 1 : i32
    %scan3A_52 = scf.for %scan3A_157 = %scan3A_48 to %scan3A_50 step %scan3A_51 iter_args(%scan3A_158 = %scan3A) -> (i32)  : i32 {
      %mul3A_159 = arith.constant 4 : i32
      %mul3A_160 = arith.muli %scan3A_157, %mul3A_159 : i32
      %add3A_161 = arith.addi %mul3A_2, %mul3A_160 : i32
      %dma_wait3A_162 = arith.constant 0 : i32
      %dma_wait3A_163 = arith.constant 0 : i32
      %dma_wait3A_164 = tpu.memref_slice %arg3[%add3A_161, %dma_wait3A_162, %dma_wait3A_163] : memref<2560x2x128xi32, #tpu.memory_space<hbm>> -> memref<1x2x128xi32, #tpu.memory_space<hbm>>
      %dma_wait3A_165 = tpu.memref_squeeze %dma_wait3A_164 : memref<1x2x128xi32, #tpu.memory_space<hbm>> -> memref<2x128xi32, #tpu.memory_space<hbm>>
      %dma_wait3A_166 = arith.constant 0 : i32
      %dma_wait3A_167 = arith.constant 0 : i32
      %dma_wait3A_168 = tpu.memref_slice %arg3[%add3A_161, %dma_wait3A_166, %dma_wait3A_167] : memref<2560x2x128xi32, #tpu.memory_space<hbm>> -> memref<1x2x128xi32, #tpu.memory_space<hbm>>
      %dma_wait3A_169 = tpu.memref_squeeze %dma_wait3A_168 : memref<1x2x128xi32, #tpu.memory_space<hbm>> -> memref<2x128xi32, #tpu.memory_space<hbm>>
      tpu.wait_dma2 semaphore(%arg12 : memref<!tpu.dma_semaphore, #tpu.memory_space<semaphore_mem>>) src(%dma_wait3A_169 : memref<2x128xi32, #tpu.memory_space<hbm>>) dst(%arg5 : memref<2x128xi32, #tpu.memory_space<vmem>>)
      %dma_start3A_170 = arith.constant 0 : i32
      %dma_start3A_171 = arith.constant 0 : i32
      %dma_start3A_172 = tpu.memref_slice %arg5[%dma_start3A_170, %dma_start3A_171] : memref<2x128xi32, #tpu.memory_space<vmem>> -> memref<1x128xi32, #tpu.memory_space<vmem>>
      %dma_start3A_173 = tpu.memref_squeeze %dma_start3A_172 : memref<1x128xi32, #tpu.memory_space<vmem>> -> memref<128xi32, #tpu.memory_space<vmem>>
      %dma_start3A_174 = arith.constant 0 : i32
      %dma_start3A_175 = arith.constant 0 : i32
      %dma_start3A_176 = tpu.memref_slice %arg2[%dma_start3A_174, %dma_start3A_175] : memref<10240x128xf32, #tpu.memory_space<hbm>> -> memref<10240x128xf32, #tpu.memory_space<hbm>>
      tpu.enqueue_indirect_dma source(%dma_start3A_176 : memref<10240x128xf32, #tpu.memory_space<hbm>>) target(%arg9 : memref<128x128xf32, #tpu.memory_space<vmem>>) offsets(%dma_start3A_173 : memref<128xi32, #tpu.memory_space<vmem>>) semaphore(%arg16 : memref<!tpu.dma_semaphore, #tpu.memory_space<semaphore_mem>>)
      %add3A_177 = arith.constant 1 : i32
      %add3A_178 = arith.addi %mul3A_160, %add3A_177 : i32
      %add3A_179 = arith.addi %mul3A_2, %add3A_178 : i32
      %dma_wait3A_180 = arith.constant 0 : i32
      %dma_wait3A_181 = arith.constant 0 : i32
      %dma_wait3A_182 = tpu.memref_slice %arg3[%add3A_179, %dma_wait3A_180, %dma_wait3A_181] : memref<2560x2x128xi32, #tpu.memory_space<hbm>> -> memref<1x2x128xi32, #tpu.memory_space<hbm>>
      %dma_wait3A_183 = tpu.memref_squeeze %dma_wait3A_182 : memref<1x2x128xi32, #tpu.memory_space<hbm>> -> memref<2x128xi32, #tpu.memory_space<hbm>>
      %dma_wait3A_184 = arith.constant 0 : i32
      %dma_wait3A_185 = arith.constant 0 : i32
      %dma_wait3A_186 = tpu.memref_slice %arg3[%add3A_179, %dma_wait3A_184, %dma_wait3A_185] : memref<2560x2x128xi32, #tpu.memory_space<hbm>> -> memref<1x2x128xi32, #tpu.memory_space<hbm>>
      %dma_wait3A_187 = tpu.memref_squeeze %dma_wait3A_186 : memref<1x2x128xi32, #tpu.memory_space<hbm>> -> memref<2x128xi32, #tpu.memory_space<hbm>>
      tpu.wait_dma2 semaphore(%arg13 : memref<!tpu.dma_semaphore, #tpu.memory_space<semaphore_mem>>) src(%dma_wait3A_187 : memref<2x128xi32, #tpu.memory_space<hbm>>) dst(%arg6 : memref<2x128xi32, #tpu.memory_space<vmem>>)
      %dma_start3A_188 = arith.constant 0 : i32
      %dma_start3A_189 = arith.constant 0 : i32
      %dma_start3A_190 = tpu.memref_slice %arg6[%dma_start3A_188, %dma_start3A_189] : memref<2x128xi32, #tpu.memory_space<vmem>> -> memref<1x128xi32, #tpu.memory_space<vmem>>
      %dma_start3A_191 = tpu.memref_squeeze %dma_start3A_190 : memref<1x128xi32, #tpu.memory_space<vmem>> -> memref<128xi32, #tpu.memory_space<vmem>>
      %dma_start3A_192 = arith.constant 0 : i32
      %dma_start3A_193 = arith.constant 0 : i32
      %dma_start3A_194 = tpu.memref_slice %arg2[%dma_start3A_192, %dma_start3A_193] : memref<10240x128xf32, #tpu.memory_space<hbm>> -> memref<10240x128xf32, #tpu.memory_space<hbm>>
      tpu.enqueue_indirect_dma source(%dma_start3A_194 : memref<10240x128xf32, #tpu.memory_space<hbm>>) target(%arg10 : memref<128x128xf32, #tpu.memory_space<vmem>>) offsets(%dma_start3A_191 : memref<128xi32, #tpu.memory_space<vmem>>) semaphore(%arg17 : memref<!tpu.dma_semaphore, #tpu.memory_space<semaphore_mem>>)
      %dma_wait3A_195 = arith.constant 0 : i32
      %dma_wait3A_196 = arith.constant 0 : i32
      %dma_wait3A_197 = tpu.memref_slice %arg5[%dma_wait3A_195, %dma_wait3A_196] : memref<2x128xi32, #tpu.memory_space<vmem>> -> memref<1x128xi32, #tpu.memory_space<vmem>>
      %dma_wait3A_198 = tpu.memref_squeeze %dma_wait3A_197 : memref<1x128xi32, #tpu.memory_space<vmem>> -> memref<128xi32, #tpu.memory_space<vmem>>
      %dma_wait3A_199 = arith.constant 0 : i32
      %dma_wait3A_200 = arith.constant 0 : i32
      %dma_wait3A_201 = tpu.memref_slice %arg2[%dma_wait3A_199, %dma_wait3A_200] : memref<10240x128xf32, #tpu.memory_space<hbm>> -> memref<10240x128xf32, #tpu.memory_space<hbm>>
      tpu.wait_indirect_dma semaphore(%arg16 : memref<!tpu.dma_semaphore, #tpu.memory_space<semaphore_mem>>) src(%dma_wait3A_201 : memref<10240x128xf32, #tpu.memory_space<hbm>>) dst(%arg9 : memref<128x128xf32, #tpu.memory_space<vmem>>)
      %run_scoped3A_202 = arith.constant 1 : i32
      "tpu.region"() ({
        %run_scoped3A_308 = tpu.sem_alloc : memref<!tpu.dma_semaphore, #tpu.memory_space<semaphore_mem>>
        %dma_start3A_309 = arith.constant 0 : i32
        %dma_start3A_310 = tpu.memref_slice %arg5[%run_scoped3A_202, %dma_start3A_309] : memref<2x128xi32, #tpu.memory_space<vmem>> -> memref<1x128xi32, #tpu.memory_space<vmem>>
        %dma_start3A_311 = tpu.memref_squeeze %dma_start3A_310 : memref<1x128xi32, #tpu.memory_space<vmem>> -> memref<128xi32, #tpu.memory_space<vmem>>
        %dma_start3A_312 = arith.constant 0 : i32
        %dma_start3A_313 = arith.constant 0 : i32
        %dma_start3A_314 = tpu.memref_slice %arg11[%dma_start3A_312, %dma_start3A_313] : memref<10240x128xf32, #tpu.memory_space<vmem_shared>> -> memref<10240x128xf32, #tpu.memory_space<vmem_shared>>
        tpu.enqueue_indirect_dma source(%arg9 : memref<128x128xf32, #tpu.memory_space<vmem>>) target(%dma_start3A_314 : memref<10240x128xf32, #tpu.memory_space<vmem_shared>>) offsets(%dma_start3A_311 : memref<128xi32, #tpu.memory_space<vmem>>) semaphore(%run_scoped3A_308 : memref<!tpu.dma_semaphore, #tpu.memory_space<semaphore_mem>>) {add = true}
        %dma_wait3A_315 = arith.constant 0 : i32
        %dma_wait3A_316 = tpu.memref_slice %arg5[%run_scoped3A_202, %dma_wait3A_315] : memref<2x128xi32, #tpu.memory_space<vmem>> -> memref<1x128xi32, #tpu.memory_space<vmem>>
        %dma_wait3A_317 = tpu.memref_squeeze %dma_wait3A_316 : memref<1x128xi32, #tpu.memory_space<vmem>> -> memref<128xi32, #tpu.memory_space<vmem>>
        %dma_wait3A_318 = arith.constant 0 : i32
        %dma_wait3A_319 = arith.constant 0 : i32
        %dma_wait3A_320 = tpu.memref_slice %arg11[%dma_wait3A_318, %dma_wait3A_319] : memref<10240x128xf32, #tpu.memory_space<vmem_shared>> -> memref<10240x128xf32, #tpu.memory_space<vmem_shared>>
        tpu.wait_indirect_dma semaphore(%run_scoped3A_308 : memref<!tpu.dma_semaphore, #tpu.memory_space<semaphore_mem>>) src(%arg9 : memref<128x128xf32, #tpu.memory_space<vmem>>) dst(%dma_wait3A_320 : memref<10240x128xf32, #tpu.memory_space<vmem_shared>>)
        tpu.yield
      }) : () -> ()
      %add3A_203 = arith.constant 4 : i32
      %add3A_204 = arith.addi %mul3A_160, %add3A_203 : i32
      %add3A_205 = arith.addi %mul3A_2, %add3A_204 : i32
      %dma_start3A_206 = arith.constant 0 : i32
      %dma_start3A_207 = arith.constant 0 : i32
      %dma_start3A_208 = tpu.memref_slice %arg3[%add3A_205, %dma_start3A_206, %dma_start3A_207] : memref<2560x2x128xi32, #tpu.memory_space<hbm>> -> memref<1x2x128xi32, #tpu.memory_space<hbm>>
      %dma_start3A_209 = tpu.memref_squeeze %dma_start3A_208 : memref<1x2x128xi32, #tpu.memory_space<hbm>> -> memref<2x128xi32, #tpu.memory_space<hbm>>
      %dma_start3A_210 = arith.constant 0 : i32
      %dma_start3A_211 = arith.constant 0 : i32
      %dma_start3A_212 = tpu.memref_slice %arg3[%add3A_205, %dma_start3A_210, %dma_start3A_211] : memref<2560x2x128xi32, #tpu.memory_space<hbm>> -> memref<1x2x128xi32, #tpu.memory_space<hbm>>
      %dma_start3A_213 = tpu.memref_squeeze %dma_start3A_212 : memref<1x2x128xi32, #tpu.memory_space<hbm>> -> memref<2x128xi32, #tpu.memory_space<hbm>>
      tpu.enqueue_dma source(%dma_start3A_213 : memref<2x128xi32, #tpu.memory_space<hbm>>) target(%arg5 : memref<2x128xi32, #tpu.memory_space<vmem>>) target_semaphore(%arg12 : memref<!tpu.dma_semaphore, #tpu.memory_space<semaphore_mem>>)
      %add3A_214 = arith.constant 2 : i32
      %add3A_215 = arith.addi %mul3A_160, %add3A_214 : i32
      %add3A_216 = arith.addi %mul3A_2, %add3A_215 : i32
      %dma_wait3A_217 = arith.constant 0 : i32
      %dma_wait3A_218 = arith.constant 0 : i32
      %dma_wait3A_219 = tpu.memref_slice %arg3[%add3A_216, %dma_wait3A_217, %dma_wait3A_218] : memref<2560x2x128xi32, #tpu.memory_space<hbm>> -> memref<1x2x128xi32, #tpu.memory_space<hbm>>
      %dma_wait3A_220 = tpu.memref_squeeze %dma_wait3A_219 : memref<1x2x128xi32, #tpu.memory_space<hbm>> -> memref<2x128xi32, #tpu.memory_space<hbm>>
      %dma_wait3A_221 = arith.constant 0 : i32
      %dma_wait3A_222 = arith.constant 0 : i32
      %dma_wait3A_223 = tpu.memref_slice %arg3[%add3A_216, %dma_wait3A_221, %dma_wait3A_222] : memref<2560x2x128xi32, #tpu.memory_space<hbm>> -> memref<1x2x128xi32, #tpu.memory_space<hbm>>
      %dma_wait3A_224 = tpu.memref_squeeze %dma_wait3A_223 : memref<1x2x128xi32, #tpu.memory_space<hbm>> -> memref<2x128xi32, #tpu.memory_space<hbm>>
      tpu.wait_dma2 semaphore(%arg14 : memref<!tpu.dma_semaphore, #tpu.memory_space<semaphore_mem>>) src(%dma_wait3A_224 : memref<2x128xi32, #tpu.memory_space<hbm>>) dst(%arg7 : memref<2x128xi32, #tpu.memory_space<vmem>>)
      %dma_start3A_225 = arith.constant 0 : i32
      %dma_start3A_226 = arith.constant 0 : i32
      %dma_start3A_227 = tpu.memref_slice %arg7[%dma_start3A_225, %dma_start3A_226] : memref<2x128xi32, #tpu.memory_space<vmem>> -> memref<1x128xi32, #tpu.memory_space<vmem>>
      %dma_start3A_228 = tpu.memref_squeeze %dma_start3A_227 : memref<1x128xi32, #tpu.memory_space<vmem>> -> memref<128xi32, #tpu.memory_space<vmem>>
      %dma_start3A_229 = arith.constant 0 : i32
      %dma_start3A_230 = arith.constant 0 : i32
      %dma_start3A_231 = tpu.memref_slice %arg2[%dma_start3A_229, %dma_start3A_230] : memref<10240x128xf32, #tpu.memory_space<hbm>> -> memref<10240x128xf32, #tpu.memory_space<hbm>>
      tpu.enqueue_indirect_dma source(%dma_start3A_231 : memref<10240x128xf32, #tpu.memory_space<hbm>>) target(%arg9 : memref<128x128xf32, #tpu.memory_space<vmem>>) offsets(%dma_start3A_228 : memref<128xi32, #tpu.memory_space<vmem>>) semaphore(%arg16 : memref<!tpu.dma_semaphore, #tpu.memory_space<semaphore_mem>>)
      %dma_wait3A_232 = arith.constant 0 : i32
      %dma_wait3A_233 = arith.constant 0 : i32
      %dma_wait3A_234 = tpu.memref_slice %arg6[%dma_wait3A_232, %dma_wait3A_233] : memref<2x128xi32, #tpu.memory_space<vmem>> -> memref<1x128xi32, #tpu.memory_space<vmem>>
      %dma_wait3A_235 = tpu.memref_squeeze %dma_wait3A_234 : memref<1x128xi32, #tpu.memory_space<vmem>> -> memref<128xi32, #tpu.memory_space<vmem>>
      %dma_wait3A_236 = arith.constant 0 : i32
      %dma_wait3A_237 = arith.constant 0 : i32
      %dma_wait3A_238 = tpu.memref_slice %arg2[%dma_wait3A_236, %dma_wait3A_237] : memref<10240x128xf32, #tpu.memory_space<hbm>> -> memref<10240x128xf32, #tpu.memory_space<hbm>>
      tpu.wait_indirect_dma semaphore(%arg17 : memref<!tpu.dma_semaphore, #tpu.memory_space<semaphore_mem>>) src(%dma_wait3A_238 : memref<10240x128xf32, #tpu.memory_space<hbm>>) dst(%arg10 : memref<128x128xf32, #tpu.memory_space<vmem>>)
      %run_scoped3A_239 = arith.constant 1 : i32
      "tpu.region"() ({
        %run_scoped3A_308 = tpu.sem_alloc : memref<!tpu.dma_semaphore, #tpu.memory_space<semaphore_mem>>
        %dma_start3A_309 = arith.constant 0 : i32
        %dma_start3A_310 = tpu.memref_slice %arg6[%run_scoped3A_239, %dma_start3A_309] : memref<2x128xi32, #tpu.memory_space<vmem>> -> memref<1x128xi32, #tpu.memory_space<vmem>>
        %dma_start3A_311 = tpu.memref_squeeze %dma_start3A_310 : memref<1x128xi32, #tpu.memory_space<vmem>> -> memref<128xi32, #tpu.memory_space<vmem>>
        %dma_start3A_312 = arith.constant 0 : i32
        %dma_start3A_313 = arith.constant 0 : i32
        %dma_start3A_314 = tpu.memref_slice %arg11[%dma_start3A_312, %dma_start3A_313] : memref<10240x128xf32, #tpu.memory_space<vmem_shared>> -> memref<10240x128xf32, #tpu.memory_space<vmem_shared>>
        tpu.enqueue_indirect_dma source(%arg10 : memref<128x128xf32, #tpu.memory_space<vmem>>) target(%dma_start3A_314 : memref<10240x128xf32, #tpu.memory_space<vmem_shared>>) offsets(%dma_start3A_311 : memref<128xi32, #tpu.memory_space<vmem>>) semaphore(%run_scoped3A_308 : memref<!tpu.dma_semaphore, #tpu.memory_space<semaphore_mem>>) {add = true}
        %dma_wait3A_315 = arith.constant 0 : i32
        %dma_wait3A_316 = tpu.memref_slice %arg6[%run_scoped3A_239, %dma_wait3A_315] : memref<2x128xi32, #tpu.memory_space<vmem>> -> memref<1x128xi32, #tpu.memory_space<vmem>>
        %dma_wait3A_317 = tpu.memref_squeeze %dma_wait3A_316 : memref<1x128xi32, #tpu.memory_space<vmem>> -> memref<128xi32, #tpu.memory_space<vmem>>
        %dma_wait3A_318 = arith.constant 0 : i32
        %dma_wait3A_319 = arith.constant 0 : i32
        %dma_wait3A_320 = tpu.memref_slice %arg11[%dma_wait3A_318, %dma_wait3A_319] : memref<10240x128xf32, #tpu.memory_space<vmem_shared>> -> memref<10240x128xf32, #tpu.memory_space<vmem_shared>>
        tpu.wait_indirect_dma semaphore(%run_scoped3A_308 : memref<!tpu.dma_semaphore, #tpu.memory_space<semaphore_mem>>) src(%arg10 : memref<128x128xf32, #tpu.memory_space<vmem>>) dst(%dma_wait3A_320 : memref<10240x128xf32, #tpu.memory_space<vmem_shared>>)
        tpu.yield
      }) : () -> ()
      %add3A_240 = arith.constant 5 : i32
      %add3A_241 = arith.addi %mul3A_160, %add3A_240 : i32
      %add3A_242 = arith.addi %mul3A_2, %add3A_241 : i32
      %dma_start3A_243 = arith.constant 0 : i32
      %dma_start3A_244 = arith.constant 0 : i32
      %dma_start3A_245 = tpu.memref_slice %arg3[%add3A_242, %dma_start3A_243, %dma_start3A_244] : memref<2560x2x128xi32, #tpu.memory_space<hbm>> -> memref<1x2x128xi32, #tpu.memory_space<hbm>>
      %dma_start3A_246 = tpu.memref_squeeze %dma_start3A_245 : memref<1x2x128xi32, #tpu.memory_space<hbm>> -> memref<2x128xi32, #tpu.memory_space<hbm>>
      %dma_start3A_247 = arith.constant 0 : i32
      %dma_start3A_248 = arith.constant 0 : i32
      %dma_start3A_249 = tpu.memref_slice %arg3[%add3A_242, %dma_start3A_247, %dma_start3A_248] : memref<2560x2x128xi32, #tpu.memory_space<hbm>> -> memref<1x2x128xi32, #tpu.memory_space<hbm>>
      %dma_start3A_250 = tpu.memref_squeeze %dma_start3A_249 : memref<1x2x128xi32, #tpu.memory_space<hbm>> -> memref<2x128xi32, #tpu.memory_space<hbm>>
      tpu.enqueue_dma source(%dma_start3A_250 : memref<2x128xi32, #tpu.memory_space<hbm>>) target(%arg6 : memref<2x128xi32, #tpu.memory_space<vmem>>) target_semaphore(%arg13 : memref<!tpu.dma_semaphore, #tpu.memory_space<semaphore_mem>>)
      %add3A_251 = arith.constant 3 : i32
      %add3A_252 = arith.addi %mul3A_160, %add3A_251 : i32
      %add3A_253 = arith.addi %mul3A_2, %add3A_252 : i32
      %dma_wait3A_254 = arith.constant 0 : i32
      %dma_wait3A_255 = arith.constant 0 : i32
      %dma_wait3A_256 = tpu.memref_slice %arg3[%add3A_253, %dma_wait3A_254, %dma_wait3A_255] : memref<2560x2x128xi32, #tpu.memory_space<hbm>> -> memref<1x2x128xi32, #tpu.memory_space<hbm>>
      %dma_wait3A_257 = tpu.memref_squeeze %dma_wait3A_256 : memref<1x2x128xi32, #tpu.memory_space<hbm>> -> memref<2x128xi32, #tpu.memory_space<hbm>>
      %dma_wait3A_258 = arith.constant 0 : i32
      %dma_wait3A_259 = arith.constant 0 : i32
      %dma_wait3A_260 = tpu.memref_slice %arg3[%add3A_253, %dma_wait3A_258, %dma_wait3A_259] : memref<2560x2x128xi32, #tpu.memory_space<hbm>> -> memref<1x2x128xi32, #tpu.memory_space<hbm>>
      %dma_wait3A_261 = tpu.memref_squeeze %dma_wait3A_260 : memref<1x2x128xi32, #tpu.memory_space<hbm>> -> memref<2x128xi32, #tpu.memory_space<hbm>>
      tpu.wait_dma2 semaphore(%arg15 : memref<!tpu.dma_semaphore, #tpu.memory_space<semaphore_mem>>) src(%dma_wait3A_261 : memref<2x128xi32, #tpu.memory_space<hbm>>) dst(%arg8 : memref<2x128xi32, #tpu.memory_space<vmem>>)
      %dma_start3A_262 = arith.constant 0 : i32
      %dma_start3A_263 = arith.constant 0 : i32
      %dma_start3A_264 = tpu.memref_slice %arg8[%dma_start3A_262, %dma_start3A_263] : memref<2x128xi32, #tpu.memory_space<vmem>> -> memref<1x128xi32, #tpu.memory_space<vmem>>
      %dma_start3A_265 = tpu.memref_squeeze %dma_start3A_264 : memref<1x128xi32, #tpu.memory_space<vmem>> -> memref<128xi32, #tpu.memory_space<vmem>>
      %dma_start3A_266 = arith.constant 0 : i32
      %dma_start3A_267 = arith.constant 0 : i32
      %dma_start3A_268 = tpu.memref_slice %arg2[%dma_start3A_266, %dma_start3A_267] : memref<10240x128xf32, #tpu.memory_space<hbm>> -> memref<10240x128xf32, #tpu.memory_space<hbm>>
      tpu.enqueue_indirect_dma source(%dma_start3A_268 : memref<10240x128xf32, #tpu.memory_space<hbm>>) target(%arg10 : memref<128x128xf32, #tpu.memory_space<vmem>>) offsets(%dma_start3A_265 : memref<128xi32, #tpu.memory_space<vmem>>) semaphore(%arg17 : memref<!tpu.dma_semaphore, #tpu.memory_space<semaphore_mem>>)
      %dma_wait3A_269 = arith.constant 0 : i32
      %dma_wait3A_270 = arith.constant 0 : i32
      %dma_wait3A_271 = tpu.memref_slice %arg7[%dma_wait3A_269, %dma_wait3A_270] : memref<2x128xi32, #tpu.memory_space<vmem>> -> memref<1x128xi32, #tpu.memory_space<vmem>>
      %dma_wait3A_272 = tpu.memref_squeeze %dma_wait3A_271 : memref<1x128xi32, #tpu.memory_space<vmem>> -> memref<128xi32, #tpu.memory_space<vmem>>
      %dma_wait3A_273 = arith.constant 0 : i32
      %dma_wait3A_274 = arith.constant 0 : i32
      %dma_wait3A_275 = tpu.memref_slice %arg2[%dma_wait3A_273, %dma_wait3A_274] : memref<10240x128xf32, #tpu.memory_space<hbm>> -> memref<10240x128xf32, #tpu.memory_space<hbm>>
      tpu.wait_indirect_dma semaphore(%arg16 : memref<!tpu.dma_semaphore, #tpu.memory_space<semaphore_mem>>) src(%dma_wait3A_275 : memref<10240x128xf32, #tpu.memory_space<hbm>>) dst(%arg9 : memref<128x128xf32, #tpu.memory_space<vmem>>)
      %run_scoped3A_276 = arith.constant 1 : i32
      "tpu.region"() ({
        %run_scoped3A_308 = tpu.sem_alloc : memref<!tpu.dma_semaphore, #tpu.memory_space<semaphore_mem>>
        %dma_start3A_309 = arith.constant 0 : i32
        %dma_start3A_310 = tpu.memref_slice %arg7[%run_scoped3A_276, %dma_start3A_309] : memref<2x128xi32, #tpu.memory_space<vmem>> -> memref<1x128xi32, #tpu.memory_space<vmem>>
        %dma_start3A_311 = tpu.memref_squeeze %dma_start3A_310 : memref<1x128xi32, #tpu.memory_space<vmem>> -> memref<128xi32, #tpu.memory_space<vmem>>
        %dma_start3A_312 = arith.constant 0 : i32
        %dma_start3A_313 = arith.constant 0 : i32
        %dma_start3A_314 = tpu.memref_slice %arg11[%dma_start3A_312, %dma_start3A_313] : memref<10240x128xf32, #tpu.memory_space<vmem_shared>> -> memref<10240x128xf32, #tpu.memory_space<vmem_shared>>
        tpu.enqueue_indirect_dma source(%arg9 : memref<128x128xf32, #tpu.memory_space<vmem>>) target(%dma_start3A_314 : memref<10240x128xf32, #tpu.memory_space<vmem_shared>>) offsets(%dma_start3A_311 : memref<128xi32, #tpu.memory_space<vmem>>) semaphore(%run_scoped3A_308 : memref<!tpu.dma_semaphore, #tpu.memory_space<semaphore_mem>>) {add = true}
        %dma_wait3A_315 = arith.constant 0 : i32
        %dma_wait3A_316 = tpu.memref_slice %arg7[%run_scoped3A_276, %dma_wait3A_315] : memref<2x128xi32, #tpu.memory_space<vmem>> -> memref<1x128xi32, #tpu.memory_space<vmem>>
        %dma_wait3A_317 = tpu.memref_squeeze %dma_wait3A_316 : memref<1x128xi32, #tpu.memory_space<vmem>> -> memref<128xi32, #tpu.memory_space<vmem>>
        %dma_wait3A_318 = arith.constant 0 : i32
        %dma_wait3A_319 = arith.constant 0 : i32
        %dma_wait3A_320 = tpu.memref_slice %arg11[%dma_wait3A_318, %dma_wait3A_319] : memref<10240x128xf32, #tpu.memory_space<vmem_shared>> -> memref<10240x128xf32, #tpu.memory_space<vmem_shared>>
        tpu.wait_indirect_dma semaphore(%run_scoped3A_308 : memref<!tpu.dma_semaphore, #tpu.memory_space<semaphore_mem>>) src(%arg9 : memref<128x128xf32, #tpu.memory_space<vmem>>) dst(%dma_wait3A_320 : memref<10240x128xf32, #tpu.memory_space<vmem_shared>>)
        tpu.yield
      }) : () -> ()
      %add3A_277 = arith.constant 6 : i32
      %add3A_278 = arith.addi %mul3A_160, %add3A_277 : i32
      %add3A_279 = arith.addi %mul3A_2, %add3A_278 : i32
      %dma_start3A_280 = arith.constant 0 : i32
      %dma_start3A_281 = arith.constant 0 : i32
      %dma_start3A_282 = tpu.memref_slice %arg3[%add3A_279, %dma_start3A_280, %dma_start3A_281] : memref<2560x2x128xi32, #tpu.memory_space<hbm>> -> memref<1x2x128xi32, #tpu.memory_space<hbm>>
      %dma_start3A_283 = tpu.memref_squeeze %dma_start3A_282 : memref<1x2x128xi32, #tpu.memory_space<hbm>> -> memref<2x128xi32, #tpu.memory_space<hbm>>
      %dma_start3A_284 = arith.constant 0 : i32
      %dma_start3A_285 = arith.constant 0 : i32
      %dma_start3A_286 = tpu.memref_slice %arg3[%add3A_279, %dma_start3A_284, %dma_start3A_285] : memref<2560x2x128xi32, #tpu.memory_space<hbm>> -> memref<1x2x128xi32, #tpu.memory_space<hbm>>
      %dma_start3A_287 = tpu.memref_squeeze %dma_start3A_286 : memref<1x2x128xi32, #tpu.memory_space<hbm>> -> memref<2x128xi32, #tpu.memory_space<hbm>>
      tpu.enqueue_dma source(%dma_start3A_287 : memref<2x128xi32, #tpu.memory_space<hbm>>) target(%arg7 : memref<2x128xi32, #tpu.memory_space<vmem>>) target_semaphore(%arg14 : memref<!tpu.dma_semaphore, #tpu.memory_space<semaphore_mem>>)
      %dma_wait3A_288 = arith.constant 0 : i32
      %dma_wait3A_289 = arith.constant 0 : i32
      %dma_wait3A_290 = tpu.memref_slice %arg8[%dma_wait3A_288, %dma_wait3A_289] : memref<2x128xi32, #tpu.memory_space<vmem>> -> memref<1x128xi32, #tpu.memory_space<vmem>>
      %dma_wait3A_291 = tpu.memref_squeeze %dma_wait3A_290 : memref<1x128xi32, #tpu.memory_space<vmem>> -> memref<128xi32, #tpu.memory_space<vmem>>
      %dma_wait3A_292 = arith.constant 0 : i32
      %dma_wait3A_293 = arith.constant 0 : i32
      %dma_wait3A_294 = tpu.memref_slice %arg2[%dma_wait3A_292, %dma_wait3A_293] : memref<10240x128xf32, #tpu.memory_space<hbm>> -> memref<10240x128xf32, #tpu.memory_space<hbm>>
      tpu.wait_indirect_dma semaphore(%arg17 : memref<!tpu.dma_semaphore, #tpu.memory_space<semaphore_mem>>) src(%dma_wait3A_294 : memref<10240x128xf32, #tpu.memory_space<hbm>>) dst(%arg10 : memref<128x128xf32, #tpu.memory_space<vmem>>)
      %run_scoped3A_295 = arith.constant 1 : i32
      "tpu.region"() ({
        %run_scoped3A_308 = tpu.sem_alloc : memref<!tpu.dma_semaphore, #tpu.memory_space<semaphore_mem>>
        %dma_start3A_309 = arith.constant 0 : i32
        %dma_start3A_310 = tpu.memref_slice %arg8[%run_scoped3A_295, %dma_start3A_309] : memref<2x128xi32, #tpu.memory_space<vmem>> -> memref<1x128xi32, #tpu.memory_space<vmem>>
        %dma_start3A_311 = tpu.memref_squeeze %dma_start3A_310 : memref<1x128xi32, #tpu.memory_space<vmem>> -> memref<128xi32, #tpu.memory_space<vmem>>
        %dma_start3A_312 = arith.constant 0 : i32
        %dma_start3A_313 = arith.constant 0 : i32
        %dma_start3A_314 = tpu.memref_slice %arg11[%dma_start3A_312, %dma_start3A_313] : memref<10240x128xf32, #tpu.memory_space<vmem_shared>> -> memref<10240x128xf32, #tpu.memory_space<vmem_shared>>
        tpu.enqueue_indirect_dma source(%arg10 : memref<128x128xf32, #tpu.memory_space<vmem>>) target(%dma_start3A_314 : memref<10240x128xf32, #tpu.memory_space<vmem_shared>>) offsets(%dma_start3A_311 : memref<128xi32, #tpu.memory_space<vmem>>) semaphore(%run_scoped3A_308 : memref<!tpu.dma_semaphore, #tpu.memory_space<semaphore_mem>>) {add = true}
        %dma_wait3A_315 = arith.constant 0 : i32
        %dma_wait3A_316 = tpu.memref_slice %arg8[%run_scoped3A_295, %dma_wait3A_315] : memref<2x128xi32, #tpu.memory_space<vmem>> -> memref<1x128xi32, #tpu.memory_space<vmem>>
        %dma_wait3A_317 = tpu.memref_squeeze %dma_wait3A_316 : memref<1x128xi32, #tpu.memory_space<vmem>> -> memref<128xi32, #tpu.memory_space<vmem>>
        %dma_wait3A_318 = arith.constant 0 : i32
        %dma_wait3A_319 = arith.constant 0 : i32
        %dma_wait3A_320 = tpu.memref_slice %arg11[%dma_wait3A_318, %dma_wait3A_319] : memref<10240x128xf32, #tpu.memory_space<vmem_shared>> -> memref<10240x128xf32, #tpu.memory_space<vmem_shared>>
        tpu.wait_indirect_dma semaphore(%run_scoped3A_308 : memref<!tpu.dma_semaphore, #tpu.memory_space<semaphore_mem>>) src(%arg10 : memref<128x128xf32, #tpu.memory_space<vmem>>) dst(%dma_wait3A_320 : memref<10240x128xf32, #tpu.memory_space<vmem_shared>>)
        tpu.yield
      }) : () -> ()
      %add3A_296 = arith.constant 7 : i32
      %add3A_297 = arith.addi %mul3A_160, %add3A_296 : i32
      %add3A_298 = arith.addi %mul3A_2, %add3A_297 : i32
      %dma_start3A_299 = arith.constant 0 : i32
      %dma_start3A_300 = arith.constant 0 : i32
      %dma_start3A_301 = tpu.memref_slice %arg3[%add3A_298, %dma_start3A_299, %dma_start3A_300] : memref<2560x2x128xi32, #tpu.memory_space<hbm>> -> memref<1x2x128xi32, #tpu.memory_space<hbm>>
      %dma_start3A_302 = tpu.memref_squeeze %dma_start3A_301 : memref<1x2x128xi32, #tpu.memory_space<hbm>> -> memref<2x128xi32, #tpu.memory_space<hbm>>
      %dma_start3A_303 = arith.constant 0 : i32
      %dma_start3A_304 = arith.constant 0 : i32
      %dma_start3A_305 = tpu.memref_slice %arg3[%add3A_298, %dma_start3A_303, %dma_start3A_304] : memref<2560x2x128xi32, #tpu.memory_space<hbm>> -> memref<1x2x128xi32, #tpu.memory_space<hbm>>
      %dma_start3A_306 = tpu.memref_squeeze %dma_start3A_305 : memref<1x2x128xi32, #tpu.memory_space<hbm>> -> memref<2x128xi32, #tpu.memory_space<hbm>>
      tpu.enqueue_dma source(%dma_start3A_306 : memref<2x128xi32, #tpu.memory_space<hbm>>) target(%arg8 : memref<2x128xi32, #tpu.memory_space<vmem>>) target_semaphore(%arg15 : memref<!tpu.dma_semaphore, #tpu.memory_space<semaphore_mem>>)
      %scan3A_307 = arith.constant 0 : i32
      scf.yield %scan3A_307 : i32
    }
    %scan3A_53 = arith.constant 19 : i32
    %add3A_54 = arith.constant 76 : i32
    %add3A_55 = arith.addi %mul3A_2, %add3A_54 : i32
    %dma_wait3A = arith.constant 0 : i32
    %dma_wait3A_56 = arith.constant 0 : i32
    %dma_wait3A_57 = tpu.memref_slice %arg3[%add3A_55, %dma_wait3A, %dma_wait3A_56] : memref<2560x2x128xi32, #tpu.memory_space<hbm>> -> memref<1x2x128xi32, #tpu.memory_space<hbm>>
    %dma_wait3A_58 = tpu.memref_squeeze %dma_wait3A_57 : memref<1x2x128xi32, #tpu.memory_space<hbm>> -> memref<2x128xi32, #tpu.memory_space<hbm>>
    %dma_wait3A_59 = arith.constant 0 : i32
    %dma_wait3A_60 = arith.constant 0 : i32
    %dma_wait3A_61 = tpu.memref_slice %arg3[%add3A_55, %dma_wait3A_59, %dma_wait3A_60] : memref<2560x2x128xi32, #tpu.memory_space<hbm>> -> memref<1x2x128xi32, #tpu.memory_space<hbm>>
    %dma_wait3A_62 = tpu.memref_squeeze %dma_wait3A_61 : memref<1x2x128xi32, #tpu.memory_space<hbm>> -> memref<2x128xi32, #tpu.memory_space<hbm>>
    tpu.wait_dma2 semaphore(%arg12 : memref<!tpu.dma_semaphore, #tpu.memory_space<semaphore_mem>>) src(%dma_wait3A_62 : memref<2x128xi32, #tpu.memory_space<hbm>>) dst(%arg5 : memref<2x128xi32, #tpu.memory_space<vmem>>)
    %dma_start3A_63 = arith.constant 0 : i32
    %dma_start3A_64 = arith.constant 0 : i32
    %dma_start3A_65 = tpu.memref_slice %arg5[%dma_start3A_63, %dma_start3A_64] : memref<2x128xi32, #tpu.memory_space<vmem>> -> memref<1x128xi32, #tpu.memory_space<vmem>>
    %dma_start3A_66 = tpu.memref_squeeze %dma_start3A_65 : memref<1x128xi32, #tpu.memory_space<vmem>> -> memref<128xi32, #tpu.memory_space<vmem>>
    %dma_start3A_67 = arith.constant 0 : i32
    %dma_start3A_68 = arith.constant 0 : i32
    %dma_start3A_69 = tpu.memref_slice %arg2[%dma_start3A_67, %dma_start3A_68] : memref<10240x128xf32, #tpu.memory_space<hbm>> -> memref<10240x128xf32, #tpu.memory_space<hbm>>
    tpu.enqueue_indirect_dma source(%dma_start3A_69 : memref<10240x128xf32, #tpu.memory_space<hbm>>) target(%arg9 : memref<128x128xf32, #tpu.memory_space<vmem>>) offsets(%dma_start3A_66 : memref<128xi32, #tpu.memory_space<vmem>>) semaphore(%arg16 : memref<!tpu.dma_semaphore, #tpu.memory_space<semaphore_mem>>)
    %add3A_70 = arith.constant 77 : i32
    %add3A_71 = arith.addi %mul3A_2, %add3A_70 : i32
    %dma_wait3A_72 = arith.constant 0 : i32
    %dma_wait3A_73 = arith.constant 0 : i32
    %dma_wait3A_74 = tpu.memref_slice %arg3[%add3A_71, %dma_wait3A_72, %dma_wait3A_73] : memref<2560x2x128xi32, #tpu.memory_space<hbm>> -> memref<1x2x128xi32, #tpu.memory_space<hbm>>
    %dma_wait3A_75 = tpu.memref_squeeze %dma_wait3A_74 : memref<1x2x128xi32, #tpu.memory_space<hbm>> -> memref<2x128xi32, #tpu.memory_space<hbm>>
    %dma_wait3A_76 = arith.constant 0 : i32
    %dma_wait3A_77 = arith.constant 0 : i32
    %dma_wait3A_78 = tpu.memref_slice %arg3[%add3A_71, %dma_wait3A_76, %dma_wait3A_77] : memref<2560x2x128xi32, #tpu.memory_space<hbm>> -> memref<1x2x128xi32, #tpu.memory_space<hbm>>
    %dma_wait3A_79 = tpu.memref_squeeze %dma_wait3A_78 : memref<1x2x128xi32, #tpu.memory_space<hbm>> -> memref<2x128xi32, #tpu.memory_space<hbm>>
    tpu.wait_dma2 semaphore(%arg13 : memref<!tpu.dma_semaphore, #tpu.memory_space<semaphore_mem>>) src(%dma_wait3A_79 : memref<2x128xi32, #tpu.memory_space<hbm>>) dst(%arg6 : memref<2x128xi32, #tpu.memory_space<vmem>>)
    %dma_start3A_80 = arith.constant 0 : i32
    %dma_start3A_81 = arith.constant 0 : i32
    %dma_start3A_82 = tpu.memref_slice %arg6[%dma_start3A_80, %dma_start3A_81] : memref<2x128xi32, #tpu.memory_space<vmem>> -> memref<1x128xi32, #tpu.memory_space<vmem>>
    %dma_start3A_83 = tpu.memref_squeeze %dma_start3A_82 : memref<1x128xi32, #tpu.memory_space<vmem>> -> memref<128xi32, #tpu.memory_space<vmem>>
    %dma_start3A_84 = arith.constant 0 : i32
    %dma_start3A_85 = arith.constant 0 : i32
    %dma_start3A_86 = tpu.memref_slice %arg2[%dma_start3A_84, %dma_start3A_85] : memref<10240x128xf32, #tpu.memory_space<hbm>> -> memref<10240x128xf32, #tpu.memory_space<hbm>>
    tpu.enqueue_indirect_dma source(%dma_start3A_86 : memref<10240x128xf32, #tpu.memory_space<hbm>>) target(%arg10 : memref<128x128xf32, #tpu.memory_space<vmem>>) offsets(%dma_start3A_83 : memref<128xi32, #tpu.memory_space<vmem>>) semaphore(%arg17 : memref<!tpu.dma_semaphore, #tpu.memory_space<semaphore_mem>>)
    %dma_wait3A_87 = arith.constant 0 : i32
    %dma_wait3A_88 = arith.constant 0 : i32
    %dma_wait3A_89 = tpu.memref_slice %arg5[%dma_wait3A_87, %dma_wait3A_88] : memref<2x128xi32, #tpu.memory_space<vmem>> -> memref<1x128xi32, #tpu.memory_space<vmem>>
    %dma_wait3A_90 = tpu.memref_squeeze %dma_wait3A_89 : memref<1x128xi32, #tpu.memory_space<vmem>> -> memref<128xi32, #tpu.memory_space<vmem>>
    %dma_wait3A_91 = arith.constant 0 : i32
    %dma_wait3A_92 = arith.constant 0 : i32
    %dma_wait3A_93 = tpu.memref_slice %arg2[%dma_wait3A_91, %dma_wait3A_92] : memref<10240x128xf32, #tpu.memory_space<hbm>> -> memref<10240x128xf32, #tpu.memory_space<hbm>>
    tpu.wait_indirect_dma semaphore(%arg16 : memref<!tpu.dma_semaphore, #tpu.memory_space<semaphore_mem>>) src(%dma_wait3A_93 : memref<10240x128xf32, #tpu.memory_space<hbm>>) dst(%arg9 : memref<128x128xf32, #tpu.memory_space<vmem>>)
    %run_scoped3A = arith.constant 1 : i32
    "tpu.region"() ({
      %run_scoped3A_157 = tpu.sem_alloc : memref<!tpu.dma_semaphore, #tpu.memory_space<semaphore_mem>>
      %dma_start3A_158 = arith.constant 0 : i32
      %dma_start3A_159 = tpu.memref_slice %arg5[%run_scoped3A, %dma_start3A_158] : memref<2x128xi32, #tpu.memory_space<vmem>> -> memref<1x128xi32, #tpu.memory_space<vmem>>
      %dma_start3A_160 = tpu.memref_squeeze %dma_start3A_159 : memref<1x128xi32, #tpu.memory_space<vmem>> -> memref<128xi32, #tpu.memory_space<vmem>>
      %dma_start3A_161 = arith.constant 0 : i32
      %dma_start3A_162 = arith.constant 0 : i32
      %dma_start3A_163 = tpu.memref_slice %arg11[%dma_start3A_161, %dma_start3A_162] : memref<10240x128xf32, #tpu.memory_space<vmem_shared>> -> memref<10240x128xf32, #tpu.memory_space<vmem_shared>>
      tpu.enqueue_indirect_dma source(%arg9 : memref<128x128xf32, #tpu.memory_space<vmem>>) target(%dma_start3A_163 : memref<10240x128xf32, #tpu.memory_space<vmem_shared>>) offsets(%dma_start3A_160 : memref<128xi32, #tpu.memory_space<vmem>>) semaphore(%run_scoped3A_157 : memref<!tpu.dma_semaphore, #tpu.memory_space<semaphore_mem>>) {add = true}
      %dma_wait3A_164 = arith.constant 0 : i32
      %dma_wait3A_165 = tpu.memref_slice %arg5[%run_scoped3A, %dma_wait3A_164] : memref<2x128xi32, #tpu.memory_space<vmem>> -> memref<1x128xi32, #tpu.memory_space<vmem>>
      %dma_wait3A_166 = tpu.memref_squeeze %dma_wait3A_165 : memref<1x128xi32, #tpu.memory_space<vmem>> -> memref<128xi32, #tpu.memory_space<vmem>>
      %dma_wait3A_167 = arith.constant 0 : i32
      %dma_wait3A_168 = arith.constant 0 : i32
      %dma_wait3A_169 = tpu.memref_slice %arg11[%dma_wait3A_167, %dma_wait3A_168] : memref<10240x128xf32, #tpu.memory_space<vmem_shared>> -> memref<10240x128xf32, #tpu.memory_space<vmem_shared>>
      tpu.wait_indirect_dma semaphore(%run_scoped3A_157 : memref<!tpu.dma_semaphore, #tpu.memory_space<semaphore_mem>>) src(%arg9 : memref<128x128xf32, #tpu.memory_space<vmem>>) dst(%dma_wait3A_169 : memref<10240x128xf32, #tpu.memory_space<vmem_shared>>)
      tpu.yield
    }) : () -> ()
    %add3A_94 = arith.constant 78 : i32
    %add3A_95 = arith.addi %mul3A_2, %add3A_94 : i32
    %dma_wait3A_96 = arith.constant 0 : i32
    %dma_wait3A_97 = arith.constant 0 : i32
    %dma_wait3A_98 = tpu.memref_slice %arg3[%add3A_95, %dma_wait3A_96, %dma_wait3A_97] : memref<2560x2x128xi32, #tpu.memory_space<hbm>> -> memref<1x2x128xi32, #tpu.memory_space<hbm>>
    %dma_wait3A_99 = tpu.memref_squeeze %dma_wait3A_98 : memref<1x2x128xi32, #tpu.memory_space<hbm>> -> memref<2x128xi32, #tpu.memory_space<hbm>>
    %dma_wait3A_100 = arith.constant 0 : i32
    %dma_wait3A_101 = arith.constant 0 : i32
    %dma_wait3A_102 = tpu.memref_slice %arg3[%add3A_95, %dma_wait3A_100, %dma_wait3A_101] : memref<2560x2x128xi32, #tpu.memory_space<hbm>> -> memref<1x2x128xi32, #tpu.memory_space<hbm>>
    %dma_wait3A_103 = tpu.memref_squeeze %dma_wait3A_102 : memref<1x2x128xi32, #tpu.memory_space<hbm>> -> memref<2x128xi32, #tpu.memory_space<hbm>>
    tpu.wait_dma2 semaphore(%arg14 : memref<!tpu.dma_semaphore, #tpu.memory_space<semaphore_mem>>) src(%dma_wait3A_103 : memref<2x128xi32, #tpu.memory_space<hbm>>) dst(%arg7 : memref<2x128xi32, #tpu.memory_space<vmem>>)
    %dma_start3A_104 = arith.constant 0 : i32
    %dma_start3A_105 = arith.constant 0 : i32
    %dma_start3A_106 = tpu.memref_slice %arg7[%dma_start3A_104, %dma_start3A_105] : memref<2x128xi32, #tpu.memory_space<vmem>> -> memref<1x128xi32, #tpu.memory_space<vmem>>
    %dma_start3A_107 = tpu.memref_squeeze %dma_start3A_106 : memref<1x128xi32, #tpu.memory_space<vmem>> -> memref<128xi32, #tpu.memory_space<vmem>>
    %dma_start3A_108 = arith.constant 0 : i32
    %dma_start3A_109 = arith.constant 0 : i32
    %dma_start3A_110 = tpu.memref_slice %arg2[%dma_start3A_108, %dma_start3A_109] : memref<10240x128xf32, #tpu.memory_space<hbm>> -> memref<10240x128xf32, #tpu.memory_space<hbm>>
    tpu.enqueue_indirect_dma source(%dma_start3A_110 : memref<10240x128xf32, #tpu.memory_space<hbm>>) target(%arg9 : memref<128x128xf32, #tpu.memory_space<vmem>>) offsets(%dma_start3A_107 : memref<128xi32, #tpu.memory_space<vmem>>) semaphore(%arg16 : memref<!tpu.dma_semaphore, #tpu.memory_space<semaphore_mem>>)
    %dma_wait3A_111 = arith.constant 0 : i32
    %dma_wait3A_112 = arith.constant 0 : i32
    %dma_wait3A_113 = tpu.memref_slice %arg6[%dma_wait3A_111, %dma_wait3A_112] : memref<2x128xi32, #tpu.memory_space<vmem>> -> memref<1x128xi32, #tpu.memory_space<vmem>>
    %dma_wait3A_114 = tpu.memref_squeeze %dma_wait3A_113 : memref<1x128xi32, #tpu.memory_space<vmem>> -> memref<128xi32, #tpu.memory_space<vmem>>
    %dma_wait3A_115 = arith.constant 0 : i32
    %dma_wait3A_116 = arith.constant 0 : i32
    %dma_wait3A_117 = tpu.memref_slice %arg2[%dma_wait3A_115, %dma_wait3A_116] : memref<10240x128xf32, #tpu.memory_space<hbm>> -> memref<10240x128xf32, #tpu.memory_space<hbm>>
    tpu.wait_indirect_dma semaphore(%arg17 : memref<!tpu.dma_semaphore, #tpu.memory_space<semaphore_mem>>) src(%dma_wait3A_117 : memref<10240x128xf32, #tpu.memory_space<hbm>>) dst(%arg10 : memref<128x128xf32, #tpu.memory_space<vmem>>)
    %run_scoped3A_118 = arith.constant 1 : i32
    "tpu.region"() ({
      %run_scoped3A_157 = tpu.sem_alloc : memref<!tpu.dma_semaphore, #tpu.memory_space<semaphore_mem>>
      %dma_start3A_158 = arith.constant 0 : i32
      %dma_start3A_159 = tpu.memref_slice %arg6[%run_scoped3A_118, %dma_start3A_158] : memref<2x128xi32, #tpu.memory_space<vmem>> -> memref<1x128xi32, #tpu.memory_space<vmem>>
      %dma_start3A_160 = tpu.memref_squeeze %dma_start3A_159 : memref<1x128xi32, #tpu.memory_space<vmem>> -> memref<128xi32, #tpu.memory_space<vmem>>
      %dma_start3A_161 = arith.constant 0 : i32
      %dma_start3A_162 = arith.constant 0 : i32
      %dma_start3A_163 = tpu.memref_slice %arg11[%dma_start3A_161, %dma_start3A_162] : memref<10240x128xf32, #tpu.memory_space<vmem_shared>> -> memref<10240x128xf32, #tpu.memory_space<vmem_shared>>
      tpu.enqueue_indirect_dma source(%arg10 : memref<128x128xf32, #tpu.memory_space<vmem>>) target(%dma_start3A_163 : memref<10240x128xf32, #tpu.memory_space<vmem_shared>>) offsets(%dma_start3A_160 : memref<128xi32, #tpu.memory_space<vmem>>) semaphore(%run_scoped3A_157 : memref<!tpu.dma_semaphore, #tpu.memory_space<semaphore_mem>>) {add = true}
      %dma_wait3A_164 = arith.constant 0 : i32
      %dma_wait3A_165 = tpu.memref_slice %arg6[%run_scoped3A_118, %dma_wait3A_164] : memref<2x128xi32, #tpu.memory_space<vmem>> -> memref<1x128xi32, #tpu.memory_space<vmem>>
      %dma_wait3A_166 = tpu.memref_squeeze %dma_wait3A_165 : memref<1x128xi32, #tpu.memory_space<vmem>> -> memref<128xi32, #tpu.memory_space<vmem>>
      %dma_wait3A_167 = arith.constant 0 : i32
      %dma_wait3A_168 = arith.constant 0 : i32
      %dma_wait3A_169 = tpu.memref_slice %arg11[%dma_wait3A_167, %dma_wait3A_168] : memref<10240x128xf32, #tpu.memory_space<vmem_shared>> -> memref<10240x128xf32, #tpu.memory_space<vmem_shared>>
      tpu.wait_indirect_dma semaphore(%run_scoped3A_157 : memref<!tpu.dma_semaphore, #tpu.memory_space<semaphore_mem>>) src(%arg10 : memref<128x128xf32, #tpu.memory_space<vmem>>) dst(%dma_wait3A_169 : memref<10240x128xf32, #tpu.memory_space<vmem_shared>>)
      tpu.yield
    }) : () -> ()
    %add3A_119 = arith.constant 79 : i32
    %add3A_120 = arith.addi %mul3A_2, %add3A_119 : i32
    %dma_wait3A_121 = arith.constant 0 : i32
    %dma_wait3A_122 = arith.constant 0 : i32
    %dma_wait3A_123 = tpu.memref_slice %arg3[%add3A_120, %dma_wait3A_121, %dma_wait3A_122] : memref<2560x2x128xi32, #tpu.memory_space<hbm>> -> memref<1x2x128xi32, #tpu.memory_space<hbm>>
    %dma_wait3A_124 = tpu.memref_squeeze %dma_wait3A_123 : memref<1x2x128xi32, #tpu.memory_space<hbm>> -> memref<2x128xi32, #tpu.memory_space<hbm>>
    %dma_wait3A_125 = arith.constant 0 : i32
    %dma_wait3A_126 = arith.constant 0 : i32
    %dma_wait3A_127 = tpu.memref_slice %arg3[%add3A_120, %dma_wait3A_125, %dma_wait3A_126] : memref<2560x2x128xi32, #tpu.memory_space<hbm>> -> memref<1x2x128xi32, #tpu.memory_space<hbm>>
    %dma_wait3A_128 = tpu.memref_squeeze %dma_wait3A_127 : memref<1x2x128xi32, #tpu.memory_space<hbm>> -> memref<2x128xi32, #tpu.memory_space<hbm>>
    tpu.wait_dma2 semaphore(%arg15 : memref<!tpu.dma_semaphore, #tpu.memory_space<semaphore_mem>>) src(%dma_wait3A_128 : memref<2x128xi32, #tpu.memory_space<hbm>>) dst(%arg8 : memref<2x128xi32, #tpu.memory_space<vmem>>)
    %dma_start3A_129 = arith.constant 0 : i32
    %dma_start3A_130 = arith.constant 0 : i32
    %dma_start3A_131 = tpu.memref_slice %arg8[%dma_start3A_129, %dma_start3A_130] : memref<2x128xi32, #tpu.memory_space<vmem>> -> memref<1x128xi32, #tpu.memory_space<vmem>>
    %dma_start3A_132 = tpu.memref_squeeze %dma_start3A_131 : memref<1x128xi32, #tpu.memory_space<vmem>> -> memref<128xi32, #tpu.memory_space<vmem>>
    %dma_start3A_133 = arith.constant 0 : i32
    %dma_start3A_134 = arith.constant 0 : i32
    %dma_start3A_135 = tpu.memref_slice %arg2[%dma_start3A_133, %dma_start3A_134] : memref<10240x128xf32, #tpu.memory_space<hbm>> -> memref<10240x128xf32, #tpu.memory_space<hbm>>
    tpu.enqueue_indirect_dma source(%dma_start3A_135 : memref<10240x128xf32, #tpu.memory_space<hbm>>) target(%arg10 : memref<128x128xf32, #tpu.memory_space<vmem>>) offsets(%dma_start3A_132 : memref<128xi32, #tpu.memory_space<vmem>>) semaphore(%arg17 : memref<!tpu.dma_semaphore, #tpu.memory_space<semaphore_mem>>)
    %dma_wait3A_136 = arith.constant 0 : i32
    %dma_wait3A_137 = arith.constant 0 : i32
    %dma_wait3A_138 = tpu.memref_slice %arg7[%dma_wait3A_136, %dma_wait3A_137] : memref<2x128xi32, #tpu.memory_space<vmem>> -> memref<1x128xi32, #tpu.memory_space<vmem>>
    %dma_wait3A_139 = tpu.memref_squeeze %dma_wait3A_138 : memref<1x128xi32, #tpu.memory_space<vmem>> -> memref<128xi32, #tpu.memory_space<vmem>>
    %dma_wait3A_140 = arith.constant 0 : i32
    %dma_wait3A_141 = arith.constant 0 : i32
    %dma_wait3A_142 = tpu.memref_slice %arg2[%dma_wait3A_140, %dma_wait3A_141] : memref<10240x128xf32, #tpu.memory_space<hbm>> -> memref<10240x128xf32, #tpu.memory_space<hbm>>
    tpu.wait_indirect_dma semaphore(%arg16 : memref<!tpu.dma_semaphore, #tpu.memory_space<semaphore_mem>>) src(%dma_wait3A_142 : memref<10240x128xf32, #tpu.memory_space<hbm>>) dst(%arg9 : memref<128x128xf32, #tpu.memory_space<vmem>>)
    %run_scoped3A_143 = arith.constant 1 : i32
    "tpu.region"() ({
      %run_scoped3A_157 = tpu.sem_alloc : memref<!tpu.dma_semaphore, #tpu.memory_space<semaphore_mem>>
      %dma_start3A_158 = arith.constant 0 : i32
      %dma_start3A_159 = tpu.memref_slice %arg7[%run_scoped3A_143, %dma_start3A_158] : memref<2x128xi32, #tpu.memory_space<vmem>> -> memref<1x128xi32, #tpu.memory_space<vmem>>
      %dma_start3A_160 = tpu.memref_squeeze %dma_start3A_159 : memref<1x128xi32, #tpu.memory_space<vmem>> -> memref<128xi32, #tpu.memory_space<vmem>>
      %dma_start3A_161 = arith.constant 0 : i32
      %dma_start3A_162 = arith.constant 0 : i32
      %dma_start3A_163 = tpu.memref_slice %arg11[%dma_start3A_161, %dma_start3A_162] : memref<10240x128xf32, #tpu.memory_space<vmem_shared>> -> memref<10240x128xf32, #tpu.memory_space<vmem_shared>>
      tpu.enqueue_indirect_dma source(%arg9 : memref<128x128xf32, #tpu.memory_space<vmem>>) target(%dma_start3A_163 : memref<10240x128xf32, #tpu.memory_space<vmem_shared>>) offsets(%dma_start3A_160 : memref<128xi32, #tpu.memory_space<vmem>>) semaphore(%run_scoped3A_157 : memref<!tpu.dma_semaphore, #tpu.memory_space<semaphore_mem>>) {add = true}
      %dma_wait3A_164 = arith.constant 0 : i32
      %dma_wait3A_165 = tpu.memref_slice %arg7[%run_scoped3A_143, %dma_wait3A_164] : memref<2x128xi32, #tpu.memory_space<vmem>> -> memref<1x128xi32, #tpu.memory_space<vmem>>
      %dma_wait3A_166 = tpu.memref_squeeze %dma_wait3A_165 : memref<1x128xi32, #tpu.memory_space<vmem>> -> memref<128xi32, #tpu.memory_space<vmem>>
      %dma_wait3A_167 = arith.constant 0 : i32
      %dma_wait3A_168 = arith.constant 0 : i32
      %dma_wait3A_169 = tpu.memref_slice %arg11[%dma_wait3A_167, %dma_wait3A_168] : memref<10240x128xf32, #tpu.memory_space<vmem_shared>> -> memref<10240x128xf32, #tpu.memory_space<vmem_shared>>
      tpu.wait_indirect_dma semaphore(%run_scoped3A_157 : memref<!tpu.dma_semaphore, #tpu.memory_space<semaphore_mem>>) src(%arg9 : memref<128x128xf32, #tpu.memory_space<vmem>>) dst(%dma_wait3A_169 : memref<10240x128xf32, #tpu.memory_space<vmem_shared>>)
      tpu.yield
    }) : () -> ()
    %dma_wait3A_144 = arith.constant 0 : i32
    %dma_wait3A_145 = arith.constant 0 : i32
    %dma_wait3A_146 = tpu.memref_slice %arg8[%dma_wait3A_144, %dma_wait3A_145] : memref<2x128xi32, #tpu.memory_space<vmem>> -> memref<1x128xi32, #tpu.memory_space<vmem>>
    %dma_wait3A_147 = tpu.memref_squeeze %dma_wait3A_146 : memref<1x128xi32, #tpu.memory_space<vmem>> -> memref<128xi32, #tpu.memory_space<vmem>>
    %dma_wait3A_148 = arith.constant 0 : i32
    %dma_wait3A_149 = arith.constant 0 : i32
    %dma_wait3A_150 = tpu.memref_slice %arg2[%dma_wait3A_148, %dma_wait3A_149] : memref<10240x128xf32, #tpu.memory_space<hbm>> -> memref<10240x128xf32, #tpu.memory_space<hbm>>
    tpu.wait_indirect_dma semaphore(%arg17 : memref<!tpu.dma_semaphore, #tpu.memory_space<semaphore_mem>>) src(%dma_wait3A_150 : memref<10240x128xf32, #tpu.memory_space<hbm>>) dst(%arg10 : memref<128x128xf32, #tpu.memory_space<vmem>>)
    %run_scoped3A_151 = arith.constant 1 : i32
    "tpu.region"() ({
      %run_scoped3A_157 = tpu.sem_alloc : memref<!tpu.dma_semaphore, #tpu.memory_space<semaphore_mem>>
      %dma_start3A_158 = arith.constant 0 : i32
      %dma_start3A_159 = tpu.memref_slice %arg8[%run_scoped3A_151, %dma_start3A_158] : memref<2x128xi32, #tpu.memory_space<vmem>> -> memref<1x128xi32, #tpu.memory_space<vmem>>
      %dma_start3A_160 = tpu.memref_squeeze %dma_start3A_159 : memref<1x128xi32, #tpu.memory_space<vmem>> -> memref<128xi32, #tpu.memory_space<vmem>>
      %dma_start3A_161 = arith.constant 0 : i32
      %dma_start3A_162 = arith.constant 0 : i32
      %dma_start3A_163 = tpu.memref_slice %arg11[%dma_start3A_161, %dma_start3A_162] : memref<10240x128xf32, #tpu.memory_space<vmem_shared>> -> memref<10240x128xf32, #tpu.memory_space<vmem_shared>>
      tpu.enqueue_indirect_dma source(%arg10 : memref<128x128xf32, #tpu.memory_space<vmem>>) target(%dma_start3A_163 : memref<10240x128xf32, #tpu.memory_space<vmem_shared>>) offsets(%dma_start3A_160 : memref<128xi32, #tpu.memory_space<vmem>>) semaphore(%run_scoped3A_157 : memref<!tpu.dma_semaphore, #tpu.memory_space<semaphore_mem>>) {add = true}
      %dma_wait3A_164 = arith.constant 0 : i32
      %dma_wait3A_165 = tpu.memref_slice %arg8[%run_scoped3A_151, %dma_wait3A_164] : memref<2x128xi32, #tpu.memory_space<vmem>> -> memref<1x128xi32, #tpu.memory_space<vmem>>
      %dma_wait3A_166 = tpu.memref_squeeze %dma_wait3A_165 : memref<1x128xi32, #tpu.memory_space<vmem>> -> memref<128xi32, #tpu.memory_space<vmem>>
      %dma_wait3A_167 = arith.constant 0 : i32
      %dma_wait3A_168 = arith.constant 0 : i32
      %dma_wait3A_169 = tpu.memref_slice %arg11[%dma_wait3A_167, %dma_wait3A_168] : memref<10240x128xf32, #tpu.memory_space<vmem_shared>> -> memref<10240x128xf32, #tpu.memory_space<vmem_shared>>
      tpu.wait_indirect_dma semaphore(%run_scoped3A_157 : memref<!tpu.dma_semaphore, #tpu.memory_space<semaphore_mem>>) src(%arg10 : memref<128x128xf32, #tpu.memory_space<vmem>>) dst(%dma_wait3A_169 : memref<10240x128xf32, #tpu.memory_space<vmem_shared>>)
      tpu.yield
    }) : () -> ()
    %barrier3A_152 = arith.constant 0 : index
    tpu.barrier barrier_id(%barrier3A_152)
    %mul3A_153 = arith.constant 640 : i32
    %mul3A_154 = arith.muli %arg1, %mul3A_153 : i32
    %mul3A_155 = arith.constant 640 : i32
    %mul3A_156 = arith.muli %arg1, %mul3A_155 : i32
    "tpu.region"() ({
      %run_scoped3A_157 = tpu.sem_alloc : memref<!tpu.dma_semaphore, #tpu.memory_space<semaphore_mem>>
      %dma_start3A_158 = arith.constant 0 : i32
      %dma_start3A_159 = tpu.memref_slice %arg4[%arg0, %mul3A_156, %dma_start3A_158] : memref<2x10240x128xf32, #tpu.memory_space<hbm>> -> memref<1x640x128xf32, #tpu.memory_space<hbm>>
      %dma_start3A_160 = tpu.memref_squeeze %dma_start3A_159 : memref<1x640x128xf32, #tpu.memory_space<hbm>> -> memref<640x128xf32, #tpu.memory_space<hbm>>
      %dma_start3A_161 = arith.constant 0 : i32
      %dma_start3A_162 = tpu.memref_slice %arg11[%mul3A_154, %dma_start3A_161] : memref<10240x128xf32, #tpu.memory_space<vmem_shared>> -> memref<640x128xf32, #tpu.memory_space<vmem_shared>>
      tpu.enqueue_dma source(%dma_start3A_162 : memref<640x128xf32, #tpu.memory_space<vmem_shared>>) target(%dma_start3A_160 : memref<640x128xf32, #tpu.memory_space<hbm>>) target_semaphore(%run_scoped3A_157 : memref<!tpu.dma_semaphore, #tpu.memory_space<semaphore_mem>>)
      %dma_wait3A_163 = arith.constant 0 : i32
      %dma_wait3A_164 = tpu.memref_slice %arg4[%arg0, %mul3A_156, %dma_wait3A_163] : memref<2x10240x128xf32, #tpu.memory_space<hbm>> -> memref<1x640x128xf32, #tpu.memory_space<hbm>>
      %dma_wait3A_165 = tpu.memref_squeeze %dma_wait3A_164 : memref<1x640x128xf32, #tpu.memory_space<hbm>> -> memref<640x128xf32, #tpu.memory_space<hbm>>
      %dma_wait3A_166 = arith.constant 0 : i32
      %dma_wait3A_167 = tpu.memref_slice %arg11[%mul3A_154, %dma_wait3A_166] : memref<10240x128xf32, #tpu.memory_space<vmem_shared>> -> memref<640x128xf32, #tpu.memory_space<vmem_shared>>
      tpu.wait_dma2 semaphore(%run_scoped3A_157 : memref<!tpu.dma_semaphore, #tpu.memory_space<semaphore_mem>>) src(%dma_wait3A_167 : memref<640x128xf32, #tpu.memory_space<vmem_shared>>) dst(%dma_wait3A_165 : memref<640x128xf32, #tpu.memory_space<hbm>>)
      tpu.yield
    }) : () -> ()
    return
  }
}

module attributes {stable_mosaic.version = 14 : i64} {
  func.func @_tc_prep(%arg0: memref<10240x128xf32, #tpu.memory_space<vmem>>, %arg1: memref<10240x1xf32, #tpu.memory_space<vmem>>, %arg2: memref<10240x1xf32, #tpu.memory_space<vmem>>, %arg3: memref<10240x128xf32, #tpu.memory_space<vmem>>, %arg4: memref<10240x1xf32, #tpu.memory_space<vmem>>) attributes {dimension_semantics = [], scalar_prefetch = 0 : i64, scratch_operands = 0 : i64, tpu.core_type = #tpu.core_type<tc>} {
    %get3A = arith.constant 0 : index
    %get3A_0 = arith.constant 0 : index
    %get3A_1 = vector.load %arg1[%get3A, %get3A_0] : memref<10240x1xf32, #tpu.memory_space<vmem>>, vector<10240x1xf32>
    %get3A_2 = arith.constant 0 : index
    %get3A_3 = arith.constant 0 : index
    %get3A_4 = vector.load %arg2[%get3A_2, %get3A_3] : memref<10240x1xf32, #tpu.memory_space<vmem>>, vector<10240x1xf32>
    %add3A = arith.addf %get3A_1, %get3A_4 : vector<10240x1xf32>
    %add3A_5 = arith.constant 1.000000e+00 : f32
    %add3A_6 = vector.broadcast %add3A_5 : f32 to vector<10240x1xf32>
    %add3A_7 = arith.addf %add3A, %add3A_6 : vector<10240x1xf32>
    %rsqrt3A = math.rsqrt %add3A_7 : vector<10240x1xf32>
    %get3A_8 = arith.constant 0 : index
    %get3A_9 = arith.constant 0 : index
    %get3A_10 = vector.load %arg0[%get3A_8, %get3A_9] : memref<10240x128xf32, #tpu.memory_space<vmem>>, vector<10240x128xf32>
    %mul3A = vector.broadcast %rsqrt3A : vector<10240x1xf32> to vector<10240x128xf32>
    %mul3A_11 = arith.mulf %get3A_10, %mul3A : vector<10240x128xf32>
    %swap3A = arith.constant 0 : index
    %swap3A_12 = arith.constant 0 : index
    %swap3A_13 = vector.load %arg3[%swap3A, %swap3A_12] : memref<10240x128xf32, #tpu.memory_space<vmem>>, vector<10240x128xf32>
    tpu.vector_store %arg3[%swap3A, %swap3A_12], %mul3A_11 {strides = array<i32>} : memref<10240x128xf32, #tpu.memory_space<vmem>>, vector<10240x128xf32>,
    %swap3A_14 = arith.constant 0 : index
    %swap3A_15 = arith.constant 0 : index
    %swap3A_16 = vector.load %arg4[%swap3A_14, %swap3A_15] : memref<10240x1xf32, #tpu.memory_space<vmem>>, vector<10240x1xf32>
    tpu.vector_store %arg4[%swap3A_14, %swap3A_15], %rsqrt3A {strides = array<i32>} : memref<10240x1xf32, #tpu.memory_space<vmem>>, vector<10240x1xf32>,
    return
  }
}

module attributes {stable_mosaic.version = 14 : i64} {
  func.func @_tc_layer(%arg0: memref<10240x128xf32, #tpu.memory_space<vmem>>, %arg1: memref<10240x128xf32, #tpu.memory_space<vmem>>, %arg2: memref<10240x1xf32, #tpu.memory_space<vmem>>, %arg3: memref<128x128xf32, #tpu.memory_space<vmem>>, %arg4: memref<1x128xf32, #tpu.memory_space<vmem>>, %arg5: memref<10240x128xf32, #tpu.memory_space<vmem>>) attributes {dimension_semantics = [], scalar_prefetch = 0 : i64, scratch_operands = 0 : i64, tpu.core_type = #tpu.core_type<tc>} {
    %get3A = arith.constant 0 : index
    %get3A_0 = arith.constant 0 : index
    %get3A_1 = vector.load %arg2[%get3A, %get3A_0] : memref<10240x1xf32, #tpu.memory_space<vmem>>, vector<10240x1xf32>
    %get3A_2 = arith.constant 0 : index
    %get3A_3 = arith.constant 0 : index
    %get3A_4 = vector.load %arg0[%get3A_2, %get3A_3] : memref<10240x128xf32, #tpu.memory_space<vmem>>, vector<10240x128xf32>
    %get3A_5 = arith.constant 0 : index
    %get3A_6 = arith.constant 0 : index
    %get3A_7 = vector.load %arg1[%get3A_5, %get3A_6] : memref<10240x128xf32, #tpu.memory_space<vmem>>, vector<10240x128xf32>
    %add3A = arith.addf %get3A_4, %get3A_7 : vector<10240x128xf32>
    %mul3A = vector.broadcast %get3A_1 : vector<10240x1xf32> to vector<10240x128xf32>
    %mul3A_8 = arith.mulf %mul3A, %add3A : vector<10240x128xf32>
    %get3A_9 = arith.constant 0 : index
    %get3A_10 = arith.constant 0 : index
    %get3A_11 = vector.load %arg3[%get3A_9, %get3A_10] : memref<128x128xf32, #tpu.memory_space<vmem>>, vector<128x128xf32>
    %dot_general3A = arith.constant dense<0.000000e+00> : vector<10240x128xf32>
    %dot_general3A_12 = tpu.matmul %mul3A_8, %get3A_11, %dot_general3A {dimension_numbers = #tpu.dot_dimension_numbers<[1], [0], [0], [1], [0, 0, 1, 1], [], []>, transpose_lhs_hint = false} : vector<10240x128xf32>, vector<128x128xf32>, vector<10240x128xf32> -> vector<10240x128xf32>
    %get3A_13 = arith.constant 0 : index
    %get3A_14 = arith.constant 0 : index
    %get3A_15 = vector.load %arg4[%get3A_13, %get3A_14] : memref<1x128xf32, #tpu.memory_space<vmem>>, vector<1x128xf32>
    %add3A_16 = vector.broadcast %get3A_15 : vector<1x128xf32> to vector<10240x128xf32>
    %add3A_17 = arith.addf %dot_general3A_12, %add3A_16 : vector<10240x128xf32>
    %max3A = arith.constant 0.000000e+00 : f32
    %max3A_18 = vector.broadcast %max3A : f32 to vector<10240x128xf32>
    %max3A_19 = arith.maximumf %add3A_17, %max3A_18 : vector<10240x128xf32>
    %mul3A_20 = vector.broadcast %get3A_1 : vector<10240x1xf32> to vector<10240x128xf32>
    %mul3A_21 = arith.mulf %max3A_19, %mul3A_20 : vector<10240x128xf32>
    %swap3A = arith.constant 0 : index
    %swap3A_22 = arith.constant 0 : index
    %swap3A_23 = vector.load %arg5[%swap3A, %swap3A_22] : memref<10240x128xf32, #tpu.memory_space<vmem>>, vector<10240x128xf32>
    tpu.vector_store %arg5[%swap3A, %swap3A_22], %mul3A_21 {strides = array<i32>} : memref<10240x128xf32, #tpu.memory_space<vmem>>, vector<10240x128xf32>,
    return
  }
}

module attributes {stable_mosaic.version = 14 : i64} {
  func.func @_tc_final(%arg0: memref<10240x128xf32, #tpu.memory_space<vmem>>, %arg1: memref<10240x128xf32, #tpu.memory_space<vmem>>, %arg2: memref<10240x1xf32, #tpu.memory_space<vmem>>, %arg3: memref<128x40xf32, #tpu.memory_space<vmem>>, %arg4: memref<1x40xf32, #tpu.memory_space<vmem>>, %arg5: memref<10240x40xf32, #tpu.memory_space<vmem>>) attributes {dimension_semantics = [], scalar_prefetch = 0 : i64, scratch_operands = 0 : i64, tpu.core_type = #tpu.core_type<tc>} {
    %get3A = arith.constant 0 : index
    %get3A_0 = arith.constant 0 : index
    %get3A_1 = vector.load %arg2[%get3A, %get3A_0] : memref<10240x1xf32, #tpu.memory_space<vmem>>, vector<10240x1xf32>
    %get3A_2 = arith.constant 0 : index
    %get3A_3 = arith.constant 0 : index
    %get3A_4 = vector.load %arg0[%get3A_2, %get3A_3] : memref<10240x128xf32, #tpu.memory_space<vmem>>, vector<10240x128xf32>
    %get3A_5 = arith.constant 0 : index
    %get3A_6 = arith.constant 0 : index
    %get3A_7 = vector.load %arg1[%get3A_5, %get3A_6] : memref<10240x128xf32, #tpu.memory_space<vmem>>, vector<10240x128xf32>
    %add3A = arith.addf %get3A_4, %get3A_7 : vector<10240x128xf32>
    %mul3A = vector.broadcast %get3A_1 : vector<10240x1xf32> to vector<10240x128xf32>
    %mul3A_8 = arith.mulf %mul3A, %add3A : vector<10240x128xf32>
    %get3A_9 = arith.constant 0 : index
    %get3A_10 = arith.constant 0 : index
    %get3A_11 = vector.load %arg3[%get3A_9, %get3A_10] : memref<128x40xf32, #tpu.memory_space<vmem>>, vector<128x40xf32>
    %dot_general3A = arith.constant dense<0.000000e+00> : vector<10240x40xf32>
    %dot_general3A_12 = tpu.matmul %mul3A_8, %get3A_11, %dot_general3A {dimension_numbers = #tpu.dot_dimension_numbers<[1], [0], [0], [1], [0, 0, 1, 1], [], []>, transpose_lhs_hint = false} : vector<10240x128xf32>, vector<128x40xf32>, vector<10240x40xf32> -> vector<10240x40xf32>
    %get3A_13 = arith.constant 0 : index
    %get3A_14 = arith.constant 0 : index
    %get3A_15 = vector.load %arg4[%get3A_13, %get3A_14] : memref<1x40xf32, #tpu.memory_space<vmem>>, vector<1x40xf32>
    %add3A_16 = vector.broadcast %get3A_15 : vector<1x40xf32> to vector<10240x40xf32>
    %add3A_17 = arith.addf %dot_general3A_12, %add3A_16 : vector<10240x40xf32>
    %iota3A = tpu.iota {dimensions = array<i32: 1>} : vector<10240x40xi32>
    %lt3A = arith.constant 40 : i32
    %lt3A_18 = vector.broadcast %lt3A : i32 to vector<10240x40xi32>
    %lt3A_19 = arith.cmpi slt, %iota3A, %lt3A_18 : vector<10240x40xi32>
    %jit3A = arith.constant -1.000000e+30 : f32
    %broadcast_in_dim3A = vector.broadcast %jit3A : f32 to vector<10240x40xf32>
    %select_n3A = arith.select %lt3A_19, %add3A_17, %broadcast_in_dim3A : vector<10240x40xi1>, vector<10240x40xf32>
    %reduce_max3A = arith.constant dense<0xFF800000> : vector<10240xf32>
    %reduce_max3A_20 = vector.multi_reduction <maximumf>, %select_n3A, %reduce_max3A [1] : vector<10240x40xf32> to vector<10240xf32>
    %broadcast_in_dim3A_21 = vector.shape_cast %reduce_max3A_20 : vector<10240xf32> to vector<10240x1xf32>
    %sub3A = vector.broadcast %broadcast_in_dim3A_21 : vector<10240x1xf32> to vector<10240x40xf32>
    %sub3A_22 = arith.subf %select_n3A, %sub3A : vector<10240x40xf32>
    %exp3A = math.exp %sub3A_22 : vector<10240x40xf32>
    %reduce_sum3A = arith.constant dense<0.000000e+00> : vector<10240xf32>
    %reduce_sum3A_23 = vector.multi_reduction <add>, %exp3A, %reduce_sum3A [1] : vector<10240x40xf32> to vector<10240xf32>
    %broadcast_in_dim3A_24 = vector.shape_cast %reduce_sum3A_23 : vector<10240xf32> to vector<10240x1xf32>
    %log3A = math.log %broadcast_in_dim3A_24 : vector<10240x1xf32>
    %sub3A_25 = vector.broadcast %broadcast_in_dim3A_21 : vector<10240x1xf32> to vector<10240x40xf32>
    %sub3A_26 = arith.subf %select_n3A, %sub3A_25 : vector<10240x40xf32>
    %sub3A_27 = vector.broadcast %log3A : vector<10240x1xf32> to vector<10240x40xf32>
    %sub3A_28 = arith.subf %sub3A_26, %sub3A_27 : vector<10240x40xf32>
    %swap3A = arith.constant 0 : index
    %swap3A_29 = arith.constant 0 : index
    %swap3A_30 = vector.load %arg5[%swap3A, %swap3A_29] : memref<10240x40xf32, #tpu.memory_space<vmem>>, vector<10240x40xf32>
    tpu.vector_store %arg5[%swap3A, %swap3A_29], %sub3A_28 {strides = array<i32>} : memref<10240x40xf32, #tpu.memory_space<vmem>>, vector<10240x40xf32>,
    return
  }
}

</mosaic_0001>

<sc_bundles>
// kernel: kernel.10.cloned.1.call-start
scs
__scs_entry_jumppad:
0x0: {  	(pc) =	sbr.rel $0x88, $3  }
0x1: {  	(tag) =	ssettag $0x0;
	lr =	simm.s32 $0x1  }
0x2: {  	[smem:$0x3F99] =	sst lr;
	_ =	strace $0xD0000000  }
0x3: {  	_ = 	snop  }
0x4: {  	_ = 	snop  }
0x5: {  	_ = 	snop  }
0x6: {  	_ = 	snop  }
0x7: {  	_ = 	snop  }
__scs_overlays_trampoline_lowered:
0x8: {  	[smem:$0x3FA8] =	sst s0  }
0x9: {  	[smem:$0x3FA9] =	sst s1  }
0xa: {  	[smem:$0x3FAA] =	sst s2  }
0xb: {  	[smem:$0x3FAB] =	sst s3  }
0xc: {  	[smem:$0x3FAC] =	sst s4  }
0xd: {  	[smem:$0x3FAD] =	sst s5  }
0xe: {  	[smem:$0x3FAE] =	sst s6  }
0xf: {  	[smem:$0x3FAF] =	sst s7  }
0x10: {  	[smem:$0x3FB0] =	sst s8  }
0x11: {  	[smem:$0x3FB1] =	sst s9;
	s0 =	simm.s32 @!p0 $0x0  }
0x12: {  	s1 =	sld [smem:$0x3F97];
	s0 =	simm.s32 @p0 $0x1  }
0x13: {  	[smem:$0x3FB2] =	sst s0;
	s0 =	simm.s32 @!p1 $0x0  }
0x14: {  	s2 =	sld [smem:$0x3F96];
	s0 =	simm.s32 @p1 $0x1  }
0x15: {  	[smem:$0x3FB3] =	sst s0;
	s0 =	simm.s32 @!p2 $0x0  }
0x16: {  	s3 =	sld [smem:$0x3FDB];
	s0 =	simm.s32 @p2 $0x1  }
0x17: {  	s4 =	simm.s32 $0x1BF5;
	[smem:$0x3FB5] =	sst s0  }
0x18: {  	s0 =	sld [smem:$0x3F98];
	_ =	swait.ge [sflag:s4], $0x0  }
0x19: {  	s7 =	sld [smem:$0x3F99]  }
0x1a: {  	s8 =	sadd.s32 $0xFFFFE003, lr  }
0x1b: {  	s9 =	sadd.s32 $0xFFFFFEF7, lr;
	s5 =	simm.s32 $0xFFFFFFFF;
	p2 =	slt.u32 s8, $0xFFFFF086  }
0x1c: {  	p1 =	slt.u32 s9, $0xF7A;
	s5 =	simm.s32 @!p2 $0x0  }
0x1d: {  	s5 =	simm.s32 @p1 $0x1;
	p0 =	seq.s32 s7, s2  }
0x1e: {  	s7 =	smul.u32 @!p0 $0xF7A, s2;
	p2 =	seq.s32 @!p0 s5, $0x0  }
0x1f: {  	s9 =	smul.u32 $0xF7A, s1;
	s8 =	simm.s32 @!p0 $0x1BF5;
	p2 =	por !p2, p0  }
0x20: {  	[sflag:s8] =	ssyncset.s32 @!p0 $0xFFFFF086;
	s6 =	sadd.s32 @!p0 s3, s7;
	s7 =	simm.s32 @!p0 $0x108  }
0x21: {  	s3 =	sadd.s32 s3, s9;
	s6 =	sadd.s32 @!p0 $0x88, s6;
	s7 =	simm.s32 @p2 $0x1082  }
0x22: {  	[simem:s7], [sflag:s8] =	dma.local @!p0 [hbm:s6], $0xF7A  }
0x23: {  	s9 =	sor.u32 $0xD0000000, s2;
	s6 =	simm.s32 $0x108;
	_ =	swait.ge @!p0 [sflag:s8], $0x0  }
0x24: {  	s3 =	sadd.s32 $0x88, s3;
	s6 =	simm.s32 @!p1 $0x1082;
	[sflag:s4] =	ssyncset.s32 $0xFFFFF086  }
0x25: {  	[simem:s6], [sflag:s4] =	dma.local [hbm:s3], $0xF7A  }
0x26: {  	[smem:$0x3F99] =	sst s1;
	(tag) =	ssettag s2;
	_ =	strace s9  }
0x27: {  	s1 =	sld [smem:$0x3FA9]  }
0x28: {  	s2 =	sld [smem:$0x3FAA]  }
0x29: {  	s4 =	sld [smem:$0x3FAC]  }
0x2a: {  	p0 =	seq.s32 s5, $0x0;
	s5 =	sld [smem:$0x3FAD]  }
0x2b: {  	s6 =	sld [smem:$0x3FAE]  }
0x2c: {  	s7 =	sld [smem:$0x3FAF]  }
0x2d: {  	s3 =	simm.s32 $0x108;
	s8 =	sld [smem:$0x3FB0]  }
0x2e: {  	s3 =	simm.s32 @!p0 $0x1082;
	s9 =	sld [smem:$0x3FB1]  }
0x2f: {  	lr =	sadd.s32 s0, s3;
	s0 =	sld [smem:$0x3FA8]  }
0x30: {  	s3 =	sld [smem:$0x3FAB]  }
0x31: {  	[smem:$0x3FB4] =	sst s10  }
0x32: {  	s10 =	sld [smem:$0x3FB2];
	_ =	sdelay $0x3  }
0x33: {  	p0 =	seq.s32 s10, $0x1;
	s10 =	sld [smem:$0x3FB4];
	_ =	sdelay $0x3  }
0x34: {  	[smem:$0x3FB4] =	sst s10  }
0x35: {  	s10 =	sld [smem:$0x3FB3];
	_ =	sdelay $0x3  }
0x36: {  	p1 =	seq.s32 s10, $0x1;
	s10 =	sld [smem:$0x3FB4];
	_ =	sdelay $0x3  }
0x37: {  	[smem:$0x3FB4] =	sst s10  }
0x38: {  	s10 =	sld [smem:$0x3FB5]  }
0x39: {  	_ = 	snop;
	(pc) =	sbr.ind lr, $3  }
0x3a: {  	_ = 	snop  }
0x3b: {  	_ = 	snop  }
0x3c: {  	p2 =	seq.s32 s10, $0x1;
	s10 =	sld [smem:$0x3FB4]  }
0x3d: {  	_ =	shalt  }
0x3e: {  	_ =	shalt  }
0x3f: {  	_ =	shalt  }
0x40: {  	_ =	shalt  }
0x41: {  	_ =	shalt  }
0x42: {  	_ =	shalt  }
0x43: {  	_ =	shalt  }
0x44: {  	_ =	shalt  }
0x45: {  	_ =	shalt  }
0x46: {  	_ =	shalt  }
0x47: {  	_ =	shalt  }
0x48: {  	_ =	shalt  }
0x49: {  	_ =	shalt  }
0x4a: {  	_ =	shalt  }
0x4b: {  	_ =	shalt  }
0x4c: {  	_ =	shalt  }
0x4d: {  	_ =	shalt  }
0x4e: {  	_ =	shalt  }
0x4f: {  	_ =	shalt  }
0x50: {  	_ =	shalt  }
0x51: {  	_ =	shalt  }
0x52: {  	_ =	shalt  }
0x53: {  	_ =	shalt  }
0x54: {  	_ =	shalt  }
0x55: {  	_ =	shalt  }
0x56: {  	_ =	shalt  }
0x57: {  	_ =	shalt  }
0x58: {  	_ =	shalt  }
0x59: {  	_ =	shalt  }
0x5a: {  	_ =	shalt  }
0x5b: {  	_ =	shalt  }
0x5c: {  	_ =	shalt  }
0x5d: {  	_ =	shalt  }
0x5e: {  	_ =	shalt  }
0x5f: {  	_ =	shalt  }
0x60: {  	_ =	shalt  }
0x61: {  	_ =	shalt  }
0x62: {  	_ =	shalt  }
0x63: {  	_ =	shalt  }
0x64: {  	_ =	shalt  }
0x65: {  	_ =	shalt  }
0x66: {  	_ =	shalt  }
0x67: {  	_ =	shalt  }
0x68: {  	_ =	shalt  }
0x69: {  	_ =	shalt  }
0x6a: {  	_ =	shalt  }
0x6b: {  	_ =	shalt  }
0x6c: {  	_ =	shalt  }
0x6d: {  	_ =	shalt  }
0x6e: {  	_ =	shalt  }
0x6f: {  	_ =	shalt  }
0x70: {  	_ =	shalt  }
0x71: {  	_ =	shalt  }
0x72: {  	_ =	shalt  }
0x73: {  	_ =	shalt  }
0x74: {  	_ =	shalt  }
0x75: {  	_ =	shalt  }
0x76: {  	_ =	shalt  }
0x77: {  	_ =	shalt  }
0x78: {  	_ =	shalt  }
0x79: {  	_ =	shalt  }
0x7a: {  	_ =	shalt  }
0x7b: {  	_ =	shalt  }
0x7c: {  	_ =	shalt  }
0x7d: {  	_ =	shalt  }
0x7e: {  	_ =	shalt  }
0x7f: {  	_ =	shalt  }
0x80: {  	_ =	shalt  }
0x81: {  	_ =	shalt  }
0x82: {  	_ =	shalt  }
0x83: {  	_ =	shalt  }
0x84: {  	_ =	shalt  }
0x85: {  	_ =	shalt  }
0x86: {  	_ =	shalt  }
0x87: {  	_ =	shalt  }
.Lfunc_end0:
.L_simem_size_0:
called_computation_lowered:
.L_overlay_start_0:
0x88: {  	s2 =	sld [smem:$0x3FD9]  }
0x89: {  	s3 =	sld [smem:$0x3FFE];
	_ =	sdelay $0x1  }
0x8a: {  	s1 =	srdreg.scid  }
0x8b: {  	s0 =	sand.u32 $0x1, s1  }
0x8c: {  	s17 =	sshll.u32 s0, $0xA;
	s2 =	sadd.s32 s3, s2  }
0x8d: {  	s2 =	sadd.s32 s2, s17  }
0x8e: {  	[smem:$0x3FC0] =	sst s2  }
0x8f: {  	_ = 	snop  }
0x90: {  	s2 =	sld [smem:$0x3FD0];
	(tm) =	ssettm $0x1  }
0x91: {  	s18 =	sld [smem:$0x3FFB];
	_ =	sdelay $0x3  }
0x92: {  	_ =	strace s18  }
0x93: {  	s3 =	sld [smem:$0x3FFC];
	_ =	sdelay $0x3  }
0x94: {  	_ =	strace s3  }
0x95: {  	s3 =	sld [smem:$0x3FFD];
	_ =	sdelay $0x3  }
0x96: {  	_ =	strace s3  }
0x97: {  	_ =	strace $0x8FFFFFFF  }
0x98: {  	s19 =	sld [smem:$0x3FDB];
	_ =	sdelay $0x1  }
0x99: {  	s4 =	simm.s32 $_scs_section_size  }
0x9a: {  	s5 =	simm.s32 $_size__tile_overlayer_lowered;
	s6 =	simm.s32 $_tile_overlayer_lowered  }
0x9b: {  	s22 =	simm.s32 $0x1BFF;
	s21 =	sshll.u32 s6, $0x1;
	s3 =	sadd.s32 s4, s19  }
0x9c: {  	s7 =	simm.s32 $0x0;
	s20 =	sshll.u32 s5, $0x1;
	s5 =	sadd.s32 s21, s3  }
0x9d: {  	[timem:s7], [sflag:s22] =	dma.local [hbm:s5], s20  }
0x9e: {  	_ =	swait.ge [sflag:s22], s20  }
0x9f: {  	s4 =	ssub.s32 $0x0, s20;
	[sflag:s22] =	ssyncset.done $0x0  }
0xa0: {  	[sflag:s22] =	ssyncadd.s32 s4;
	_ =	sdelay $0x1  }
0xa1: {  	s23 =	simm.s32 $0x1B8B  }
0xa2: {  	_ =	swait.ge [sflag:s23], $0x1  }
0xa3: {  	[sflag:s23] =	ssyncset.done $0x0  }
0xa4: {  	s25 =	simm.s32 $0x1B8E;
	s24 =	sld [smem:$0x3FFE];
	[sflag:s23] =	ssyncadd.s32 $0xFFFFFFFF  }
0xa5: {  	s26 =	simm.s32 $execute0_lowered;
	[smem:$0x3FD2] =	sst s25  }
0xa6: {  	s5 =	sshll.u32 s26, $0x1;
	_ =	strace $0x80000046;
	[dreg:$0x1] =	wrdreg $0xFFFFFFFF  }
0xa7: {  	s28 =	simm.s32 $_size_execute0_lowered;
	s3 =	sadd.s32 s3, s5;
	[dreg:$0x0] =	wrdreg $0x0  }
0xa8: {  	s5 =	sshll.u32 s28, $0x1;
	[dreg:$0x2] =	wrdreg s3  }
0xa9: {  	[dreg:$0x3] =	wrdreg s5  }
0xaa: {  	[dreg:$0x4] =	wrdreg $0xC0  }
0xab: {  	_ =	task [dreg:s7], $0x5FFFF  }
0xac: {  	[dreg:$0x1] =	wrdreg $0xFFFFFFFF  }
0xad: {  	[dreg:$0x0] =	wrdreg $0x60  }
0xae: {  	[dreg:$0x2] =	wrdreg s2  }
0xaf: {  	[dreg:$0x3] =	wrdreg s24  }
0xb0: {  	[dreg:$0x4] =	wrdreg $0x2B000  }
0xb1: {  	[dreg:$0x5] =	wrdreg $0x9  }
0xb2: {  	_ =	task.clear_ibuf [dreg:s7], $0x6FFFF;
	_ =	strace $0x90000046  }
0xb3: {  	s29 =	simm.s32 $0x9;
	_ =	strace $0x80000048  }
0xb4: {  	_ =	swait.ge [sflag:s29], $0x1  }
0xb5: {  	[sflag:s29] =	ssyncadd.s32 $0xFFFFFFFF  }
0xb6: {  	_ =	strace $0x90000048  }
0xb7: {  	_ =	sfence  }
0xb8: {  	s30 =	sld [smem:$0x0];
	_ =	sdelay $0x2  }
0xb9: {  	s31 =	sshll.u32 s1, $0xD;
	s1 =	sshrl.u32 s1, $0x2  }
0xba: {  	s3 =	sand.u32 $0x4000, s31;
	s1 =	sadd.s32 s1, s30  }
0xbb: {  	s0 =	sor.u32 s3, s0;
	s1 =	sshll.u32 s1, $0x11  }
0xbc: {  	s0 =	sor.u32 s1, s0  }
0xbd: {  	s0 =	sadd.s32 $0x8F2B, s0  }
0xbe: {  	[sflag:s0] =	ssyncadd.remote.s32 $0x1  }
0xbf: {  	_ =	sfence.sel $0xFFFF  }
0xc0: {  	[dreg:$0x0] =	wrdreg $0xFFFFFFFF;
	(pc) =	sbr.abs _section_cstart, $3  }
0xc1: {  	[dreg:$0x1] =	wrdreg $0xFFFFFFFF  }
0xc2: {  	_ =	task.clear_ibuf [dreg:s7], $0x2FFFF;
	_ =	strace $0x9FFFFFFF  }
0xc3: {  	(tm) =	ssettm $0x7FFFFFFF  }
tec
execute0_lowered:
.L_overlay_start_1:
0x0: {  	(tag) =	ssettag $0x1  }
0x1: {  	s4 =	rddreg [dreg:$0x0]  }
0x2: {  	s5 =	rddreg [dreg:$0x1]  }
0x3: {  	s2 =	rddreg [dreg:$0x2]  }
0x4: {  	s0 =	rddreg [dreg:$0x3]  }
0x5: {  	s3 =	simm.s32 $0x0;
	s6 =	srdreg.scid;
	s1 =	stileid.u32  }
0x6: {  	s11 =	simm.s32 $0x2800;
	s14 =	simm.s32 $0x20;
	s15 =	simm.s32 $0x10  }
0x7: {  	s16 =	simm.s32 $0x0;
	[smem:$0x7FF] =	sst s3;
	s7 =	smul.u32 $0x500, s1  }
0x8: {  	s6 =	sand.u32 $0x1, s6;
	s30 =	smul.u32 $0xA00, s1;
	s12 =	sshll.u32 s1, $0x6  }
0x9: {  	_ =	strace $0x80000047;
	s8 =	sshll.u32 s6, $0x7;
	s9 =	sshll.u32 s6, $0x4  }
0xa: {  	s6 =	ssub.s32 $0x2, s6;
	s12 =	sor.u32 $0x1C01, s12;
	s7 =	sor.u32 s8, s7  }
0xb: {  	s29 =	sor.u32 s1, s9;
	s31 =	sshrl.u32 s6, $0x1;
	s9 =	sshrl.u32 s30, $0x2  }
0xc: {  	s7 =	sshrl.u32 s7, $0x3;
	s8 =	smul.u32 $0x500, s29;
	s10 =	ssub.s32 s6, s31  }
0xd: {  	s7 =	sadd.s32 s7, s5;
	s5 =	sadd.s32 s9, s2;
	s9 =	simm.s32 $0x2880  }
0xe: {  	s4 =	sadd.s32 s4, s8;
	s6 =	sadd.s32 $0x3000, s7;
	s7 =	smax.u32 s10, $0x1  }
0xf: {  	v0 =	vimm.f32 $1.000000000e+00;
	v1 =	vimm.f32 $0.0e+00;
	s8 =	simm.s32 $0x1;
	s10 =	simm.s32 $0x80;
	s13 =	sshrl.u32 s5, $0x3  }
.LBB2_1:
0x10: {  	[tilespmem:s3], [sflag:$0x1] =	stream.linear.gather [hbm4b:s4+s3], $0x2800, $0x38;
	[tilespmem:$0x2D80] =	vst v63  }
0x11: {  	_ =	swait.ge [sflag:s8], $0x2800  }
0x12: {  	[sflag:s8] =	ssyncset.done $0x0  }
0x13: {  	[sflag:s8] =	ssyncadd.s32 $0xFFFFD800  }
0x14: {  	[tilespmem:$0x2800] =	vst v0  }
0x15: {  	[tilespmem:$0x2810] =	vst v0  }
0x16: {  	[tilespmem:$0x2820] =	vst v0  }
0x17: {  	[tilespmem:$0x2830] =	vst v0  }
0x18: {  	[tilespmem:$0x2840] =	vst v0  }
0x19: {  	[tilespmem:$0x2850] =	vst v0  }
0x1a: {  	[tilespmem:$0x2860] =	vst v0  }
0x1b: {  	[tilespmem:$0x2870] =	vst v0  }
0x1c: {  	[tilespmem:$0x2880] =	vst v1  }
0x1d: {  	[tilespmem:$0x2890] =	vst v1  }
0x1e: {  	[tilespmem:$0x28A0] =	vst v1  }
0x1f: {  	[tilespmem:$0x28B0] =	vst v1  }
0x20: {  	[tilespmem:$0x28C0] =	vst v1  }
0x21: {  	[tilespmem:$0x28D0] =	vst v1  }
0x22: {  	[tilespmem:$0x28E0] =	vst v1  }
0x23: {  	[tilespmem:$0x28F0] =	vst v1  }
0x24: {  	[tilespmem:$0x2900] =	vst v1  }
0x25: {  	[tilespmem:$0x2910] =	vst v1  }
0x26: {  	[tilespmem:$0x2920] =	vst v1  }
0x27: {  	[tilespmem:$0x2930] =	vst v1  }
0x28: {  	[tilespmem:$0x2940] =	vst v1  }
0x29: {  	[tilespmem:$0x2950] =	vst v1  }
0x2a: {  	[tilespmem:$0x2960] =	vst v1  }
0x2b: {  	[tilespmem:$0x2970] =	vst v1  }
0x2c: {  	[tilespmem:$0x2980] =	vst v1  }
0x2d: {  	[tilespmem:$0x2990] =	vst v1  }
0x2e: {  	[tilespmem:$0x29A0] =	vst v1  }
0x2f: {  	[tilespmem:$0x29B0] =	vst v1  }
0x30: {  	[tilespmem:$0x29C0] =	vst v1  }
0x31: {  	[tilespmem:$0x29D0] =	vst v1  }
0x32: {  	[tilespmem:$0x29E0] =	vst v1  }
0x33: {  	[tilespmem:$0x29F0] =	vst v1  }
0x34: {  	[tilespmem:$0x2A00] =	vst v1  }
0x35: {  	[tilespmem:$0x2A10] =	vst v1  }
0x36: {  	[tilespmem:$0x2A20] =	vst v1  }
0x37: {  	[tilespmem:$0x2A30] =	vst v1  }
0x38: {  	[tilespmem:$0x2A40] =	vst v1  }
0x39: {  	[tilespmem:$0x2A50] =	vst v1  }
0x3a: {  	[tilespmem:$0x2A60] =	vst v1  }
0x3b: {  	[tilespmem:$0x2A70] =	vst v1  }
0x3c: {  	[tilespmem:$0x2A80] =	vst v1  }
0x3d: {  	[tilespmem:$0x2A90] =	vst v1  }
0x3e: {  	[tilespmem:$0x2AA0] =	vst v1  }
0x3f: {  	[tilespmem:$0x2AB0] =	vst v1  }
0x40: {  	[tilespmem:$0x2AC0] =	vst v1  }
0x41: {  	[tilespmem:$0x2AD0] =	vst v1  }
0x42: {  	[tilespmem:$0x2AE0] =	vst v1  }
0x43: {  	[tilespmem:$0x2AF0] =	vst v1  }
0x44: {  	[spmem:s5] =	stream.linear.scatter [tilespmem:s9], [sflag:$0x1], $0x280, $0x38;
	[tilespmem:$0x2D80] =	vst v63  }
0x45: {  	_ =	swait.ge [sflag:s8], $0x280  }
0x46: {  	[sflag:s8] =	ssyncset.done $0x0  }
0x47: {  	[sflag:s8] =	ssyncadd.s32 $0xFFFFFD80  }
0x48: {  	s17 =	simm.s32 $0x0;
	[bflag:$0x0] =	sbarrier.arrive $0xFFFF  }
0x49: {  	[spmem:s2] =	stream.indirect.scatter.add.f32 [tilespmem:s11], [sflag:$0x1], $0x1, s17, s10, $0xb8;
	[tilespmem:$0x2D80] =	vst v63  }
0x4a: {  	_ =	swait.ge [sflag:s8], $0x80  }
0x4b: {  	s17 =	simm.s32 $0x200;
	[sflag:s8] =	ssyncset.done $0x0  }
.LBB2_2:
0x4c: {  	s18 =	sshra.s32 s17, $0x2;
	[sflag:s8] =	ssyncadd.s32 $0xFFFFFF80;
	p0 =	sne.s32 s17, $0x9E00  }
0x4d: {  	[spmem:s2] =	stream.indirect.scatter.add.f32 [tilespmem:s11], [sflag:$0x1], $0x1, s18, s10, $0xb8;
	[tilespmem:$0x2D80] =	vst v63  }
.Ltmp0:
0x4e: {  	_ = 	snop;
	(pc) =	sbr.rel @p0 .LBB2_2-.Ltmp0, $4  }
0x4f: {  	_ = 	snop  }
0x50: {  	s17 =	sadd.s32 $0x200, s17  }
0x51: {  	_ =	swait.ge [sflag:s8], $0x80  }
0x52: {  	[sflag:s8] =	ssyncset.done $0x0  }
0x53: {  	s16 =	sadd.s32 $0x1, s16  }
0x54: {  	[sflag:s8] =	ssyncadd.s32 $0xFFFFFF80;
	p0 =	sne.s32 s16, s7  }
.Ltmp1:
0x55: {  	[bflag:$0x0] =	sbarrier.arrive $0xFFFF;
	(pc) =	sbr.rel @p0 .LBB2_1-.Ltmp1, $4  }
0x56: {  	[hbm:s6@s14], [sflag:s12] =	dma.strided [spmem:s13@s15], $0x50, s8, $0x10   }
0x57: {  	_ =	swait.ge [sflag:s8], $0x50  }
0x58: {  	[sflag:s8] =	ssyncset.done $0x0  }
0x59: {  	[sflag:s8] =	ssyncadd.s32 $0xFFFFFFB0  }
0x5a: {  	_ =	sfence.sel $0x180000  }
0x5b: {  	[bflag:$0x0] =	sbarrier.arrive $0xFFFF  }
0x5c: {  	p0 =	sne.s32 s1, $0x0;
	_ =	strace $0x90000047  }
0x5d: {  	s0 =	sadd.s32 @!p0 $0x100000, s0;
	[bflag:$0x2] =	sbarrier.arrive $0xFFFF  }
0x5e: {  	[sflag:s0] =	ssyncadd.tile.s32 @!p0 $0x1;
	_ =	shalt  }
.Lfunc_end2:
_tile_overlayer_lowered:
.L_overlay_start_2:
0x5f: {  	(tag) =	ssettag $0x2  }
0x60: {  	s0 =	rddreg [dreg:$0x0];
	s2 =	stileid.u32  }
0x61: {  	s1 =	rddreg [dreg:$0x1];
	p0 =	sne.s32 s2, $0x0  }
0x62: {  	s3 =	rddreg [dreg:$0x2];
	[bflag:$0x3] =	sbarrier.arrive $0xFFFF;
	s2 =	simm.s32 @!p0 $0x1C01  }
0x63: {  	[timem:s3], [sflag:s2] =	dma.local @!p0 [hbm:s0], s1  }
0x64: {  	s0 =	simm.s32 @!p0 $0x1  }
0x65: {  	_ =	swait.ge @!p0 [sflag:s0], s1  }
0x66: {  	s1 =	ssub.s32 @!p0 $0x0, s1;
	[sflag:s0] =	ssyncset.done @!p0 $0x0  }
0x67: {  	[sflag:s0] =	ssyncadd.s32 @!p0 s1  }
0x68: {  	[bflag:$0x3] =	sbarrier.arrive $0xFFFF  }
0x69: {  	_ =	shalt  }

// kernel: kernel.13.cloned.1.call-start
scs
__scs_entry_jumppad:
0x0: {  	(pc) =	sbr.rel $0x88, $3  }
0x1: {  	(tag) =	ssettag $0x0;
	lr =	simm.s32 $0x1  }
0x2: {  	[smem:$0x3F99] =	sst lr;
	_ =	strace $0xD0000000  }
0x3: {  	_ = 	snop  }
0x4: {  	_ = 	snop  }
0x5: {  	_ = 	snop  }
0x6: {  	_ = 	snop  }
0x7: {  	_ = 	snop  }
__scs_overlays_trampoline_lowered:
0x8: {  	[smem:$0x3FA8] =	sst s0  }
0x9: {  	[smem:$0x3FA9] =	sst s1  }
0xa: {  	[smem:$0x3FAA] =	sst s2  }
0xb: {  	[smem:$0x3FAB] =	sst s3  }
0xc: {  	[smem:$0x3FAC] =	sst s4  }
0xd: {  	[smem:$0x3FAD] =	sst s5  }
0xe: {  	[smem:$0x3FAE] =	sst s6  }
0xf: {  	[smem:$0x3FAF] =	sst s7  }
0x10: {  	[smem:$0x3FB0] =	sst s8  }
0x11: {  	[smem:$0x3FB1] =	sst s9;
	s0 =	simm.s32 @!p0 $0x0  }
0x12: {  	s1 =	sld [smem:$0x3F97];
	s0 =	simm.s32 @p0 $0x1  }
0x13: {  	[smem:$0x3FB2] =	sst s0;
	s0 =	simm.s32 @!p1 $0x0  }
0x14: {  	s2 =	sld [smem:$0x3F96];
	s0 =	simm.s32 @p1 $0x1  }
0x15: {  	[smem:$0x3FB3] =	sst s0;
	s0 =	simm.s32 @!p2 $0x0  }
0x16: {  	s3 =	sld [smem:$0x3FDB];
	s0 =	simm.s32 @p2 $0x1  }
0x17: {  	s4 =	simm.s32 $0x1BF5;
	[smem:$0x3FB5] =	sst s0  }
0x18: {  	s0 =	sld [smem:$0x3F98];
	_ =	swait.ge [sflag:s4], $0x0  }
0x19: {  	s7 =	sld [smem:$0x3F99]  }
0x1a: {  	s8 =	sadd.s32 $0xFFFFE003, lr  }
0x1b: {  	s9 =	sadd.s32 $0xFFFFFEF7, lr;
	s5 =	simm.s32 $0xFFFFFFFF;
	p2 =	slt.u32 s8, $0xFFFFF086  }
0x1c: {  	p1 =	slt.u32 s9, $0xF7A;
	s5 =	simm.s32 @!p2 $0x0  }
0x1d: {  	s5 =	simm.s32 @p1 $0x1;
	p0 =	seq.s32 s7, s2  }
0x1e: {  	s7 =	smul.u32 @!p0 $0xF7A, s2;
	p2 =	seq.s32 @!p0 s5, $0x0  }
0x1f: {  	s9 =	smul.u32 $0xF7A, s1;
	s8 =	simm.s32 @!p0 $0x1BF5;
	p2 =	por !p2, p0  }
0x20: {  	[sflag:s8] =	ssyncset.s32 @!p0 $0xFFFFF086;
	s6 =	sadd.s32 @!p0 s3, s7;
	s7 =	simm.s32 @!p0 $0x108  }
0x21: {  	s3 =	sadd.s32 s3, s9;
	s6 =	sadd.s32 @!p0 $0x88, s6;
	s7 =	simm.s32 @p2 $0x1082  }
0x22: {  	[simem:s7], [sflag:s8] =	dma.local @!p0 [hbm:s6], $0xF7A  }
0x23: {  	s9 =	sor.u32 $0xD0000000, s2;
	s6 =	simm.s32 $0x108;
	_ =	swait.ge @!p0 [sflag:s8], $0x0  }
0x24: {  	s3 =	sadd.s32 $0x88, s3;
	s6 =	simm.s32 @!p1 $0x1082;
	[sflag:s4] =	ssyncset.s32 $0xFFFFF086  }
0x25: {  	[simem:s6], [sflag:s4] =	dma.local [hbm:s3], $0xF7A  }
0x26: {  	[smem:$0x3F99] =	sst s1;
	(tag) =	ssettag s2;
	_ =	strace s9  }
0x27: {  	s1 =	sld [smem:$0x3FA9]  }
0x28: {  	s2 =	sld [smem:$0x3FAA]  }
0x29: {  	s4 =	sld [smem:$0x3FAC]  }
0x2a: {  	p0 =	seq.s32 s5, $0x0;
	s5 =	sld [smem:$0x3FAD]  }
0x2b: {  	s6 =	sld [smem:$0x3FAE]  }
0x2c: {  	s7 =	sld [smem:$0x3FAF]  }
0x2d: {  	s3 =	simm.s32 $0x108;
	s8 =	sld [smem:$0x3FB0]  }
0x2e: {  	s3 =	simm.s32 @!p0 $0x1082;
	s9 =	sld [smem:$0x3FB1]  }
0x2f: {  	lr =	sadd.s32 s0, s3;
	s0 =	sld [smem:$0x3FA8]  }
0x30: {  	s3 =	sld [smem:$0x3FAB]  }
0x31: {  	[smem:$0x3FB4] =	sst s10  }
0x32: {  	s10 =	sld [smem:$0x3FB2];
	_ =	sdelay $0x3  }
0x33: {  	p0 =	seq.s32 s10, $0x1;
	s10 =	sld [smem:$0x3FB4];
	_ =	sdelay $0x3  }
0x34: {  	[smem:$0x3FB4] =	sst s10  }
0x35: {  	s10 =	sld [smem:$0x3FB3];
	_ =	sdelay $0x3  }
0x36: {  	p1 =	seq.s32 s10, $0x1;
	s10 =	sld [smem:$0x3FB4];
	_ =	sdelay $0x3  }
0x37: {  	[smem:$0x3FB4] =	sst s10  }
0x38: {  	s10 =	sld [smem:$0x3FB5]  }
0x39: {  	_ = 	snop;
	(pc) =	sbr.ind lr, $3  }
0x3a: {  	_ = 	snop  }
0x3b: {  	_ = 	snop  }
0x3c: {  	p2 =	seq.s32 s10, $0x1;
	s10 =	sld [smem:$0x3FB4]  }
0x3d: {  	_ =	shalt  }
0x3e: {  	_ =	shalt  }
0x3f: {  	_ =	shalt  }
0x40: {  	_ =	shalt  }
0x41: {  	_ =	shalt  }
0x42: {  	_ =	shalt  }
0x43: {  	_ =	shalt  }
0x44: {  	_ =	shalt  }
0x45: {  	_ =	shalt  }
0x46: {  	_ =	shalt  }
0x47: {  	_ =	shalt  }
0x48: {  	_ =	shalt  }
0x49: {  	_ =	shalt  }
0x4a: {  	_ =	shalt  }
0x4b: {  	_ =	shalt  }
0x4c: {  	_ =	shalt  }
0x4d: {  	_ =	shalt  }
0x4e: {  	_ =	shalt  }
0x4f: {  	_ =	shalt  }
0x50: {  	_ =	shalt  }
0x51: {  	_ =	shalt  }
0x52: {  	_ =	shalt  }
0x53: {  	_ =	shalt  }
0x54: {  	_ =	shalt  }
0x55: {  	_ =	shalt  }
0x56: {  	_ =	shalt  }
0x57: {  	_ =	shalt  }
0x58: {  	_ =	shalt  }
0x59: {  	_ =	shalt  }
0x5a: {  	_ =	shalt  }
0x5b: {  	_ =	shalt  }
0x5c: {  	_ =	shalt  }
0x5d: {  	_ =	shalt  }
0x5e: {  	_ =	shalt  }
0x5f: {  	_ =	shalt  }
0x60: {  	_ =	shalt  }
0x61: {  	_ =	shalt  }
0x62: {  	_ =	shalt  }
0x63: {  	_ =	shalt  }
0x64: {  	_ =	shalt  }
0x65: {  	_ =	shalt  }
0x66: {  	_ =	shalt  }
0x67: {  	_ =	shalt  }
0x68: {  	_ =	shalt  }
0x69: {  	_ =	shalt  }
0x6a: {  	_ =	shalt  }
0x6b: {  	_ =	shalt  }
0x6c: {  	_ =	shalt  }
0x6d: {  	_ =	shalt  }
0x6e: {  	_ =	shalt  }
0x6f: {  	_ =	shalt  }
0x70: {  	_ =	shalt  }
0x71: {  	_ =	shalt  }
0x72: {  	_ =	shalt  }
0x73: {  	_ =	shalt  }
0x74: {  	_ =	shalt  }
0x75: {  	_ =	shalt  }
0x76: {  	_ =	shalt  }
0x77: {  	_ =	shalt  }
0x78: {  	_ =	shalt  }
0x79: {  	_ =	shalt  }
0x7a: {  	_ =	shalt  }
0x7b: {  	_ =	shalt  }
0x7c: {  	_ =	shalt  }
0x7d: {  	_ =	shalt  }
0x7e: {  	_ =	shalt  }
0x7f: {  	_ =	shalt  }
0x80: {  	_ =	shalt  }
0x81: {  	_ =	shalt  }
0x82: {  	_ =	shalt  }
0x83: {  	_ =	shalt  }
0x84: {  	_ =	shalt  }
0x85: {  	_ =	shalt  }
0x86: {  	_ =	shalt  }
0x87: {  	_ =	shalt  }
.Lfunc_end0:
.L_simem_size_0:
called_computation.1_lowered:
.L_overlay_start_0:
0x88: {  	s2 =	sld [smem:$0x3FD9]  }
0x89: {  	s3 =	sld [smem:$0x3FFE];
	_ =	sdelay $0x1  }
0x8a: {  	s1 =	srdreg.scid  }
0x8b: {  	s0 =	sand.u32 $0x1, s1  }
0x8c: {  	s16 =	sshll.u32 s0, $0xA;
	s2 =	sadd.s32 s3, s2  }
0x8d: {  	s2 =	sadd.s32 s2, s16  }
0x8e: {  	[smem:$0x3FC0] =	sst s2  }
0x8f: {  	_ = 	snop  }
0x90: {  	(tm) =	ssettm $0x1  }
0x91: {  	s17 =	sld [smem:$0x3FFB];
	_ =	sdelay $0x3  }
0x92: {  	_ =	strace s17  }
0x93: {  	s2 =	sld [smem:$0x3FFC];
	_ =	sdelay $0x3  }
0x94: {  	_ =	strace s2  }
0x95: {  	s2 =	sld [smem:$0x3FFD];
	_ =	sdelay $0x3  }
0x96: {  	_ =	strace s2  }
0x97: {  	_ =	strace $0x8FFFFFFF  }
0x98: {  	s18 =	sld [smem:$0x3FDB];
	_ =	sdelay $0x1  }
0x99: {  	s19 =	simm.s32 $_scs_section_size  }
0x9a: {  	s4 =	simm.s32 $_size__tile_overlayer_lowered;
	s5 =	simm.s32 $_tile_overlayer_lowered  }
0x9b: {  	s22 =	simm.s32 $0x1BFF;
	s21 =	sshll.u32 s5, $0x1;
	s2 =	sadd.s32 s19, s18  }
0x9c: {  	s6 =	simm.s32 $0x0;
	s20 =	sshll.u32 s4, $0x1;
	s4 =	sadd.s32 s21, s2  }
0x9d: {  	[timem:s6], [sflag:s22] =	dma.local [hbm:s4], s20  }
0x9e: {  	_ =	swait.ge [sflag:s22], s20  }
0x9f: {  	s3 =	ssub.s32 $0x0, s20;
	[sflag:s22] =	ssyncset.done $0x0  }
0xa0: {  	[sflag:s22] =	ssyncadd.s32 s3;
	_ =	sdelay $0x1  }
0xa1: {  	s23 =	simm.s32 $0x1B8B  }
0xa2: {  	_ =	swait.ge [sflag:s23], $0x1  }
0xa3: {  	[sflag:s23] =	ssyncset.done $0x0  }
0xa4: {  	s25 =	simm.s32 $0x1B8E;
	s24 =	sld [smem:$0x3FFE];
	[sflag:s23] =	ssyncadd.s32 $0xFFFFFFFF  }
0xa5: {  	s26 =	simm.s32 $execute0_lowered;
	[smem:$0x3FD2] =	sst s25  }
0xa6: {  	s4 =	sshll.u32 s26, $0x1;
	_ =	strace $0x80000049;
	[dreg:$0x1] =	wrdreg $0xFFFFFFFF  }
0xa7: {  	s28 =	simm.s32 $_size_execute0_lowered;
	s2 =	sadd.s32 s2, s4;
	[dreg:$0x0] =	wrdreg $0x0  }
0xa8: {  	s4 =	sshll.u32 s28, $0x1;
	[dreg:$0x2] =	wrdreg s2  }
0xa9: {  	[dreg:$0x3] =	wrdreg s4  }
0xaa: {  	[dreg:$0x4] =	wrdreg $0xC0  }
0xab: {  	_ =	task [dreg:s6], $0x5FFFF  }
0xac: {  	[dreg:$0x1] =	wrdreg $0xFFFFFFFF  }
0xad: {  	[dreg:$0x0] =	wrdreg $0x60  }
0xae: {  	[dreg:$0x2] =	wrdreg s24  }
0xaf: {  	[dreg:$0x3] =	wrdreg $0x84000  }
0xb0: {  	[dreg:$0x4] =	wrdreg $0x9  }
0xb1: {  	_ =	task.clear_ibuf [dreg:s6], $0x5FFFF;
	_ =	strace $0x90000049  }
0xb2: {  	s29 =	simm.s32 $0x9;
	_ =	strace $0x8000004B  }
0xb3: {  	_ =	swait.ge [sflag:s29], $0x1  }
0xb4: {  	[sflag:s29] =	ssyncadd.s32 $0xFFFFFFFF  }
0xb5: {  	_ =	strace $0x9000004B  }
0xb6: {  	_ =	sfence  }
0xb7: {  	s30 =	sld [smem:$0x0];
	_ =	sdelay $0x2  }
0xb8: {  	s31 =	sshll.u32 s1, $0xD;
	s1 =	sshrl.u32 s1, $0x2  }
0xb9: {  	s3 =	sand.u32 $0x4000, s31;
	s1 =	sadd.s32 s1, s30  }
0xba: {  	s0 =	sor.u32 s3, s0;
	s1 =	sshll.u32 s1, $0x11  }
0xbb: {  	s0 =	sor.u32 s1, s0  }
0xbc: {  	s0 =	sadd.s32 $0x8F2B, s0  }
0xbd: {  	[sflag:s0] =	ssyncadd.remote.s32 $0x1  }
0xbe: {  	_ =	sfence.sel $0xFFFF  }
0xbf: {  	[dreg:$0x0] =	wrdreg $0xFFFFFFFF;
	(pc) =	sbr.abs _section_cstart, $3  }
0xc0: {  	[dreg:$0x1] =	wrdreg $0xFFFFFFFF  }
0xc1: {  	_ =	task.clear_ibuf [dreg:s6], $0x2FFFF;
	_ =	strace $0x9FFFFFFF  }
0xc2: {  	(tm) =	ssettm $0x7FFFFFFF  }
0xc3: {  	_ =	shalt  }
tec
execute0_lowered:
.L_overlay_start_1:
0x0: {  	(tag) =	ssettag $0x1  }
0x1: {  	s0 =	rddreg [dreg:$0x0]  }
0x2: {  	s1 =	rddreg [dreg:$0x1]  }
0x3: {  	s2 =	srdreg.scid;
	s3 =	simm.s32 $0x0;
	s12 =	stileid.u32  }
0x4: {  	s28 =	simm.s32 $0x80;
	s29 =	simm.s32 $0x400;
	s6 =	smul.u32 $0x14000, s12  }
0x5: {  	s30 =	simm.s32 $0x2;
	s31 =	simm.s32 $0x4400;
	s8 =	smul.u32 $0x50000, s12  }
0x6: {  	s2 =	sand.u32 $0x1, s2;
	[smem:$0x7FF] =	sst s3;
	s16 =	smul.u32 $0x2800, s12  }
0x7: {  	s4 =	sadd.s32 $0x17A00, s0;
	s7 =	sadd.s32 $0x3A00, s0;
	s19 =	smul.u32 $0x50, s12  }
0x8: {  	s26 =	sshll.u32 s12, $0x6;
	s5 =	smul.u32 $0x140000, s2;
	_ =	strace $0x8000004A  }
0x9: {  	s14 =	sshll.u32 s2, $0x4;
	s9 =	ssub.s32 $0x2, s2;
	s17 =	smul.u32 $0x500, s2  }
0xa: {  	p0 =	sne.s32 s2, $0x0;
	s2 =	simm.s32 $0x3;
	s15 =	sor.u32 s12, s14  }
0xb: {  	s8 =	sshrl.u32 s8, $0x2;
	s10 =	sshrl.u32 s9, $0x1;
	s5 =	sadd.s32 s6, s5  }
0xc: {  	s13 =	sadd.s32 s8, s1;
	s9 =	ssub.s32 s9, s10;
	s6 =	sadd.s32 s4, s16  }
0xd: {  	s22 =	sadd.s32 s19, s17;
	s8 =	simm.s32 $0x4;
	s10 =	simm.s32 $0x380  }
0xe: {  	s5 =	sshrl.u32 s5, $0x3;
	s18 =	sadd.s32 $0x4000, s13;
	[dreg:$0x8] =	wrdreg s6  }
0xf: {  	s11 =	sadd.s32 $0x8000, s13;
	s20 =	sadd.s32 $0xC000, s13;
	[dreg:$0x3] =	wrdreg s13  }
0x10: {  	s21 =	sadd.s32 $0x10000, s13;
	s17 =	smax.u32 s9, $0x1;
	[dreg:$0x4] =	wrdreg s18  }
0x11: {  	s6 =	simm.s32 $0x6;
	s9 =	simm.s32 $0x280;
	[dreg:$0x5] =	wrdreg s11  }
0x12: {  	s0 =	sadd.s32 s5, s0;
	s5 =	smul.u32 $0xA00, s15;
	[dreg:$0x6] =	wrdreg s20  }
0x13: {  	[dreg:$0x7] =	wrdreg s21;
	s20 =	sor.u32 $0x1C07, s26;
	s21 =	sshrl.u32 s13, $0x3  }
0x14: {  	s26 =	simm.s32 $0x1;
	s0 =	sadd.s32 $0x3FA00, s0;
	s11 =	sadd.s32 s7, s5  }
0x15: {  	s5 =	sshll.u32 s22, $0x5;
	[dreg:$0xc] =	wrdreg s0;
	s22 =	simm.s32 $0x7  }
0x16: {  	s0 =	simm.s32 $0x5;
	s23 =	sadd.s32 $0x20, s11;
	s24 =	sadd.s32 $0x40, s11  }
0x17: {  	s25 =	sadd.s32 $0x60, s11;
	s16 =	sadd.s32 s5, s7;
	[dreg:$0x9] =	wrdreg s23  }
0x18: {  	s7 =	simm.s32 $0x180;
	s5 =	simm.s32 $0x0;
	[dreg:$0xa] =	wrdreg s24  }
0x19: {  	[dreg:$0xb] =	wrdreg s25;
	s18 =	sadd.s32 $0xC0, s16;
	s19 =	sadd.s32 $0x80, s16  }
0x1a: {  	v0 =	vimm.f32 $0.0e+00;
	s23 =	simm.s32 $0x100;
	s24 =	simm.s32 $0x200;
	s25 =	simm.s32 $0x300  }
.LBB2_1:
.Ltmp0:
0x1b: {  	(pc) =	sbr.rel @p0 .LBB2_3-.Ltmp0, $1  }
0x1c: {  	_ =	sdelay $0x3  }
.Ltmp1:
0x1d: {  	s12 =	rddreg [dreg:$0x8];
	(pc) =	sbr.rel .LBB2_6-.Ltmp1, $4  }
0x1e: {  	[spmem:s21], [sflag:s20] =	dma.local [hbm:s12], $0x2800  }
0x1f: {  	_ =	swait.ge [sflag:s22], $0x2800  }
0x20: {  	[sflag:s22] =	ssyncset.done $0x0  }
0x21: {  	[sflag:s22] =	ssyncadd.s32 $0xFFFFD800  }
.LBB2_3:
0x22: {  	s12 =	sshra.s32 s3, $0x2;
	s13 =	sadd.s32 $0x200, s3  }
.LBB2_4:
0x23: {  	p1 =	sne.s32 s13, $0xFE00;
	[tilespmem:s12+$0x470] =	vst v0  }
0x24: {  	[tilespmem:s12+$0x400] =	vst v0  }
0x25: {  	[tilespmem:s12+$0x410] =	vst v0  }
.Ltmp2:
0x26: {  	[tilespmem:s12+$0x420] =	vst v0;
	(pc) =	sbr.rel @p1 .LBB2_4-.Ltmp2, $4  }
0x27: {  	[tilespmem:s12+$0x430] =	vst v0  }
0x28: {  	[tilespmem:s12+$0x440] =	vst v0  }
0x29: {  	[tilespmem:s12+$0x450] =	vst v0  }
0x2a: {  	[tilespmem:s12+$0x460] =	vst v0;
	s12 =	sshra.s32 s13, $0x2;
	s13 =	sadd.s32 $0x200, s13  }
0x2b: {  	[tilespmem:s12+$0x470] =	vst v0  }
0x2c: {  	[tilespmem:s12+$0x400] =	vst v0  }
0x2d: {  	[tilespmem:s12+$0x410] =	vst v0  }
0x2e: {  	[tilespmem:s12+$0x420] =	vst v0  }
0x2f: {  	[tilespmem:s12+$0x430] =	vst v0  }
0x30: {  	[tilespmem:s12+$0x440] =	vst v0  }
0x31: {  	[tilespmem:s12+$0x450] =	vst v0  }
0x32: {  	[tilespmem:s12+$0x460] =	vst v0;
	s14 =	rddreg [dreg:$0x3]  }
0x33: {  	[spmem:s14] =	stream.linear.scatter [tilespmem:s29], [sflag:$0x7], $0x4000, $0x38;
	[tilespmem:$0x1C400] =	vst v63  }
0x34: {  	_ =	swait.ge [sflag:s22], $0x4000  }
0x35: {  	[sflag:s22] =	ssyncset.done $0x0  }
0x36: {  	s15 =	rddreg [dreg:$0x4];
	[sflag:s22] =	ssyncadd.s32 $0xFFFFC000  }
0x37: {  	[spmem:s15] =	stream.linear.scatter [tilespmem:s29], [sflag:$0x7], $0x4000, $0x38;
	[tilespmem:$0x1C400] =	vst v63  }
0x38: {  	_ =	swait.ge [sflag:s22], $0x4000  }
0x39: {  	[sflag:s22] =	ssyncset.done $0x0  }
0x3a: {  	s13 =	rddreg [dreg:$0x5];
	[sflag:s22] =	ssyncadd.s32 $0xFFFFC000  }
0x3b: {  	[spmem:s13] =	stream.linear.scatter [tilespmem:s29], [sflag:$0x7], $0x4000, $0x38;
	[tilespmem:$0x1C400] =	vst v63  }
0x3c: {  	_ =	swait.ge [sflag:s22], $0x4000  }
0x3d: {  	[sflag:s22] =	ssyncset.done $0x0  }
0x3e: {  	s14 =	rddreg [dreg:$0x6];
	[sflag:s22] =	ssyncadd.s32 $0xFFFFC000  }
0x3f: {  	[spmem:s14] =	stream.linear.scatter [tilespmem:s29], [sflag:$0x7], $0x4000, $0x38;
	[tilespmem:$0x1C400] =	vst v63  }
0x40: {  	_ =	swait.ge [sflag:s22], $0x4000  }
0x41: {  	[sflag:s22] =	ssyncset.done $0x0  }
0x42: {  	s15 =	rddreg [dreg:$0x7];
	[sflag:s22] =	ssyncadd.s32 $0xFFFFC000  }
0x43: {  	[spmem:s15] =	stream.linear.scatter [tilespmem:s29], [sflag:$0x7], $0x4000, $0x38;
	[tilespmem:$0x1C400] =	vst v63  }
0x44: {  	_ =	swait.ge [sflag:s22], $0x4000  }
0x45: {  	[sflag:s22] =	ssyncset.done $0x0  }
0x46: {  	[sflag:s22] =	ssyncadd.s32 $0xFFFFC000  }
.LBB2_6:
0x47: {  	[bflag:$0x0] =	sbarrier.arrive $0xFFFF;
	s12 =	simm.s32 $0x0  }
0x48: {  	[tilespmem:s12], [sflag:$0x1] =	stream.linear.gather [hbm4b:s11+s12], $0x100, $0x38;
	[tilespmem:$0x1C400] =	vst v63  }
0x49: {  	s13 =	rddreg [dreg:$0x9]  }
0x4a: {  	[tilespmem:s23], [sflag:$0x2] =	stream.linear.gather [hbm4b:s13+s12], $0x100, $0x38;
	[tilespmem:$0x1C400] =	vst v63  }
0x4b: {  	s14 =	rddreg [dreg:$0xa]  }
0x4c: {  	[tilespmem:s24], [sflag:$0x3] =	stream.linear.gather [hbm4b:s14+s12], $0x100, $0x38;
	[tilespmem:$0x1C400] =	vst v63  }
0x4d: {  	s15 =	rddreg [dreg:$0xb]  }
0x4e: {  	[tilespmem:s25], [sflag:$0x4] =	stream.linear.gather [hbm4b:s15+s12], $0x100, $0x38;
	[tilespmem:$0x1C400] =	vst v63  }
0x4f: {  	_ =	swait.ge [sflag:s26], $0x100  }
0x50: {  	[sflag:s26] =	ssyncset.done $0x0  }
0x51: {  	[sflag:s26] =	ssyncadd.s32 $0xFFFFFF00  }
0x52: {  	[tilespmem:s29], [sflag:$0x5] =	stream.indirect.gather [hbm4b:s4+s28], $0x80, s3, s28, $0xb8;
	[tilespmem:$0x1C400] =	vst v63  }
0x53: {  	_ =	swait.ge [sflag:s30], $0x100  }
0x54: {  	[sflag:s30] =	ssyncset.done $0x0  }
0x55: {  	[sflag:s30] =	ssyncadd.s32 $0xFFFFFF00  }
0x56: {  	[tilespmem:s31], [sflag:$0x6] =	stream.indirect.gather [hbm4b:s4+s28], $0x80, s23, s28, $0xb8;
	[tilespmem:$0x1C400] =	vst v63  }
0x57: {  	_ =	swait.ge [sflag:s0], $0x4000  }
0x58: {  	[sflag:s0] =	ssyncset.done $0x0  }
0x59: {  	[sflag:s0] =	ssyncadd.s32 $0xFFFFC000  }
0x5a: {  	[spmem:s1] =	stream.indirect.scatter.add.f32 [tilespmem:s29], [sflag:$0x7], $0x80, s28, s28, $0xb8;
	[tilespmem:$0x1C400] =	vst v63  }
0x5b: {  	_ =	swait.ge [sflag:s22], $0x4000  }
0x5c: {  	[sflag:s22] =	ssyncset.done $0x0  }
0x5d: {  	s13 =	sadd.s32 $0x0, s19;
	[sflag:s22] =	ssyncadd.s32 $0xFFFFC000  }
0x5e: {  	[tilespmem:s3], [sflag:$0x1] =	stream.linear.gather [hbm4b:s13+s3], $0x100, $0x38;
	[tilespmem:$0x1C400] =	vst v63  }
0x5f: {  	_ =	swait.ge [sflag:s2], $0x100  }
0x60: {  	[sflag:s2] =	ssyncset.done $0x0  }
0x61: {  	[sflag:s2] =	ssyncadd.s32 $0xFFFFFF00  }
0x62: {  	[tilespmem:s29], [sflag:$0x5] =	stream.indirect.gather [hbm4b:s4+s28], $0x80, s24, s28, $0xb8;
	[tilespmem:$0x1C400] =	vst v63  }
0x63: {  	_ =	swait.ge [sflag:s6], $0x4000  }
0x64: {  	[sflag:s6] =	ssyncset.done $0x0  }
0x65: {  	[sflag:s6] =	ssyncadd.s32 $0xFFFFC000  }
0x66: {  	[spmem:s1] =	stream.indirect.scatter.add.f32 [tilespmem:s31], [sflag:$0x7], $0x80, s7, s28, $0xb8;
	[tilespmem:$0x1C400] =	vst v63  }
0x67: {  	_ =	swait.ge [sflag:s22], $0x4000  }
0x68: {  	s13 =	sadd.s32 $0x0, s16;
	[sflag:s22] =	ssyncset.done $0x0  }
0x69: {  	s14 =	sadd.s32 $0xA0, s13;
	[sflag:s22] =	ssyncadd.s32 $0xFFFFC000  }
0x6a: {  	[tilespmem:s23], [sflag:$0x2] =	stream.linear.gather [hbm4b:s14+s3], $0x100, $0x38;
	[tilespmem:$0x1C400] =	vst v63  }
0x6b: {  	_ =	swait.ge [sflag:s8], $0x100  }
0x6c: {  	[sflag:s8] =	ssyncset.done $0x0  }
0x6d: {  	[sflag:s8] =	ssyncadd.s32 $0xFFFFFF00  }
0x6e: {  	[tilespmem:s31], [sflag:$0x6] =	stream.indirect.gather [hbm4b:s4+s28], $0x80, s25, s28, $0xb8;
	[tilespmem:$0x1C400] =	vst v63  }
0x6f: {  	_ =	swait.ge [sflag:s0], $0x4000  }
0x70: {  	[sflag:s0] =	ssyncset.done $0x0  }
0x71: {  	[sflag:s0] =	ssyncadd.s32 $0xFFFFC000  }
0x72: {  	[spmem:s1] =	stream.indirect.scatter.add.f32 [tilespmem:s29], [sflag:$0x7], $0x80, s9, s28, $0xb8;
	[tilespmem:$0x1C400] =	vst v63  }
0x73: {  	_ =	swait.ge [sflag:s22], $0x4000  }
0x74: {  	[sflag:s22] =	ssyncset.done $0x0  }
0x75: {  	s15 =	sadd.s32 $0x0, s18;
	[sflag:s22] =	ssyncadd.s32 $0xFFFFC000  }
0x76: {  	[tilespmem:s24], [sflag:$0x3] =	stream.linear.gather [hbm4b:s15+s3], $0x100, $0x38;
	[tilespmem:$0x1C400] =	vst v63  }
0x77: {  	_ =	swait.ge [sflag:s6], $0x4000  }
0x78: {  	[sflag:s6] =	ssyncset.done $0x0  }
0x79: {  	[sflag:s6] =	ssyncadd.s32 $0xFFFFC000  }
0x7a: {  	[spmem:s1] =	stream.indirect.scatter.add.f32 [tilespmem:s31], [sflag:$0x7], $0x80, s10, s28, $0xb8;
	[tilespmem:$0x1C400] =	vst v63  }
0x7b: {  	_ =	swait.ge [sflag:s22], $0x4000  }
0x7c: {  	[sflag:s22] =	ssyncset.done $0x0  }
0x7d: {  	s12 =	simm.s32 $0x80;
	s13 =	sadd.s32 $0xE0, s13;
	[sflag:s22] =	ssyncadd.s32 $0xFFFFC000  }
.LBB2_7:
0x7e: {  	[tilespmem:s25], [sflag:$0x4] =	stream.linear.gather [hbm4b:s13+s3], $0x100, $0x38;
	[tilespmem:$0x1C400] =	vst v63  }
0x7f: {  	s13 =	smov.u32 s12  }
0x80: {  	p1 =	sne.s32 s12, $0x900;
	s12 =	sadd.s32 $0x80, s12;
	_ =	swait.ge [sflag:s26], $0x100  }
0x81: {  	[sflag:s26] =	ssyncset.done $0x0  }
0x82: {  	[sflag:s26] =	ssyncadd.s32 $0xFFFFFF00  }
0x83: {  	[tilespmem:s29], [sflag:$0x5] =	stream.indirect.gather [hbm4b:s4+s28], $0x80, s3, s28, $0xb8;
	[tilespmem:$0x1C400] =	vst v63  }
0x84: {  	_ =	swait.ge [sflag:s30], $0x100  }
0x85: {  	[sflag:s30] =	ssyncset.done $0x0  }
0x86: {  	[sflag:s30] =	ssyncadd.s32 $0xFFFFFF00  }
0x87: {  	[tilespmem:s31], [sflag:$0x6] =	stream.indirect.gather [hbm4b:s4+s28], $0x80, s23, s28, $0xb8;
	[tilespmem:$0x1C400] =	vst v63  }
0x88: {  	_ =	swait.ge [sflag:s0], $0x4000  }
0x89: {  	[sflag:s0] =	ssyncset.done $0x0  }
0x8a: {  	[sflag:s0] =	ssyncadd.s32 $0xFFFFC000  }
0x8b: {  	[spmem:s1] =	stream.indirect.scatter.add.f32 [tilespmem:s29], [sflag:$0x7], $0x80, s28, s28, $0xb8;
	[tilespmem:$0x1C400] =	vst v63  }
0x8c: {  	_ =	swait.ge [sflag:s22], $0x4000  }
0x8d: {  	[sflag:s22] =	ssyncset.done $0x0  }
0x8e: {  	s14 =	sadd.s32 s13, s19;
	[sflag:s22] =	ssyncadd.s32 $0xFFFFC000  }
0x8f: {  	[tilespmem:s3], [sflag:$0x1] =	stream.linear.gather [hbm4b:s14+s3], $0x100, $0x38;
	[tilespmem:$0x1C400] =	vst v63  }
0x90: {  	_ =	swait.ge [sflag:s2], $0x100  }
0x91: {  	[sflag:s2] =	ssyncset.done $0x0  }
0x92: {  	[sflag:s2] =	ssyncadd.s32 $0xFFFFFF00  }
0x93: {  	[tilespmem:s29], [sflag:$0x5] =	stream.indirect.gather [hbm4b:s4+s28], $0x80, s24, s28, $0xb8;
	[tilespmem:$0x1C400] =	vst v63  }
0x94: {  	_ =	swait.ge [sflag:s6], $0x4000  }
0x95: {  	[sflag:s6] =	ssyncset.done $0x0  }
0x96: {  	[sflag:s6] =	ssyncadd.s32 $0xFFFFC000  }
0x97: {  	[spmem:s1] =	stream.indirect.scatter.add.f32 [tilespmem:s31], [sflag:$0x7], $0x80, s7, s28, $0xb8;
	[tilespmem:$0x1C400] =	vst v63  }
0x98: {  	_ =	swait.ge [sflag:s22], $0x4000  }
0x99: {  	s14 =	sadd.s32 s13, s16;
	[sflag:s22] =	ssyncset.done $0x0  }
0x9a: {  	s15 =	sadd.s32 $0xA0, s14;
	[sflag:s22] =	ssyncadd.s32 $0xFFFFC000  }
0x9b: {  	[tilespmem:s23], [sflag:$0x2] =	stream.linear.gather [hbm4b:s15+s3], $0x100, $0x38;
	[tilespmem:$0x1C400] =	vst v63  }
0x9c: {  	_ =	swait.ge [sflag:s8], $0x100  }
0x9d: {  	[sflag:s8] =	ssyncset.done $0x0  }
0x9e: {  	[sflag:s8] =	ssyncadd.s32 $0xFFFFFF00  }
0x9f: {  	[tilespmem:s31], [sflag:$0x6] =	stream.indirect.gather [hbm4b:s4+s28], $0x80, s25, s28, $0xb8;
	[tilespmem:$0x1C400] =	vst v63  }
0xa0: {  	_ =	swait.ge [sflag:s0], $0x4000  }
0xa1: {  	[sflag:s0] =	ssyncset.done $0x0  }
0xa2: {  	[sflag:s0] =	ssyncadd.s32 $0xFFFFC000  }
0xa3: {  	[spmem:s1] =	stream.indirect.scatter.add.f32 [tilespmem:s29], [sflag:$0x7], $0x80, s9, s28, $0xb8;
	[tilespmem:$0x1C400] =	vst v63  }
0xa4: {  	_ =	swait.ge [sflag:s22], $0x4000  }
0xa5: {  	[sflag:s22] =	ssyncset.done $0x0  }
0xa6: {  	s13 =	sadd.s32 s13, s18;
	[sflag:s22] =	ssyncadd.s32 $0xFFFFC000  }
0xa7: {  	[tilespmem:s24], [sflag:$0x3] =	stream.linear.gather [hbm4b:s13+s3], $0x100, $0x38;
	[tilespmem:$0x1C400] =	vst v63  }
0xa8: {  	_ =	swait.ge [sflag:s6], $0x4000  }
0xa9: {  	[sflag:s6] =	ssyncset.done $0x0  }
.Ltmp3:
0xaa: {  	[sflag:s6] =	ssyncadd.s32 $0xFFFFC000;
	(pc) =	sbr.rel @p1 .LBB2_7-.Ltmp3, $4  }
0xab: {  	[spmem:s1] =	stream.indirect.scatter.add.f32 [tilespmem:s31], [sflag:$0x7], $0x80, s10, s28, $0xb8;
	[tilespmem:$0x1C400] =	vst v63  }
0xac: {  	_ =	swait.ge [sflag:s22], $0x4000  }
0xad: {  	[sflag:s22] =	ssyncset.done $0x0  }
0xae: {  	s13 =	sadd.s32 $0xE0, s14;
	[sflag:s22] =	ssyncadd.s32 $0xFFFFC000  }
0xaf: {  	[tilespmem:s25], [sflag:$0x4] =	stream.linear.gather [hbm4b:s13+s3], $0x100, $0x38;
	[tilespmem:$0x1C400] =	vst v63  }
0xb0: {  	_ =	swait.ge [sflag:s26], $0x100  }
0xb1: {  	[sflag:s26] =	ssyncset.done $0x0  }
0xb2: {  	[sflag:s26] =	ssyncadd.s32 $0xFFFFFF00  }
0xb3: {  	[tilespmem:s29], [sflag:$0x5] =	stream.indirect.gather [hbm4b:s4+s28], $0x80, s3, s28, $0xb8;
	[tilespmem:$0x1C400] =	vst v63  }
0xb4: {  	_ =	swait.ge [sflag:s30], $0x100  }
0xb5: {  	[sflag:s30] =	ssyncset.done $0x0  }
0xb6: {  	[sflag:s30] =	ssyncadd.s32 $0xFFFFFF00  }
0xb7: {  	[tilespmem:s31], [sflag:$0x6] =	stream.indirect.gather [hbm4b:s4+s28], $0x80, s23, s28, $0xb8;
	[tilespmem:$0x1C400] =	vst v63  }
0xb8: {  	_ =	swait.ge [sflag:s0], $0x4000  }
0xb9: {  	[sflag:s0] =	ssyncset.done $0x0  }
0xba: {  	[sflag:s0] =	ssyncadd.s32 $0xFFFFC000  }
0xbb: {  	[spmem:s1] =	stream.indirect.scatter.add.f32 [tilespmem:s29], [sflag:$0x7], $0x80, s28, s28, $0xb8;
	[tilespmem:$0x1C400] =	vst v63  }
0xbc: {  	_ =	swait.ge [sflag:s22], $0x4000  }
0xbd: {  	[sflag:s22] =	ssyncset.done $0x0  }
0xbe: {  	[sflag:s22] =	ssyncadd.s32 $0xFFFFC000  }
0xbf: {  	_ =	swait.ge [sflag:s2], $0x100  }
0xc0: {  	[sflag:s2] =	ssyncset.done $0x0  }
0xc1: {  	[sflag:s2] =	ssyncadd.s32 $0xFFFFFF00  }
0xc2: {  	[tilespmem:s29], [sflag:$0x5] =	stream.indirect.gather [hbm4b:s4+s28], $0x80, s24, s28, $0xb8;
	[tilespmem:$0x1C400] =	vst v63  }
0xc3: {  	_ =	swait.ge [sflag:s6], $0x4000  }
0xc4: {  	[sflag:s6] =	ssyncset.done $0x0  }
0xc5: {  	[sflag:s6] =	ssyncadd.s32 $0xFFFFC000  }
0xc6: {  	[spmem:s1] =	stream.indirect.scatter.add.f32 [tilespmem:s31], [sflag:$0x7], $0x80, s7, s28, $0xb8;
	[tilespmem:$0x1C400] =	vst v63  }
0xc7: {  	_ =	swait.ge [sflag:s22], $0x4000  }
0xc8: {  	[sflag:s22] =	ssyncset.done $0x0  }
0xc9: {  	[sflag:s22] =	ssyncadd.s32 $0xFFFFC000  }
0xca: {  	_ =	swait.ge [sflag:s8], $0x100  }
0xcb: {  	[sflag:s8] =	ssyncset.done $0x0  }
0xcc: {  	[sflag:s8] =	ssyncadd.s32 $0xFFFFFF00  }
0xcd: {  	[tilespmem:s31], [sflag:$0x6] =	stream.indirect.gather [hbm4b:s4+s28], $0x80, s25, s28, $0xb8;
	[tilespmem:$0x1C400] =	vst v63  }
0xce: {  	_ =	swait.ge [sflag:s0], $0x4000  }
0xcf: {  	[sflag:s0] =	ssyncset.done $0x0  }
0xd0: {  	[sflag:s0] =	ssyncadd.s32 $0xFFFFC000  }
0xd1: {  	[spmem:s1] =	stream.indirect.scatter.add.f32 [tilespmem:s29], [sflag:$0x7], $0x80, s9, s28, $0xb8;
	[tilespmem:$0x1C400] =	vst v63  }
0xd2: {  	_ =	swait.ge [sflag:s22], $0x4000  }
0xd3: {  	[sflag:s22] =	ssyncset.done $0x0  }
0xd4: {  	[sflag:s22] =	ssyncadd.s32 $0xFFFFC000  }
0xd5: {  	_ =	swait.ge [sflag:s6], $0x4000  }
0xd6: {  	[sflag:s6] =	ssyncset.done $0x0  }
0xd7: {  	[sflag:s6] =	ssyncadd.s32 $0xFFFFC000  }
0xd8: {  	[spmem:s1] =	stream.indirect.scatter.add.f32 [tilespmem:s31], [sflag:$0x7], $0x80, s10, s28, $0xb8;
	[tilespmem:$0x1C400] =	vst v63  }
0xd9: {  	_ =	swait.ge [sflag:s22], $0x4000  }
0xda: {  	[sflag:s22] =	ssyncset.done $0x0  }
0xdb: {  	s5 =	sadd.s32 $0x1, s5;
	[sflag:s22] =	ssyncadd.s32 $0xFFFFC000  }
0xdc: {  	p1 =	sne.s32 s5, s17;
	[bflag:$0x0] =	sbarrier.arrive $0xFFFF  }
.Ltmp4:
0xdd: {  	s12 =	rddreg [dreg:$0xc];
	(pc) =	sbr.rel @p1 .LBB2_1-.Ltmp4, $4  }
0xde: {  	[hbm:s12], [sflag:s20] =	dma.local [spmem:s21], $0x2800  }
0xdf: {  	_ =	swait.ge [sflag:s22], $0x2800  }
0xe0: {  	[sflag:s22] =	ssyncset.done $0x0  }
0xe1: {  	[sflag:s22] =	ssyncadd.s32 $0xFFFFD800  }
0xe2: {  	_ =	sfence.sel $0x180000  }
0xe3: {  	[bflag:$0x0] =	sbarrier.arrive $0xFFFF  }
0xe4: {  	_ =	strace $0x9000004A  }
0xe5: {  	s0 =	stileid.u32;
	[bflag:$0x2] =	sbarrier.arrive $0xFFFF  }
0xe6: {  	p0 =	sne.s32 s0, $0x0;
	s0 =	rddreg [dreg:$0x2]  }
0xe7: {  	s0 =	sadd.s32 @!p0 $0x100000, s0  }
0xe8: {  	[sflag:s0] =	ssyncadd.tile.s32 @!p0 $0x1;
	_ =	shalt  }
.Lfunc_end2:
_tile_overlayer_lowered:
.L_overlay_start_2:
0xe9: {  	(tag) =	ssettag $0x2  }
0xea: {  	s0 =	rddreg [dreg:$0x0];
	s2 =	stileid.u32  }
0xeb: {  	s1 =	rddreg [dreg:$0x1];
	p0 =	sne.s32 s2, $0x0  }
0xec: {  	s3 =	rddreg [dreg:$0x2];
	[bflag:$0x3] =	sbarrier.arrive $0xFFFF;
	s2 =	simm.s32 @!p0 $0x1C07  }
0xed: {  	[timem:s3], [sflag:s2] =	dma.local @!p0 [hbm:s0], s1  }
0xee: {  	s0 =	simm.s32 @!p0 $0x7  }
0xef: {  	_ =	swait.ge @!p0 [sflag:s0], s1  }
0xf0: {  	s1 =	ssub.s32 @!p0 $0x0, s1;
	[sflag:s0] =	ssyncset.done @!p0 $0x0  }
0xf1: {  	[sflag:s0] =	ssyncadd.s32 @!p0 s1  }
0xf2: {  	[bflag:$0x3] =	sbarrier.arrive $0xFFFF  }
0xf3: {  	_ =	shalt  }

// kernel: kernel.16.cloned.1.call-start
scs
__scs_entry_jumppad:
0x0: {  	(pc) =	sbr.rel $0x88, $3  }
0x1: {  	(tag) =	ssettag $0x0;
	lr =	simm.s32 $0x1  }
0x2: {  	[smem:$0x3F99] =	sst lr;
	_ =	strace $0xD0000000  }
0x3: {  	_ = 	snop  }
0x4: {  	_ = 	snop  }
0x5: {  	_ = 	snop  }
0x6: {  	_ = 	snop  }
0x7: {  	_ = 	snop  }
__scs_overlays_trampoline_lowered:
0x8: {  	[smem:$0x3FA8] =	sst s0  }
0x9: {  	[smem:$0x3FA9] =	sst s1  }
0xa: {  	[smem:$0x3FAA] =	sst s2  }
0xb: {  	[smem:$0x3FAB] =	sst s3  }
0xc: {  	[smem:$0x3FAC] =	sst s4  }
0xd: {  	[smem:$0x3FAD] =	sst s5  }
0xe: {  	[smem:$0x3FAE] =	sst s6  }
0xf: {  	[smem:$0x3FAF] =	sst s7  }
0x10: {  	[smem:$0x3FB0] =	sst s8  }
0x11: {  	[smem:$0x3FB1] =	sst s9;
	s0 =	simm.s32 @!p0 $0x0  }
0x12: {  	s1 =	sld [smem:$0x3F97];
	s0 =	simm.s32 @p0 $0x1  }
0x13: {  	[smem:$0x3FB2] =	sst s0;
	s0 =	simm.s32 @!p1 $0x0  }
0x14: {  	s2 =	sld [smem:$0x3F96];
	s0 =	simm.s32 @p1 $0x1  }
0x15: {  	[smem:$0x3FB3] =	sst s0;
	s0 =	simm.s32 @!p2 $0x0  }
0x16: {  	s3 =	sld [smem:$0x3FDB];
	s0 =	simm.s32 @p2 $0x1  }
0x17: {  	s4 =	simm.s32 $0x1BF5;
	[smem:$0x3FB5] =	sst s0  }
0x18: {  	s0 =	sld [smem:$0x3F98];
	_ =	swait.ge [sflag:s4], $0x0  }
0x19: {  	s7 =	sld [smem:$0x3F99]  }
0x1a: {  	s8 =	sadd.s32 $0xFFFFE003, lr  }
0x1b: {  	s9 =	sadd.s32 $0xFFFFFEF7, lr;
	s5 =	simm.s32 $0xFFFFFFFF;
	p2 =	slt.u32 s8, $0xFFFFF086  }
0x1c: {  	p1 =	slt.u32 s9, $0xF7A;
	s5 =	simm.s32 @!p2 $0x0  }
0x1d: {  	s5 =	simm.s32 @p1 $0x1;
	p0 =	seq.s32 s7, s2  }
0x1e: {  	s7 =	smul.u32 @!p0 $0xF7A, s2;
	p2 =	seq.s32 @!p0 s5, $0x0  }
0x1f: {  	s9 =	smul.u32 $0xF7A, s1;
	s8 =	simm.s32 @!p0 $0x1BF5;
	p2 =	por !p2, p0  }
0x20: {  	[sflag:s8] =	ssyncset.s32 @!p0 $0xFFFFF086;
	s6 =	sadd.s32 @!p0 s3, s7;
	s7 =	simm.s32 @!p0 $0x108  }
0x21: {  	s3 =	sadd.s32 s3, s9;
	s6 =	sadd.s32 @!p0 $0x88, s6;
	s7 =	simm.s32 @p2 $0x1082  }
0x22: {  	[simem:s7], [sflag:s8] =	dma.local @!p0 [hbm:s6], $0xF7A  }
0x23: {  	s9 =	sor.u32 $0xD0000000, s2;
	s6 =	simm.s32 $0x108;
	_ =	swait.ge @!p0 [sflag:s8], $0x0  }
0x24: {  	s3 =	sadd.s32 $0x88, s3;
	s6 =	simm.s32 @!p1 $0x1082;
	[sflag:s4] =	ssyncset.s32 $0xFFFFF086  }
0x25: {  	[simem:s6], [sflag:s4] =	dma.local [hbm:s3], $0xF7A  }
0x26: {  	[smem:$0x3F99] =	sst s1;
	(tag) =	ssettag s2;
	_ =	strace s9  }
0x27: {  	s1 =	sld [smem:$0x3FA9]  }
0x28: {  	s2 =	sld [smem:$0x3FAA]  }
0x29: {  	s4 =	sld [smem:$0x3FAC]  }
0x2a: {  	p0 =	seq.s32 s5, $0x0;
	s5 =	sld [smem:$0x3FAD]  }
0x2b: {  	s6 =	sld [smem:$0x3FAE]  }
0x2c: {  	s7 =	sld [smem:$0x3FAF]  }
0x2d: {  	s3 =	simm.s32 $0x108;
	s8 =	sld [smem:$0x3FB0]  }
0x2e: {  	s3 =	simm.s32 @!p0 $0x1082;
	s9 =	sld [smem:$0x3FB1]  }
0x2f: {  	lr =	sadd.s32 s0, s3;
	s0 =	sld [smem:$0x3FA8]  }
0x30: {  	s3 =	sld [smem:$0x3FAB]  }
0x31: {  	[smem:$0x3FB4] =	sst s10  }
0x32: {  	s10 =	sld [smem:$0x3FB2];
	_ =	sdelay $0x3  }
0x33: {  	p0 =	seq.s32 s10, $0x1;
	s10 =	sld [smem:$0x3FB4];
	_ =	sdelay $0x3  }
0x34: {  	[smem:$0x3FB4] =	sst s10  }
0x35: {  	s10 =	sld [smem:$0x3FB3];
	_ =	sdelay $0x3  }
0x36: {  	p1 =	seq.s32 s10, $0x1;
	s10 =	sld [smem:$0x3FB4];
	_ =	sdelay $0x3  }
0x37: {  	[smem:$0x3FB4] =	sst s10  }
0x38: {  	s10 =	sld [smem:$0x3FB5]  }
0x39: {  	_ = 	snop;
	(pc) =	sbr.ind lr, $3  }
0x3a: {  	_ = 	snop  }
0x3b: {  	_ = 	snop  }
0x3c: {  	p2 =	seq.s32 s10, $0x1;
	s10 =	sld [smem:$0x3FB4]  }
0x3d: {  	_ =	shalt  }
0x3e: {  	_ =	shalt  }
0x3f: {  	_ =	shalt  }
0x40: {  	_ =	shalt  }
0x41: {  	_ =	shalt  }
0x42: {  	_ =	shalt  }
0x43: {  	_ =	shalt  }
0x44: {  	_ =	shalt  }
0x45: {  	_ =	shalt  }
0x46: {  	_ =	shalt  }
0x47: {  	_ =	shalt  }
0x48: {  	_ =	shalt  }
0x49: {  	_ =	shalt  }
0x4a: {  	_ =	shalt  }
0x4b: {  	_ =	shalt  }
0x4c: {  	_ =	shalt  }
0x4d: {  	_ =	shalt  }
0x4e: {  	_ =	shalt  }
0x4f: {  	_ =	shalt  }
0x50: {  	_ =	shalt  }
0x51: {  	_ =	shalt  }
0x52: {  	_ =	shalt  }
0x53: {  	_ =	shalt  }
0x54: {  	_ =	shalt  }
0x55: {  	_ =	shalt  }
0x56: {  	_ =	shalt  }
0x57: {  	_ =	shalt  }
0x58: {  	_ =	shalt  }
0x59: {  	_ =	shalt  }
0x5a: {  	_ =	shalt  }
0x5b: {  	_ =	shalt  }
0x5c: {  	_ =	shalt  }
0x5d: {  	_ =	shalt  }
0x5e: {  	_ =	shalt  }
0x5f: {  	_ =	shalt  }
0x60: {  	_ =	shalt  }
0x61: {  	_ =	shalt  }
0x62: {  	_ =	shalt  }
0x63: {  	_ =	shalt  }
0x64: {  	_ =	shalt  }
0x65: {  	_ =	shalt  }
0x66: {  	_ =	shalt  }
0x67: {  	_ =	shalt  }
0x68: {  	_ =	shalt  }
0x69: {  	_ =	shalt  }
0x6a: {  	_ =	shalt  }
0x6b: {  	_ =	shalt  }
0x6c: {  	_ =	shalt  }
0x6d: {  	_ =	shalt  }
0x6e: {  	_ =	shalt  }
0x6f: {  	_ =	shalt  }
0x70: {  	_ =	shalt  }
0x71: {  	_ =	shalt  }
0x72: {  	_ =	shalt  }
0x73: {  	_ =	shalt  }
0x74: {  	_ =	shalt  }
0x75: {  	_ =	shalt  }
0x76: {  	_ =	shalt  }
0x77: {  	_ =	shalt  }
0x78: {  	_ =	shalt  }
0x79: {  	_ =	shalt  }
0x7a: {  	_ =	shalt  }
0x7b: {  	_ =	shalt  }
0x7c: {  	_ =	shalt  }
0x7d: {  	_ =	shalt  }
0x7e: {  	_ =	shalt  }
0x7f: {  	_ =	shalt  }
0x80: {  	_ =	shalt  }
0x81: {  	_ =	shalt  }
0x82: {  	_ =	shalt  }
0x83: {  	_ =	shalt  }
0x84: {  	_ =	shalt  }
0x85: {  	_ =	shalt  }
0x86: {  	_ =	shalt  }
0x87: {  	_ =	shalt  }
.Lfunc_end0:
.L_simem_size_0:
called_computation.2_lowered:
.L_overlay_start_0:
0x88: {  	s2 =	sld [smem:$0x3FD9]  }
0x89: {  	s3 =	sld [smem:$0x3FFE];
	_ =	sdelay $0x1  }
0x8a: {  	s1 =	srdreg.scid  }
0x8b: {  	s0 =	sand.u32 $0x1, s1  }
0x8c: {  	s16 =	sshll.u32 s0, $0xA;
	s2 =	sadd.s32 s3, s2  }
0x8d: {  	s2 =	sadd.s32 s2, s16  }
0x8e: {  	[smem:$0x3FC0] =	sst s2  }
0x8f: {  	_ = 	snop  }
0x90: {  	(tm) =	ssettm $0x1  }
0x91: {  	s17 =	sld [smem:$0x3FFB];
	_ =	sdelay $0x3  }
0x92: {  	_ =	strace s17  }
0x93: {  	s2 =	sld [smem:$0x3FFC];
	_ =	sdelay $0x3  }
0x94: {  	_ =	strace s2  }
0x95: {  	s2 =	sld [smem:$0x3FFD];
	_ =	sdelay $0x3  }
0x96: {  	_ =	strace s2  }
0x97: {  	_ =	strace $0x8FFFFFFF  }
0x98: {  	s18 =	sld [smem:$0x3FDB];
	_ =	sdelay $0x1  }
0x99: {  	s19 =	simm.s32 $_scs_section_size  }
0x9a: {  	s4 =	simm.s32 $_size__tile_overlayer_lowered;
	s5 =	simm.s32 $_tile_overlayer_lowered  }
0x9b: {  	s22 =	simm.s32 $0x1BFF;
	s21 =	sshll.u32 s5, $0x1;
	s2 =	sadd.s32 s19, s18  }
0x9c: {  	s6 =	simm.s32 $0x0;
	s20 =	sshll.u32 s4, $0x1;
	s4 =	sadd.s32 s21, s2  }
0x9d: {  	[timem:s6], [sflag:s22] =	dma.local [hbm:s4], s20  }
0x9e: {  	_ =	swait.ge [sflag:s22], s20  }
0x9f: {  	s3 =	ssub.s32 $0x0, s20;
	[sflag:s22] =	ssyncset.done $0x0  }
0xa0: {  	[sflag:s22] =	ssyncadd.s32 s3;
	_ =	sdelay $0x1  }
0xa1: {  	s23 =	simm.s32 $0x1B8B  }
0xa2: {  	_ =	swait.ge [sflag:s23], $0x1  }
0xa3: {  	[sflag:s23] =	ssyncset.done $0x0  }
0xa4: {  	s25 =	simm.s32 $0x1B8E;
	s24 =	sld [smem:$0x3FFE];
	[sflag:s23] =	ssyncadd.s32 $0xFFFFFFFF  }
0xa5: {  	s26 =	simm.s32 $execute0_lowered;
	[smem:$0x3FD2] =	sst s25  }
0xa6: {  	s4 =	sshll.u32 s26, $0x1;
	_ =	strace $0x8000004C;
	[dreg:$0x1] =	wrdreg $0xFFFFFFFF  }
0xa7: {  	s28 =	simm.s32 $_size_execute0_lowered;
	s2 =	sadd.s32 s2, s4;
	[dreg:$0x0] =	wrdreg $0x0  }
0xa8: {  	s4 =	sshll.u32 s28, $0x1;
	[dreg:$0x2] =	wrdreg s2  }
0xa9: {  	[dreg:$0x3] =	wrdreg s4  }
0xaa: {  	[dreg:$0x4] =	wrdreg $0xC0  }
0xab: {  	_ =	task [dreg:s6], $0x5FFFF  }
0xac: {  	[dreg:$0x1] =	wrdreg $0xFFFFFFFF  }
0xad: {  	[dreg:$0x0] =	wrdreg $0x60  }
0xae: {  	[dreg:$0x2] =	wrdreg s24  }
0xaf: {  	[dreg:$0x3] =	wrdreg $0x84000  }
0xb0: {  	[dreg:$0x4] =	wrdreg $0x9  }
0xb1: {  	_ =	task.clear_ibuf [dreg:s6], $0x5FFFF;
	_ =	strace $0x9000004C  }
0xb2: {  	s29 =	simm.s32 $0x9;
	_ =	strace $0x8000004E  }
0xb3: {  	_ =	swait.ge [sflag:s29], $0x1  }
0xb4: {  	[sflag:s29] =	ssyncadd.s32 $0xFFFFFFFF  }
0xb5: {  	_ =	strace $0x9000004E  }
0xb6: {  	_ =	sfence  }
0xb7: {  	s30 =	sld [smem:$0x0];
	_ =	sdelay $0x2  }
0xb8: {  	s31 =	sshll.u32 s1, $0xD;
	s1 =	sshrl.u32 s1, $0x2  }
0xb9: {  	s3 =	sand.u32 $0x4000, s31;
	s1 =	sadd.s32 s1, s30  }
0xba: {  	s0 =	sor.u32 s3, s0;
	s1 =	sshll.u32 s1, $0x11  }
0xbb: {  	s0 =	sor.u32 s1, s0  }
0xbc: {  	s0 =	sadd.s32 $0x8F2B, s0  }
0xbd: {  	[sflag:s0] =	ssyncadd.remote.s32 $0x1  }
0xbe: {  	_ =	sfence.sel $0xFFFF  }
0xbf: {  	[dreg:$0x0] =	wrdreg $0xFFFFFFFF;
	(pc) =	sbr.abs _section_cstart, $3  }
0xc0: {  	[dreg:$0x1] =	wrdreg $0xFFFFFFFF  }
0xc1: {  	_ =	task.clear_ibuf [dreg:s6], $0x2FFFF;
	_ =	strace $0x9FFFFFFF  }
0xc2: {  	(tm) =	ssettm $0x7FFFFFFF  }
0xc3: {  	_ =	shalt  }
tec
execute0_lowered:
.L_overlay_start_1:
0x0: {  	(tag) =	ssettag $0x1  }
0x1: {  	s0 =	rddreg [dreg:$0x0]  }
0x2: {  	s1 =	rddreg [dreg:$0x1]  }
0x3: {  	s2 =	srdreg.scid;
	s3 =	simm.s32 $0x0;
	s12 =	stileid.u32  }
0x4: {  	s28 =	simm.s32 $0x80;
	s29 =	simm.s32 $0x400;
	s6 =	smul.u32 $0x14000, s12  }
0x5: {  	s30 =	simm.s32 $0x2;
	s31 =	simm.s32 $0x4400;
	s8 =	smul.u32 $0x50000, s12  }
0x6: {  	s2 =	sand.u32 $0x1, s2;
	[smem:$0x7FF] =	sst s3;
	s16 =	smul.u32 $0x2800, s12  }
0x7: {  	s4 =	sadd.s32 $0x17A00, s0;
	s7 =	sadd.s32 $0x3A00, s0;
	s19 =	smul.u32 $0x50, s12  }
0x8: {  	s26 =	sshll.u32 s12, $0x6;
	s5 =	smul.u32 $0x140000, s2;
	_ =	strace $0x8000004D  }
0x9: {  	s14 =	sshll.u32 s2, $0x4;
	s9 =	ssub.s32 $0x2, s2;
	s17 =	smul.u32 $0x500, s2  }
0xa: {  	p0 =	sne.s32 s2, $0x0;
	s2 =	simm.s32 $0x3;
	s15 =	sor.u32 s12, s14  }
0xb: {  	s8 =	sshrl.u32 s8, $0x2;
	s10 =	sshrl.u32 s9, $0x1;
	s5 =	sadd.s32 s6, s5  }
0xc: {  	s13 =	sadd.s32 s8, s1;
	s9 =	ssub.s32 s9, s10;
	s6 =	sadd.s32 s4, s16  }
0xd: {  	s22 =	sadd.s32 s19, s17;
	s8 =	simm.s32 $0x4;
	s10 =	simm.s32 $0x380  }
0xe: {  	s5 =	sshrl.u32 s5, $0x3;
	s18 =	sadd.s32 $0x4000, s13;
	[dreg:$0x8] =	wrdreg s6  }
0xf: {  	s11 =	sadd.s32 $0x8000, s13;
	s20 =	sadd.s32 $0xC000, s13;
	[dreg:$0x3] =	wrdreg s13  }
0x10: {  	s21 =	sadd.s32 $0x10000, s13;
	s17 =	smax.u32 s9, $0x1;
	[dreg:$0x4] =	wrdreg s18  }
0x11: {  	s6 =	simm.s32 $0x6;
	s9 =	simm.s32 $0x280;
	[dreg:$0x5] =	wrdreg s11  }
0x12: {  	s0 =	sadd.s32 s5, s0;
	s5 =	smul.u32 $0xA00, s15;
	[dreg:$0x6] =	wrdreg s20  }
0x13: {  	[dreg:$0x7] =	wrdreg s21;
	s20 =	sor.u32 $0x1C07, s26;
	s21 =	sshrl.u32 s13, $0x3  }
0x14: {  	s26 =	simm.s32 $0x1;
	s0 =	sadd.s32 $0x3FA00, s0;
	s11 =	sadd.s32 s7, s5  }
0x15: {  	s5 =	sshll.u32 s22, $0x5;
	[dreg:$0xc] =	wrdreg s0;
	s22 =	simm.s32 $0x7  }
0x16: {  	s0 =	simm.s32 $0x5;
	s23 =	sadd.s32 $0x20, s11;
	s24 =	sadd.s32 $0x40, s11  }
0x17: {  	s25 =	sadd.s32 $0x60, s11;
	s16 =	sadd.s32 s5, s7;
	[dreg:$0x9] =	wrdreg s23  }
0x18: {  	s7 =	simm.s32 $0x180;
	s5 =	simm.s32 $0x0;
	[dreg:$0xa] =	wrdreg s24  }
0x19: {  	[dreg:$0xb] =	wrdreg s25;
	s18 =	sadd.s32 $0xC0, s16;
	s19 =	sadd.s32 $0x80, s16  }
0x1a: {  	v0 =	vimm.f32 $0.0e+00;
	s23 =	simm.s32 $0x100;
	s24 =	simm.s32 $0x200;
	s25 =	simm.s32 $0x300  }
.LBB2_1:
.Ltmp0:
0x1b: {  	(pc) =	sbr.rel @p0 .LBB2_3-.Ltmp0, $1  }
0x1c: {  	_ =	sdelay $0x3  }
.Ltmp1:
0x1d: {  	s12 =	rddreg [dreg:$0x8];
	(pc) =	sbr.rel .LBB2_6-.Ltmp1, $4  }
0x1e: {  	[spmem:s21], [sflag:s20] =	dma.local [hbm:s12], $0x2800  }
0x1f: {  	_ =	swait.ge [sflag:s22], $0x2800  }
0x20: {  	[sflag:s22] =	ssyncset.done $0x0  }
0x21: {  	[sflag:s22] =	ssyncadd.s32 $0xFFFFD800  }
.LBB2_3:
0x22: {  	s12 =	sshra.s32 s3, $0x2;
	s13 =	sadd.s32 $0x200, s3  }
.LBB2_4:
0x23: {  	p1 =	sne.s32 s13, $0xFE00;
	[tilespmem:s12+$0x470] =	vst v0  }
0x24: {  	[tilespmem:s12+$0x400] =	vst v0  }
0x25: {  	[tilespmem:s12+$0x410] =	vst v0  }
.Ltmp2:
0x26: {  	[tilespmem:s12+$0x420] =	vst v0;
	(pc) =	sbr.rel @p1 .LBB2_4-.Ltmp2, $4  }
0x27: {  	[tilespmem:s12+$0x430] =	vst v0  }
0x28: {  	[tilespmem:s12+$0x440] =	vst v0  }
0x29: {  	[tilespmem:s12+$0x450] =	vst v0  }
0x2a: {  	[tilespmem:s12+$0x460] =	vst v0;
	s12 =	sshra.s32 s13, $0x2;
	s13 =	sadd.s32 $0x200, s13  }
0x2b: {  	[tilespmem:s12+$0x470] =	vst v0  }
0x2c: {  	[tilespmem:s12+$0x400] =	vst v0  }
0x2d: {  	[tilespmem:s12+$0x410] =	vst v0  }
0x2e: {  	[tilespmem:s12+$0x420] =	vst v0  }
0x2f: {  	[tilespmem:s12+$0x430] =	vst v0  }
0x30: {  	[tilespmem:s12+$0x440] =	vst v0  }
0x31: {  	[tilespmem:s12+$0x450] =	vst v0  }
0x32: {  	[tilespmem:s12+$0x460] =	vst v0;
	s14 =	rddreg [dreg:$0x3]  }
0x33: {  	[spmem:s14] =	stream.linear.scatter [tilespmem:s29], [sflag:$0x7], $0x4000, $0x38;
	[tilespmem:$0x1C400] =	vst v63  }
0x34: {  	_ =	swait.ge [sflag:s22], $0x4000  }
0x35: {  	[sflag:s22] =	ssyncset.done $0x0  }
0x36: {  	s15 =	rddreg [dreg:$0x4];
	[sflag:s22] =	ssyncadd.s32 $0xFFFFC000  }
0x37: {  	[spmem:s15] =	stream.linear.scatter [tilespmem:s29], [sflag:$0x7], $0x4000, $0x38;
	[tilespmem:$0x1C400] =	vst v63  }
0x38: {  	_ =	swait.ge [sflag:s22], $0x4000  }
0x39: {  	[sflag:s22] =	ssyncset.done $0x0  }
0x3a: {  	s13 =	rddreg [dreg:$0x5];
	[sflag:s22] =	ssyncadd.s32 $0xFFFFC000  }
0x3b: {  	[spmem:s13] =	stream.linear.scatter [tilespmem:s29], [sflag:$0x7], $0x4000, $0x38;
	[tilespmem:$0x1C400] =	vst v63  }
0x3c: {  	_ =	swait.ge [sflag:s22], $0x4000  }
0x3d: {  	[sflag:s22] =	ssyncset.done $0x0  }
0x3e: {  	s14 =	rddreg [dreg:$0x6];
	[sflag:s22] =	ssyncadd.s32 $0xFFFFC000  }
0x3f: {  	[spmem:s14] =	stream.linear.scatter [tilespmem:s29], [sflag:$0x7], $0x4000, $0x38;
	[tilespmem:$0x1C400] =	vst v63  }
0x40: {  	_ =	swait.ge [sflag:s22], $0x4000  }
0x41: {  	[sflag:s22] =	ssyncset.done $0x0  }
0x42: {  	s15 =	rddreg [dreg:$0x7];
	[sflag:s22] =	ssyncadd.s32 $0xFFFFC000  }
0x43: {  	[spmem:s15] =	stream.linear.scatter [tilespmem:s29], [sflag:$0x7], $0x4000, $0x38;
	[tilespmem:$0x1C400] =	vst v63  }
0x44: {  	_ =	swait.ge [sflag:s22], $0x4000  }
0x45: {  	[sflag:s22] =	ssyncset.done $0x0  }
0x46: {  	[sflag:s22] =	ssyncadd.s32 $0xFFFFC000  }
.LBB2_6:
0x47: {  	[bflag:$0x0] =	sbarrier.arrive $0xFFFF;
	s12 =	simm.s32 $0x0  }
0x48: {  	[tilespmem:s12], [sflag:$0x1] =	stream.linear.gather [hbm4b:s11+s12], $0x100, $0x38;
	[tilespmem:$0x1C400] =	vst v63  }
0x49: {  	s13 =	rddreg [dreg:$0x9]  }
0x4a: {  	[tilespmem:s23], [sflag:$0x2] =	stream.linear.gather [hbm4b:s13+s12], $0x100, $0x38;
	[tilespmem:$0x1C400] =	vst v63  }
0x4b: {  	s14 =	rddreg [dreg:$0xa]  }
0x4c: {  	[tilespmem:s24], [sflag:$0x3] =	stream.linear.gather [hbm4b:s14+s12], $0x100, $0x38;
	[tilespmem:$0x1C400] =	vst v63  }
0x4d: {  	s15 =	rddreg [dreg:$0xb]  }
0x4e: {  	[tilespmem:s25], [sflag:$0x4] =	stream.linear.gather [hbm4b:s15+s12], $0x100, $0x38;
	[tilespmem:$0x1C400] =	vst v63  }
0x4f: {  	_ =	swait.ge [sflag:s26], $0x100  }
0x50: {  	[sflag:s26] =	ssyncset.done $0x0  }
0x51: {  	[sflag:s26] =	ssyncadd.s32 $0xFFFFFF00  }
0x52: {  	[tilespmem:s29], [sflag:$0x5] =	stream.indirect.gather [hbm4b:s4+s28], $0x80, s3, s28, $0xb8;
	[tilespmem:$0x1C400] =	vst v63  }
0x53: {  	_ =	swait.ge [sflag:s30], $0x100  }
0x54: {  	[sflag:s30] =	ssyncset.done $0x0  }
0x55: {  	[sflag:s30] =	ssyncadd.s32 $0xFFFFFF00  }
0x56: {  	[tilespmem:s31], [sflag:$0x6] =	stream.indirect.gather [hbm4b:s4+s28], $0x80, s23, s28, $0xb8;
	[tilespmem:$0x1C400] =	vst v63  }
0x57: {  	_ =	swait.ge [sflag:s0], $0x4000  }
0x58: {  	[sflag:s0] =	ssyncset.done $0x0  }
0x59: {  	[sflag:s0] =	ssyncadd.s32 $0xFFFFC000  }
0x5a: {  	[spmem:s1] =	stream.indirect.scatter.add.f32 [tilespmem:s29], [sflag:$0x7], $0x80, s28, s28, $0xb8;
	[tilespmem:$0x1C400] =	vst v63  }
0x5b: {  	_ =	swait.ge [sflag:s22], $0x4000  }
0x5c: {  	[sflag:s22] =	ssyncset.done $0x0  }
0x5d: {  	s13 =	sadd.s32 $0x0, s19;
	[sflag:s22] =	ssyncadd.s32 $0xFFFFC000  }
0x5e: {  	[tilespmem:s3], [sflag:$0x1] =	stream.linear.gather [hbm4b:s13+s3], $0x100, $0x38;
	[tilespmem:$0x1C400] =	vst v63  }
0x5f: {  	_ =	swait.ge [sflag:s2], $0x100  }
0x60: {  	[sflag:s2] =	ssyncset.done $0x0  }
0x61: {  	[sflag:s2] =	ssyncadd.s32 $0xFFFFFF00  }
0x62: {  	[tilespmem:s29], [sflag:$0x5] =	stream.indirect.gather [hbm4b:s4+s28], $0x80, s24, s28, $0xb8;
	[tilespmem:$0x1C400] =	vst v63  }
0x63: {  	_ =	swait.ge [sflag:s6], $0x4000  }
0x64: {  	[sflag:s6] =	ssyncset.done $0x0  }
0x65: {  	[sflag:s6] =	ssyncadd.s32 $0xFFFFC000  }
0x66: {  	[spmem:s1] =	stream.indirect.scatter.add.f32 [tilespmem:s31], [sflag:$0x7], $0x80, s7, s28, $0xb8;
	[tilespmem:$0x1C400] =	vst v63  }
0x67: {  	_ =	swait.ge [sflag:s22], $0x4000  }
0x68: {  	s13 =	sadd.s32 $0x0, s16;
	[sflag:s22] =	ssyncset.done $0x0  }
0x69: {  	s14 =	sadd.s32 $0xA0, s13;
	[sflag:s22] =	ssyncadd.s32 $0xFFFFC000  }
0x6a: {  	[tilespmem:s23], [sflag:$0x2] =	stream.linear.gather [hbm4b:s14+s3], $0x100, $0x38;
	[tilespmem:$0x1C400] =	vst v63  }
0x6b: {  	_ =	swait.ge [sflag:s8], $0x100  }
0x6c: {  	[sflag:s8] =	ssyncset.done $0x0  }
0x6d: {  	[sflag:s8] =	ssyncadd.s32 $0xFFFFFF00  }
0x6e: {  	[tilespmem:s31], [sflag:$0x6] =	stream.indirect.gather [hbm4b:s4+s28], $0x80, s25, s28, $0xb8;
	[tilespmem:$0x1C400] =	vst v63  }
0x6f: {  	_ =	swait.ge [sflag:s0], $0x4000  }
0x70: {  	[sflag:s0] =	ssyncset.done $0x0  }
0x71: {  	[sflag:s0] =	ssyncadd.s32 $0xFFFFC000  }
0x72: {  	[spmem:s1] =	stream.indirect.scatter.add.f32 [tilespmem:s29], [sflag:$0x7], $0x80, s9, s28, $0xb8;
	[tilespmem:$0x1C400] =	vst v63  }
0x73: {  	_ =	swait.ge [sflag:s22], $0x4000  }
0x74: {  	[sflag:s22] =	ssyncset.done $0x0  }
0x75: {  	s15 =	sadd.s32 $0x0, s18;
	[sflag:s22] =	ssyncadd.s32 $0xFFFFC000  }
0x76: {  	[tilespmem:s24], [sflag:$0x3] =	stream.linear.gather [hbm4b:s15+s3], $0x100, $0x38;
	[tilespmem:$0x1C400] =	vst v63  }
0x77: {  	_ =	swait.ge [sflag:s6], $0x4000  }
0x78: {  	[sflag:s6] =	ssyncset.done $0x0  }
0x79: {  	[sflag:s6] =	ssyncadd.s32 $0xFFFFC000  }
0x7a: {  	[spmem:s1] =	stream.indirect.scatter.add.f32 [tilespmem:s31], [sflag:$0x7], $0x80, s10, s28, $0xb8;
	[tilespmem:$0x1C400] =	vst v63  }
0x7b: {  	_ =	swait.ge [sflag:s22], $0x4000  }
0x7c: {  	[sflag:s22] =	ssyncset.done $0x0  }
0x7d: {  	s12 =	simm.s32 $0x80;
	s13 =	sadd.s32 $0xE0, s13;
	[sflag:s22] =	ssyncadd.s32 $0xFFFFC000  }
.LBB2_7:
0x7e: {  	[tilespmem:s25], [sflag:$0x4] =	stream.linear.gather [hbm4b:s13+s3], $0x100, $0x38;
	[tilespmem:$0x1C400] =	vst v63  }
0x7f: {  	s13 =	smov.u32 s12  }
0x80: {  	p1 =	sne.s32 s12, $0x900;
	s12 =	sadd.s32 $0x80, s12;
	_ =	swait.ge [sflag:s26], $0x100  }
0x81: {  	[sflag:s26] =	ssyncset.done $0x0  }
0x82: {  	[sflag:s26] =	ssyncadd.s32 $0xFFFFFF00  }
0x83: {  	[tilespmem:s29], [sflag:$0x5] =	stream.indirect.gather [hbm4b:s4+s28], $0x80, s3, s28, $0xb8;
	[tilespmem:$0x1C400] =	vst v63  }
0x84: {  	_ =	swait.ge [sflag:s30], $0x100  }
0x85: {  	[sflag:s30] =	ssyncset.done $0x0  }
0x86: {  	[sflag:s30] =	ssyncadd.s32 $0xFFFFFF00  }
0x87: {  	[tilespmem:s31], [sflag:$0x6] =	stream.indirect.gather [hbm4b:s4+s28], $0x80, s23, s28, $0xb8;
	[tilespmem:$0x1C400] =	vst v63  }
0x88: {  	_ =	swait.ge [sflag:s0], $0x4000  }
0x89: {  	[sflag:s0] =	ssyncset.done $0x0  }
0x8a: {  	[sflag:s0] =	ssyncadd.s32 $0xFFFFC000  }
0x8b: {  	[spmem:s1] =	stream.indirect.scatter.add.f32 [tilespmem:s29], [sflag:$0x7], $0x80, s28, s28, $0xb8;
	[tilespmem:$0x1C400] =	vst v63  }
0x8c: {  	_ =	swait.ge [sflag:s22], $0x4000  }
0x8d: {  	[sflag:s22] =	ssyncset.done $0x0  }
0x8e: {  	s14 =	sadd.s32 s13, s19;
	[sflag:s22] =	ssyncadd.s32 $0xFFFFC000  }
0x8f: {  	[tilespmem:s3], [sflag:$0x1] =	stream.linear.gather [hbm4b:s14+s3], $0x100, $0x38;
	[tilespmem:$0x1C400] =	vst v63  }
0x90: {  	_ =	swait.ge [sflag:s2], $0x100  }
0x91: {  	[sflag:s2] =	ssyncset.done $0x0  }
0x92: {  	[sflag:s2] =	ssyncadd.s32 $0xFFFFFF00  }
0x93: {  	[tilespmem:s29], [sflag:$0x5] =	stream.indirect.gather [hbm4b:s4+s28], $0x80, s24, s28, $0xb8;
	[tilespmem:$0x1C400] =	vst v63  }
0x94: {  	_ =	swait.ge [sflag:s6], $0x4000  }
0x95: {  	[sflag:s6] =	ssyncset.done $0x0  }
0x96: {  	[sflag:s6] =	ssyncadd.s32 $0xFFFFC000  }
0x97: {  	[spmem:s1] =	stream.indirect.scatter.add.f32 [tilespmem:s31], [sflag:$0x7], $0x80, s7, s28, $0xb8;
	[tilespmem:$0x1C400] =	vst v63  }
0x98: {  	_ =	swait.ge [sflag:s22], $0x4000  }
0x99: {  	s14 =	sadd.s32 s13, s16;
	[sflag:s22] =	ssyncset.done $0x0  }
0x9a: {  	s15 =	sadd.s32 $0xA0, s14;
	[sflag:s22] =	ssyncadd.s32 $0xFFFFC000  }
0x9b: {  	[tilespmem:s23], [sflag:$0x2] =	stream.linear.gather [hbm4b:s15+s3], $0x100, $0x38;
	[tilespmem:$0x1C400] =	vst v63  }
0x9c: {  	_ =	swait.ge [sflag:s8], $0x100  }
0x9d: {  	[sflag:s8] =	ssyncset.done $0x0  }
0x9e: {  	[sflag:s8] =	ssyncadd.s32 $0xFFFFFF00  }
0x9f: {  	[tilespmem:s31], [sflag:$0x6] =	stream.indirect.gather [hbm4b:s4+s28], $0x80, s25, s28, $0xb8;
	[tilespmem:$0x1C400] =	vst v63  }
0xa0: {  	_ =	swait.ge [sflag:s0], $0x4000  }
0xa1: {  	[sflag:s0] =	ssyncset.done $0x0  }
0xa2: {  	[sflag:s0] =	ssyncadd.s32 $0xFFFFC000  }
0xa3: {  	[spmem:s1] =	stream.indirect.scatter.add.f32 [tilespmem:s29], [sflag:$0x7], $0x80, s9, s28, $0xb8;
	[tilespmem:$0x1C400] =	vst v63  }
0xa4: {  	_ =	swait.ge [sflag:s22], $0x4000  }
0xa5: {  	[sflag:s22] =	ssyncset.done $0x0  }
0xa6: {  	s13 =	sadd.s32 s13, s18;
	[sflag:s22] =	ssyncadd.s32 $0xFFFFC000  }
0xa7: {  	[tilespmem:s24], [sflag:$0x3] =	stream.linear.gather [hbm4b:s13+s3], $0x100, $0x38;
	[tilespmem:$0x1C400] =	vst v63  }
0xa8: {  	_ =	swait.ge [sflag:s6], $0x4000  }
0xa9: {  	[sflag:s6] =	ssyncset.done $0x0  }
.Ltmp3:
0xaa: {  	[sflag:s6] =	ssyncadd.s32 $0xFFFFC000;
	(pc) =	sbr.rel @p1 .LBB2_7-.Ltmp3, $4  }
0xab: {  	[spmem:s1] =	stream.indirect.scatter.add.f32 [tilespmem:s31], [sflag:$0x7], $0x80, s10, s28, $0xb8;
	[tilespmem:$0x1C400] =	vst v63  }
0xac: {  	_ =	swait.ge [sflag:s22], $0x4000  }
0xad: {  	[sflag:s22] =	ssyncset.done $0x0  }
0xae: {  	s13 =	sadd.s32 $0xE0, s14;
	[sflag:s22] =	ssyncadd.s32 $0xFFFFC000  }
0xaf: {  	[tilespmem:s25], [sflag:$0x4] =	stream.linear.gather [hbm4b:s13+s3], $0x100, $0x38;
	[tilespmem:$0x1C400] =	vst v63  }
0xb0: {  	_ =	swait.ge [sflag:s26], $0x100  }
0xb1: {  	[sflag:s26] =	ssyncset.done $0x0  }
0xb2: {  	[sflag:s26] =	ssyncadd.s32 $0xFFFFFF00  }
0xb3: {  	[tilespmem:s29], [sflag:$0x5] =	stream.indirect.gather [hbm4b:s4+s28], $0x80, s3, s28, $0xb8;
	[tilespmem:$0x1C400] =	vst v63  }
0xb4: {  	_ =	swait.ge [sflag:s30], $0x100  }
0xb5: {  	[sflag:s30] =	ssyncset.done $0x0  }
0xb6: {  	[sflag:s30] =	ssyncadd.s32 $0xFFFFFF00  }
0xb7: {  	[tilespmem:s31], [sflag:$0x6] =	stream.indirect.gather [hbm4b:s4+s28], $0x80, s23, s28, $0xb8;
	[tilespmem:$0x1C400] =	vst v63  }
0xb8: {  	_ =	swait.ge [sflag:s0], $0x4000  }
0xb9: {  	[sflag:s0] =	ssyncset.done $0x0  }
0xba: {  	[sflag:s0] =	ssyncadd.s32 $0xFFFFC000  }
0xbb: {  	[spmem:s1] =	stream.indirect.scatter.add.f32 [tilespmem:s29], [sflag:$0x7], $0x80, s28, s28, $0xb8;
	[tilespmem:$0x1C400] =	vst v63  }
0xbc: {  	_ =	swait.ge [sflag:s22], $0x4000  }
0xbd: {  	[sflag:s22] =	ssyncset.done $0x0  }
0xbe: {  	[sflag:s22] =	ssyncadd.s32 $0xFFFFC000  }
0xbf: {  	_ =	swait.ge [sflag:s2], $0x100  }
0xc0: {  	[sflag:s2] =	ssyncset.done $0x0  }
0xc1: {  	[sflag:s2] =	ssyncadd.s32 $0xFFFFFF00  }
0xc2: {  	[tilespmem:s29], [sflag:$0x5] =	stream.indirect.gather [hbm4b:s4+s28], $0x80, s24, s28, $0xb8;
	[tilespmem:$0x1C400] =	vst v63  }
0xc3: {  	_ =	swait.ge [sflag:s6], $0x4000  }
0xc4: {  	[sflag:s6] =	ssyncset.done $0x0  }
0xc5: {  	[sflag:s6] =	ssyncadd.s32 $0xFFFFC000  }
0xc6: {  	[spmem:s1] =	stream.indirect.scatter.add.f32 [tilespmem:s31], [sflag:$0x7], $0x80, s7, s28, $0xb8;
	[tilespmem:$0x1C400] =	vst v63  }
0xc7: {  	_ =	swait.ge [sflag:s22], $0x4000  }
0xc8: {  	[sflag:s22] =	ssyncset.done $0x0  }
0xc9: {  	[sflag:s22] =	ssyncadd.s32 $0xFFFFC000  }
0xca: {  	_ =	swait.ge [sflag:s8], $0x100  }
0xcb: {  	[sflag:s8] =	ssyncset.done $0x0  }
0xcc: {  	[sflag:s8] =	ssyncadd.s32 $0xFFFFFF00  }
0xcd: {  	[tilespmem:s31], [sflag:$0x6] =	stream.indirect.gather [hbm4b:s4+s28], $0x80, s25, s28, $0xb8;
	[tilespmem:$0x1C400] =	vst v63  }
0xce: {  	_ =	swait.ge [sflag:s0], $0x4000  }
0xcf: {  	[sflag:s0] =	ssyncset.done $0x0  }
0xd0: {  	[sflag:s0] =	ssyncadd.s32 $0xFFFFC000  }
0xd1: {  	[spmem:s1] =	stream.indirect.scatter.add.f32 [tilespmem:s29], [sflag:$0x7], $0x80, s9, s28, $0xb8;
	[tilespmem:$0x1C400] =	vst v63  }
0xd2: {  	_ =	swait.ge [sflag:s22], $0x4000  }
0xd3: {  	[sflag:s22] =	ssyncset.done $0x0  }
0xd4: {  	[sflag:s22] =	ssyncadd.s32 $0xFFFFC000  }
0xd5: {  	_ =	swait.ge [sflag:s6], $0x4000  }
0xd6: {  	[sflag:s6] =	ssyncset.done $0x0  }
0xd7: {  	[sflag:s6] =	ssyncadd.s32 $0xFFFFC000  }
0xd8: {  	[spmem:s1] =	stream.indirect.scatter.add.f32 [tilespmem:s31], [sflag:$0x7], $0x80, s10, s28, $0xb8;
	[tilespmem:$0x1C400] =	vst v63  }
0xd9: {  	_ =	swait.ge [sflag:s22], $0x4000  }
0xda: {  	[sflag:s22] =	ssyncset.done $0x0  }
0xdb: {  	s5 =	sadd.s32 $0x1, s5;
	[sflag:s22] =	ssyncadd.s32 $0xFFFFC000  }
0xdc: {  	p1 =	sne.s32 s5, s17;
	[bflag:$0x0] =	sbarrier.arrive $0xFFFF  }
.Ltmp4:
0xdd: {  	s12 =	rddreg [dreg:$0xc];
	(pc) =	sbr.rel @p1 .LBB2_1-.Ltmp4, $4  }
0xde: {  	[hbm:s12], [sflag:s20] =	dma.local [spmem:s21], $0x2800  }
0xdf: {  	_ =	swait.ge [sflag:s22], $0x2800  }
0xe0: {  	[sflag:s22] =	ssyncset.done $0x0  }
0xe1: {  	[sflag:s22] =	ssyncadd.s32 $0xFFFFD800  }
0xe2: {  	_ =	sfence.sel $0x180000  }
0xe3: {  	[bflag:$0x0] =	sbarrier.arrive $0xFFFF  }
0xe4: {  	_ =	strace $0x9000004D  }
0xe5: {  	s0 =	stileid.u32;
	[bflag:$0x2] =	sbarrier.arrive $0xFFFF  }
0xe6: {  	p0 =	sne.s32 s0, $0x0;
	s0 =	rddreg [dreg:$0x2]  }
0xe7: {  	s0 =	sadd.s32 @!p0 $0x100000, s0  }
0xe8: {  	[sflag:s0] =	ssyncadd.tile.s32 @!p0 $0x1;
	_ =	shalt  }
.Lfunc_end2:
_tile_overlayer_lowered:
.L_overlay_start_2:
0xe9: {  	(tag) =	ssettag $0x2  }
0xea: {  	s0 =	rddreg [dreg:$0x0];
	s2 =	stileid.u32  }
0xeb: {  	s1 =	rddreg [dreg:$0x1];
	p0 =	sne.s32 s2, $0x0  }
0xec: {  	s3 =	rddreg [dreg:$0x2];
	[bflag:$0x3] =	sbarrier.arrive $0xFFFF;
	s2 =	simm.s32 @!p0 $0x1C07  }
0xed: {  	[timem:s3], [sflag:s2] =	dma.local @!p0 [hbm:s0], s1  }
0xee: {  	s0 =	simm.s32 @!p0 $0x7  }
0xef: {  	_ =	swait.ge @!p0 [sflag:s0], s1  }
0xf0: {  	s1 =	ssub.s32 @!p0 $0x0, s1;
	[sflag:s0] =	ssyncset.done @!p0 $0x0  }
0xf1: {  	[sflag:s0] =	ssyncadd.s32 @!p0 s1  }
0xf2: {  	[bflag:$0x3] =	sbarrier.arrive $0xFFFF  }
0xf3: {  	_ =	shalt  }

// kernel: kernel.19.cloned.1.call-start
scs
__scs_entry_jumppad:
0x0: {  	(pc) =	sbr.rel $0x88, $3  }
0x1: {  	(tag) =	ssettag $0x0;
	lr =	simm.s32 $0x1  }
0x2: {  	[smem:$0x3F99] =	sst lr;
	_ =	strace $0xD0000000  }
0x3: {  	_ = 	snop  }
0x4: {  	_ = 	snop  }
0x5: {  	_ = 	snop  }
0x6: {  	_ = 	snop  }
0x7: {  	_ = 	snop  }
__scs_overlays_trampoline_lowered:
0x8: {  	[smem:$0x3FA8] =	sst s0  }
0x9: {  	[smem:$0x3FA9] =	sst s1  }
0xa: {  	[smem:$0x3FAA] =	sst s2  }
0xb: {  	[smem:$0x3FAB] =	sst s3  }
0xc: {  	[smem:$0x3FAC] =	sst s4  }
0xd: {  	[smem:$0x3FAD] =	sst s5  }
0xe: {  	[smem:$0x3FAE] =	sst s6  }
0xf: {  	[smem:$0x3FAF] =	sst s7  }
0x10: {  	[smem:$0x3FB0] =	sst s8  }
0x11: {  	[smem:$0x3FB1] =	sst s9;
	s0 =	simm.s32 @!p0 $0x0  }
0x12: {  	s1 =	sld [smem:$0x3F97];
	s0 =	simm.s32 @p0 $0x1  }
0x13: {  	[smem:$0x3FB2] =	sst s0;
	s0 =	simm.s32 @!p1 $0x0  }
0x14: {  	s2 =	sld [smem:$0x3F96];
	s0 =	simm.s32 @p1 $0x1  }
0x15: {  	[smem:$0x3FB3] =	sst s0;
	s0 =	simm.s32 @!p2 $0x0  }
0x16: {  	s3 =	sld [smem:$0x3FDB];
	s0 =	simm.s32 @p2 $0x1  }
0x17: {  	s4 =	simm.s32 $0x1BF5;
	[smem:$0x3FB5] =	sst s0  }
0x18: {  	s0 =	sld [smem:$0x3F98];
	_ =	swait.ge [sflag:s4], $0x0  }
0x19: {  	s7 =	sld [smem:$0x3F99]  }
0x1a: {  	s8 =	sadd.s32 $0xFFFFE003, lr  }
0x1b: {  	s9 =	sadd.s32 $0xFFFFFEF7, lr;
	s5 =	simm.s32 $0xFFFFFFFF;
	p2 =	slt.u32 s8, $0xFFFFF086  }
0x1c: {  	p1 =	slt.u32 s9, $0xF7A;
	s5 =	simm.s32 @!p2 $0x0  }
0x1d: {  	s5 =	simm.s32 @p1 $0x1;
	p0 =	seq.s32 s7, s2  }
0x1e: {  	s7 =	smul.u32 @!p0 $0xF7A, s2;
	p2 =	seq.s32 @!p0 s5, $0x0  }
0x1f: {  	s9 =	smul.u32 $0xF7A, s1;
	s8 =	simm.s32 @!p0 $0x1BF5;
	p2 =	por !p2, p0  }
0x20: {  	[sflag:s8] =	ssyncset.s32 @!p0 $0xFFFFF086;
	s6 =	sadd.s32 @!p0 s3, s7;
	s7 =	simm.s32 @!p0 $0x108  }
0x21: {  	s3 =	sadd.s32 s3, s9;
	s6 =	sadd.s32 @!p0 $0x88, s6;
	s7 =	simm.s32 @p2 $0x1082  }
0x22: {  	[simem:s7], [sflag:s8] =	dma.local @!p0 [hbm:s6], $0xF7A  }
0x23: {  	s9 =	sor.u32 $0xD0000000, s2;
	s6 =	simm.s32 $0x108;
	_ =	swait.ge @!p0 [sflag:s8], $0x0  }
0x24: {  	s3 =	sadd.s32 $0x88, s3;
	s6 =	simm.s32 @!p1 $0x1082;
	[sflag:s4] =	ssyncset.s32 $0xFFFFF086  }
0x25: {  	[simem:s6], [sflag:s4] =	dma.local [hbm:s3], $0xF7A  }
0x26: {  	[smem:$0x3F99] =	sst s1;
	(tag) =	ssettag s2;
	_ =	strace s9  }
0x27: {  	s1 =	sld [smem:$0x3FA9]  }
0x28: {  	s2 =	sld [smem:$0x3FAA]  }
0x29: {  	s4 =	sld [smem:$0x3FAC]  }
0x2a: {  	p0 =	seq.s32 s5, $0x0;
	s5 =	sld [smem:$0x3FAD]  }
0x2b: {  	s6 =	sld [smem:$0x3FAE]  }
0x2c: {  	s7 =	sld [smem:$0x3FAF]  }
0x2d: {  	s3 =	simm.s32 $0x108;
	s8 =	sld [smem:$0x3FB0]  }
0x2e: {  	s3 =	simm.s32 @!p0 $0x1082;
	s9 =	sld [smem:$0x3FB1]  }
0x2f: {  	lr =	sadd.s32 s0, s3;
	s0 =	sld [smem:$0x3FA8]  }
0x30: {  	s3 =	sld [smem:$0x3FAB]  }
0x31: {  	[smem:$0x3FB4] =	sst s10  }
0x32: {  	s10 =	sld [smem:$0x3FB2];
	_ =	sdelay $0x3  }
0x33: {  	p0 =	seq.s32 s10, $0x1;
	s10 =	sld [smem:$0x3FB4];
	_ =	sdelay $0x3  }
0x34: {  	[smem:$0x3FB4] =	sst s10  }
0x35: {  	s10 =	sld [smem:$0x3FB3];
	_ =	sdelay $0x3  }
0x36: {  	p1 =	seq.s32 s10, $0x1;
	s10 =	sld [smem:$0x3FB4];
	_ =	sdelay $0x3  }
0x37: {  	[smem:$0x3FB4] =	sst s10  }
0x38: {  	s10 =	sld [smem:$0x3FB5]  }
0x39: {  	_ = 	snop;
	(pc) =	sbr.ind lr, $3  }
0x3a: {  	_ = 	snop  }
0x3b: {  	_ = 	snop  }
0x3c: {  	p2 =	seq.s32 s10, $0x1;
	s10 =	sld [smem:$0x3FB4]  }
0x3d: {  	_ =	shalt  }
0x3e: {  	_ =	shalt  }
0x3f: {  	_ =	shalt  }
0x40: {  	_ =	shalt  }
0x41: {  	_ =	shalt  }
0x42: {  	_ =	shalt  }
0x43: {  	_ =	shalt  }
0x44: {  	_ =	shalt  }
0x45: {  	_ =	shalt  }
0x46: {  	_ =	shalt  }
0x47: {  	_ =	shalt  }
0x48: {  	_ =	shalt  }
0x49: {  	_ =	shalt  }
0x4a: {  	_ =	shalt  }
0x4b: {  	_ =	shalt  }
0x4c: {  	_ =	shalt  }
0x4d: {  	_ =	shalt  }
0x4e: {  	_ =	shalt  }
0x4f: {  	_ =	shalt  }
0x50: {  	_ =	shalt  }
0x51: {  	_ =	shalt  }
0x52: {  	_ =	shalt  }
0x53: {  	_ =	shalt  }
0x54: {  	_ =	shalt  }
0x55: {  	_ =	shalt  }
0x56: {  	_ =	shalt  }
0x57: {  	_ =	shalt  }
0x58: {  	_ =	shalt  }
0x59: {  	_ =	shalt  }
0x5a: {  	_ =	shalt  }
0x5b: {  	_ =	shalt  }
0x5c: {  	_ =	shalt  }
0x5d: {  	_ =	shalt  }
0x5e: {  	_ =	shalt  }
0x5f: {  	_ =	shalt  }
0x60: {  	_ =	shalt  }
0x61: {  	_ =	shalt  }
0x62: {  	_ =	shalt  }
0x63: {  	_ =	shalt  }
0x64: {  	_ =	shalt  }
0x65: {  	_ =	shalt  }
0x66: {  	_ =	shalt  }
0x67: {  	_ =	shalt  }
0x68: {  	_ =	shalt  }
0x69: {  	_ =	shalt  }
0x6a: {  	_ =	shalt  }
0x6b: {  	_ =	shalt  }
0x6c: {  	_ =	shalt  }
0x6d: {  	_ =	shalt  }
0x6e: {  	_ =	shalt  }
0x6f: {  	_ =	shalt  }
0x70: {  	_ =	shalt  }
0x71: {  	_ =	shalt  }
0x72: {  	_ =	shalt  }
0x73: {  	_ =	shalt  }
0x74: {  	_ =	shalt  }
0x75: {  	_ =	shalt  }
0x76: {  	_ =	shalt  }
0x77: {  	_ =	shalt  }
0x78: {  	_ =	shalt  }
0x79: {  	_ =	shalt  }
0x7a: {  	_ =	shalt  }
0x7b: {  	_ =	shalt  }
0x7c: {  	_ =	shalt  }
0x7d: {  	_ =	shalt  }
0x7e: {  	_ =	shalt  }
0x7f: {  	_ =	shalt  }
0x80: {  	_ =	shalt  }
0x81: {  	_ =	shalt  }
0x82: {  	_ =	shalt  }
0x83: {  	_ =	shalt  }
0x84: {  	_ =	shalt  }
0x85: {  	_ =	shalt  }
0x86: {  	_ =	shalt  }
0x87: {  	_ =	shalt  }
.Lfunc_end0:
.L_simem_size_0:
called_computation.3_lowered:
.L_overlay_start_0:
0x88: {  	s2 =	sld [smem:$0x3FD9]  }
0x89: {  	s3 =	sld [smem:$0x3FFE];
	_ =	sdelay $0x1  }
0x8a: {  	s1 =	srdreg.scid  }
0x8b: {  	s0 =	sand.u32 $0x1, s1  }
0x8c: {  	s16 =	sshll.u32 s0, $0xA;
	s2 =	sadd.s32 s3, s2  }
0x8d: {  	s2 =	sadd.s32 s2, s16  }
0x8e: {  	[smem:$0x3FC0] =	sst s2  }
0x8f: {  	_ = 	snop  }
0x90: {  	(tm) =	ssettm $0x1  }
0x91: {  	s17 =	sld [smem:$0x3FFB];
	_ =	sdelay $0x3  }
0x92: {  	_ =	strace s17  }
0x93: {  	s2 =	sld [smem:$0x3FFC];
	_ =	sdelay $0x3  }
0x94: {  	_ =	strace s2  }
0x95: {  	s2 =	sld [smem:$0x3FFD];
	_ =	sdelay $0x3  }
0x96: {  	_ =	strace s2  }
0x97: {  	_ =	strace $0x8FFFFFFF  }
0x98: {  	s18 =	sld [smem:$0x3FDB];
	_ =	sdelay $0x1  }
0x99: {  	s19 =	simm.s32 $_scs_section_size  }
0x9a: {  	s4 =	simm.s32 $_size__tile_overlayer_lowered;
	s5 =	simm.s32 $_tile_overlayer_lowered  }
0x9b: {  	s22 =	simm.s32 $0x1BFF;
	s21 =	sshll.u32 s5, $0x1;
	s2 =	sadd.s32 s19, s18  }
0x9c: {  	s6 =	simm.s32 $0x0;
	s20 =	sshll.u32 s4, $0x1;
	s4 =	sadd.s32 s21, s2  }
0x9d: {  	[timem:s6], [sflag:s22] =	dma.local [hbm:s4], s20  }
0x9e: {  	_ =	swait.ge [sflag:s22], s20  }
0x9f: {  	s3 =	ssub.s32 $0x0, s20;
	[sflag:s22] =	ssyncset.done $0x0  }
0xa0: {  	[sflag:s22] =	ssyncadd.s32 s3;
	_ =	sdelay $0x1  }
0xa1: {  	s23 =	simm.s32 $0x1B8B  }
0xa2: {  	_ =	swait.ge [sflag:s23], $0x1  }
0xa3: {  	[sflag:s23] =	ssyncset.done $0x0  }
0xa4: {  	s25 =	simm.s32 $0x1B8E;
	s24 =	sld [smem:$0x3FFE];
	[sflag:s23] =	ssyncadd.s32 $0xFFFFFFFF  }
0xa5: {  	s26 =	simm.s32 $execute0_lowered;
	[smem:$0x3FD2] =	sst s25  }
0xa6: {  	s4 =	sshll.u32 s26, $0x1;
	_ =	strace $0x8000004F;
	[dreg:$0x1] =	wrdreg $0xFFFFFFFF  }
0xa7: {  	s28 =	simm.s32 $_size_execute0_lowered;
	s2 =	sadd.s32 s2, s4;
	[dreg:$0x0] =	wrdreg $0x0  }
0xa8: {  	s4 =	sshll.u32 s28, $0x1;
	[dreg:$0x2] =	wrdreg s2  }
0xa9: {  	[dreg:$0x3] =	wrdreg s4  }
0xaa: {  	[dreg:$0x4] =	wrdreg $0xC0  }
0xab: {  	_ =	task [dreg:s6], $0x5FFFF  }
0xac: {  	[dreg:$0x1] =	wrdreg $0xFFFFFFFF  }
0xad: {  	[dreg:$0x0] =	wrdreg $0x60  }
0xae: {  	[dreg:$0x2] =	wrdreg s24  }
0xaf: {  	[dreg:$0x3] =	wrdreg $0x84000  }
0xb0: {  	[dreg:$0x4] =	wrdreg $0x9  }
0xb1: {  	_ =	task.clear_ibuf [dreg:s6], $0x5FFFF;
	_ =	strace $0x9000004F  }
0xb2: {  	s29 =	simm.s32 $0x9;
	_ =	strace $0x80000051  }
0xb3: {  	_ =	swait.ge [sflag:s29], $0x1  }
0xb4: {  	[sflag:s29] =	ssyncadd.s32 $0xFFFFFFFF  }
0xb5: {  	_ =	strace $0x90000051  }
0xb6: {  	_ =	sfence  }
0xb7: {  	s30 =	sld [smem:$0x0];
	_ =	sdelay $0x2  }
0xb8: {  	s31 =	sshll.u32 s1, $0xD;
	s1 =	sshrl.u32 s1, $0x2  }
0xb9: {  	s3 =	sand.u32 $0x4000, s31;
	s1 =	sadd.s32 s1, s30  }
0xba: {  	s0 =	sor.u32 s3, s0;
	s1 =	sshll.u32 s1, $0x11  }
0xbb: {  	s0 =	sor.u32 s1, s0  }
0xbc: {  	s0 =	sadd.s32 $0x8F2B, s0  }
0xbd: {  	[sflag:s0] =	ssyncadd.remote.s32 $0x1  }
0xbe: {  	_ =	sfence.sel $0xFFFF  }
0xbf: {  	[dreg:$0x0] =	wrdreg $0xFFFFFFFF;
	(pc) =	sbr.abs _section_cstart, $3  }
0xc0: {  	[dreg:$0x1] =	wrdreg $0xFFFFFFFF  }
0xc1: {  	_ =	task.clear_ibuf [dreg:s6], $0x2FFFF;
	_ =	strace $0x9FFFFFFF  }
0xc2: {  	(tm) =	ssettm $0x7FFFFFFF  }
0xc3: {  	_ =	shalt  }
tec
execute0_lowered:
.L_overlay_start_1:
0x0: {  	(tag) =	ssettag $0x1  }
0x1: {  	s0 =	rddreg [dreg:$0x0]  }
0x2: {  	s1 =	rddreg [dreg:$0x1]  }
0x3: {  	s2 =	srdreg.scid;
	s3 =	simm.s32 $0x0;
	s12 =	stileid.u32  }
0x4: {  	s28 =	simm.s32 $0x80;
	s29 =	simm.s32 $0x400;
	s6 =	smul.u32 $0x14000, s12  }
0x5: {  	s30 =	simm.s32 $0x2;
	s31 =	simm.s32 $0x4400;
	s8 =	smul.u32 $0x50000, s12  }
0x6: {  	s2 =	sand.u32 $0x1, s2;
	[smem:$0x7FF] =	sst s3;
	s16 =	smul.u32 $0x2800, s12  }
0x7: {  	s4 =	sadd.s32 $0x17A00, s0;
	s7 =	sadd.s32 $0x3A00, s0;
	s19 =	smul.u32 $0x50, s12  }
0x8: {  	s26 =	sshll.u32 s12, $0x6;
	s5 =	smul.u32 $0x140000, s2;
	_ =	strace $0x80000050  }
0x9: {  	s14 =	sshll.u32 s2, $0x4;
	s9 =	ssub.s32 $0x2, s2;
	s17 =	smul.u32 $0x500, s2  }
0xa: {  	p0 =	sne.s32 s2, $0x0;
	s2 =	simm.s32 $0x3;
	s15 =	sor.u32 s12, s14  }
0xb: {  	s8 =	sshrl.u32 s8, $0x2;
	s10 =	sshrl.u32 s9, $0x1;
	s5 =	sadd.s32 s6, s5  }
0xc: {  	s13 =	sadd.s32 s8, s1;
	s9 =	ssub.s32 s9, s10;
	s6 =	sadd.s32 s4, s16  }
0xd: {  	s22 =	sadd.s32 s19, s17;
	s8 =	simm.s32 $0x4;
	s10 =	simm.s32 $0x380  }
0xe: {  	s5 =	sshrl.u32 s5, $0x3;
	s18 =	sadd.s32 $0x4000, s13;
	[dreg:$0x8] =	wrdreg s6  }
0xf: {  	s11 =	sadd.s32 $0x8000, s13;
	s20 =	sadd.s32 $0xC000, s13;
	[dreg:$0x3] =	wrdreg s13  }
0x10: {  	s21 =	sadd.s32 $0x10000, s13;
	s17 =	smax.u32 s9, $0x1;
	[dreg:$0x4] =	wrdreg s18  }
0x11: {  	s6 =	simm.s32 $0x6;
	s9 =	simm.s32 $0x280;
	[dreg:$0x5] =	wrdreg s11  }
0x12: {  	s0 =	sadd.s32 s5, s0;
	s5 =	smul.u32 $0xA00, s15;
	[dreg:$0x6] =	wrdreg s20  }
0x13: {  	[dreg:$0x7] =	wrdreg s21;
	s20 =	sor.u32 $0x1C07, s26;
	s21 =	sshrl.u32 s13, $0x3  }
0x14: {  	s26 =	simm.s32 $0x1;
	s0 =	sadd.s32 $0x3FA00, s0;
	s11 =	sadd.s32 s7, s5  }
0x15: {  	s5 =	sshll.u32 s22, $0x5;
	[dreg:$0xc] =	wrdreg s0;
	s22 =	simm.s32 $0x7  }
0x16: {  	s0 =	simm.s32 $0x5;
	s23 =	sadd.s32 $0x20, s11;
	s24 =	sadd.s32 $0x40, s11  }
0x17: {  	s25 =	sadd.s32 $0x60, s11;
	s16 =	sadd.s32 s5, s7;
	[dreg:$0x9] =	wrdreg s23  }
0x18: {  	s7 =	simm.s32 $0x180;
	s5 =	simm.s32 $0x0;
	[dreg:$0xa] =	wrdreg s24  }
0x19: {  	[dreg:$0xb] =	wrdreg s25;
	s18 =	sadd.s32 $0xC0, s16;
	s19 =	sadd.s32 $0x80, s16  }
0x1a: {  	v0 =	vimm.f32 $0.0e+00;
	s23 =	simm.s32 $0x100;
	s24 =	simm.s32 $0x200;
	s25 =	simm.s32 $0x300  }
.LBB2_1:
.Ltmp0:
0x1b: {  	(pc) =	sbr.rel @p0 .LBB2_3-.Ltmp0, $1  }
0x1c: {  	_ =	sdelay $0x3  }
.Ltmp1:
0x1d: {  	s12 =	rddreg [dreg:$0x8];
	(pc) =	sbr.rel .LBB2_6-.Ltmp1, $4  }
0x1e: {  	[spmem:s21], [sflag:s20] =	dma.local [hbm:s12], $0x2800  }
0x1f: {  	_ =	swait.ge [sflag:s22], $0x2800  }
0x20: {  	[sflag:s22] =	ssyncset.done $0x0  }
0x21: {  	[sflag:s22] =	ssyncadd.s32 $0xFFFFD800  }
.LBB2_3:
0x22: {  	s12 =	sshra.s32 s3, $0x2;
	s13 =	sadd.s32 $0x200, s3  }
.LBB2_4:
0x23: {  	p1 =	sne.s32 s13, $0xFE00;
	[tilespmem:s12+$0x470] =	vst v0  }
0x24: {  	[tilespmem:s12+$0x400] =	vst v0  }
0x25: {  	[tilespmem:s12+$0x410] =	vst v0  }
.Ltmp2:
0x26: {  	[tilespmem:s12+$0x420] =	vst v0;
	(pc) =	sbr.rel @p1 .LBB2_4-.Ltmp2, $4  }
0x27: {  	[tilespmem:s12+$0x430] =	vst v0  }
0x28: {  	[tilespmem:s12+$0x440] =	vst v0  }
0x29: {  	[tilespmem:s12+$0x450] =	vst v0  }
0x2a: {  	[tilespmem:s12+$0x460] =	vst v0;
	s12 =	sshra.s32 s13, $0x2;
	s13 =	sadd.s32 $0x200, s13  }
0x2b: {  	[tilespmem:s12+$0x470] =	vst v0  }
0x2c: {  	[tilespmem:s12+$0x400] =	vst v0  }
0x2d: {  	[tilespmem:s12+$0x410] =	vst v0  }
0x2e: {  	[tilespmem:s12+$0x420] =	vst v0  }
0x2f: {  	[tilespmem:s12+$0x430] =	vst v0  }
0x30: {  	[tilespmem:s12+$0x440] =	vst v0  }
0x31: {  	[tilespmem:s12+$0x450] =	vst v0  }
0x32: {  	[tilespmem:s12+$0x460] =	vst v0;
	s14 =	rddreg [dreg:$0x3]  }
0x33: {  	[spmem:s14] =	stream.linear.scatter [tilespmem:s29], [sflag:$0x7], $0x4000, $0x38;
	[tilespmem:$0x1C400] =	vst v63  }
0x34: {  	_ =	swait.ge [sflag:s22], $0x4000  }
0x35: {  	[sflag:s22] =	ssyncset.done $0x0  }
0x36: {  	s15 =	rddreg [dreg:$0x4];
	[sflag:s22] =	ssyncadd.s32 $0xFFFFC000  }
0x37: {  	[spmem:s15] =	stream.linear.scatter [tilespmem:s29], [sflag:$0x7], $0x4000, $0x38;
	[tilespmem:$0x1C400] =	vst v63  }
0x38: {  	_ =	swait.ge [sflag:s22], $0x4000  }
0x39: {  	[sflag:s22] =	ssyncset.done $0x0  }
0x3a: {  	s13 =	rddreg [dreg:$0x5];
	[sflag:s22] =	ssyncadd.s32 $0xFFFFC000  }
0x3b: {  	[spmem:s13] =	stream.linear.scatter [tilespmem:s29], [sflag:$0x7], $0x4000, $0x38;
	[tilespmem:$0x1C400] =	vst v63  }
0x3c: {  	_ =	swait.ge [sflag:s22], $0x4000  }
0x3d: {  	[sflag:s22] =	ssyncset.done $0x0  }
0x3e: {  	s14 =	rddreg [dreg:$0x6];
	[sflag:s22] =	ssyncadd.s32 $0xFFFFC000  }
0x3f: {  	[spmem:s14] =	stream.linear.scatter [tilespmem:s29], [sflag:$0x7], $0x4000, $0x38;
	[tilespmem:$0x1C400] =	vst v63  }
0x40: {  	_ =	swait.ge [sflag:s22], $0x4000  }
0x41: {  	[sflag:s22] =	ssyncset.done $0x0  }
0x42: {  	s15 =	rddreg [dreg:$0x7];
	[sflag:s22] =	ssyncadd.s32 $0xFFFFC000  }
0x43: {  	[spmem:s15] =	stream.linear.scatter [tilespmem:s29], [sflag:$0x7], $0x4000, $0x38;
	[tilespmem:$0x1C400] =	vst v63  }
0x44: {  	_ =	swait.ge [sflag:s22], $0x4000  }
0x45: {  	[sflag:s22] =	ssyncset.done $0x0  }
0x46: {  	[sflag:s22] =	ssyncadd.s32 $0xFFFFC000  }
.LBB2_6:
0x47: {  	[bflag:$0x0] =	sbarrier.arrive $0xFFFF;
	s12 =	simm.s32 $0x0  }
0x48: {  	[tilespmem:s12], [sflag:$0x1] =	stream.linear.gather [hbm4b:s11+s12], $0x100, $0x38;
	[tilespmem:$0x1C400] =	vst v63  }
0x49: {  	s13 =	rddreg [dreg:$0x9]  }
0x4a: {  	[tilespmem:s23], [sflag:$0x2] =	stream.linear.gather [hbm4b:s13+s12], $0x100, $0x38;
	[tilespmem:$0x1C400] =	vst v63  }
0x4b: {  	s14 =	rddreg [dreg:$0xa]  }
0x4c: {  	[tilespmem:s24], [sflag:$0x3] =	stream.linear.gather [hbm4b:s14+s12], $0x100, $0x38;
	[tilespmem:$0x1C400] =	vst v63  }
0x4d: {  	s15 =	rddreg [dreg:$0xb]  }
0x4e: {  	[tilespmem:s25], [sflag:$0x4] =	stream.linear.gather [hbm4b:s15+s12], $0x100, $0x38;
	[tilespmem:$0x1C400] =	vst v63  }
0x4f: {  	_ =	swait.ge [sflag:s26], $0x100  }
0x50: {  	[sflag:s26] =	ssyncset.done $0x0  }
0x51: {  	[sflag:s26] =	ssyncadd.s32 $0xFFFFFF00  }
0x52: {  	[tilespmem:s29], [sflag:$0x5] =	stream.indirect.gather [hbm4b:s4+s28], $0x80, s3, s28, $0xb8;
	[tilespmem:$0x1C400] =	vst v63  }
0x53: {  	_ =	swait.ge [sflag:s30], $0x100  }
0x54: {  	[sflag:s30] =	ssyncset.done $0x0  }
0x55: {  	[sflag:s30] =	ssyncadd.s32 $0xFFFFFF00  }
0x56: {  	[tilespmem:s31], [sflag:$0x6] =	stream.indirect.gather [hbm4b:s4+s28], $0x80, s23, s28, $0xb8;
	[tilespmem:$0x1C400] =	vst v63  }
0x57: {  	_ =	swait.ge [sflag:s0], $0x4000  }
0x58: {  	[sflag:s0] =	ssyncset.done $0x0  }
0x59: {  	[sflag:s0] =	ssyncadd.s32 $0xFFFFC000  }
0x5a: {  	[spmem:s1] =	stream.indirect.scatter.add.f32 [tilespmem:s29], [sflag:$0x7], $0x80, s28, s28, $0xb8;
	[tilespmem:$0x1C400] =	vst v63  }
0x5b: {  	_ =	swait.ge [sflag:s22], $0x4000  }
0x5c: {  	[sflag:s22] =	ssyncset.done $0x0  }
0x5d: {  	s13 =	sadd.s32 $0x0, s19;
	[sflag:s22] =	ssyncadd.s32 $0xFFFFC000  }
0x5e: {  	[tilespmem:s3], [sflag:$0x1] =	stream.linear.gather [hbm4b:s13+s3], $0x100, $0x38;
	[tilespmem:$0x1C400] =	vst v63  }
0x5f: {  	_ =	swait.ge [sflag:s2], $0x100  }
0x60: {  	[sflag:s2] =	ssyncset.done $0x0  }
0x61: {  	[sflag:s2] =	ssyncadd.s32 $0xFFFFFF00  }
0x62: {  	[tilespmem:s29], [sflag:$0x5] =	stream.indirect.gather [hbm4b:s4+s28], $0x80, s24, s28, $0xb8;
	[tilespmem:$0x1C400] =	vst v63  }
0x63: {  	_ =	swait.ge [sflag:s6], $0x4000  }
0x64: {  	[sflag:s6] =	ssyncset.done $0x0  }
0x65: {  	[sflag:s6] =	ssyncadd.s32 $0xFFFFC000  }
0x66: {  	[spmem:s1] =	stream.indirect.scatter.add.f32 [tilespmem:s31], [sflag:$0x7], $0x80, s7, s28, $0xb8;
	[tilespmem:$0x1C400] =	vst v63  }
0x67: {  	_ =	swait.ge [sflag:s22], $0x4000  }
0x68: {  	s13 =	sadd.s32 $0x0, s16;
	[sflag:s22] =	ssyncset.done $0x0  }
0x69: {  	s14 =	sadd.s32 $0xA0, s13;
	[sflag:s22] =	ssyncadd.s32 $0xFFFFC000  }
0x6a: {  	[tilespmem:s23], [sflag:$0x2] =	stream.linear.gather [hbm4b:s14+s3], $0x100, $0x38;
	[tilespmem:$0x1C400] =	vst v63  }
0x6b: {  	_ =	swait.ge [sflag:s8], $0x100  }
0x6c: {  	[sflag:s8] =	ssyncset.done $0x0  }
0x6d: {  	[sflag:s8] =	ssyncadd.s32 $0xFFFFFF00  }
0x6e: {  	[tilespmem:s31], [sflag:$0x6] =	stream.indirect.gather [hbm4b:s4+s28], $0x80, s25, s28, $0xb8;
	[tilespmem:$0x1C400] =	vst v63  }
0x6f: {  	_ =	swait.ge [sflag:s0], $0x4000  }
0x70: {  	[sflag:s0] =	ssyncset.done $0x0  }
0x71: {  	[sflag:s0] =	ssyncadd.s32 $0xFFFFC000  }
0x72: {  	[spmem:s1] =	stream.indirect.scatter.add.f32 [tilespmem:s29], [sflag:$0x7], $0x80, s9, s28, $0xb8;
	[tilespmem:$0x1C400] =	vst v63  }
0x73: {  	_ =	swait.ge [sflag:s22], $0x4000  }
0x74: {  	[sflag:s22] =	ssyncset.done $0x0  }
0x75: {  	s15 =	sadd.s32 $0x0, s18;
	[sflag:s22] =	ssyncadd.s32 $0xFFFFC000  }
0x76: {  	[tilespmem:s24], [sflag:$0x3] =	stream.linear.gather [hbm4b:s15+s3], $0x100, $0x38;
	[tilespmem:$0x1C400] =	vst v63  }
0x77: {  	_ =	swait.ge [sflag:s6], $0x4000  }
0x78: {  	[sflag:s6] =	ssyncset.done $0x0  }
0x79: {  	[sflag:s6] =	ssyncadd.s32 $0xFFFFC000  }
0x7a: {  	[spmem:s1] =	stream.indirect.scatter.add.f32 [tilespmem:s31], [sflag:$0x7], $0x80, s10, s28, $0xb8;
	[tilespmem:$0x1C400] =	vst v63  }
0x7b: {  	_ =	swait.ge [sflag:s22], $0x4000  }
0x7c: {  	[sflag:s22] =	ssyncset.done $0x0  }
0x7d: {  	s12 =	simm.s32 $0x80;
	s13 =	sadd.s32 $0xE0, s13;
	[sflag:s22] =	ssyncadd.s32 $0xFFFFC000  }
.LBB2_7:
0x7e: {  	[tilespmem:s25], [sflag:$0x4] =	stream.linear.gather [hbm4b:s13+s3], $0x100, $0x38;
	[tilespmem:$0x1C400] =	vst v63  }
0x7f: {  	s13 =	smov.u32 s12  }
0x80: {  	p1 =	sne.s32 s12, $0x900;
	s12 =	sadd.s32 $0x80, s12;
	_ =	swait.ge [sflag:s26], $0x100  }
0x81: {  	[sflag:s26] =	ssyncset.done $0x0  }
0x82: {  	[sflag:s26] =	ssyncadd.s32 $0xFFFFFF00  }
0x83: {  	[tilespmem:s29], [sflag:$0x5] =	stream.indirect.gather [hbm4b:s4+s28], $0x80, s3, s28, $0xb8;
	[tilespmem:$0x1C400] =	vst v63  }
0x84: {  	_ =	swait.ge [sflag:s30], $0x100  }
0x85: {  	[sflag:s30] =	ssyncset.done $0x0  }
0x86: {  	[sflag:s30] =	ssyncadd.s32 $0xFFFFFF00  }
0x87: {  	[tilespmem:s31], [sflag:$0x6] =	stream.indirect.gather [hbm4b:s4+s28], $0x80, s23, s28, $0xb8;
	[tilespmem:$0x1C400] =	vst v63  }
0x88: {  	_ =	swait.ge [sflag:s0], $0x4000  }
0x89: {  	[sflag:s0] =	ssyncset.done $0x0  }
0x8a: {  	[sflag:s0] =	ssyncadd.s32 $0xFFFFC000  }
0x8b: {  	[spmem:s1] =	stream.indirect.scatter.add.f32 [tilespmem:s29], [sflag:$0x7], $0x80, s28, s28, $0xb8;
	[tilespmem:$0x1C400] =	vst v63  }
0x8c: {  	_ =	swait.ge [sflag:s22], $0x4000  }
0x8d: {  	[sflag:s22] =	ssyncset.done $0x0  }
0x8e: {  	s14 =	sadd.s32 s13, s19;
	[sflag:s22] =	ssyncadd.s32 $0xFFFFC000  }
0x8f: {  	[tilespmem:s3], [sflag:$0x1] =	stream.linear.gather [hbm4b:s14+s3], $0x100, $0x38;
	[tilespmem:$0x1C400] =	vst v63  }
0x90: {  	_ =	swait.ge [sflag:s2], $0x100  }
0x91: {  	[sflag:s2] =	ssyncset.done $0x0  }
0x92: {  	[sflag:s2] =	ssyncadd.s32 $0xFFFFFF00  }
0x93: {  	[tilespmem:s29], [sflag:$0x5] =	stream.indirect.gather [hbm4b:s4+s28], $0x80, s24, s28, $0xb8;
	[tilespmem:$0x1C400] =	vst v63  }
0x94: {  	_ =	swait.ge [sflag:s6], $0x4000  }
0x95: {  	[sflag:s6] =	ssyncset.done $0x0  }
0x96: {  	[sflag:s6] =	ssyncadd.s32 $0xFFFFC000  }
0x97: {  	[spmem:s1] =	stream.indirect.scatter.add.f32 [tilespmem:s31], [sflag:$0x7], $0x80, s7, s28, $0xb8;
	[tilespmem:$0x1C400] =	vst v63  }
0x98: {  	_ =	swait.ge [sflag:s22], $0x4000  }
0x99: {  	s14 =	sadd.s32 s13, s16;
	[sflag:s22] =	ssyncset.done $0x0  }
0x9a: {  	s15 =	sadd.s32 $0xA0, s14;
	[sflag:s22] =	ssyncadd.s32 $0xFFFFC000  }
0x9b: {  	[tilespmem:s23], [sflag:$0x2] =	stream.linear.gather [hbm4b:s15+s3], $0x100, $0x38;
	[tilespmem:$0x1C400] =	vst v63  }
0x9c: {  	_ =	swait.ge [sflag:s8], $0x100  }
0x9d: {  	[sflag:s8] =	ssyncset.done $0x0  }
0x9e: {  	[sflag:s8] =	ssyncadd.s32 $0xFFFFFF00  }
0x9f: {  	[tilespmem:s31], [sflag:$0x6] =	stream.indirect.gather [hbm4b:s4+s28], $0x80, s25, s28, $0xb8;
	[tilespmem:$0x1C400] =	vst v63  }
0xa0: {  	_ =	swait.ge [sflag:s0], $0x4000  }
0xa1: {  	[sflag:s0] =	ssyncset.done $0x0  }
0xa2: {  	[sflag:s0] =	ssyncadd.s32 $0xFFFFC000  }
0xa3: {  	[spmem:s1] =	stream.indirect.scatter.add.f32 [tilespmem:s29], [sflag:$0x7], $0x80, s9, s28, $0xb8;
	[tilespmem:$0x1C400] =	vst v63  }
0xa4: {  	_ =	swait.ge [sflag:s22], $0x4000  }
0xa5: {  	[sflag:s22] =	ssyncset.done $0x0  }
0xa6: {  	s13 =	sadd.s32 s13, s18;
	[sflag:s22] =	ssyncadd.s32 $0xFFFFC000  }
0xa7: {  	[tilespmem:s24], [sflag:$0x3] =	stream.linear.gather [hbm4b:s13+s3], $0x100, $0x38;
	[tilespmem:$0x1C400] =	vst v63  }
0xa8: {  	_ =	swait.ge [sflag:s6], $0x4000  }
0xa9: {  	[sflag:s6] =	ssyncset.done $0x0  }
.Ltmp3:
0xaa: {  	[sflag:s6] =	ssyncadd.s32 $0xFFFFC000;
	(pc) =	sbr.rel @p1 .LBB2_7-.Ltmp3, $4  }
0xab: {  	[spmem:s1] =	stream.indirect.scatter.add.f32 [tilespmem:s31], [sflag:$0x7], $0x80, s10, s28, $0xb8;
	[tilespmem:$0x1C400] =	vst v63  }
0xac: {  	_ =	swait.ge [sflag:s22], $0x4000  }
0xad: {  	[sflag:s22] =	ssyncset.done $0x0  }
0xae: {  	s13 =	sadd.s32 $0xE0, s14;
	[sflag:s22] =	ssyncadd.s32 $0xFFFFC000  }
0xaf: {  	[tilespmem:s25], [sflag:$0x4] =	stream.linear.gather [hbm4b:s13+s3], $0x100, $0x38;
	[tilespmem:$0x1C400] =	vst v63  }
0xb0: {  	_ =	swait.ge [sflag:s26], $0x100  }
0xb1: {  	[sflag:s26] =	ssyncset.done $0x0  }
0xb2: {  	[sflag:s26] =	ssyncadd.s32 $0xFFFFFF00  }
0xb3: {  	[tilespmem:s29], [sflag:$0x5] =	stream.indirect.gather [hbm4b:s4+s28], $0x80, s3, s28, $0xb8;
	[tilespmem:$0x1C400] =	vst v63  }
0xb4: {  	_ =	swait.ge [sflag:s30], $0x100  }
0xb5: {  	[sflag:s30] =	ssyncset.done $0x0  }
0xb6: {  	[sflag:s30] =	ssyncadd.s32 $0xFFFFFF00  }
0xb7: {  	[tilespmem:s31], [sflag:$0x6] =	stream.indirect.gather [hbm4b:s4+s28], $0x80, s23, s28, $0xb8;
	[tilespmem:$0x1C400] =	vst v63  }
0xb8: {  	_ =	swait.ge [sflag:s0], $0x4000  }
0xb9: {  	[sflag:s0] =	ssyncset.done $0x0  }
0xba: {  	[sflag:s0] =	ssyncadd.s32 $0xFFFFC000  }
0xbb: {  	[spmem:s1] =	stream.indirect.scatter.add.f32 [tilespmem:s29], [sflag:$0x7], $0x80, s28, s28, $0xb8;
	[tilespmem:$0x1C400] =	vst v63  }
0xbc: {  	_ =	swait.ge [sflag:s22], $0x4000  }
0xbd: {  	[sflag:s22] =	ssyncset.done $0x0  }
0xbe: {  	[sflag:s22] =	ssyncadd.s32 $0xFFFFC000  }
0xbf: {  	_ =	swait.ge [sflag:s2], $0x100  }
0xc0: {  	[sflag:s2] =	ssyncset.done $0x0  }
0xc1: {  	[sflag:s2] =	ssyncadd.s32 $0xFFFFFF00  }
0xc2: {  	[tilespmem:s29], [sflag:$0x5] =	stream.indirect.gather [hbm4b:s4+s28], $0x80, s24, s28, $0xb8;
	[tilespmem:$0x1C400] =	vst v63  }
0xc3: {  	_ =	swait.ge [sflag:s6], $0x4000  }
0xc4: {  	[sflag:s6] =	ssyncset.done $0x0  }
0xc5: {  	[sflag:s6] =	ssyncadd.s32 $0xFFFFC000  }
0xc6: {  	[spmem:s1] =	stream.indirect.scatter.add.f32 [tilespmem:s31], [sflag:$0x7], $0x80, s7, s28, $0xb8;
	[tilespmem:$0x1C400] =	vst v63  }
0xc7: {  	_ =	swait.ge [sflag:s22], $0x4000  }
0xc8: {  	[sflag:s22] =	ssyncset.done $0x0  }
0xc9: {  	[sflag:s22] =	ssyncadd.s32 $0xFFFFC000  }
0xca: {  	_ =	swait.ge [sflag:s8], $0x100  }
0xcb: {  	[sflag:s8] =	ssyncset.done $0x0  }
0xcc: {  	[sflag:s8] =	ssyncadd.s32 $0xFFFFFF00  }
0xcd: {  	[tilespmem:s31], [sflag:$0x6] =	stream.indirect.gather [hbm4b:s4+s28], $0x80, s25, s28, $0xb8;
	[tilespmem:$0x1C400] =	vst v63  }
0xce: {  	_ =	swait.ge [sflag:s0], $0x4000  }
0xcf: {  	[sflag:s0] =	ssyncset.done $0x0  }
0xd0: {  	[sflag:s0] =	ssyncadd.s32 $0xFFFFC000  }
0xd1: {  	[spmem:s1] =	stream.indirect.scatter.add.f32 [tilespmem:s29], [sflag:$0x7], $0x80, s9, s28, $0xb8;
	[tilespmem:$0x1C400] =	vst v63  }
0xd2: {  	_ =	swait.ge [sflag:s22], $0x4000  }
0xd3: {  	[sflag:s22] =	ssyncset.done $0x0  }
0xd4: {  	[sflag:s22] =	ssyncadd.s32 $0xFFFFC000  }
0xd5: {  	_ =	swait.ge [sflag:s6], $0x4000  }
0xd6: {  	[sflag:s6] =	ssyncset.done $0x0  }
0xd7: {  	[sflag:s6] =	ssyncadd.s32 $0xFFFFC000  }
0xd8: {  	[spmem:s1] =	stream.indirect.scatter.add.f32 [tilespmem:s31], [sflag:$0x7], $0x80, s10, s28, $0xb8;
	[tilespmem:$0x1C400] =	vst v63  }
0xd9: {  	_ =	swait.ge [sflag:s22], $0x4000  }
0xda: {  	[sflag:s22] =	ssyncset.done $0x0  }
0xdb: {  	s5 =	sadd.s32 $0x1, s5;
	[sflag:s22] =	ssyncadd.s32 $0xFFFFC000  }
0xdc: {  	p1 =	sne.s32 s5, s17;
	[bflag:$0x0] =	sbarrier.arrive $0xFFFF  }
.Ltmp4:
0xdd: {  	s12 =	rddreg [dreg:$0xc];
	(pc) =	sbr.rel @p1 .LBB2_1-.Ltmp4, $4  }
0xde: {  	[hbm:s12], [sflag:s20] =	dma.local [spmem:s21], $0x2800  }
0xdf: {  	_ =	swait.ge [sflag:s22], $0x2800  }
0xe0: {  	[sflag:s22] =	ssyncset.done $0x0  }
0xe1: {  	[sflag:s22] =	ssyncadd.s32 $0xFFFFD800  }
0xe2: {  	_ =	sfence.sel $0x180000  }
0xe3: {  	[bflag:$0x0] =	sbarrier.arrive $0xFFFF  }
0xe4: {  	_ =	strace $0x90000050  }
0xe5: {  	s0 =	stileid.u32;
	[bflag:$0x2] =	sbarrier.arrive $0xFFFF  }
0xe6: {  	p0 =	sne.s32 s0, $0x0;
	s0 =	rddreg [dreg:$0x2]  }
0xe7: {  	s0 =	sadd.s32 @!p0 $0x100000, s0  }
0xe8: {  	[sflag:s0] =	ssyncadd.tile.s32 @!p0 $0x1;
	_ =	shalt  }
.Lfunc_end2:
_tile_overlayer_lowered:
.L_overlay_start_2:
0xe9: {  	(tag) =	ssettag $0x2  }
0xea: {  	s0 =	rddreg [dreg:$0x0];
	s2 =	stileid.u32  }
0xeb: {  	s1 =	rddreg [dreg:$0x1];
	p0 =	sne.s32 s2, $0x0  }
0xec: {  	s3 =	rddreg [dreg:$0x2];
	[bflag:$0x3] =	sbarrier.arrive $0xFFFF;
	s2 =	simm.s32 @!p0 $0x1C07  }
0xed: {  	[timem:s3], [sflag:s2] =	dma.local @!p0 [hbm:s0], s1  }
0xee: {  	s0 =	simm.s32 @!p0 $0x7  }
0xef: {  	_ =	swait.ge @!p0 [sflag:s0], s1  }
0xf0: {  	s1 =	ssub.s32 @!p0 $0x0, s1;
	[sflag:s0] =	ssyncset.done @!p0 $0x0  }
0xf1: {  	[sflag:s0] =	ssyncadd.s32 @!p0 s1  }
0xf2: {  	[bflag:$0x3] =	sbarrier.arrive $0xFFFF  }
0xf3: {  	_ =	shalt  }

</sc_bundles>
